<compile_context>
chip_gen: v7x
topology: tpu7x:2x2x1
jax: 0.10.2.dev20260603
libtpu: 0.0.44.dev20260713+nightly
codegen_flags: <defaults>
</compile_context>

<pallas_src>
import jax
import jax.numpy as jnp
from jax import lax
from jax.experimental import pallas as pl
from jax.experimental.pallas import tpu as pltpu
from jax.experimental.pallas import tpu_sc as plsc

_MAXSEQLEN = 2048
_B = 8
_H = 1024
_TOTAL = _B * _MAXSEQLEN // 2
_NC = 2
_NS = 16
_NW = _NC * _NS
_ROWS_PER_W = _TOTAL // _NW
_CHUNK = 16
_NCHUNK = _ROWS_PER_W // _CHUNK
_NBUF = 6
_LANES = 16


def _unpad_body(flat_hbm, cum_hbm, delta_hbm, out_hbm,
                tbl_v, idx_v, rows_v, *sems):
    wid = lax.axis_index("s") * _NC + lax.axis_index("c")
    base = pl.multiple_of(wid * _ROWS_PER_W, _ROWS_PER_W)

    pltpu.sync_copy(cum_hbm, tbl_v.at[0])
    pltpu.sync_copy(delta_hbm, tbl_v.at[1])

    for g in range(_ROWS_PER_W // _LANES):
        pos = base + g * _LANES + lax.iota(jnp.int32, _LANES)
        acc = pos
        for j in range(_B):
            cum_j = tbl_v[0, j, :]
            dlt_j = tbl_v[1, j, :]
            acc = acc + jnp.where(pos >= cum_j, dlt_j, 0)
        gpc = _CHUNK // _LANES
        idx_v[g // gpc, pl.ds((g % gpc) * _LANES, _LANES)] = acc

    gsems = sems[:_NBUF]
    ssems = sems[_NBUF:]

    def start_gather(c, buf):
        cp = pltpu.make_async_copy(
            flat_hbm.at[idx_v.at[c]], rows_v.at[buf], gsems[buf])
        cp.start()
        return cp

    g_handles = [None] * _NCHUNK
    s_handles = [None] * _NBUF
    for c in range(min(_NBUF - 1, _NCHUNK)):
        g_handles[c] = start_gather(c, c % _NBUF)
    for c in range(_NCHUNK):
        buf = c % _NBUF
        g_handles[c].wait()
        cp = pltpu.make_async_copy(
            rows_v.at[buf],
            out_hbm.at[pl.ds(base + c * _CHUNK, _CHUNK)],
            ssems[buf])
        cp.start()
        s_handles[buf] = cp
        nxt = c + _NBUF - 1
        if nxt < _NCHUNK:
            nb = nxt % _NBUF
            if s_handles[nb] is not None:
                s_handles[nb].wait()
                s_handles[nb] = None
            g_handles[nxt] = start_gather(nxt, nb)
    for buf in range(_NBUF):
        if s_handles[buf] is not None:
            s_handles[buf].wait()


def kernel(input_tensor, seqlen):
    b, maxlen, h = input_tensor.shape
    flat = input_tensor.reshape(b * maxlen, h)
    sl = jnp.asarray(seqlen, jnp.int32)
    cum = jnp.cumsum(sl)
    delta = jnp.int32(maxlen) - sl
    cum_b = jnp.broadcast_to(cum[:, None], (_B, _LANES)).astype(jnp.int32)
    delta_b = jnp.broadcast_to(delta[:, None], (_B, _LANES)).astype(jnp.int32)

    mesh = plsc.VectorSubcoreMesh(core_axis_name="c", subcore_axis_name="s")
    fn = pl.kernel(
        _unpad_body,
        out_type=jax.ShapeDtypeStruct((_TOTAL, _H), jnp.float32),
        mesh=mesh,
        scratch_types=[
            pltpu.VMEM((2, _B, _LANES), jnp.int32),
            pltpu.VMEM((_NCHUNK, _CHUNK), jnp.int32),
            pltpu.VMEM((_NBUF, _CHUNK, _H), jnp.float32),
        ] + [pltpu.SemaphoreType.DMA] * (2 * _NBUF),
    )
    return fn(flat, cum_b, delta_b)

# --- scband reference (transcript-rebuilt; emitter-appended) ---
"""Pipeline reference for scband-unpad-54417235640422 (READ-ONLY COPY).

The authoritative reference and input builder live on the scoring server;
editing this copy changes nothing except your own understanding.
"""

import jax, jax.numpy as jnp
import numpy as np

MAXSEQLEN = 2048

def setup_inputs(seed: int = 0) -> dict:
    key = jax.random.key(seed)
    B, H = 8, 1024
    input_tensor = jax.random.normal(key, (B, MAXSEQLEN, H), dtype=jnp.float32)
    # fixed per-sequence lengths (sum = 8192 = B*MAXSEQLEN/2), matching RAGGED pool
    seqlen = np.array([512, 1024, 1536, 2048, 256, 768, 1280, 768], dtype=np.int32)
    return {"input_tensor": input_tensor, "seqlen": seqlen}

def reference(input_tensor, seqlen):
    # Unpad: gather the first seqlen[b] rows of each batch element and concatenate.
    B, maxseqlen, H = input_tensor.shape
    total = B * maxseqlen // 2
    seqlen = jnp.asarray(seqlen, dtype=jnp.int32)
    cum = jnp.cumsum(seqlen)
    starts = cum - seqlen
    pos = jnp.arange(total, dtype=jnp.int32)
    b = jnp.searchsorted(cum, pos, side='right').astype(jnp.int32)
    idx = (b * maxseqlen + (pos - starts[b])).astype(jnp.int32)
    flat = input_tensor.reshape(-1, input_tensor.shape[-1])
    output_tensor = jnp.take(flat, idx, axis=0)
    return output_tensor

if __name__ == "__main__":
    import jax
    _d = setup_inputs()
    print(jax.jit(kernel)(*tuple(_d.values())))

</pallas_src>

<mosaic_0001>
#map = affine_map<(d0, d1) -> (0, 0)>
module attributes {stable_mosaic.version = 14 : i64} {
  func.func @_unpad_body(%arg0: i32, %arg1: i32, %arg2: memref<16384x1024xf32, #tpu.memory_space<hbm>>, %arg3: memref<8x16xi32, #tpu.memory_space<hbm>>, %arg4: memref<8x16xi32, #tpu.memory_space<hbm>>, %arg5: memref<8192x1024xf32, #tpu.memory_space<hbm>>, %arg6: memref<2x8x16xi32, #tpu.memory_space<vmem>>, %arg7: memref<16x16xi32, #tpu.memory_space<vmem>>, %arg8: memref<6x16x1024xf32, #tpu.memory_space<vmem>>, %arg9: memref<!tpu.dma_semaphore, #tpu.memory_space<semaphore_mem>>, %arg10: memref<!tpu.dma_semaphore, #tpu.memory_space<semaphore_mem>>, %arg11: memref<!tpu.dma_semaphore, #tpu.memory_space<semaphore_mem>>, %arg12: memref<!tpu.dma_semaphore, #tpu.memory_space<semaphore_mem>>, %arg13: memref<!tpu.dma_semaphore, #tpu.memory_space<semaphore_mem>>, %arg14: memref<!tpu.dma_semaphore, #tpu.memory_space<semaphore_mem>>, %arg15: memref<!tpu.dma_semaphore, #tpu.memory_space<semaphore_mem>>, %arg16: memref<!tpu.dma_semaphore, #tpu.memory_space<semaphore_mem>>, %arg17: memref<!tpu.dma_semaphore, #tpu.memory_space<semaphore_mem>>, %arg18: memref<!tpu.dma_semaphore, #tpu.memory_space<semaphore_mem>>, %arg19: memref<!tpu.dma_semaphore, #tpu.memory_space<semaphore_mem>>, %arg20: memref<!tpu.dma_semaphore, #tpu.memory_space<semaphore_mem>>) attributes {dimension_semantics = [#tpu.dimension_semantics<core_parallel>, #tpu.dimension_semantics<subcore_parallel>], iteration_bounds = array<i64: 2, 16>, scalar_prefetch = 0 : i64, scratch_operands = 15 : i64, tpu.core_type = #tpu.core_type<sc_vector_subcore>, window_params = [{transform_indices = #map}, {transform_indices = #map}, {transform_indices = #map}, {transform_indices = #map}]} {
    %mul3A = arith.constant 2 : i32
    %mul3A_0 = arith.muli %arg1, %mul3A : i32
    %add3A = arith.addi %mul3A_0, %arg0 : i32
    %mul3A_1 = arith.constant 256 : i32
    %mul3A_2 = arith.muli %add3A, %mul3A_1 : i32
    %multiple_of3A = tpu.assume_multiple %mul3A_2, 256 : i32
    %run_scoped3A = arith.constant 0 : i32
    "tpu.region"() ({
      %run_scoped3A_3435 = tpu.sem_alloc : memref<!tpu.dma_semaphore, #tpu.memory_space<semaphore_mem>>
      %dma_start3A_3436 = arith.constant 0 : i32
      %dma_start3A_3437 = arith.constant 0 : i32
      %dma_start3A_3438 = tpu.memref_slice %arg6[%run_scoped3A, %dma_start3A_3436, %dma_start3A_3437] : memref<2x8x16xi32, #tpu.memory_space<vmem>> -> memref<1x8x16xi32, #tpu.memory_space<vmem>>
      %dma_start3A_3439 = tpu.memref_squeeze %dma_start3A_3438 : memref<1x8x16xi32, #tpu.memory_space<vmem>> -> memref<8x16xi32, #tpu.memory_space<vmem>>
      %dma_start3A_3440 = arith.constant 0 : i32
      %dma_start3A_3441 = arith.constant 0 : i32
      %dma_start3A_3442 = tpu.memref_slice %arg6[%run_scoped3A, %dma_start3A_3440, %dma_start3A_3441] : memref<2x8x16xi32, #tpu.memory_space<vmem>> -> memref<1x8x16xi32, #tpu.memory_space<vmem>>
      %dma_start3A_3443 = tpu.memref_squeeze %dma_start3A_3442 : memref<1x8x16xi32, #tpu.memory_space<vmem>> -> memref<8x16xi32, #tpu.memory_space<vmem>>
      tpu.enqueue_dma source(%arg3 : memref<8x16xi32, #tpu.memory_space<hbm>>) target(%dma_start3A_3443 : memref<8x16xi32, #tpu.memory_space<vmem>>) target_semaphore(%run_scoped3A_3435 : memref<!tpu.dma_semaphore, #tpu.memory_space<semaphore_mem>>)
      %dma_wait3A_3444 = arith.constant 0 : i32
      %dma_wait3A_3445 = arith.constant 0 : i32
      %dma_wait3A_3446 = tpu.memref_slice %arg6[%run_scoped3A, %dma_wait3A_3444, %dma_wait3A_3445] : memref<2x8x16xi32, #tpu.memory_space<vmem>> -> memref<1x8x16xi32, #tpu.memory_space<vmem>>
      %dma_wait3A_3447 = tpu.memref_squeeze %dma_wait3A_3446 : memref<1x8x16xi32, #tpu.memory_space<vmem>> -> memref<8x16xi32, #tpu.memory_space<vmem>>
      %dma_wait3A_3448 = arith.constant 0 : i32
      %dma_wait3A_3449 = arith.constant 0 : i32
      %dma_wait3A_3450 = tpu.memref_slice %arg6[%run_scoped3A, %dma_wait3A_3448, %dma_wait3A_3449] : memref<2x8x16xi32, #tpu.memory_space<vmem>> -> memref<1x8x16xi32, #tpu.memory_space<vmem>>
      %dma_wait3A_3451 = tpu.memref_squeeze %dma_wait3A_3450 : memref<1x8x16xi32, #tpu.memory_space<vmem>> -> memref<8x16xi32, #tpu.memory_space<vmem>>
      tpu.wait_dma2 semaphore(%run_scoped3A_3435 : memref<!tpu.dma_semaphore, #tpu.memory_space<semaphore_mem>>) src(%arg3 : memref<8x16xi32, #tpu.memory_space<hbm>>) dst(%dma_wait3A_3451 : memref<8x16xi32, #tpu.memory_space<vmem>>)
      tpu.yield
    }) : () -> ()
    %run_scoped3A_3 = arith.constant 1 : i32
    "tpu.region"() ({
      %run_scoped3A_3435 = tpu.sem_alloc : memref<!tpu.dma_semaphore, #tpu.memory_space<semaphore_mem>>
      %dma_start3A_3436 = arith.constant 0 : i32
      %dma_start3A_3437 = arith.constant 0 : i32
      %dma_start3A_3438 = tpu.memref_slice %arg6[%run_scoped3A_3, %dma_start3A_3436, %dma_start3A_3437] : memref<2x8x16xi32, #tpu.memory_space<vmem>> -> memref<1x8x16xi32, #tpu.memory_space<vmem>>
      %dma_start3A_3439 = tpu.memref_squeeze %dma_start3A_3438 : memref<1x8x16xi32, #tpu.memory_space<vmem>> -> memref<8x16xi32, #tpu.memory_space<vmem>>
      %dma_start3A_3440 = arith.constant 0 : i32
      %dma_start3A_3441 = arith.constant 0 : i32
      %dma_start3A_3442 = tpu.memref_slice %arg6[%run_scoped3A_3, %dma_start3A_3440, %dma_start3A_3441] : memref<2x8x16xi32, #tpu.memory_space<vmem>> -> memref<1x8x16xi32, #tpu.memory_space<vmem>>
      %dma_start3A_3443 = tpu.memref_squeeze %dma_start3A_3442 : memref<1x8x16xi32, #tpu.memory_space<vmem>> -> memref<8x16xi32, #tpu.memory_space<vmem>>
      tpu.enqueue_dma source(%arg4 : memref<8x16xi32, #tpu.memory_space<hbm>>) target(%dma_start3A_3443 : memref<8x16xi32, #tpu.memory_space<vmem>>) target_semaphore(%run_scoped3A_3435 : memref<!tpu.dma_semaphore, #tpu.memory_space<semaphore_mem>>)
      %dma_wait3A_3444 = arith.constant 0 : i32
      %dma_wait3A_3445 = arith.constant 0 : i32
      %dma_wait3A_3446 = tpu.memref_slice %arg6[%run_scoped3A_3, %dma_wait3A_3444, %dma_wait3A_3445] : memref<2x8x16xi32, #tpu.memory_space<vmem>> -> memref<1x8x16xi32, #tpu.memory_space<vmem>>
      %dma_wait3A_3447 = tpu.memref_squeeze %dma_wait3A_3446 : memref<1x8x16xi32, #tpu.memory_space<vmem>> -> memref<8x16xi32, #tpu.memory_space<vmem>>
      %dma_wait3A_3448 = arith.constant 0 : i32
      %dma_wait3A_3449 = arith.constant 0 : i32
      %dma_wait3A_3450 = tpu.memref_slice %arg6[%run_scoped3A_3, %dma_wait3A_3448, %dma_wait3A_3449] : memref<2x8x16xi32, #tpu.memory_space<vmem>> -> memref<1x8x16xi32, #tpu.memory_space<vmem>>
      %dma_wait3A_3451 = tpu.memref_squeeze %dma_wait3A_3450 : memref<1x8x16xi32, #tpu.memory_space<vmem>> -> memref<8x16xi32, #tpu.memory_space<vmem>>
      tpu.wait_dma2 semaphore(%run_scoped3A_3435 : memref<!tpu.dma_semaphore, #tpu.memory_space<semaphore_mem>>) src(%arg4 : memref<8x16xi32, #tpu.memory_space<hbm>>) dst(%dma_wait3A_3451 : memref<8x16xi32, #tpu.memory_space<vmem>>)
      tpu.yield
    }) : () -> ()
    %add3A_4 = arith.constant 0 : i32
    %add3A_5 = arith.addi %multiple_of3A, %add3A_4 : i32
    %iota3A = tpu.iota {dimensions = array<i32: 0>} : vector<16xi32>
    %add3A_6 = vector.broadcast %add3A_5 : i32 to vector<16xi32>
    %add3A_7 = arith.addi %add3A_6, %iota3A : vector<16xi32>
    %get3A = arith.constant 0 : i32
    %get3A_8 = arith.constant 0 : i32
    %get3A_9 = arith.index_cast %get3A : i32 to index
    %get3A_10 = arith.index_cast %get3A_8 : i32 to index
    %get3A_11 = arith.constant 0 : index
    %get3A_12 = tpu.vector_load %arg6[%get3A_9, %get3A_10, %get3A_11] {strides = array<i32>} : memref<2x8x16xi32, #tpu.memory_space<vmem>>, vector<1x1x16xi32>,
    %get3A_13 = vector.shape_cast %get3A_12 : vector<1x1x16xi32> to vector<16xi32>
    %get3A_14 = arith.constant 1 : i32
    %get3A_15 = arith.constant 0 : i32
    %get3A_16 = arith.index_cast %get3A_14 : i32 to index
    %get3A_17 = arith.index_cast %get3A_15 : i32 to index
    %get3A_18 = arith.constant 0 : index
    %get3A_19 = tpu.vector_load %arg6[%get3A_16, %get3A_17, %get3A_18] {strides = array<i32>} : memref<2x8x16xi32, #tpu.memory_space<vmem>>, vector<1x1x16xi32>,
    %get3A_20 = vector.shape_cast %get3A_19 : vector<1x1x16xi32> to vector<16xi32>
    %ge3A = arith.cmpi sge, %add3A_7, %get3A_13 : vector<16xi32>
    %jit3A = arith.constant 0 : i32
    %broadcast_in_dim3A = vector.broadcast %jit3A : i32 to vector<16xi32>
    %select_n3A = arith.select %ge3A, %get3A_20, %broadcast_in_dim3A : vector<16xi1>, vector<16xi32>
    %add3A_21 = arith.addi %add3A_7, %select_n3A : vector<16xi32>
    %get3A_22 = arith.constant 0 : i32
    %get3A_23 = arith.constant 1 : i32
    %get3A_24 = arith.index_cast %get3A_22 : i32 to index
    %get3A_25 = arith.index_cast %get3A_23 : i32 to index
    %get3A_26 = arith.constant 0 : index
    %get3A_27 = tpu.vector_load %arg6[%get3A_24, %get3A_25, %get3A_26] {strides = array<i32>} : memref<2x8x16xi32, #tpu.memory_space<vmem>>, vector<1x1x16xi32>,
    %get3A_28 = vector.shape_cast %get3A_27 : vector<1x1x16xi32> to vector<16xi32>
    %get3A_29 = arith.constant 1 : i32
    %get3A_30 = arith.constant 1 : i32
    %get3A_31 = arith.index_cast %get3A_29 : i32 to index
    %get3A_32 = arith.index_cast %get3A_30 : i32 to index
    %get3A_33 = arith.constant 0 : index
    %get3A_34 = tpu.vector_load %arg6[%get3A_31, %get3A_32, %get3A_33] {strides = array<i32>} : memref<2x8x16xi32, #tpu.memory_space<vmem>>, vector<1x1x16xi32>,
    %get3A_35 = vector.shape_cast %get3A_34 : vector<1x1x16xi32> to vector<16xi32>
    %ge3A_36 = arith.cmpi sge, %add3A_7, %get3A_28 : vector<16xi32>
    %jit3A_37 = arith.constant 0 : i32
    %broadcast_in_dim3A_38 = vector.broadcast %jit3A_37 : i32 to vector<16xi32>
    %select_n3A_39 = arith.select %ge3A_36, %get3A_35, %broadcast_in_dim3A_38 : vector<16xi1>, vector<16xi32>
    %add3A_40 = arith.addi %add3A_21, %select_n3A_39 : vector<16xi32>
    %get3A_41 = arith.constant 0 : i32
    %get3A_42 = arith.constant 2 : i32
    %get3A_43 = arith.index_cast %get3A_41 : i32 to index
    %get3A_44 = arith.index_cast %get3A_42 : i32 to index
    %get3A_45 = arith.constant 0 : index
    %get3A_46 = tpu.vector_load %arg6[%get3A_43, %get3A_44, %get3A_45] {strides = array<i32>} : memref<2x8x16xi32, #tpu.memory_space<vmem>>, vector<1x1x16xi32>,
    %get3A_47 = vector.shape_cast %get3A_46 : vector<1x1x16xi32> to vector<16xi32>
    %get3A_48 = arith.constant 1 : i32
    %get3A_49 = arith.constant 2 : i32
    %get3A_50 = arith.index_cast %get3A_48 : i32 to index
    %get3A_51 = arith.index_cast %get3A_49 : i32 to index
    %get3A_52 = arith.constant 0 : index
    %get3A_53 = tpu.vector_load %arg6[%get3A_50, %get3A_51, %get3A_52] {strides = array<i32>} : memref<2x8x16xi32, #tpu.memory_space<vmem>>, vector<1x1x16xi32>,
    %get3A_54 = vector.shape_cast %get3A_53 : vector<1x1x16xi32> to vector<16xi32>
    %ge3A_55 = arith.cmpi sge, %add3A_7, %get3A_47 : vector<16xi32>
    %jit3A_56 = arith.constant 0 : i32
    %broadcast_in_dim3A_57 = vector.broadcast %jit3A_56 : i32 to vector<16xi32>
    %select_n3A_58 = arith.select %ge3A_55, %get3A_54, %broadcast_in_dim3A_57 : vector<16xi1>, vector<16xi32>
    %add3A_59 = arith.addi %add3A_40, %select_n3A_58 : vector<16xi32>
    %get3A_60 = arith.constant 0 : i32
    %get3A_61 = arith.constant 3 : i32
    %get3A_62 = arith.index_cast %get3A_60 : i32 to index
    %get3A_63 = arith.index_cast %get3A_61 : i32 to index
    %get3A_64 = arith.constant 0 : index
    %get3A_65 = tpu.vector_load %arg6[%get3A_62, %get3A_63, %get3A_64] {strides = array<i32>} : memref<2x8x16xi32, #tpu.memory_space<vmem>>, vector<1x1x16xi32>,
    %get3A_66 = vector.shape_cast %get3A_65 : vector<1x1x16xi32> to vector<16xi32>
    %get3A_67 = arith.constant 1 : i32
    %get3A_68 = arith.constant 3 : i32
    %get3A_69 = arith.index_cast %get3A_67 : i32 to index
    %get3A_70 = arith.index_cast %get3A_68 : i32 to index
    %get3A_71 = arith.constant 0 : index
    %get3A_72 = tpu.vector_load %arg6[%get3A_69, %get3A_70, %get3A_71] {strides = array<i32>} : memref<2x8x16xi32, #tpu.memory_space<vmem>>, vector<1x1x16xi32>,
    %get3A_73 = vector.shape_cast %get3A_72 : vector<1x1x16xi32> to vector<16xi32>
    %ge3A_74 = arith.cmpi sge, %add3A_7, %get3A_66 : vector<16xi32>
    %jit3A_75 = arith.constant 0 : i32
    %broadcast_in_dim3A_76 = vector.broadcast %jit3A_75 : i32 to vector<16xi32>
    %select_n3A_77 = arith.select %ge3A_74, %get3A_73, %broadcast_in_dim3A_76 : vector<16xi1>, vector<16xi32>
    %add3A_78 = arith.addi %add3A_59, %select_n3A_77 : vector<16xi32>
    %get3A_79 = arith.constant 0 : i32
    %get3A_80 = arith.constant 4 : i32
    %get3A_81 = arith.index_cast %get3A_79 : i32 to index
    %get3A_82 = arith.index_cast %get3A_80 : i32 to index
    %get3A_83 = arith.constant 0 : index
    %get3A_84 = tpu.vector_load %arg6[%get3A_81, %get3A_82, %get3A_83] {strides = array<i32>} : memref<2x8x16xi32, #tpu.memory_space<vmem>>, vector<1x1x16xi32>,
    %get3A_85 = vector.shape_cast %get3A_84 : vector<1x1x16xi32> to vector<16xi32>
    %get3A_86 = arith.constant 1 : i32
    %get3A_87 = arith.constant 4 : i32
    %get3A_88 = arith.index_cast %get3A_86 : i32 to index
    %get3A_89 = arith.index_cast %get3A_87 : i32 to index
    %get3A_90 = arith.constant 0 : index
    %get3A_91 = tpu.vector_load %arg6[%get3A_88, %get3A_89, %get3A_90] {strides = array<i32>} : memref<2x8x16xi32, #tpu.memory_space<vmem>>, vector<1x1x16xi32>,
    %get3A_92 = vector.shape_cast %get3A_91 : vector<1x1x16xi32> to vector<16xi32>
    %ge3A_93 = arith.cmpi sge, %add3A_7, %get3A_85 : vector<16xi32>
    %jit3A_94 = arith.constant 0 : i32
    %broadcast_in_dim3A_95 = vector.broadcast %jit3A_94 : i32 to vector<16xi32>
    %select_n3A_96 = arith.select %ge3A_93, %get3A_92, %broadcast_in_dim3A_95 : vector<16xi1>, vector<16xi32>
    %add3A_97 = arith.addi %add3A_78, %select_n3A_96 : vector<16xi32>
    %get3A_98 = arith.constant 0 : i32
    %get3A_99 = arith.constant 5 : i32
    %get3A_100 = arith.index_cast %get3A_98 : i32 to index
    %get3A_101 = arith.index_cast %get3A_99 : i32 to index
    %get3A_102 = arith.constant 0 : index
    %get3A_103 = tpu.vector_load %arg6[%get3A_100, %get3A_101, %get3A_102] {strides = array<i32>} : memref<2x8x16xi32, #tpu.memory_space<vmem>>, vector<1x1x16xi32>,
    %get3A_104 = vector.shape_cast %get3A_103 : vector<1x1x16xi32> to vector<16xi32>
    %get3A_105 = arith.constant 1 : i32
    %get3A_106 = arith.constant 5 : i32
    %get3A_107 = arith.index_cast %get3A_105 : i32 to index
    %get3A_108 = arith.index_cast %get3A_106 : i32 to index
    %get3A_109 = arith.constant 0 : index
    %get3A_110 = tpu.vector_load %arg6[%get3A_107, %get3A_108, %get3A_109] {strides = array<i32>} : memref<2x8x16xi32, #tpu.memory_space<vmem>>, vector<1x1x16xi32>,
    %get3A_111 = vector.shape_cast %get3A_110 : vector<1x1x16xi32> to vector<16xi32>
    %ge3A_112 = arith.cmpi sge, %add3A_7, %get3A_104 : vector<16xi32>
    %jit3A_113 = arith.constant 0 : i32
    %broadcast_in_dim3A_114 = vector.broadcast %jit3A_113 : i32 to vector<16xi32>
    %select_n3A_115 = arith.select %ge3A_112, %get3A_111, %broadcast_in_dim3A_114 : vector<16xi1>, vector<16xi32>
    %add3A_116 = arith.addi %add3A_97, %select_n3A_115 : vector<16xi32>
    %get3A_117 = arith.constant 0 : i32
    %get3A_118 = arith.constant 6 : i32
    %get3A_119 = arith.index_cast %get3A_117 : i32 to index
    %get3A_120 = arith.index_cast %get3A_118 : i32 to index
    %get3A_121 = arith.constant 0 : index
    %get3A_122 = tpu.vector_load %arg6[%get3A_119, %get3A_120, %get3A_121] {strides = array<i32>} : memref<2x8x16xi32, #tpu.memory_space<vmem>>, vector<1x1x16xi32>,
    %get3A_123 = vector.shape_cast %get3A_122 : vector<1x1x16xi32> to vector<16xi32>
    %get3A_124 = arith.constant 1 : i32
    %get3A_125 = arith.constant 6 : i32
    %get3A_126 = arith.index_cast %get3A_124 : i32 to index
    %get3A_127 = arith.index_cast %get3A_125 : i32 to index
    %get3A_128 = arith.constant 0 : index
    %get3A_129 = tpu.vector_load %arg6[%get3A_126, %get3A_127, %get3A_128] {strides = array<i32>} : memref<2x8x16xi32, #tpu.memory_space<vmem>>, vector<1x1x16xi32>,
    %get3A_130 = vector.shape_cast %get3A_129 : vector<1x1x16xi32> to vector<16xi32>
    %ge3A_131 = arith.cmpi sge, %add3A_7, %get3A_123 : vector<16xi32>
    %jit3A_132 = arith.constant 0 : i32
    %broadcast_in_dim3A_133 = vector.broadcast %jit3A_132 : i32 to vector<16xi32>
    %select_n3A_134 = arith.select %ge3A_131, %get3A_130, %broadcast_in_dim3A_133 : vector<16xi1>, vector<16xi32>
    %add3A_135 = arith.addi %add3A_116, %select_n3A_134 : vector<16xi32>
    %get3A_136 = arith.constant 0 : i32
    %get3A_137 = arith.constant 7 : i32
    %get3A_138 = arith.index_cast %get3A_136 : i32 to index
    %get3A_139 = arith.index_cast %get3A_137 : i32 to index
    %get3A_140 = arith.constant 0 : index
    %get3A_141 = tpu.vector_load %arg6[%get3A_138, %get3A_139, %get3A_140] {strides = array<i32>} : memref<2x8x16xi32, #tpu.memory_space<vmem>>, vector<1x1x16xi32>,
    %get3A_142 = vector.shape_cast %get3A_141 : vector<1x1x16xi32> to vector<16xi32>
    %get3A_143 = arith.constant 1 : i32
    %get3A_144 = arith.constant 7 : i32
    %get3A_145 = arith.index_cast %get3A_143 : i32 to index
    %get3A_146 = arith.index_cast %get3A_144 : i32 to index
    %get3A_147 = arith.constant 0 : index
    %get3A_148 = tpu.vector_load %arg6[%get3A_145, %get3A_146, %get3A_147] {strides = array<i32>} : memref<2x8x16xi32, #tpu.memory_space<vmem>>, vector<1x1x16xi32>,
    %get3A_149 = vector.shape_cast %get3A_148 : vector<1x1x16xi32> to vector<16xi32>
    %ge3A_150 = arith.cmpi sge, %add3A_7, %get3A_142 : vector<16xi32>
    %jit3A_151 = arith.constant 0 : i32
    %broadcast_in_dim3A_152 = vector.broadcast %jit3A_151 : i32 to vector<16xi32>
    %select_n3A_153 = arith.select %ge3A_150, %get3A_149, %broadcast_in_dim3A_152 : vector<16xi1>, vector<16xi32>
    %add3A_154 = arith.addi %add3A_135, %select_n3A_153 : vector<16xi32>
    %swap3A = arith.constant 0 : i32
    %swap3A_155 = arith.index_cast %swap3A : i32 to index
    %swap3A_156 = arith.constant 0 : index
    %swap3A_157 = tpu.vector_load %arg7[%swap3A_155, %swap3A_156] {strides = array<i32>} : memref<16x16xi32, #tpu.memory_space<vmem>>, vector<1x16xi32>,
    %swap3A_158 = vector.shape_cast %swap3A_157 : vector<1x16xi32> to vector<16xi32>
    %swap3A_159 = vector.shape_cast %add3A_154 : vector<16xi32> to vector<1x16xi32>
    tpu.vector_store %arg7[%swap3A_155, %swap3A_156], %swap3A_159 {strides = array<i32>} : memref<16x16xi32, #tpu.memory_space<vmem>>, vector<1x16xi32>,
    %add3A_160 = arith.constant 16 : i32
    %add3A_161 = arith.addi %multiple_of3A, %add3A_160 : i32
    %iota3A_162 = tpu.iota {dimensions = array<i32: 0>} : vector<16xi32>
    %add3A_163 = vector.broadcast %add3A_161 : i32 to vector<16xi32>
    %add3A_164 = arith.addi %add3A_163, %iota3A_162 : vector<16xi32>
    %get3A_165 = arith.constant 0 : i32
    %get3A_166 = arith.constant 0 : i32
    %get3A_167 = arith.index_cast %get3A_165 : i32 to index
    %get3A_168 = arith.index_cast %get3A_166 : i32 to index
    %get3A_169 = arith.constant 0 : index
    %get3A_170 = tpu.vector_load %arg6[%get3A_167, %get3A_168, %get3A_169] {strides = array<i32>} : memref<2x8x16xi32, #tpu.memory_space<vmem>>, vector<1x1x16xi32>,
    %get3A_171 = vector.shape_cast %get3A_170 : vector<1x1x16xi32> to vector<16xi32>
    %get3A_172 = arith.constant 1 : i32
    %get3A_173 = arith.constant 0 : i32
    %get3A_174 = arith.index_cast %get3A_172 : i32 to index
    %get3A_175 = arith.index_cast %get3A_173 : i32 to index
    %get3A_176 = arith.constant 0 : index
    %get3A_177 = tpu.vector_load %arg6[%get3A_174, %get3A_175, %get3A_176] {strides = array<i32>} : memref<2x8x16xi32, #tpu.memory_space<vmem>>, vector<1x1x16xi32>,
    %get3A_178 = vector.shape_cast %get3A_177 : vector<1x1x16xi32> to vector<16xi32>
    %ge3A_179 = arith.cmpi sge, %add3A_164, %get3A_171 : vector<16xi32>
    %jit3A_180 = arith.constant 0 : i32
    %broadcast_in_dim3A_181 = vector.broadcast %jit3A_180 : i32 to vector<16xi32>
    %select_n3A_182 = arith.select %ge3A_179, %get3A_178, %broadcast_in_dim3A_181 : vector<16xi1>, vector<16xi32>
    %add3A_183 = arith.addi %add3A_164, %select_n3A_182 : vector<16xi32>
    %get3A_184 = arith.constant 0 : i32
    %get3A_185 = arith.constant 1 : i32
    %get3A_186 = arith.index_cast %get3A_184 : i32 to index
    %get3A_187 = arith.index_cast %get3A_185 : i32 to index
    %get3A_188 = arith.constant 0 : index
    %get3A_189 = tpu.vector_load %arg6[%get3A_186, %get3A_187, %get3A_188] {strides = array<i32>} : memref<2x8x16xi32, #tpu.memory_space<vmem>>, vector<1x1x16xi32>,
    %get3A_190 = vector.shape_cast %get3A_189 : vector<1x1x16xi32> to vector<16xi32>
    %get3A_191 = arith.constant 1 : i32
    %get3A_192 = arith.constant 1 : i32
    %get3A_193 = arith.index_cast %get3A_191 : i32 to index
    %get3A_194 = arith.index_cast %get3A_192 : i32 to index
    %get3A_195 = arith.constant 0 : index
    %get3A_196 = tpu.vector_load %arg6[%get3A_193, %get3A_194, %get3A_195] {strides = array<i32>} : memref<2x8x16xi32, #tpu.memory_space<vmem>>, vector<1x1x16xi32>,
    %get3A_197 = vector.shape_cast %get3A_196 : vector<1x1x16xi32> to vector<16xi32>
    %ge3A_198 = arith.cmpi sge, %add3A_164, %get3A_190 : vector<16xi32>
    %jit3A_199 = arith.constant 0 : i32
    %broadcast_in_dim3A_200 = vector.broadcast %jit3A_199 : i32 to vector<16xi32>
    %select_n3A_201 = arith.select %ge3A_198, %get3A_197, %broadcast_in_dim3A_200 : vector<16xi1>, vector<16xi32>
    %add3A_202 = arith.addi %add3A_183, %select_n3A_201 : vector<16xi32>
    %get3A_203 = arith.constant 0 : i32
    %get3A_204 = arith.constant 2 : i32
    %get3A_205 = arith.index_cast %get3A_203 : i32 to index
    %get3A_206 = arith.index_cast %get3A_204 : i32 to index
    %get3A_207 = arith.constant 0 : index
    %get3A_208 = tpu.vector_load %arg6[%get3A_205, %get3A_206, %get3A_207] {strides = array<i32>} : memref<2x8x16xi32, #tpu.memory_space<vmem>>, vector<1x1x16xi32>,
    %get3A_209 = vector.shape_cast %get3A_208 : vector<1x1x16xi32> to vector<16xi32>
    %get3A_210 = arith.constant 1 : i32
    %get3A_211 = arith.constant 2 : i32
    %get3A_212 = arith.index_cast %get3A_210 : i32 to index
    %get3A_213 = arith.index_cast %get3A_211 : i32 to index
    %get3A_214 = arith.constant 0 : index
    %get3A_215 = tpu.vector_load %arg6[%get3A_212, %get3A_213, %get3A_214] {strides = array<i32>} : memref<2x8x16xi32, #tpu.memory_space<vmem>>, vector<1x1x16xi32>,
    %get3A_216 = vector.shape_cast %get3A_215 : vector<1x1x16xi32> to vector<16xi32>
    %ge3A_217 = arith.cmpi sge, %add3A_164, %get3A_209 : vector<16xi32>
    %jit3A_218 = arith.constant 0 : i32
    %broadcast_in_dim3A_219 = vector.broadcast %jit3A_218 : i32 to vector<16xi32>
    %select_n3A_220 = arith.select %ge3A_217, %get3A_216, %broadcast_in_dim3A_219 : vector<16xi1>, vector<16xi32>
    %add3A_221 = arith.addi %add3A_202, %select_n3A_220 : vector<16xi32>
    %get3A_222 = arith.constant 0 : i32
    %get3A_223 = arith.constant 3 : i32
    %get3A_224 = arith.index_cast %get3A_222 : i32 to index
    %get3A_225 = arith.index_cast %get3A_223 : i32 to index
    %get3A_226 = arith.constant 0 : index
    %get3A_227 = tpu.vector_load %arg6[%get3A_224, %get3A_225, %get3A_226] {strides = array<i32>} : memref<2x8x16xi32, #tpu.memory_space<vmem>>, vector<1x1x16xi32>,
    %get3A_228 = vector.shape_cast %get3A_227 : vector<1x1x16xi32> to vector<16xi32>
    %get3A_229 = arith.constant 1 : i32
    %get3A_230 = arith.constant 3 : i32
    %get3A_231 = arith.index_cast %get3A_229 : i32 to index
    %get3A_232 = arith.index_cast %get3A_230 : i32 to index
    %get3A_233 = arith.constant 0 : index
    %get3A_234 = tpu.vector_load %arg6[%get3A_231, %get3A_232, %get3A_233] {strides = array<i32>} : memref<2x8x16xi32, #tpu.memory_space<vmem>>, vector<1x1x16xi32>,
    %get3A_235 = vector.shape_cast %get3A_234 : vector<1x1x16xi32> to vector<16xi32>
    %ge3A_236 = arith.cmpi sge, %add3A_164, %get3A_228 : vector<16xi32>
    %jit3A_237 = arith.constant 0 : i32
    %broadcast_in_dim3A_238 = vector.broadcast %jit3A_237 : i32 to vector<16xi32>
    %select_n3A_239 = arith.select %ge3A_236, %get3A_235, %broadcast_in_dim3A_238 : vector<16xi1>, vector<16xi32>
    %add3A_240 = arith.addi %add3A_221, %select_n3A_239 : vector<16xi32>
    %get3A_241 = arith.constant 0 : i32
    %get3A_242 = arith.constant 4 : i32
    %get3A_243 = arith.index_cast %get3A_241 : i32 to index
    %get3A_244 = arith.index_cast %get3A_242 : i32 to index
    %get3A_245 = arith.constant 0 : index
    %get3A_246 = tpu.vector_load %arg6[%get3A_243, %get3A_244, %get3A_245] {strides = array<i32>} : memref<2x8x16xi32, #tpu.memory_space<vmem>>, vector<1x1x16xi32>,
    %get3A_247 = vector.shape_cast %get3A_246 : vector<1x1x16xi32> to vector<16xi32>
    %get3A_248 = arith.constant 1 : i32
    %get3A_249 = arith.constant 4 : i32
    %get3A_250 = arith.index_cast %get3A_248 : i32 to index
    %get3A_251 = arith.index_cast %get3A_249 : i32 to index
    %get3A_252 = arith.constant 0 : index
    %get3A_253 = tpu.vector_load %arg6[%get3A_250, %get3A_251, %get3A_252] {strides = array<i32>} : memref<2x8x16xi32, #tpu.memory_space<vmem>>, vector<1x1x16xi32>,
    %get3A_254 = vector.shape_cast %get3A_253 : vector<1x1x16xi32> to vector<16xi32>
    %ge3A_255 = arith.cmpi sge, %add3A_164, %get3A_247 : vector<16xi32>
    %jit3A_256 = arith.constant 0 : i32
    %broadcast_in_dim3A_257 = vector.broadcast %jit3A_256 : i32 to vector<16xi32>
    %select_n3A_258 = arith.select %ge3A_255, %get3A_254, %broadcast_in_dim3A_257 : vector<16xi1>, vector<16xi32>
    %add3A_259 = arith.addi %add3A_240, %select_n3A_258 : vector<16xi32>
    %get3A_260 = arith.constant 0 : i32
    %get3A_261 = arith.constant 5 : i32
    %get3A_262 = arith.index_cast %get3A_260 : i32 to index
    %get3A_263 = arith.index_cast %get3A_261 : i32 to index
    %get3A_264 = arith.constant 0 : index
    %get3A_265 = tpu.vector_load %arg6[%get3A_262, %get3A_263, %get3A_264] {strides = array<i32>} : memref<2x8x16xi32, #tpu.memory_space<vmem>>, vector<1x1x16xi32>,
    %get3A_266 = vector.shape_cast %get3A_265 : vector<1x1x16xi32> to vector<16xi32>
    %get3A_267 = arith.constant 1 : i32
    %get3A_268 = arith.constant 5 : i32
    %get3A_269 = arith.index_cast %get3A_267 : i32 to index
    %get3A_270 = arith.index_cast %get3A_268 : i32 to index
    %get3A_271 = arith.constant 0 : index
    %get3A_272 = tpu.vector_load %arg6[%get3A_269, %get3A_270, %get3A_271] {strides = array<i32>} : memref<2x8x16xi32, #tpu.memory_space<vmem>>, vector<1x1x16xi32>,
    %get3A_273 = vector.shape_cast %get3A_272 : vector<1x1x16xi32> to vector<16xi32>
    %ge3A_274 = arith.cmpi sge, %add3A_164, %get3A_266 : vector<16xi32>
    %jit3A_275 = arith.constant 0 : i32
    %broadcast_in_dim3A_276 = vector.broadcast %jit3A_275 : i32 to vector<16xi32>
    %select_n3A_277 = arith.select %ge3A_274, %get3A_273, %broadcast_in_dim3A_276 : vector<16xi1>, vector<16xi32>
    %add3A_278 = arith.addi %add3A_259, %select_n3A_277 : vector<16xi32>
    %get3A_279 = arith.constant 0 : i32
    %get3A_280 = arith.constant 6 : i32
    %get3A_281 = arith.index_cast %get3A_279 : i32 to index
    %get3A_282 = arith.index_cast %get3A_280 : i32 to index
    %get3A_283 = arith.constant 0 : index
    %get3A_284 = tpu.vector_load %arg6[%get3A_281, %get3A_282, %get3A_283] {strides = array<i32>} : memref<2x8x16xi32, #tpu.memory_space<vmem>>, vector<1x1x16xi32>,
    %get3A_285 = vector.shape_cast %get3A_284 : vector<1x1x16xi32> to vector<16xi32>
    %get3A_286 = arith.constant 1 : i32
    %get3A_287 = arith.constant 6 : i32
    %get3A_288 = arith.index_cast %get3A_286 : i32 to index
    %get3A_289 = arith.index_cast %get3A_287 : i32 to index
    %get3A_290 = arith.constant 0 : index
    %get3A_291 = tpu.vector_load %arg6[%get3A_288, %get3A_289, %get3A_290] {strides = array<i32>} : memref<2x8x16xi32, #tpu.memory_space<vmem>>, vector<1x1x16xi32>,
    %get3A_292 = vector.shape_cast %get3A_291 : vector<1x1x16xi32> to vector<16xi32>
    %ge3A_293 = arith.cmpi sge, %add3A_164, %get3A_285 : vector<16xi32>
    %jit3A_294 = arith.constant 0 : i32
    %broadcast_in_dim3A_295 = vector.broadcast %jit3A_294 : i32 to vector<16xi32>
    %select_n3A_296 = arith.select %ge3A_293, %get3A_292, %broadcast_in_dim3A_295 : vector<16xi1>, vector<16xi32>
    %add3A_297 = arith.addi %add3A_278, %select_n3A_296 : vector<16xi32>
    %get3A_298 = arith.constant 0 : i32
    %get3A_299 = arith.constant 7 : i32
    %get3A_300 = arith.index_cast %get3A_298 : i32 to index
    %get3A_301 = arith.index_cast %get3A_299 : i32 to index
    %get3A_302 = arith.constant 0 : index
    %get3A_303 = tpu.vector_load %arg6[%get3A_300, %get3A_301, %get3A_302] {strides = array<i32>} : memref<2x8x16xi32, #tpu.memory_space<vmem>>, vector<1x1x16xi32>,
    %get3A_304 = vector.shape_cast %get3A_303 : vector<1x1x16xi32> to vector<16xi32>
    %get3A_305 = arith.constant 1 : i32
    %get3A_306 = arith.constant 7 : i32
    %get3A_307 = arith.index_cast %get3A_305 : i32 to index
    %get3A_308 = arith.index_cast %get3A_306 : i32 to index
    %get3A_309 = arith.constant 0 : index
    %get3A_310 = tpu.vector_load %arg6[%get3A_307, %get3A_308, %get3A_309] {strides = array<i32>} : memref<2x8x16xi32, #tpu.memory_space<vmem>>, vector<1x1x16xi32>,
    %get3A_311 = vector.shape_cast %get3A_310 : vector<1x1x16xi32> to vector<16xi32>
    %ge3A_312 = arith.cmpi sge, %add3A_164, %get3A_304 : vector<16xi32>
    %jit3A_313 = arith.constant 0 : i32
    %broadcast_in_dim3A_314 = vector.broadcast %jit3A_313 : i32 to vector<16xi32>
    %select_n3A_315 = arith.select %ge3A_312, %get3A_311, %broadcast_in_dim3A_314 : vector<16xi1>, vector<16xi32>
    %add3A_316 = arith.addi %add3A_297, %select_n3A_315 : vector<16xi32>
    %swap3A_317 = arith.constant 1 : i32
    %swap3A_318 = arith.index_cast %swap3A_317 : i32 to index
    %swap3A_319 = arith.constant 0 : index
    %swap3A_320 = tpu.vector_load %arg7[%swap3A_318, %swap3A_319] {strides = array<i32>} : memref<16x16xi32, #tpu.memory_space<vmem>>, vector<1x16xi32>,
    %swap3A_321 = vector.shape_cast %swap3A_320 : vector<1x16xi32> to vector<16xi32>
    %swap3A_322 = vector.shape_cast %add3A_316 : vector<16xi32> to vector<1x16xi32>
    tpu.vector_store %arg7[%swap3A_318, %swap3A_319], %swap3A_322 {strides = array<i32>} : memref<16x16xi32, #tpu.memory_space<vmem>>, vector<1x16xi32>,
    %add3A_323 = arith.constant 32 : i32
    %add3A_324 = arith.addi %multiple_of3A, %add3A_323 : i32
    %iota3A_325 = tpu.iota {dimensions = array<i32: 0>} : vector<16xi32>
    %add3A_326 = vector.broadcast %add3A_324 : i32 to vector<16xi32>
    %add3A_327 = arith.addi %add3A_326, %iota3A_325 : vector<16xi32>
    %get3A_328 = arith.constant 0 : i32
    %get3A_329 = arith.constant 0 : i32
    %get3A_330 = arith.index_cast %get3A_328 : i32 to index
    %get3A_331 = arith.index_cast %get3A_329 : i32 to index
    %get3A_332 = arith.constant 0 : index
    %get3A_333 = tpu.vector_load %arg6[%get3A_330, %get3A_331, %get3A_332] {strides = array<i32>} : memref<2x8x16xi32, #tpu.memory_space<vmem>>, vector<1x1x16xi32>,
    %get3A_334 = vector.shape_cast %get3A_333 : vector<1x1x16xi32> to vector<16xi32>
    %get3A_335 = arith.constant 1 : i32
    %get3A_336 = arith.constant 0 : i32
    %get3A_337 = arith.index_cast %get3A_335 : i32 to index
    %get3A_338 = arith.index_cast %get3A_336 : i32 to index
    %get3A_339 = arith.constant 0 : index
    %get3A_340 = tpu.vector_load %arg6[%get3A_337, %get3A_338, %get3A_339] {strides = array<i32>} : memref<2x8x16xi32, #tpu.memory_space<vmem>>, vector<1x1x16xi32>,
    %get3A_341 = vector.shape_cast %get3A_340 : vector<1x1x16xi32> to vector<16xi32>
    %ge3A_342 = arith.cmpi sge, %add3A_327, %get3A_334 : vector<16xi32>
    %jit3A_343 = arith.constant 0 : i32
    %broadcast_in_dim3A_344 = vector.broadcast %jit3A_343 : i32 to vector<16xi32>
    %select_n3A_345 = arith.select %ge3A_342, %get3A_341, %broadcast_in_dim3A_344 : vector<16xi1>, vector<16xi32>
    %add3A_346 = arith.addi %add3A_327, %select_n3A_345 : vector<16xi32>
    %get3A_347 = arith.constant 0 : i32
    %get3A_348 = arith.constant 1 : i32
    %get3A_349 = arith.index_cast %get3A_347 : i32 to index
    %get3A_350 = arith.index_cast %get3A_348 : i32 to index
    %get3A_351 = arith.constant 0 : index
    %get3A_352 = tpu.vector_load %arg6[%get3A_349, %get3A_350, %get3A_351] {strides = array<i32>} : memref<2x8x16xi32, #tpu.memory_space<vmem>>, vector<1x1x16xi32>,
    %get3A_353 = vector.shape_cast %get3A_352 : vector<1x1x16xi32> to vector<16xi32>
    %get3A_354 = arith.constant 1 : i32
    %get3A_355 = arith.constant 1 : i32
    %get3A_356 = arith.index_cast %get3A_354 : i32 to index
    %get3A_357 = arith.index_cast %get3A_355 : i32 to index
    %get3A_358 = arith.constant 0 : index
    %get3A_359 = tpu.vector_load %arg6[%get3A_356, %get3A_357, %get3A_358] {strides = array<i32>} : memref<2x8x16xi32, #tpu.memory_space<vmem>>, vector<1x1x16xi32>,
    %get3A_360 = vector.shape_cast %get3A_359 : vector<1x1x16xi32> to vector<16xi32>
    %ge3A_361 = arith.cmpi sge, %add3A_327, %get3A_353 : vector<16xi32>
    %jit3A_362 = arith.constant 0 : i32
    %broadcast_in_dim3A_363 = vector.broadcast %jit3A_362 : i32 to vector<16xi32>
    %select_n3A_364 = arith.select %ge3A_361, %get3A_360, %broadcast_in_dim3A_363 : vector<16xi1>, vector<16xi32>
    %add3A_365 = arith.addi %add3A_346, %select_n3A_364 : vector<16xi32>
    %get3A_366 = arith.constant 0 : i32
    %get3A_367 = arith.constant 2 : i32
    %get3A_368 = arith.index_cast %get3A_366 : i32 to index
    %get3A_369 = arith.index_cast %get3A_367 : i32 to index
    %get3A_370 = arith.constant 0 : index
    %get3A_371 = tpu.vector_load %arg6[%get3A_368, %get3A_369, %get3A_370] {strides = array<i32>} : memref<2x8x16xi32, #tpu.memory_space<vmem>>, vector<1x1x16xi32>,
    %get3A_372 = vector.shape_cast %get3A_371 : vector<1x1x16xi32> to vector<16xi32>
    %get3A_373 = arith.constant 1 : i32
    %get3A_374 = arith.constant 2 : i32
    %get3A_375 = arith.index_cast %get3A_373 : i32 to index
    %get3A_376 = arith.index_cast %get3A_374 : i32 to index
    %get3A_377 = arith.constant 0 : index
    %get3A_378 = tpu.vector_load %arg6[%get3A_375, %get3A_376, %get3A_377] {strides = array<i32>} : memref<2x8x16xi32, #tpu.memory_space<vmem>>, vector<1x1x16xi32>,
    %get3A_379 = vector.shape_cast %get3A_378 : vector<1x1x16xi32> to vector<16xi32>
    %ge3A_380 = arith.cmpi sge, %add3A_327, %get3A_372 : vector<16xi32>
    %jit3A_381 = arith.constant 0 : i32
    %broadcast_in_dim3A_382 = vector.broadcast %jit3A_381 : i32 to vector<16xi32>
    %select_n3A_383 = arith.select %ge3A_380, %get3A_379, %broadcast_in_dim3A_382 : vector<16xi1>, vector<16xi32>
    %add3A_384 = arith.addi %add3A_365, %select_n3A_383 : vector<16xi32>
    %get3A_385 = arith.constant 0 : i32
    %get3A_386 = arith.constant 3 : i32
    %get3A_387 = arith.index_cast %get3A_385 : i32 to index
    %get3A_388 = arith.index_cast %get3A_386 : i32 to index
    %get3A_389 = arith.constant 0 : index
    %get3A_390 = tpu.vector_load %arg6[%get3A_387, %get3A_388, %get3A_389] {strides = array<i32>} : memref<2x8x16xi32, #tpu.memory_space<vmem>>, vector<1x1x16xi32>,
    %get3A_391 = vector.shape_cast %get3A_390 : vector<1x1x16xi32> to vector<16xi32>
    %get3A_392 = arith.constant 1 : i32
    %get3A_393 = arith.constant 3 : i32
    %get3A_394 = arith.index_cast %get3A_392 : i32 to index
    %get3A_395 = arith.index_cast %get3A_393 : i32 to index
    %get3A_396 = arith.constant 0 : index
    %get3A_397 = tpu.vector_load %arg6[%get3A_394, %get3A_395, %get3A_396] {strides = array<i32>} : memref<2x8x16xi32, #tpu.memory_space<vmem>>, vector<1x1x16xi32>,
    %get3A_398 = vector.shape_cast %get3A_397 : vector<1x1x16xi32> to vector<16xi32>
    %ge3A_399 = arith.cmpi sge, %add3A_327, %get3A_391 : vector<16xi32>
    %jit3A_400 = arith.constant 0 : i32
    %broadcast_in_dim3A_401 = vector.broadcast %jit3A_400 : i32 to vector<16xi32>
    %select_n3A_402 = arith.select %ge3A_399, %get3A_398, %broadcast_in_dim3A_401 : vector<16xi1>, vector<16xi32>
    %add3A_403 = arith.addi %add3A_384, %select_n3A_402 : vector<16xi32>
    %get3A_404 = arith.constant 0 : i32
    %get3A_405 = arith.constant 4 : i32
    %get3A_406 = arith.index_cast %get3A_404 : i32 to index
    %get3A_407 = arith.index_cast %get3A_405 : i32 to index
    %get3A_408 = arith.constant 0 : index
    %get3A_409 = tpu.vector_load %arg6[%get3A_406, %get3A_407, %get3A_408] {strides = array<i32>} : memref<2x8x16xi32, #tpu.memory_space<vmem>>, vector<1x1x16xi32>,
    %get3A_410 = vector.shape_cast %get3A_409 : vector<1x1x16xi32> to vector<16xi32>
    %get3A_411 = arith.constant 1 : i32
    %get3A_412 = arith.constant 4 : i32
    %get3A_413 = arith.index_cast %get3A_411 : i32 to index
    %get3A_414 = arith.index_cast %get3A_412 : i32 to index
    %get3A_415 = arith.constant 0 : index
    %get3A_416 = tpu.vector_load %arg6[%get3A_413, %get3A_414, %get3A_415] {strides = array<i32>} : memref<2x8x16xi32, #tpu.memory_space<vmem>>, vector<1x1x16xi32>,
    %get3A_417 = vector.shape_cast %get3A_416 : vector<1x1x16xi32> to vector<16xi32>
    %ge3A_418 = arith.cmpi sge, %add3A_327, %get3A_410 : vector<16xi32>
    %jit3A_419 = arith.constant 0 : i32
    %broadcast_in_dim3A_420 = vector.broadcast %jit3A_419 : i32 to vector<16xi32>
    %select_n3A_421 = arith.select %ge3A_418, %get3A_417, %broadcast_in_dim3A_420 : vector<16xi1>, vector<16xi32>
    %add3A_422 = arith.addi %add3A_403, %select_n3A_421 : vector<16xi32>
    %get3A_423 = arith.constant 0 : i32
    %get3A_424 = arith.constant 5 : i32
    %get3A_425 = arith.index_cast %get3A_423 : i32 to index
    %get3A_426 = arith.index_cast %get3A_424 : i32 to index
    %get3A_427 = arith.constant 0 : index
    %get3A_428 = tpu.vector_load %arg6[%get3A_425, %get3A_426, %get3A_427] {strides = array<i32>} : memref<2x8x16xi32, #tpu.memory_space<vmem>>, vector<1x1x16xi32>,
    %get3A_429 = vector.shape_cast %get3A_428 : vector<1x1x16xi32> to vector<16xi32>
    %get3A_430 = arith.constant 1 : i32
    %get3A_431 = arith.constant 5 : i32
    %get3A_432 = arith.index_cast %get3A_430 : i32 to index
    %get3A_433 = arith.index_cast %get3A_431 : i32 to index
    %get3A_434 = arith.constant 0 : index
    %get3A_435 = tpu.vector_load %arg6[%get3A_432, %get3A_433, %get3A_434] {strides = array<i32>} : memref<2x8x16xi32, #tpu.memory_space<vmem>>, vector<1x1x16xi32>,
    %get3A_436 = vector.shape_cast %get3A_435 : vector<1x1x16xi32> to vector<16xi32>
    %ge3A_437 = arith.cmpi sge, %add3A_327, %get3A_429 : vector<16xi32>
    %jit3A_438 = arith.constant 0 : i32
    %broadcast_in_dim3A_439 = vector.broadcast %jit3A_438 : i32 to vector<16xi32>
    %select_n3A_440 = arith.select %ge3A_437, %get3A_436, %broadcast_in_dim3A_439 : vector<16xi1>, vector<16xi32>
    %add3A_441 = arith.addi %add3A_422, %select_n3A_440 : vector<16xi32>
    %get3A_442 = arith.constant 0 : i32
    %get3A_443 = arith.constant 6 : i32
    %get3A_444 = arith.index_cast %get3A_442 : i32 to index
    %get3A_445 = arith.index_cast %get3A_443 : i32 to index
    %get3A_446 = arith.constant 0 : index
    %get3A_447 = tpu.vector_load %arg6[%get3A_444, %get3A_445, %get3A_446] {strides = array<i32>} : memref<2x8x16xi32, #tpu.memory_space<vmem>>, vector<1x1x16xi32>,
    %get3A_448 = vector.shape_cast %get3A_447 : vector<1x1x16xi32> to vector<16xi32>
    %get3A_449 = arith.constant 1 : i32
    %get3A_450 = arith.constant 6 : i32
    %get3A_451 = arith.index_cast %get3A_449 : i32 to index
    %get3A_452 = arith.index_cast %get3A_450 : i32 to index
    %get3A_453 = arith.constant 0 : index
    %get3A_454 = tpu.vector_load %arg6[%get3A_451, %get3A_452, %get3A_453] {strides = array<i32>} : memref<2x8x16xi32, #tpu.memory_space<vmem>>, vector<1x1x16xi32>,
    %get3A_455 = vector.shape_cast %get3A_454 : vector<1x1x16xi32> to vector<16xi32>
    %ge3A_456 = arith.cmpi sge, %add3A_327, %get3A_448 : vector<16xi32>
    %jit3A_457 = arith.constant 0 : i32
    %broadcast_in_dim3A_458 = vector.broadcast %jit3A_457 : i32 to vector<16xi32>
    %select_n3A_459 = arith.select %ge3A_456, %get3A_455, %broadcast_in_dim3A_458 : vector<16xi1>, vector<16xi32>
    %add3A_460 = arith.addi %add3A_441, %select_n3A_459 : vector<16xi32>
    %get3A_461 = arith.constant 0 : i32
    %get3A_462 = arith.constant 7 : i32
    %get3A_463 = arith.index_cast %get3A_461 : i32 to index
    %get3A_464 = arith.index_cast %get3A_462 : i32 to index
    %get3A_465 = arith.constant 0 : index
    %get3A_466 = tpu.vector_load %arg6[%get3A_463, %get3A_464, %get3A_465] {strides = array<i32>} : memref<2x8x16xi32, #tpu.memory_space<vmem>>, vector<1x1x16xi32>,
    %get3A_467 = vector.shape_cast %get3A_466 : vector<1x1x16xi32> to vector<16xi32>
    %get3A_468 = arith.constant 1 : i32
    %get3A_469 = arith.constant 7 : i32
    %get3A_470 = arith.index_cast %get3A_468 : i32 to index
    %get3A_471 = arith.index_cast %get3A_469 : i32 to index
    %get3A_472 = arith.constant 0 : index
    %get3A_473 = tpu.vector_load %arg6[%get3A_470, %get3A_471, %get3A_472] {strides = array<i32>} : memref<2x8x16xi32, #tpu.memory_space<vmem>>, vector<1x1x16xi32>,
    %get3A_474 = vector.shape_cast %get3A_473 : vector<1x1x16xi32> to vector<16xi32>
    %ge3A_475 = arith.cmpi sge, %add3A_327, %get3A_467 : vector<16xi32>
    %jit3A_476 = arith.constant 0 : i32
    %broadcast_in_dim3A_477 = vector.broadcast %jit3A_476 : i32 to vector<16xi32>
    %select_n3A_478 = arith.select %ge3A_475, %get3A_474, %broadcast_in_dim3A_477 : vector<16xi1>, vector<16xi32>
    %add3A_479 = arith.addi %add3A_460, %select_n3A_478 : vector<16xi32>
    %swap3A_480 = arith.constant 2 : i32
    %swap3A_481 = arith.index_cast %swap3A_480 : i32 to index
    %swap3A_482 = arith.constant 0 : index
    %swap3A_483 = tpu.vector_load %arg7[%swap3A_481, %swap3A_482] {strides = array<i32>} : memref<16x16xi32, #tpu.memory_space<vmem>>, vector<1x16xi32>,
    %swap3A_484 = vector.shape_cast %swap3A_483 : vector<1x16xi32> to vector<16xi32>
    %swap3A_485 = vector.shape_cast %add3A_479 : vector<16xi32> to vector<1x16xi32>
    tpu.vector_store %arg7[%swap3A_481, %swap3A_482], %swap3A_485 {strides = array<i32>} : memref<16x16xi32, #tpu.memory_space<vmem>>, vector<1x16xi32>,
    %add3A_486 = arith.constant 48 : i32
    %add3A_487 = arith.addi %multiple_of3A, %add3A_486 : i32
    %iota3A_488 = tpu.iota {dimensions = array<i32: 0>} : vector<16xi32>
    %add3A_489 = vector.broadcast %add3A_487 : i32 to vector<16xi32>
    %add3A_490 = arith.addi %add3A_489, %iota3A_488 : vector<16xi32>
    %get3A_491 = arith.constant 0 : i32
    %get3A_492 = arith.constant 0 : i32
    %get3A_493 = arith.index_cast %get3A_491 : i32 to index
    %get3A_494 = arith.index_cast %get3A_492 : i32 to index
    %get3A_495 = arith.constant 0 : index
    %get3A_496 = tpu.vector_load %arg6[%get3A_493, %get3A_494, %get3A_495] {strides = array<i32>} : memref<2x8x16xi32, #tpu.memory_space<vmem>>, vector<1x1x16xi32>,
    %get3A_497 = vector.shape_cast %get3A_496 : vector<1x1x16xi32> to vector<16xi32>
    %get3A_498 = arith.constant 1 : i32
    %get3A_499 = arith.constant 0 : i32
    %get3A_500 = arith.index_cast %get3A_498 : i32 to index
    %get3A_501 = arith.index_cast %get3A_499 : i32 to index
    %get3A_502 = arith.constant 0 : index
    %get3A_503 = tpu.vector_load %arg6[%get3A_500, %get3A_501, %get3A_502] {strides = array<i32>} : memref<2x8x16xi32, #tpu.memory_space<vmem>>, vector<1x1x16xi32>,
    %get3A_504 = vector.shape_cast %get3A_503 : vector<1x1x16xi32> to vector<16xi32>
    %ge3A_505 = arith.cmpi sge, %add3A_490, %get3A_497 : vector<16xi32>
    %jit3A_506 = arith.constant 0 : i32
    %broadcast_in_dim3A_507 = vector.broadcast %jit3A_506 : i32 to vector<16xi32>
    %select_n3A_508 = arith.select %ge3A_505, %get3A_504, %broadcast_in_dim3A_507 : vector<16xi1>, vector<16xi32>
    %add3A_509 = arith.addi %add3A_490, %select_n3A_508 : vector<16xi32>
    %get3A_510 = arith.constant 0 : i32
    %get3A_511 = arith.constant 1 : i32
    %get3A_512 = arith.index_cast %get3A_510 : i32 to index
    %get3A_513 = arith.index_cast %get3A_511 : i32 to index
    %get3A_514 = arith.constant 0 : index
    %get3A_515 = tpu.vector_load %arg6[%get3A_512, %get3A_513, %get3A_514] {strides = array<i32>} : memref<2x8x16xi32, #tpu.memory_space<vmem>>, vector<1x1x16xi32>,
    %get3A_516 = vector.shape_cast %get3A_515 : vector<1x1x16xi32> to vector<16xi32>
    %get3A_517 = arith.constant 1 : i32
    %get3A_518 = arith.constant 1 : i32
    %get3A_519 = arith.index_cast %get3A_517 : i32 to index
    %get3A_520 = arith.index_cast %get3A_518 : i32 to index
    %get3A_521 = arith.constant 0 : index
    %get3A_522 = tpu.vector_load %arg6[%get3A_519, %get3A_520, %get3A_521] {strides = array<i32>} : memref<2x8x16xi32, #tpu.memory_space<vmem>>, vector<1x1x16xi32>,
    %get3A_523 = vector.shape_cast %get3A_522 : vector<1x1x16xi32> to vector<16xi32>
    %ge3A_524 = arith.cmpi sge, %add3A_490, %get3A_516 : vector<16xi32>
    %jit3A_525 = arith.constant 0 : i32
    %broadcast_in_dim3A_526 = vector.broadcast %jit3A_525 : i32 to vector<16xi32>
    %select_n3A_527 = arith.select %ge3A_524, %get3A_523, %broadcast_in_dim3A_526 : vector<16xi1>, vector<16xi32>
    %add3A_528 = arith.addi %add3A_509, %select_n3A_527 : vector<16xi32>
    %get3A_529 = arith.constant 0 : i32
    %get3A_530 = arith.constant 2 : i32
    %get3A_531 = arith.index_cast %get3A_529 : i32 to index
    %get3A_532 = arith.index_cast %get3A_530 : i32 to index
    %get3A_533 = arith.constant 0 : index
    %get3A_534 = tpu.vector_load %arg6[%get3A_531, %get3A_532, %get3A_533] {strides = array<i32>} : memref<2x8x16xi32, #tpu.memory_space<vmem>>, vector<1x1x16xi32>,
    %get3A_535 = vector.shape_cast %get3A_534 : vector<1x1x16xi32> to vector<16xi32>
    %get3A_536 = arith.constant 1 : i32
    %get3A_537 = arith.constant 2 : i32
    %get3A_538 = arith.index_cast %get3A_536 : i32 to index
    %get3A_539 = arith.index_cast %get3A_537 : i32 to index
    %get3A_540 = arith.constant 0 : index
    %get3A_541 = tpu.vector_load %arg6[%get3A_538, %get3A_539, %get3A_540] {strides = array<i32>} : memref<2x8x16xi32, #tpu.memory_space<vmem>>, vector<1x1x16xi32>,
    %get3A_542 = vector.shape_cast %get3A_541 : vector<1x1x16xi32> to vector<16xi32>
    %ge3A_543 = arith.cmpi sge, %add3A_490, %get3A_535 : vector<16xi32>
    %jit3A_544 = arith.constant 0 : i32
    %broadcast_in_dim3A_545 = vector.broadcast %jit3A_544 : i32 to vector<16xi32>
    %select_n3A_546 = arith.select %ge3A_543, %get3A_542, %broadcast_in_dim3A_545 : vector<16xi1>, vector<16xi32>
    %add3A_547 = arith.addi %add3A_528, %select_n3A_546 : vector<16xi32>
    %get3A_548 = arith.constant 0 : i32
    %get3A_549 = arith.constant 3 : i32
    %get3A_550 = arith.index_cast %get3A_548 : i32 to index
    %get3A_551 = arith.index_cast %get3A_549 : i32 to index
    %get3A_552 = arith.constant 0 : index
    %get3A_553 = tpu.vector_load %arg6[%get3A_550, %get3A_551, %get3A_552] {strides = array<i32>} : memref<2x8x16xi32, #tpu.memory_space<vmem>>, vector<1x1x16xi32>,
    %get3A_554 = vector.shape_cast %get3A_553 : vector<1x1x16xi32> to vector<16xi32>
    %get3A_555 = arith.constant 1 : i32
    %get3A_556 = arith.constant 3 : i32
    %get3A_557 = arith.index_cast %get3A_555 : i32 to index
    %get3A_558 = arith.index_cast %get3A_556 : i32 to index
    %get3A_559 = arith.constant 0 : index
    %get3A_560 = tpu.vector_load %arg6[%get3A_557, %get3A_558, %get3A_559] {strides = array<i32>} : memref<2x8x16xi32, #tpu.memory_space<vmem>>, vector<1x1x16xi32>,
    %get3A_561 = vector.shape_cast %get3A_560 : vector<1x1x16xi32> to vector<16xi32>
    %ge3A_562 = arith.cmpi sge, %add3A_490, %get3A_554 : vector<16xi32>
    %jit3A_563 = arith.constant 0 : i32
    %broadcast_in_dim3A_564 = vector.broadcast %jit3A_563 : i32 to vector<16xi32>
    %select_n3A_565 = arith.select %ge3A_562, %get3A_561, %broadcast_in_dim3A_564 : vector<16xi1>, vector<16xi32>
    %add3A_566 = arith.addi %add3A_547, %select_n3A_565 : vector<16xi32>
    %get3A_567 = arith.constant 0 : i32
    %get3A_568 = arith.constant 4 : i32
    %get3A_569 = arith.index_cast %get3A_567 : i32 to index
    %get3A_570 = arith.index_cast %get3A_568 : i32 to index
    %get3A_571 = arith.constant 0 : index
    %get3A_572 = tpu.vector_load %arg6[%get3A_569, %get3A_570, %get3A_571] {strides = array<i32>} : memref<2x8x16xi32, #tpu.memory_space<vmem>>, vector<1x1x16xi32>,
    %get3A_573 = vector.shape_cast %get3A_572 : vector<1x1x16xi32> to vector<16xi32>
    %get3A_574 = arith.constant 1 : i32
    %get3A_575 = arith.constant 4 : i32
    %get3A_576 = arith.index_cast %get3A_574 : i32 to index
    %get3A_577 = arith.index_cast %get3A_575 : i32 to index
    %get3A_578 = arith.constant 0 : index
    %get3A_579 = tpu.vector_load %arg6[%get3A_576, %get3A_577, %get3A_578] {strides = array<i32>} : memref<2x8x16xi32, #tpu.memory_space<vmem>>, vector<1x1x16xi32>,
    %get3A_580 = vector.shape_cast %get3A_579 : vector<1x1x16xi32> to vector<16xi32>
    %ge3A_581 = arith.cmpi sge, %add3A_490, %get3A_573 : vector<16xi32>
    %jit3A_582 = arith.constant 0 : i32
    %broadcast_in_dim3A_583 = vector.broadcast %jit3A_582 : i32 to vector<16xi32>
    %select_n3A_584 = arith.select %ge3A_581, %get3A_580, %broadcast_in_dim3A_583 : vector<16xi1>, vector<16xi32>
    %add3A_585 = arith.addi %add3A_566, %select_n3A_584 : vector<16xi32>
    %get3A_586 = arith.constant 0 : i32
    %get3A_587 = arith.constant 5 : i32
    %get3A_588 = arith.index_cast %get3A_586 : i32 to index
    %get3A_589 = arith.index_cast %get3A_587 : i32 to index
    %get3A_590 = arith.constant 0 : index
    %get3A_591 = tpu.vector_load %arg6[%get3A_588, %get3A_589, %get3A_590] {strides = array<i32>} : memref<2x8x16xi32, #tpu.memory_space<vmem>>, vector<1x1x16xi32>,
    %get3A_592 = vector.shape_cast %get3A_591 : vector<1x1x16xi32> to vector<16xi32>
    %get3A_593 = arith.constant 1 : i32
    %get3A_594 = arith.constant 5 : i32
    %get3A_595 = arith.index_cast %get3A_593 : i32 to index
    %get3A_596 = arith.index_cast %get3A_594 : i32 to index
    %get3A_597 = arith.constant 0 : index
    %get3A_598 = tpu.vector_load %arg6[%get3A_595, %get3A_596, %get3A_597] {strides = array<i32>} : memref<2x8x16xi32, #tpu.memory_space<vmem>>, vector<1x1x16xi32>,
    %get3A_599 = vector.shape_cast %get3A_598 : vector<1x1x16xi32> to vector<16xi32>
    %ge3A_600 = arith.cmpi sge, %add3A_490, %get3A_592 : vector<16xi32>
    %jit3A_601 = arith.constant 0 : i32
    %broadcast_in_dim3A_602 = vector.broadcast %jit3A_601 : i32 to vector<16xi32>
    %select_n3A_603 = arith.select %ge3A_600, %get3A_599, %broadcast_in_dim3A_602 : vector<16xi1>, vector<16xi32>
    %add3A_604 = arith.addi %add3A_585, %select_n3A_603 : vector<16xi32>
    %get3A_605 = arith.constant 0 : i32
    %get3A_606 = arith.constant 6 : i32
    %get3A_607 = arith.index_cast %get3A_605 : i32 to index
    %get3A_608 = arith.index_cast %get3A_606 : i32 to index
    %get3A_609 = arith.constant 0 : index
    %get3A_610 = tpu.vector_load %arg6[%get3A_607, %get3A_608, %get3A_609] {strides = array<i32>} : memref<2x8x16xi32, #tpu.memory_space<vmem>>, vector<1x1x16xi32>,
    %get3A_611 = vector.shape_cast %get3A_610 : vector<1x1x16xi32> to vector<16xi32>
    %get3A_612 = arith.constant 1 : i32
    %get3A_613 = arith.constant 6 : i32
    %get3A_614 = arith.index_cast %get3A_612 : i32 to index
    %get3A_615 = arith.index_cast %get3A_613 : i32 to index
    %get3A_616 = arith.constant 0 : index
    %get3A_617 = tpu.vector_load %arg6[%get3A_614, %get3A_615, %get3A_616] {strides = array<i32>} : memref<2x8x16xi32, #tpu.memory_space<vmem>>, vector<1x1x16xi32>,
    %get3A_618 = vector.shape_cast %get3A_617 : vector<1x1x16xi32> to vector<16xi32>
    %ge3A_619 = arith.cmpi sge, %add3A_490, %get3A_611 : vector<16xi32>
    %jit3A_620 = arith.constant 0 : i32
    %broadcast_in_dim3A_621 = vector.broadcast %jit3A_620 : i32 to vector<16xi32>
    %select_n3A_622 = arith.select %ge3A_619, %get3A_618, %broadcast_in_dim3A_621 : vector<16xi1>, vector<16xi32>
    %add3A_623 = arith.addi %add3A_604, %select_n3A_622 : vector<16xi32>
    %get3A_624 = arith.constant 0 : i32
    %get3A_625 = arith.constant 7 : i32
    %get3A_626 = arith.index_cast %get3A_624 : i32 to index
    %get3A_627 = arith.index_cast %get3A_625 : i32 to index
    %get3A_628 = arith.constant 0 : index
    %get3A_629 = tpu.vector_load %arg6[%get3A_626, %get3A_627, %get3A_628] {strides = array<i32>} : memref<2x8x16xi32, #tpu.memory_space<vmem>>, vector<1x1x16xi32>,
    %get3A_630 = vector.shape_cast %get3A_629 : vector<1x1x16xi32> to vector<16xi32>
    %get3A_631 = arith.constant 1 : i32
    %get3A_632 = arith.constant 7 : i32
    %get3A_633 = arith.index_cast %get3A_631 : i32 to index
    %get3A_634 = arith.index_cast %get3A_632 : i32 to index
    %get3A_635 = arith.constant 0 : index
    %get3A_636 = tpu.vector_load %arg6[%get3A_633, %get3A_634, %get3A_635] {strides = array<i32>} : memref<2x8x16xi32, #tpu.memory_space<vmem>>, vector<1x1x16xi32>,
    %get3A_637 = vector.shape_cast %get3A_636 : vector<1x1x16xi32> to vector<16xi32>
    %ge3A_638 = arith.cmpi sge, %add3A_490, %get3A_630 : vector<16xi32>
    %jit3A_639 = arith.constant 0 : i32
    %broadcast_in_dim3A_640 = vector.broadcast %jit3A_639 : i32 to vector<16xi32>
    %select_n3A_641 = arith.select %ge3A_638, %get3A_637, %broadcast_in_dim3A_640 : vector<16xi1>, vector<16xi32>
    %add3A_642 = arith.addi %add3A_623, %select_n3A_641 : vector<16xi32>
    %swap3A_643 = arith.constant 3 : i32
    %swap3A_644 = arith.index_cast %swap3A_643 : i32 to index
    %swap3A_645 = arith.constant 0 : index
    %swap3A_646 = tpu.vector_load %arg7[%swap3A_644, %swap3A_645] {strides = array<i32>} : memref<16x16xi32, #tpu.memory_space<vmem>>, vector<1x16xi32>,
    %swap3A_647 = vector.shape_cast %swap3A_646 : vector<1x16xi32> to vector<16xi32>
    %swap3A_648 = vector.shape_cast %add3A_642 : vector<16xi32> to vector<1x16xi32>
    tpu.vector_store %arg7[%swap3A_644, %swap3A_645], %swap3A_648 {strides = array<i32>} : memref<16x16xi32, #tpu.memory_space<vmem>>, vector<1x16xi32>,
    %add3A_649 = arith.constant 64 : i32
    %add3A_650 = arith.addi %multiple_of3A, %add3A_649 : i32
    %iota3A_651 = tpu.iota {dimensions = array<i32: 0>} : vector<16xi32>
    %add3A_652 = vector.broadcast %add3A_650 : i32 to vector<16xi32>
    %add3A_653 = arith.addi %add3A_652, %iota3A_651 : vector<16xi32>
    %get3A_654 = arith.constant 0 : i32
    %get3A_655 = arith.constant 0 : i32
    %get3A_656 = arith.index_cast %get3A_654 : i32 to index
    %get3A_657 = arith.index_cast %get3A_655 : i32 to index
    %get3A_658 = arith.constant 0 : index
    %get3A_659 = tpu.vector_load %arg6[%get3A_656, %get3A_657, %get3A_658] {strides = array<i32>} : memref<2x8x16xi32, #tpu.memory_space<vmem>>, vector<1x1x16xi32>,
    %get3A_660 = vector.shape_cast %get3A_659 : vector<1x1x16xi32> to vector<16xi32>
    %get3A_661 = arith.constant 1 : i32
    %get3A_662 = arith.constant 0 : i32
    %get3A_663 = arith.index_cast %get3A_661 : i32 to index
    %get3A_664 = arith.index_cast %get3A_662 : i32 to index
    %get3A_665 = arith.constant 0 : index
    %get3A_666 = tpu.vector_load %arg6[%get3A_663, %get3A_664, %get3A_665] {strides = array<i32>} : memref<2x8x16xi32, #tpu.memory_space<vmem>>, vector<1x1x16xi32>,
    %get3A_667 = vector.shape_cast %get3A_666 : vector<1x1x16xi32> to vector<16xi32>
    %ge3A_668 = arith.cmpi sge, %add3A_653, %get3A_660 : vector<16xi32>
    %jit3A_669 = arith.constant 0 : i32
    %broadcast_in_dim3A_670 = vector.broadcast %jit3A_669 : i32 to vector<16xi32>
    %select_n3A_671 = arith.select %ge3A_668, %get3A_667, %broadcast_in_dim3A_670 : vector<16xi1>, vector<16xi32>
    %add3A_672 = arith.addi %add3A_653, %select_n3A_671 : vector<16xi32>
    %get3A_673 = arith.constant 0 : i32
    %get3A_674 = arith.constant 1 : i32
    %get3A_675 = arith.index_cast %get3A_673 : i32 to index
    %get3A_676 = arith.index_cast %get3A_674 : i32 to index
    %get3A_677 = arith.constant 0 : index
    %get3A_678 = tpu.vector_load %arg6[%get3A_675, %get3A_676, %get3A_677] {strides = array<i32>} : memref<2x8x16xi32, #tpu.memory_space<vmem>>, vector<1x1x16xi32>,
    %get3A_679 = vector.shape_cast %get3A_678 : vector<1x1x16xi32> to vector<16xi32>
    %get3A_680 = arith.constant 1 : i32
    %get3A_681 = arith.constant 1 : i32
    %get3A_682 = arith.index_cast %get3A_680 : i32 to index
    %get3A_683 = arith.index_cast %get3A_681 : i32 to index
    %get3A_684 = arith.constant 0 : index
    %get3A_685 = tpu.vector_load %arg6[%get3A_682, %get3A_683, %get3A_684] {strides = array<i32>} : memref<2x8x16xi32, #tpu.memory_space<vmem>>, vector<1x1x16xi32>,
    %get3A_686 = vector.shape_cast %get3A_685 : vector<1x1x16xi32> to vector<16xi32>
    %ge3A_687 = arith.cmpi sge, %add3A_653, %get3A_679 : vector<16xi32>
    %jit3A_688 = arith.constant 0 : i32
    %broadcast_in_dim3A_689 = vector.broadcast %jit3A_688 : i32 to vector<16xi32>
    %select_n3A_690 = arith.select %ge3A_687, %get3A_686, %broadcast_in_dim3A_689 : vector<16xi1>, vector<16xi32>
    %add3A_691 = arith.addi %add3A_672, %select_n3A_690 : vector<16xi32>
    %get3A_692 = arith.constant 0 : i32
    %get3A_693 = arith.constant 2 : i32
    %get3A_694 = arith.index_cast %get3A_692 : i32 to index
    %get3A_695 = arith.index_cast %get3A_693 : i32 to index
    %get3A_696 = arith.constant 0 : index
    %get3A_697 = tpu.vector_load %arg6[%get3A_694, %get3A_695, %get3A_696] {strides = array<i32>} : memref<2x8x16xi32, #tpu.memory_space<vmem>>, vector<1x1x16xi32>,
    %get3A_698 = vector.shape_cast %get3A_697 : vector<1x1x16xi32> to vector<16xi32>
    %get3A_699 = arith.constant 1 : i32
    %get3A_700 = arith.constant 2 : i32
    %get3A_701 = arith.index_cast %get3A_699 : i32 to index
    %get3A_702 = arith.index_cast %get3A_700 : i32 to index
    %get3A_703 = arith.constant 0 : index
    %get3A_704 = tpu.vector_load %arg6[%get3A_701, %get3A_702, %get3A_703] {strides = array<i32>} : memref<2x8x16xi32, #tpu.memory_space<vmem>>, vector<1x1x16xi32>,
    %get3A_705 = vector.shape_cast %get3A_704 : vector<1x1x16xi32> to vector<16xi32>
    %ge3A_706 = arith.cmpi sge, %add3A_653, %get3A_698 : vector<16xi32>
    %jit3A_707 = arith.constant 0 : i32
    %broadcast_in_dim3A_708 = vector.broadcast %jit3A_707 : i32 to vector<16xi32>
    %select_n3A_709 = arith.select %ge3A_706, %get3A_705, %broadcast_in_dim3A_708 : vector<16xi1>, vector<16xi32>
    %add3A_710 = arith.addi %add3A_691, %select_n3A_709 : vector<16xi32>
    %get3A_711 = arith.constant 0 : i32
    %get3A_712 = arith.constant 3 : i32
    %get3A_713 = arith.index_cast %get3A_711 : i32 to index
    %get3A_714 = arith.index_cast %get3A_712 : i32 to index
    %get3A_715 = arith.constant 0 : index
    %get3A_716 = tpu.vector_load %arg6[%get3A_713, %get3A_714, %get3A_715] {strides = array<i32>} : memref<2x8x16xi32, #tpu.memory_space<vmem>>, vector<1x1x16xi32>,
    %get3A_717 = vector.shape_cast %get3A_716 : vector<1x1x16xi32> to vector<16xi32>
    %get3A_718 = arith.constant 1 : i32
    %get3A_719 = arith.constant 3 : i32
    %get3A_720 = arith.index_cast %get3A_718 : i32 to index
    %get3A_721 = arith.index_cast %get3A_719 : i32 to index
    %get3A_722 = arith.constant 0 : index
    %get3A_723 = tpu.vector_load %arg6[%get3A_720, %get3A_721, %get3A_722] {strides = array<i32>} : memref<2x8x16xi32, #tpu.memory_space<vmem>>, vector<1x1x16xi32>,
    %get3A_724 = vector.shape_cast %get3A_723 : vector<1x1x16xi32> to vector<16xi32>
    %ge3A_725 = arith.cmpi sge, %add3A_653, %get3A_717 : vector<16xi32>
    %jit3A_726 = arith.constant 0 : i32
    %broadcast_in_dim3A_727 = vector.broadcast %jit3A_726 : i32 to vector<16xi32>
    %select_n3A_728 = arith.select %ge3A_725, %get3A_724, %broadcast_in_dim3A_727 : vector<16xi1>, vector<16xi32>
    %add3A_729 = arith.addi %add3A_710, %select_n3A_728 : vector<16xi32>
    %get3A_730 = arith.constant 0 : i32
    %get3A_731 = arith.constant 4 : i32
    %get3A_732 = arith.index_cast %get3A_730 : i32 to index
    %get3A_733 = arith.index_cast %get3A_731 : i32 to index
    %get3A_734 = arith.constant 0 : index
    %get3A_735 = tpu.vector_load %arg6[%get3A_732, %get3A_733, %get3A_734] {strides = array<i32>} : memref<2x8x16xi32, #tpu.memory_space<vmem>>, vector<1x1x16xi32>,
    %get3A_736 = vector.shape_cast %get3A_735 : vector<1x1x16xi32> to vector<16xi32>
    %get3A_737 = arith.constant 1 : i32
    %get3A_738 = arith.constant 4 : i32
    %get3A_739 = arith.index_cast %get3A_737 : i32 to index
    %get3A_740 = arith.index_cast %get3A_738 : i32 to index
    %get3A_741 = arith.constant 0 : index
    %get3A_742 = tpu.vector_load %arg6[%get3A_739, %get3A_740, %get3A_741] {strides = array<i32>} : memref<2x8x16xi32, #tpu.memory_space<vmem>>, vector<1x1x16xi32>,
    %get3A_743 = vector.shape_cast %get3A_742 : vector<1x1x16xi32> to vector<16xi32>
    %ge3A_744 = arith.cmpi sge, %add3A_653, %get3A_736 : vector<16xi32>
    %jit3A_745 = arith.constant 0 : i32
    %broadcast_in_dim3A_746 = vector.broadcast %jit3A_745 : i32 to vector<16xi32>
    %select_n3A_747 = arith.select %ge3A_744, %get3A_743, %broadcast_in_dim3A_746 : vector<16xi1>, vector<16xi32>
    %add3A_748 = arith.addi %add3A_729, %select_n3A_747 : vector<16xi32>
    %get3A_749 = arith.constant 0 : i32
    %get3A_750 = arith.constant 5 : i32
    %get3A_751 = arith.index_cast %get3A_749 : i32 to index
    %get3A_752 = arith.index_cast %get3A_750 : i32 to index
    %get3A_753 = arith.constant 0 : index
    %get3A_754 = tpu.vector_load %arg6[%get3A_751, %get3A_752, %get3A_753] {strides = array<i32>} : memref<2x8x16xi32, #tpu.memory_space<vmem>>, vector<1x1x16xi32>,
    %get3A_755 = vector.shape_cast %get3A_754 : vector<1x1x16xi32> to vector<16xi32>
    %get3A_756 = arith.constant 1 : i32
    %get3A_757 = arith.constant 5 : i32
    %get3A_758 = arith.index_cast %get3A_756 : i32 to index
    %get3A_759 = arith.index_cast %get3A_757 : i32 to index
    %get3A_760 = arith.constant 0 : index
    %get3A_761 = tpu.vector_load %arg6[%get3A_758, %get3A_759, %get3A_760] {strides = array<i32>} : memref<2x8x16xi32, #tpu.memory_space<vmem>>, vector<1x1x16xi32>,
    %get3A_762 = vector.shape_cast %get3A_761 : vector<1x1x16xi32> to vector<16xi32>
    %ge3A_763 = arith.cmpi sge, %add3A_653, %get3A_755 : vector<16xi32>
    %jit3A_764 = arith.constant 0 : i32
    %broadcast_in_dim3A_765 = vector.broadcast %jit3A_764 : i32 to vector<16xi32>
    %select_n3A_766 = arith.select %ge3A_763, %get3A_762, %broadcast_in_dim3A_765 : vector<16xi1>, vector<16xi32>
    %add3A_767 = arith.addi %add3A_748, %select_n3A_766 : vector<16xi32>
    %get3A_768 = arith.constant 0 : i32
    %get3A_769 = arith.constant 6 : i32
    %get3A_770 = arith.index_cast %get3A_768 : i32 to index
    %get3A_771 = arith.index_cast %get3A_769 : i32 to index
    %get3A_772 = arith.constant 0 : index
    %get3A_773 = tpu.vector_load %arg6[%get3A_770, %get3A_771, %get3A_772] {strides = array<i32>} : memref<2x8x16xi32, #tpu.memory_space<vmem>>, vector<1x1x16xi32>,
    %get3A_774 = vector.shape_cast %get3A_773 : vector<1x1x16xi32> to vector<16xi32>
    %get3A_775 = arith.constant 1 : i32
    %get3A_776 = arith.constant 6 : i32
    %get3A_777 = arith.index_cast %get3A_775 : i32 to index
    %get3A_778 = arith.index_cast %get3A_776 : i32 to index
    %get3A_779 = arith.constant 0 : index
    %get3A_780 = tpu.vector_load %arg6[%get3A_777, %get3A_778, %get3A_779] {strides = array<i32>} : memref<2x8x16xi32, #tpu.memory_space<vmem>>, vector<1x1x16xi32>,
    %get3A_781 = vector.shape_cast %get3A_780 : vector<1x1x16xi32> to vector<16xi32>
    %ge3A_782 = arith.cmpi sge, %add3A_653, %get3A_774 : vector<16xi32>
    %jit3A_783 = arith.constant 0 : i32
    %broadcast_in_dim3A_784 = vector.broadcast %jit3A_783 : i32 to vector<16xi32>
    %select_n3A_785 = arith.select %ge3A_782, %get3A_781, %broadcast_in_dim3A_784 : vector<16xi1>, vector<16xi32>
    %add3A_786 = arith.addi %add3A_767, %select_n3A_785 : vector<16xi32>
    %get3A_787 = arith.constant 0 : i32
    %get3A_788 = arith.constant 7 : i32
    %get3A_789 = arith.index_cast %get3A_787 : i32 to index
    %get3A_790 = arith.index_cast %get3A_788 : i32 to index
    %get3A_791 = arith.constant 0 : index
    %get3A_792 = tpu.vector_load %arg6[%get3A_789, %get3A_790, %get3A_791] {strides = array<i32>} : memref<2x8x16xi32, #tpu.memory_space<vmem>>, vector<1x1x16xi32>,
    %get3A_793 = vector.shape_cast %get3A_792 : vector<1x1x16xi32> to vector<16xi32>
    %get3A_794 = arith.constant 1 : i32
    %get3A_795 = arith.constant 7 : i32
    %get3A_796 = arith.index_cast %get3A_794 : i32 to index
    %get3A_797 = arith.index_cast %get3A_795 : i32 to index
    %get3A_798 = arith.constant 0 : index
    %get3A_799 = tpu.vector_load %arg6[%get3A_796, %get3A_797, %get3A_798] {strides = array<i32>} : memref<2x8x16xi32, #tpu.memory_space<vmem>>, vector<1x1x16xi32>,
    %get3A_800 = vector.shape_cast %get3A_799 : vector<1x1x16xi32> to vector<16xi32>
    %ge3A_801 = arith.cmpi sge, %add3A_653, %get3A_793 : vector<16xi32>
    %jit3A_802 = arith.constant 0 : i32
    %broadcast_in_dim3A_803 = vector.broadcast %jit3A_802 : i32 to vector<16xi32>
    %select_n3A_804 = arith.select %ge3A_801, %get3A_800, %broadcast_in_dim3A_803 : vector<16xi1>, vector<16xi32>
    %add3A_805 = arith.addi %add3A_786, %select_n3A_804 : vector<16xi32>
    %swap3A_806 = arith.constant 4 : i32
    %swap3A_807 = arith.index_cast %swap3A_806 : i32 to index
    %swap3A_808 = arith.constant 0 : index
    %swap3A_809 = tpu.vector_load %arg7[%swap3A_807, %swap3A_808] {strides = array<i32>} : memref<16x16xi32, #tpu.memory_space<vmem>>, vector<1x16xi32>,
    %swap3A_810 = vector.shape_cast %swap3A_809 : vector<1x16xi32> to vector<16xi32>
    %swap3A_811 = vector.shape_cast %add3A_805 : vector<16xi32> to vector<1x16xi32>
    tpu.vector_store %arg7[%swap3A_807, %swap3A_808], %swap3A_811 {strides = array<i32>} : memref<16x16xi32, #tpu.memory_space<vmem>>, vector<1x16xi32>,
    %add3A_812 = arith.constant 80 : i32
    %add3A_813 = arith.addi %multiple_of3A, %add3A_812 : i32
    %iota3A_814 = tpu.iota {dimensions = array<i32: 0>} : vector<16xi32>
    %add3A_815 = vector.broadcast %add3A_813 : i32 to vector<16xi32>
    %add3A_816 = arith.addi %add3A_815, %iota3A_814 : vector<16xi32>
    %get3A_817 = arith.constant 0 : i32
    %get3A_818 = arith.constant 0 : i32
    %get3A_819 = arith.index_cast %get3A_817 : i32 to index
    %get3A_820 = arith.index_cast %get3A_818 : i32 to index
    %get3A_821 = arith.constant 0 : index
    %get3A_822 = tpu.vector_load %arg6[%get3A_819, %get3A_820, %get3A_821] {strides = array<i32>} : memref<2x8x16xi32, #tpu.memory_space<vmem>>, vector<1x1x16xi32>,
    %get3A_823 = vector.shape_cast %get3A_822 : vector<1x1x16xi32> to vector<16xi32>
    %get3A_824 = arith.constant 1 : i32
    %get3A_825 = arith.constant 0 : i32
    %get3A_826 = arith.index_cast %get3A_824 : i32 to index
    %get3A_827 = arith.index_cast %get3A_825 : i32 to index
    %get3A_828 = arith.constant 0 : index
    %get3A_829 = tpu.vector_load %arg6[%get3A_826, %get3A_827, %get3A_828] {strides = array<i32>} : memref<2x8x16xi32, #tpu.memory_space<vmem>>, vector<1x1x16xi32>,
    %get3A_830 = vector.shape_cast %get3A_829 : vector<1x1x16xi32> to vector<16xi32>
    %ge3A_831 = arith.cmpi sge, %add3A_816, %get3A_823 : vector<16xi32>
    %jit3A_832 = arith.constant 0 : i32
    %broadcast_in_dim3A_833 = vector.broadcast %jit3A_832 : i32 to vector<16xi32>
    %select_n3A_834 = arith.select %ge3A_831, %get3A_830, %broadcast_in_dim3A_833 : vector<16xi1>, vector<16xi32>
    %add3A_835 = arith.addi %add3A_816, %select_n3A_834 : vector<16xi32>
    %get3A_836 = arith.constant 0 : i32
    %get3A_837 = arith.constant 1 : i32
    %get3A_838 = arith.index_cast %get3A_836 : i32 to index
    %get3A_839 = arith.index_cast %get3A_837 : i32 to index
    %get3A_840 = arith.constant 0 : index
    %get3A_841 = tpu.vector_load %arg6[%get3A_838, %get3A_839, %get3A_840] {strides = array<i32>} : memref<2x8x16xi32, #tpu.memory_space<vmem>>, vector<1x1x16xi32>,
    %get3A_842 = vector.shape_cast %get3A_841 : vector<1x1x16xi32> to vector<16xi32>
    %get3A_843 = arith.constant 1 : i32
    %get3A_844 = arith.constant 1 : i32
    %get3A_845 = arith.index_cast %get3A_843 : i32 to index
    %get3A_846 = arith.index_cast %get3A_844 : i32 to index
    %get3A_847 = arith.constant 0 : index
    %get3A_848 = tpu.vector_load %arg6[%get3A_845, %get3A_846, %get3A_847] {strides = array<i32>} : memref<2x8x16xi32, #tpu.memory_space<vmem>>, vector<1x1x16xi32>,
    %get3A_849 = vector.shape_cast %get3A_848 : vector<1x1x16xi32> to vector<16xi32>
    %ge3A_850 = arith.cmpi sge, %add3A_816, %get3A_842 : vector<16xi32>
    %jit3A_851 = arith.constant 0 : i32
    %broadcast_in_dim3A_852 = vector.broadcast %jit3A_851 : i32 to vector<16xi32>
    %select_n3A_853 = arith.select %ge3A_850, %get3A_849, %broadcast_in_dim3A_852 : vector<16xi1>, vector<16xi32>
    %add3A_854 = arith.addi %add3A_835, %select_n3A_853 : vector<16xi32>
    %get3A_855 = arith.constant 0 : i32
    %get3A_856 = arith.constant 2 : i32
    %get3A_857 = arith.index_cast %get3A_855 : i32 to index
    %get3A_858 = arith.index_cast %get3A_856 : i32 to index
    %get3A_859 = arith.constant 0 : index
    %get3A_860 = tpu.vector_load %arg6[%get3A_857, %get3A_858, %get3A_859] {strides = array<i32>} : memref<2x8x16xi32, #tpu.memory_space<vmem>>, vector<1x1x16xi32>,
    %get3A_861 = vector.shape_cast %get3A_860 : vector<1x1x16xi32> to vector<16xi32>
    %get3A_862 = arith.constant 1 : i32
    %get3A_863 = arith.constant 2 : i32
    %get3A_864 = arith.index_cast %get3A_862 : i32 to index
    %get3A_865 = arith.index_cast %get3A_863 : i32 to index
    %get3A_866 = arith.constant 0 : index
    %get3A_867 = tpu.vector_load %arg6[%get3A_864, %get3A_865, %get3A_866] {strides = array<i32>} : memref<2x8x16xi32, #tpu.memory_space<vmem>>, vector<1x1x16xi32>,
    %get3A_868 = vector.shape_cast %get3A_867 : vector<1x1x16xi32> to vector<16xi32>
    %ge3A_869 = arith.cmpi sge, %add3A_816, %get3A_861 : vector<16xi32>
    %jit3A_870 = arith.constant 0 : i32
    %broadcast_in_dim3A_871 = vector.broadcast %jit3A_870 : i32 to vector<16xi32>
    %select_n3A_872 = arith.select %ge3A_869, %get3A_868, %broadcast_in_dim3A_871 : vector<16xi1>, vector<16xi32>
    %add3A_873 = arith.addi %add3A_854, %select_n3A_872 : vector<16xi32>
    %get3A_874 = arith.constant 0 : i32
    %get3A_875 = arith.constant 3 : i32
    %get3A_876 = arith.index_cast %get3A_874 : i32 to index
    %get3A_877 = arith.index_cast %get3A_875 : i32 to index
    %get3A_878 = arith.constant 0 : index
    %get3A_879 = tpu.vector_load %arg6[%get3A_876, %get3A_877, %get3A_878] {strides = array<i32>} : memref<2x8x16xi32, #tpu.memory_space<vmem>>, vector<1x1x16xi32>,
    %get3A_880 = vector.shape_cast %get3A_879 : vector<1x1x16xi32> to vector<16xi32>
    %get3A_881 = arith.constant 1 : i32
    %get3A_882 = arith.constant 3 : i32
    %get3A_883 = arith.index_cast %get3A_881 : i32 to index
    %get3A_884 = arith.index_cast %get3A_882 : i32 to index
    %get3A_885 = arith.constant 0 : index
    %get3A_886 = tpu.vector_load %arg6[%get3A_883, %get3A_884, %get3A_885] {strides = array<i32>} : memref<2x8x16xi32, #tpu.memory_space<vmem>>, vector<1x1x16xi32>,
    %get3A_887 = vector.shape_cast %get3A_886 : vector<1x1x16xi32> to vector<16xi32>
    %ge3A_888 = arith.cmpi sge, %add3A_816, %get3A_880 : vector<16xi32>
    %jit3A_889 = arith.constant 0 : i32
    %broadcast_in_dim3A_890 = vector.broadcast %jit3A_889 : i32 to vector<16xi32>
    %select_n3A_891 = arith.select %ge3A_888, %get3A_887, %broadcast_in_dim3A_890 : vector<16xi1>, vector<16xi32>
    %add3A_892 = arith.addi %add3A_873, %select_n3A_891 : vector<16xi32>
    %get3A_893 = arith.constant 0 : i32
    %get3A_894 = arith.constant 4 : i32
    %get3A_895 = arith.index_cast %get3A_893 : i32 to index
    %get3A_896 = arith.index_cast %get3A_894 : i32 to index
    %get3A_897 = arith.constant 0 : index
    %get3A_898 = tpu.vector_load %arg6[%get3A_895, %get3A_896, %get3A_897] {strides = array<i32>} : memref<2x8x16xi32, #tpu.memory_space<vmem>>, vector<1x1x16xi32>,
    %get3A_899 = vector.shape_cast %get3A_898 : vector<1x1x16xi32> to vector<16xi32>
    %get3A_900 = arith.constant 1 : i32
    %get3A_901 = arith.constant 4 : i32
    %get3A_902 = arith.index_cast %get3A_900 : i32 to index
    %get3A_903 = arith.index_cast %get3A_901 : i32 to index
    %get3A_904 = arith.constant 0 : index
    %get3A_905 = tpu.vector_load %arg6[%get3A_902, %get3A_903, %get3A_904] {strides = array<i32>} : memref<2x8x16xi32, #tpu.memory_space<vmem>>, vector<1x1x16xi32>,
    %get3A_906 = vector.shape_cast %get3A_905 : vector<1x1x16xi32> to vector<16xi32>
    %ge3A_907 = arith.cmpi sge, %add3A_816, %get3A_899 : vector<16xi32>
    %jit3A_908 = arith.constant 0 : i32
    %broadcast_in_dim3A_909 = vector.broadcast %jit3A_908 : i32 to vector<16xi32>
    %select_n3A_910 = arith.select %ge3A_907, %get3A_906, %broadcast_in_dim3A_909 : vector<16xi1>, vector<16xi32>
    %add3A_911 = arith.addi %add3A_892, %select_n3A_910 : vector<16xi32>
    %get3A_912 = arith.constant 0 : i32
    %get3A_913 = arith.constant 5 : i32
    %get3A_914 = arith.index_cast %get3A_912 : i32 to index
    %get3A_915 = arith.index_cast %get3A_913 : i32 to index
    %get3A_916 = arith.constant 0 : index
    %get3A_917 = tpu.vector_load %arg6[%get3A_914, %get3A_915, %get3A_916] {strides = array<i32>} : memref<2x8x16xi32, #tpu.memory_space<vmem>>, vector<1x1x16xi32>,
    %get3A_918 = vector.shape_cast %get3A_917 : vector<1x1x16xi32> to vector<16xi32>
    %get3A_919 = arith.constant 1 : i32
    %get3A_920 = arith.constant 5 : i32
    %get3A_921 = arith.index_cast %get3A_919 : i32 to index
    %get3A_922 = arith.index_cast %get3A_920 : i32 to index
    %get3A_923 = arith.constant 0 : index
    %get3A_924 = tpu.vector_load %arg6[%get3A_921, %get3A_922, %get3A_923] {strides = array<i32>} : memref<2x8x16xi32, #tpu.memory_space<vmem>>, vector<1x1x16xi32>,
    %get3A_925 = vector.shape_cast %get3A_924 : vector<1x1x16xi32> to vector<16xi32>
    %ge3A_926 = arith.cmpi sge, %add3A_816, %get3A_918 : vector<16xi32>
    %jit3A_927 = arith.constant 0 : i32
    %broadcast_in_dim3A_928 = vector.broadcast %jit3A_927 : i32 to vector<16xi32>
    %select_n3A_929 = arith.select %ge3A_926, %get3A_925, %broadcast_in_dim3A_928 : vector<16xi1>, vector<16xi32>
    %add3A_930 = arith.addi %add3A_911, %select_n3A_929 : vector<16xi32>
    %get3A_931 = arith.constant 0 : i32
    %get3A_932 = arith.constant 6 : i32
    %get3A_933 = arith.index_cast %get3A_931 : i32 to index
    %get3A_934 = arith.index_cast %get3A_932 : i32 to index
    %get3A_935 = arith.constant 0 : index
    %get3A_936 = tpu.vector_load %arg6[%get3A_933, %get3A_934, %get3A_935] {strides = array<i32>} : memref<2x8x16xi32, #tpu.memory_space<vmem>>, vector<1x1x16xi32>,
    %get3A_937 = vector.shape_cast %get3A_936 : vector<1x1x16xi32> to vector<16xi32>
    %get3A_938 = arith.constant 1 : i32
    %get3A_939 = arith.constant 6 : i32
    %get3A_940 = arith.index_cast %get3A_938 : i32 to index
    %get3A_941 = arith.index_cast %get3A_939 : i32 to index
    %get3A_942 = arith.constant 0 : index
    %get3A_943 = tpu.vector_load %arg6[%get3A_940, %get3A_941, %get3A_942] {strides = array<i32>} : memref<2x8x16xi32, #tpu.memory_space<vmem>>, vector<1x1x16xi32>,
    %get3A_944 = vector.shape_cast %get3A_943 : vector<1x1x16xi32> to vector<16xi32>
    %ge3A_945 = arith.cmpi sge, %add3A_816, %get3A_937 : vector<16xi32>
    %jit3A_946 = arith.constant 0 : i32
    %broadcast_in_dim3A_947 = vector.broadcast %jit3A_946 : i32 to vector<16xi32>
    %select_n3A_948 = arith.select %ge3A_945, %get3A_944, %broadcast_in_dim3A_947 : vector<16xi1>, vector<16xi32>
    %add3A_949 = arith.addi %add3A_930, %select_n3A_948 : vector<16xi32>
    %get3A_950 = arith.constant 0 : i32
    %get3A_951 = arith.constant 7 : i32
    %get3A_952 = arith.index_cast %get3A_950 : i32 to index
    %get3A_953 = arith.index_cast %get3A_951 : i32 to index
    %get3A_954 = arith.constant 0 : index
    %get3A_955 = tpu.vector_load %arg6[%get3A_952, %get3A_953, %get3A_954] {strides = array<i32>} : memref<2x8x16xi32, #tpu.memory_space<vmem>>, vector<1x1x16xi32>,
    %get3A_956 = vector.shape_cast %get3A_955 : vector<1x1x16xi32> to vector<16xi32>
    %get3A_957 = arith.constant 1 : i32
    %get3A_958 = arith.constant 7 : i32
    %get3A_959 = arith.index_cast %get3A_957 : i32 to index
    %get3A_960 = arith.index_cast %get3A_958 : i32 to index
    %get3A_961 = arith.constant 0 : index
    %get3A_962 = tpu.vector_load %arg6[%get3A_959, %get3A_960, %get3A_961] {strides = array<i32>} : memref<2x8x16xi32, #tpu.memory_space<vmem>>, vector<1x1x16xi32>,
    %get3A_963 = vector.shape_cast %get3A_962 : vector<1x1x16xi32> to vector<16xi32>
    %ge3A_964 = arith.cmpi sge, %add3A_816, %get3A_956 : vector<16xi32>
    %jit3A_965 = arith.constant 0 : i32
    %broadcast_in_dim3A_966 = vector.broadcast %jit3A_965 : i32 to vector<16xi32>
    %select_n3A_967 = arith.select %ge3A_964, %get3A_963, %broadcast_in_dim3A_966 : vector<16xi1>, vector<16xi32>
    %add3A_968 = arith.addi %add3A_949, %select_n3A_967 : vector<16xi32>
    %swap3A_969 = arith.constant 5 : i32
    %swap3A_970 = arith.index_cast %swap3A_969 : i32 to index
    %swap3A_971 = arith.constant 0 : index
    %swap3A_972 = tpu.vector_load %arg7[%swap3A_970, %swap3A_971] {strides = array<i32>} : memref<16x16xi32, #tpu.memory_space<vmem>>, vector<1x16xi32>,
    %swap3A_973 = vector.shape_cast %swap3A_972 : vector<1x16xi32> to vector<16xi32>
    %swap3A_974 = vector.shape_cast %add3A_968 : vector<16xi32> to vector<1x16xi32>
    tpu.vector_store %arg7[%swap3A_970, %swap3A_971], %swap3A_974 {strides = array<i32>} : memref<16x16xi32, #tpu.memory_space<vmem>>, vector<1x16xi32>,
    %add3A_975 = arith.constant 96 : i32
    %add3A_976 = arith.addi %multiple_of3A, %add3A_975 : i32
    %iota3A_977 = tpu.iota {dimensions = array<i32: 0>} : vector<16xi32>
    %add3A_978 = vector.broadcast %add3A_976 : i32 to vector<16xi32>
    %add3A_979 = arith.addi %add3A_978, %iota3A_977 : vector<16xi32>
    %get3A_980 = arith.constant 0 : i32
    %get3A_981 = arith.constant 0 : i32
    %get3A_982 = arith.index_cast %get3A_980 : i32 to index
    %get3A_983 = arith.index_cast %get3A_981 : i32 to index
    %get3A_984 = arith.constant 0 : index
    %get3A_985 = tpu.vector_load %arg6[%get3A_982, %get3A_983, %get3A_984] {strides = array<i32>} : memref<2x8x16xi32, #tpu.memory_space<vmem>>, vector<1x1x16xi32>,
    %get3A_986 = vector.shape_cast %get3A_985 : vector<1x1x16xi32> to vector<16xi32>
    %get3A_987 = arith.constant 1 : i32
    %get3A_988 = arith.constant 0 : i32
    %get3A_989 = arith.index_cast %get3A_987 : i32 to index
    %get3A_990 = arith.index_cast %get3A_988 : i32 to index
    %get3A_991 = arith.constant 0 : index
    %get3A_992 = tpu.vector_load %arg6[%get3A_989, %get3A_990, %get3A_991] {strides = array<i32>} : memref<2x8x16xi32, #tpu.memory_space<vmem>>, vector<1x1x16xi32>,
    %get3A_993 = vector.shape_cast %get3A_992 : vector<1x1x16xi32> to vector<16xi32>
    %ge3A_994 = arith.cmpi sge, %add3A_979, %get3A_986 : vector<16xi32>
    %jit3A_995 = arith.constant 0 : i32
    %broadcast_in_dim3A_996 = vector.broadcast %jit3A_995 : i32 to vector<16xi32>
    %select_n3A_997 = arith.select %ge3A_994, %get3A_993, %broadcast_in_dim3A_996 : vector<16xi1>, vector<16xi32>
    %add3A_998 = arith.addi %add3A_979, %select_n3A_997 : vector<16xi32>
    %get3A_999 = arith.constant 0 : i32
    %get3A_1000 = arith.constant 1 : i32
    %get3A_1001 = arith.index_cast %get3A_999 : i32 to index
    %get3A_1002 = arith.index_cast %get3A_1000 : i32 to index
    %get3A_1003 = arith.constant 0 : index
    %get3A_1004 = tpu.vector_load %arg6[%get3A_1001, %get3A_1002, %get3A_1003] {strides = array<i32>} : memref<2x8x16xi32, #tpu.memory_space<vmem>>, vector<1x1x16xi32>,
    %get3A_1005 = vector.shape_cast %get3A_1004 : vector<1x1x16xi32> to vector<16xi32>
    %get3A_1006 = arith.constant 1 : i32
    %get3A_1007 = arith.constant 1 : i32
    %get3A_1008 = arith.index_cast %get3A_1006 : i32 to index
    %get3A_1009 = arith.index_cast %get3A_1007 : i32 to index
    %get3A_1010 = arith.constant 0 : index
    %get3A_1011 = tpu.vector_load %arg6[%get3A_1008, %get3A_1009, %get3A_1010] {strides = array<i32>} : memref<2x8x16xi32, #tpu.memory_space<vmem>>, vector<1x1x16xi32>,
    %get3A_1012 = vector.shape_cast %get3A_1011 : vector<1x1x16xi32> to vector<16xi32>
    %ge3A_1013 = arith.cmpi sge, %add3A_979, %get3A_1005 : vector<16xi32>
    %jit3A_1014 = arith.constant 0 : i32
    %broadcast_in_dim3A_1015 = vector.broadcast %jit3A_1014 : i32 to vector<16xi32>
    %select_n3A_1016 = arith.select %ge3A_1013, %get3A_1012, %broadcast_in_dim3A_1015 : vector<16xi1>, vector<16xi32>
    %add3A_1017 = arith.addi %add3A_998, %select_n3A_1016 : vector<16xi32>
    %get3A_1018 = arith.constant 0 : i32
    %get3A_1019 = arith.constant 2 : i32
    %get3A_1020 = arith.index_cast %get3A_1018 : i32 to index
    %get3A_1021 = arith.index_cast %get3A_1019 : i32 to index
    %get3A_1022 = arith.constant 0 : index
    %get3A_1023 = tpu.vector_load %arg6[%get3A_1020, %get3A_1021, %get3A_1022] {strides = array<i32>} : memref<2x8x16xi32, #tpu.memory_space<vmem>>, vector<1x1x16xi32>,
    %get3A_1024 = vector.shape_cast %get3A_1023 : vector<1x1x16xi32> to vector<16xi32>
    %get3A_1025 = arith.constant 1 : i32
    %get3A_1026 = arith.constant 2 : i32
    %get3A_1027 = arith.index_cast %get3A_1025 : i32 to index
    %get3A_1028 = arith.index_cast %get3A_1026 : i32 to index
    %get3A_1029 = arith.constant 0 : index
    %get3A_1030 = tpu.vector_load %arg6[%get3A_1027, %get3A_1028, %get3A_1029] {strides = array<i32>} : memref<2x8x16xi32, #tpu.memory_space<vmem>>, vector<1x1x16xi32>,
    %get3A_1031 = vector.shape_cast %get3A_1030 : vector<1x1x16xi32> to vector<16xi32>
    %ge3A_1032 = arith.cmpi sge, %add3A_979, %get3A_1024 : vector<16xi32>
    %jit3A_1033 = arith.constant 0 : i32
    %broadcast_in_dim3A_1034 = vector.broadcast %jit3A_1033 : i32 to vector<16xi32>
    %select_n3A_1035 = arith.select %ge3A_1032, %get3A_1031, %broadcast_in_dim3A_1034 : vector<16xi1>, vector<16xi32>
    %add3A_1036 = arith.addi %add3A_1017, %select_n3A_1035 : vector<16xi32>
    %get3A_1037 = arith.constant 0 : i32
    %get3A_1038 = arith.constant 3 : i32
    %get3A_1039 = arith.index_cast %get3A_1037 : i32 to index
    %get3A_1040 = arith.index_cast %get3A_1038 : i32 to index
    %get3A_1041 = arith.constant 0 : index
    %get3A_1042 = tpu.vector_load %arg6[%get3A_1039, %get3A_1040, %get3A_1041] {strides = array<i32>} : memref<2x8x16xi32, #tpu.memory_space<vmem>>, vector<1x1x16xi32>,
    %get3A_1043 = vector.shape_cast %get3A_1042 : vector<1x1x16xi32> to vector<16xi32>
    %get3A_1044 = arith.constant 1 : i32
    %get3A_1045 = arith.constant 3 : i32
    %get3A_1046 = arith.index_cast %get3A_1044 : i32 to index
    %get3A_1047 = arith.index_cast %get3A_1045 : i32 to index
    %get3A_1048 = arith.constant 0 : index
    %get3A_1049 = tpu.vector_load %arg6[%get3A_1046, %get3A_1047, %get3A_1048] {strides = array<i32>} : memref<2x8x16xi32, #tpu.memory_space<vmem>>, vector<1x1x16xi32>,
    %get3A_1050 = vector.shape_cast %get3A_1049 : vector<1x1x16xi32> to vector<16xi32>
    %ge3A_1051 = arith.cmpi sge, %add3A_979, %get3A_1043 : vector<16xi32>
    %jit3A_1052 = arith.constant 0 : i32
    %broadcast_in_dim3A_1053 = vector.broadcast %jit3A_1052 : i32 to vector<16xi32>
    %select_n3A_1054 = arith.select %ge3A_1051, %get3A_1050, %broadcast_in_dim3A_1053 : vector<16xi1>, vector<16xi32>
    %add3A_1055 = arith.addi %add3A_1036, %select_n3A_1054 : vector<16xi32>
    %get3A_1056 = arith.constant 0 : i32
    %get3A_1057 = arith.constant 4 : i32
    %get3A_1058 = arith.index_cast %get3A_1056 : i32 to index
    %get3A_1059 = arith.index_cast %get3A_1057 : i32 to index
    %get3A_1060 = arith.constant 0 : index
    %get3A_1061 = tpu.vector_load %arg6[%get3A_1058, %get3A_1059, %get3A_1060] {strides = array<i32>} : memref<2x8x16xi32, #tpu.memory_space<vmem>>, vector<1x1x16xi32>,
    %get3A_1062 = vector.shape_cast %get3A_1061 : vector<1x1x16xi32> to vector<16xi32>
    %get3A_1063 = arith.constant 1 : i32
    %get3A_1064 = arith.constant 4 : i32
    %get3A_1065 = arith.index_cast %get3A_1063 : i32 to index
    %get3A_1066 = arith.index_cast %get3A_1064 : i32 to index
    %get3A_1067 = arith.constant 0 : index
    %get3A_1068 = tpu.vector_load %arg6[%get3A_1065, %get3A_1066, %get3A_1067] {strides = array<i32>} : memref<2x8x16xi32, #tpu.memory_space<vmem>>, vector<1x1x16xi32>,
    %get3A_1069 = vector.shape_cast %get3A_1068 : vector<1x1x16xi32> to vector<16xi32>
    %ge3A_1070 = arith.cmpi sge, %add3A_979, %get3A_1062 : vector<16xi32>
    %jit3A_1071 = arith.constant 0 : i32
    %broadcast_in_dim3A_1072 = vector.broadcast %jit3A_1071 : i32 to vector<16xi32>
    %select_n3A_1073 = arith.select %ge3A_1070, %get3A_1069, %broadcast_in_dim3A_1072 : vector<16xi1>, vector<16xi32>
    %add3A_1074 = arith.addi %add3A_1055, %select_n3A_1073 : vector<16xi32>
    %get3A_1075 = arith.constant 0 : i32
    %get3A_1076 = arith.constant 5 : i32
    %get3A_1077 = arith.index_cast %get3A_1075 : i32 to index
    %get3A_1078 = arith.index_cast %get3A_1076 : i32 to index
    %get3A_1079 = arith.constant 0 : index
    %get3A_1080 = tpu.vector_load %arg6[%get3A_1077, %get3A_1078, %get3A_1079] {strides = array<i32>} : memref<2x8x16xi32, #tpu.memory_space<vmem>>, vector<1x1x16xi32>,
    %get3A_1081 = vector.shape_cast %get3A_1080 : vector<1x1x16xi32> to vector<16xi32>
    %get3A_1082 = arith.constant 1 : i32
    %get3A_1083 = arith.constant 5 : i32
    %get3A_1084 = arith.index_cast %get3A_1082 : i32 to index
    %get3A_1085 = arith.index_cast %get3A_1083 : i32 to index
    %get3A_1086 = arith.constant 0 : index
    %get3A_1087 = tpu.vector_load %arg6[%get3A_1084, %get3A_1085, %get3A_1086] {strides = array<i32>} : memref<2x8x16xi32, #tpu.memory_space<vmem>>, vector<1x1x16xi32>,
    %get3A_1088 = vector.shape_cast %get3A_1087 : vector<1x1x16xi32> to vector<16xi32>
    %ge3A_1089 = arith.cmpi sge, %add3A_979, %get3A_1081 : vector<16xi32>
    %jit3A_1090 = arith.constant 0 : i32
    %broadcast_in_dim3A_1091 = vector.broadcast %jit3A_1090 : i32 to vector<16xi32>
    %select_n3A_1092 = arith.select %ge3A_1089, %get3A_1088, %broadcast_in_dim3A_1091 : vector<16xi1>, vector<16xi32>
    %add3A_1093 = arith.addi %add3A_1074, %select_n3A_1092 : vector<16xi32>
    %get3A_1094 = arith.constant 0 : i32
    %get3A_1095 = arith.constant 6 : i32
    %get3A_1096 = arith.index_cast %get3A_1094 : i32 to index
    %get3A_1097 = arith.index_cast %get3A_1095 : i32 to index
    %get3A_1098 = arith.constant 0 : index
    %get3A_1099 = tpu.vector_load %arg6[%get3A_1096, %get3A_1097, %get3A_1098] {strides = array<i32>} : memref<2x8x16xi32, #tpu.memory_space<vmem>>, vector<1x1x16xi32>,
    %get3A_1100 = vector.shape_cast %get3A_1099 : vector<1x1x16xi32> to vector<16xi32>
    %get3A_1101 = arith.constant 1 : i32
    %get3A_1102 = arith.constant 6 : i32
    %get3A_1103 = arith.index_cast %get3A_1101 : i32 to index
    %get3A_1104 = arith.index_cast %get3A_1102 : i32 to index
    %get3A_1105 = arith.constant 0 : index
    %get3A_1106 = tpu.vector_load %arg6[%get3A_1103, %get3A_1104, %get3A_1105] {strides = array<i32>} : memref<2x8x16xi32, #tpu.memory_space<vmem>>, vector<1x1x16xi32>,
    %get3A_1107 = vector.shape_cast %get3A_1106 : vector<1x1x16xi32> to vector<16xi32>
    %ge3A_1108 = arith.cmpi sge, %add3A_979, %get3A_1100 : vector<16xi32>
    %jit3A_1109 = arith.constant 0 : i32
    %broadcast_in_dim3A_1110 = vector.broadcast %jit3A_1109 : i32 to vector<16xi32>
    %select_n3A_1111 = arith.select %ge3A_1108, %get3A_1107, %broadcast_in_dim3A_1110 : vector<16xi1>, vector<16xi32>
    %add3A_1112 = arith.addi %add3A_1093, %select_n3A_1111 : vector<16xi32>
    %get3A_1113 = arith.constant 0 : i32
    %get3A_1114 = arith.constant 7 : i32
    %get3A_1115 = arith.index_cast %get3A_1113 : i32 to index
    %get3A_1116 = arith.index_cast %get3A_1114 : i32 to index
    %get3A_1117 = arith.constant 0 : index
    %get3A_1118 = tpu.vector_load %arg6[%get3A_1115, %get3A_1116, %get3A_1117] {strides = array<i32>} : memref<2x8x16xi32, #tpu.memory_space<vmem>>, vector<1x1x16xi32>,
    %get3A_1119 = vector.shape_cast %get3A_1118 : vector<1x1x16xi32> to vector<16xi32>
    %get3A_1120 = arith.constant 1 : i32
    %get3A_1121 = arith.constant 7 : i32
    %get3A_1122 = arith.index_cast %get3A_1120 : i32 to index
    %get3A_1123 = arith.index_cast %get3A_1121 : i32 to index
    %get3A_1124 = arith.constant 0 : index
    %get3A_1125 = tpu.vector_load %arg6[%get3A_1122, %get3A_1123, %get3A_1124] {strides = array<i32>} : memref<2x8x16xi32, #tpu.memory_space<vmem>>, vector<1x1x16xi32>,
    %get3A_1126 = vector.shape_cast %get3A_1125 : vector<1x1x16xi32> to vector<16xi32>
    %ge3A_1127 = arith.cmpi sge, %add3A_979, %get3A_1119 : vector<16xi32>
    %jit3A_1128 = arith.constant 0 : i32
    %broadcast_in_dim3A_1129 = vector.broadcast %jit3A_1128 : i32 to vector<16xi32>
    %select_n3A_1130 = arith.select %ge3A_1127, %get3A_1126, %broadcast_in_dim3A_1129 : vector<16xi1>, vector<16xi32>
    %add3A_1131 = arith.addi %add3A_1112, %select_n3A_1130 : vector<16xi32>
    %swap3A_1132 = arith.constant 6 : i32
    %swap3A_1133 = arith.index_cast %swap3A_1132 : i32 to index
    %swap3A_1134 = arith.constant 0 : index
    %swap3A_1135 = tpu.vector_load %arg7[%swap3A_1133, %swap3A_1134] {strides = array<i32>} : memref<16x16xi32, #tpu.memory_space<vmem>>, vector<1x16xi32>,
    %swap3A_1136 = vector.shape_cast %swap3A_1135 : vector<1x16xi32> to vector<16xi32>
    %swap3A_1137 = vector.shape_cast %add3A_1131 : vector<16xi32> to vector<1x16xi32>
    tpu.vector_store %arg7[%swap3A_1133, %swap3A_1134], %swap3A_1137 {strides = array<i32>} : memref<16x16xi32, #tpu.memory_space<vmem>>, vector<1x16xi32>,
    %add3A_1138 = arith.constant 112 : i32
    %add3A_1139 = arith.addi %multiple_of3A, %add3A_1138 : i32
    %iota3A_1140 = tpu.iota {dimensions = array<i32: 0>} : vector<16xi32>
    %add3A_1141 = vector.broadcast %add3A_1139 : i32 to vector<16xi32>
    %add3A_1142 = arith.addi %add3A_1141, %iota3A_1140 : vector<16xi32>
    %get3A_1143 = arith.constant 0 : i32
    %get3A_1144 = arith.constant 0 : i32
    %get3A_1145 = arith.index_cast %get3A_1143 : i32 to index
    %get3A_1146 = arith.index_cast %get3A_1144 : i32 to index
    %get3A_1147 = arith.constant 0 : index
    %get3A_1148 = tpu.vector_load %arg6[%get3A_1145, %get3A_1146, %get3A_1147] {strides = array<i32>} : memref<2x8x16xi32, #tpu.memory_space<vmem>>, vector<1x1x16xi32>,
    %get3A_1149 = vector.shape_cast %get3A_1148 : vector<1x1x16xi32> to vector<16xi32>
    %get3A_1150 = arith.constant 1 : i32
    %get3A_1151 = arith.constant 0 : i32
    %get3A_1152 = arith.index_cast %get3A_1150 : i32 to index
    %get3A_1153 = arith.index_cast %get3A_1151 : i32 to index
    %get3A_1154 = arith.constant 0 : index
    %get3A_1155 = tpu.vector_load %arg6[%get3A_1152, %get3A_1153, %get3A_1154] {strides = array<i32>} : memref<2x8x16xi32, #tpu.memory_space<vmem>>, vector<1x1x16xi32>,
    %get3A_1156 = vector.shape_cast %get3A_1155 : vector<1x1x16xi32> to vector<16xi32>
    %ge3A_1157 = arith.cmpi sge, %add3A_1142, %get3A_1149 : vector<16xi32>
    %jit3A_1158 = arith.constant 0 : i32
    %broadcast_in_dim3A_1159 = vector.broadcast %jit3A_1158 : i32 to vector<16xi32>
    %select_n3A_1160 = arith.select %ge3A_1157, %get3A_1156, %broadcast_in_dim3A_1159 : vector<16xi1>, vector<16xi32>
    %add3A_1161 = arith.addi %add3A_1142, %select_n3A_1160 : vector<16xi32>
    %get3A_1162 = arith.constant 0 : i32
    %get3A_1163 = arith.constant 1 : i32
    %get3A_1164 = arith.index_cast %get3A_1162 : i32 to index
    %get3A_1165 = arith.index_cast %get3A_1163 : i32 to index
    %get3A_1166 = arith.constant 0 : index
    %get3A_1167 = tpu.vector_load %arg6[%get3A_1164, %get3A_1165, %get3A_1166] {strides = array<i32>} : memref<2x8x16xi32, #tpu.memory_space<vmem>>, vector<1x1x16xi32>,
    %get3A_1168 = vector.shape_cast %get3A_1167 : vector<1x1x16xi32> to vector<16xi32>
    %get3A_1169 = arith.constant 1 : i32
    %get3A_1170 = arith.constant 1 : i32
    %get3A_1171 = arith.index_cast %get3A_1169 : i32 to index
    %get3A_1172 = arith.index_cast %get3A_1170 : i32 to index
    %get3A_1173 = arith.constant 0 : index
    %get3A_1174 = tpu.vector_load %arg6[%get3A_1171, %get3A_1172, %get3A_1173] {strides = array<i32>} : memref<2x8x16xi32, #tpu.memory_space<vmem>>, vector<1x1x16xi32>,
    %get3A_1175 = vector.shape_cast %get3A_1174 : vector<1x1x16xi32> to vector<16xi32>
    %ge3A_1176 = arith.cmpi sge, %add3A_1142, %get3A_1168 : vector<16xi32>
    %jit3A_1177 = arith.constant 0 : i32
    %broadcast_in_dim3A_1178 = vector.broadcast %jit3A_1177 : i32 to vector<16xi32>
    %select_n3A_1179 = arith.select %ge3A_1176, %get3A_1175, %broadcast_in_dim3A_1178 : vector<16xi1>, vector<16xi32>
    %add3A_1180 = arith.addi %add3A_1161, %select_n3A_1179 : vector<16xi32>
    %get3A_1181 = arith.constant 0 : i32
    %get3A_1182 = arith.constant 2 : i32
    %get3A_1183 = arith.index_cast %get3A_1181 : i32 to index
    %get3A_1184 = arith.index_cast %get3A_1182 : i32 to index
    %get3A_1185 = arith.constant 0 : index
    %get3A_1186 = tpu.vector_load %arg6[%get3A_1183, %get3A_1184, %get3A_1185] {strides = array<i32>} : memref<2x8x16xi32, #tpu.memory_space<vmem>>, vector<1x1x16xi32>,
    %get3A_1187 = vector.shape_cast %get3A_1186 : vector<1x1x16xi32> to vector<16xi32>
    %get3A_1188 = arith.constant 1 : i32
    %get3A_1189 = arith.constant 2 : i32
    %get3A_1190 = arith.index_cast %get3A_1188 : i32 to index
    %get3A_1191 = arith.index_cast %get3A_1189 : i32 to index
    %get3A_1192 = arith.constant 0 : index
    %get3A_1193 = tpu.vector_load %arg6[%get3A_1190, %get3A_1191, %get3A_1192] {strides = array<i32>} : memref<2x8x16xi32, #tpu.memory_space<vmem>>, vector<1x1x16xi32>,
    %get3A_1194 = vector.shape_cast %get3A_1193 : vector<1x1x16xi32> to vector<16xi32>
    %ge3A_1195 = arith.cmpi sge, %add3A_1142, %get3A_1187 : vector<16xi32>
    %jit3A_1196 = arith.constant 0 : i32
    %broadcast_in_dim3A_1197 = vector.broadcast %jit3A_1196 : i32 to vector<16xi32>
    %select_n3A_1198 = arith.select %ge3A_1195, %get3A_1194, %broadcast_in_dim3A_1197 : vector<16xi1>, vector<16xi32>
    %add3A_1199 = arith.addi %add3A_1180, %select_n3A_1198 : vector<16xi32>
    %get3A_1200 = arith.constant 0 : i32
    %get3A_1201 = arith.constant 3 : i32
    %get3A_1202 = arith.index_cast %get3A_1200 : i32 to index
    %get3A_1203 = arith.index_cast %get3A_1201 : i32 to index
    %get3A_1204 = arith.constant 0 : index
    %get3A_1205 = tpu.vector_load %arg6[%get3A_1202, %get3A_1203, %get3A_1204] {strides = array<i32>} : memref<2x8x16xi32, #tpu.memory_space<vmem>>, vector<1x1x16xi32>,
    %get3A_1206 = vector.shape_cast %get3A_1205 : vector<1x1x16xi32> to vector<16xi32>
    %get3A_1207 = arith.constant 1 : i32
    %get3A_1208 = arith.constant 3 : i32
    %get3A_1209 = arith.index_cast %get3A_1207 : i32 to index
    %get3A_1210 = arith.index_cast %get3A_1208 : i32 to index
    %get3A_1211 = arith.constant 0 : index
    %get3A_1212 = tpu.vector_load %arg6[%get3A_1209, %get3A_1210, %get3A_1211] {strides = array<i32>} : memref<2x8x16xi32, #tpu.memory_space<vmem>>, vector<1x1x16xi32>,
    %get3A_1213 = vector.shape_cast %get3A_1212 : vector<1x1x16xi32> to vector<16xi32>
    %ge3A_1214 = arith.cmpi sge, %add3A_1142, %get3A_1206 : vector<16xi32>
    %jit3A_1215 = arith.constant 0 : i32
    %broadcast_in_dim3A_1216 = vector.broadcast %jit3A_1215 : i32 to vector<16xi32>
    %select_n3A_1217 = arith.select %ge3A_1214, %get3A_1213, %broadcast_in_dim3A_1216 : vector<16xi1>, vector<16xi32>
    %add3A_1218 = arith.addi %add3A_1199, %select_n3A_1217 : vector<16xi32>
    %get3A_1219 = arith.constant 0 : i32
    %get3A_1220 = arith.constant 4 : i32
    %get3A_1221 = arith.index_cast %get3A_1219 : i32 to index
    %get3A_1222 = arith.index_cast %get3A_1220 : i32 to index
    %get3A_1223 = arith.constant 0 : index
    %get3A_1224 = tpu.vector_load %arg6[%get3A_1221, %get3A_1222, %get3A_1223] {strides = array<i32>} : memref<2x8x16xi32, #tpu.memory_space<vmem>>, vector<1x1x16xi32>,
    %get3A_1225 = vector.shape_cast %get3A_1224 : vector<1x1x16xi32> to vector<16xi32>
    %get3A_1226 = arith.constant 1 : i32
    %get3A_1227 = arith.constant 4 : i32
    %get3A_1228 = arith.index_cast %get3A_1226 : i32 to index
    %get3A_1229 = arith.index_cast %get3A_1227 : i32 to index
    %get3A_1230 = arith.constant 0 : index
    %get3A_1231 = tpu.vector_load %arg6[%get3A_1228, %get3A_1229, %get3A_1230] {strides = array<i32>} : memref<2x8x16xi32, #tpu.memory_space<vmem>>, vector<1x1x16xi32>,
    %get3A_1232 = vector.shape_cast %get3A_1231 : vector<1x1x16xi32> to vector<16xi32>
    %ge3A_1233 = arith.cmpi sge, %add3A_1142, %get3A_1225 : vector<16xi32>
    %jit3A_1234 = arith.constant 0 : i32
    %broadcast_in_dim3A_1235 = vector.broadcast %jit3A_1234 : i32 to vector<16xi32>
    %select_n3A_1236 = arith.select %ge3A_1233, %get3A_1232, %broadcast_in_dim3A_1235 : vector<16xi1>, vector<16xi32>
    %add3A_1237 = arith.addi %add3A_1218, %select_n3A_1236 : vector<16xi32>
    %get3A_1238 = arith.constant 0 : i32
    %get3A_1239 = arith.constant 5 : i32
    %get3A_1240 = arith.index_cast %get3A_1238 : i32 to index
    %get3A_1241 = arith.index_cast %get3A_1239 : i32 to index
    %get3A_1242 = arith.constant 0 : index
    %get3A_1243 = tpu.vector_load %arg6[%get3A_1240, %get3A_1241, %get3A_1242] {strides = array<i32>} : memref<2x8x16xi32, #tpu.memory_space<vmem>>, vector<1x1x16xi32>,
    %get3A_1244 = vector.shape_cast %get3A_1243 : vector<1x1x16xi32> to vector<16xi32>
    %get3A_1245 = arith.constant 1 : i32
    %get3A_1246 = arith.constant 5 : i32
    %get3A_1247 = arith.index_cast %get3A_1245 : i32 to index
    %get3A_1248 = arith.index_cast %get3A_1246 : i32 to index
    %get3A_1249 = arith.constant 0 : index
    %get3A_1250 = tpu.vector_load %arg6[%get3A_1247, %get3A_1248, %get3A_1249] {strides = array<i32>} : memref<2x8x16xi32, #tpu.memory_space<vmem>>, vector<1x1x16xi32>,
    %get3A_1251 = vector.shape_cast %get3A_1250 : vector<1x1x16xi32> to vector<16xi32>
    %ge3A_1252 = arith.cmpi sge, %add3A_1142, %get3A_1244 : vector<16xi32>
    %jit3A_1253 = arith.constant 0 : i32
    %broadcast_in_dim3A_1254 = vector.broadcast %jit3A_1253 : i32 to vector<16xi32>
    %select_n3A_1255 = arith.select %ge3A_1252, %get3A_1251, %broadcast_in_dim3A_1254 : vector<16xi1>, vector<16xi32>
    %add3A_1256 = arith.addi %add3A_1237, %select_n3A_1255 : vector<16xi32>
    %get3A_1257 = arith.constant 0 : i32
    %get3A_1258 = arith.constant 6 : i32
    %get3A_1259 = arith.index_cast %get3A_1257 : i32 to index
    %get3A_1260 = arith.index_cast %get3A_1258 : i32 to index
    %get3A_1261 = arith.constant 0 : index
    %get3A_1262 = tpu.vector_load %arg6[%get3A_1259, %get3A_1260, %get3A_1261] {strides = array<i32>} : memref<2x8x16xi32, #tpu.memory_space<vmem>>, vector<1x1x16xi32>,
    %get3A_1263 = vector.shape_cast %get3A_1262 : vector<1x1x16xi32> to vector<16xi32>
    %get3A_1264 = arith.constant 1 : i32
    %get3A_1265 = arith.constant 6 : i32
    %get3A_1266 = arith.index_cast %get3A_1264 : i32 to index
    %get3A_1267 = arith.index_cast %get3A_1265 : i32 to index
    %get3A_1268 = arith.constant 0 : index
    %get3A_1269 = tpu.vector_load %arg6[%get3A_1266, %get3A_1267, %get3A_1268] {strides = array<i32>} : memref<2x8x16xi32, #tpu.memory_space<vmem>>, vector<1x1x16xi32>,
    %get3A_1270 = vector.shape_cast %get3A_1269 : vector<1x1x16xi32> to vector<16xi32>
    %ge3A_1271 = arith.cmpi sge, %add3A_1142, %get3A_1263 : vector<16xi32>
    %jit3A_1272 = arith.constant 0 : i32
    %broadcast_in_dim3A_1273 = vector.broadcast %jit3A_1272 : i32 to vector<16xi32>
    %select_n3A_1274 = arith.select %ge3A_1271, %get3A_1270, %broadcast_in_dim3A_1273 : vector<16xi1>, vector<16xi32>
    %add3A_1275 = arith.addi %add3A_1256, %select_n3A_1274 : vector<16xi32>
    %get3A_1276 = arith.constant 0 : i32
    %get3A_1277 = arith.constant 7 : i32
    %get3A_1278 = arith.index_cast %get3A_1276 : i32 to index
    %get3A_1279 = arith.index_cast %get3A_1277 : i32 to index
    %get3A_1280 = arith.constant 0 : index
    %get3A_1281 = tpu.vector_load %arg6[%get3A_1278, %get3A_1279, %get3A_1280] {strides = array<i32>} : memref<2x8x16xi32, #tpu.memory_space<vmem>>, vector<1x1x16xi32>,
    %get3A_1282 = vector.shape_cast %get3A_1281 : vector<1x1x16xi32> to vector<16xi32>
    %get3A_1283 = arith.constant 1 : i32
    %get3A_1284 = arith.constant 7 : i32
    %get3A_1285 = arith.index_cast %get3A_1283 : i32 to index
    %get3A_1286 = arith.index_cast %get3A_1284 : i32 to index
    %get3A_1287 = arith.constant 0 : index
    %get3A_1288 = tpu.vector_load %arg6[%get3A_1285, %get3A_1286, %get3A_1287] {strides = array<i32>} : memref<2x8x16xi32, #tpu.memory_space<vmem>>, vector<1x1x16xi32>,
    %get3A_1289 = vector.shape_cast %get3A_1288 : vector<1x1x16xi32> to vector<16xi32>
    %ge3A_1290 = arith.cmpi sge, %add3A_1142, %get3A_1282 : vector<16xi32>
    %jit3A_1291 = arith.constant 0 : i32
    %broadcast_in_dim3A_1292 = vector.broadcast %jit3A_1291 : i32 to vector<16xi32>
    %select_n3A_1293 = arith.select %ge3A_1290, %get3A_1289, %broadcast_in_dim3A_1292 : vector<16xi1>, vector<16xi32>
    %add3A_1294 = arith.addi %add3A_1275, %select_n3A_1293 : vector<16xi32>
    %swap3A_1295 = arith.constant 7 : i32
    %swap3A_1296 = arith.index_cast %swap3A_1295 : i32 to index
    %swap3A_1297 = arith.constant 0 : index
    %swap3A_1298 = tpu.vector_load %arg7[%swap3A_1296, %swap3A_1297] {strides = array<i32>} : memref<16x16xi32, #tpu.memory_space<vmem>>, vector<1x16xi32>,
    %swap3A_1299 = vector.shape_cast %swap3A_1298 : vector<1x16xi32> to vector<16xi32>
    %swap3A_1300 = vector.shape_cast %add3A_1294 : vector<16xi32> to vector<1x16xi32>
    tpu.vector_store %arg7[%swap3A_1296, %swap3A_1297], %swap3A_1300 {strides = array<i32>} : memref<16x16xi32, #tpu.memory_space<vmem>>, vector<1x16xi32>,
    %add3A_1301 = arith.constant 128 : i32
    %add3A_1302 = arith.addi %multiple_of3A, %add3A_1301 : i32
    %iota3A_1303 = tpu.iota {dimensions = array<i32: 0>} : vector<16xi32>
    %add3A_1304 = vector.broadcast %add3A_1302 : i32 to vector<16xi32>
    %add3A_1305 = arith.addi %add3A_1304, %iota3A_1303 : vector<16xi32>
    %get3A_1306 = arith.constant 0 : i32
    %get3A_1307 = arith.constant 0 : i32
    %get3A_1308 = arith.index_cast %get3A_1306 : i32 to index
    %get3A_1309 = arith.index_cast %get3A_1307 : i32 to index
    %get3A_1310 = arith.constant 0 : index
    %get3A_1311 = tpu.vector_load %arg6[%get3A_1308, %get3A_1309, %get3A_1310] {strides = array<i32>} : memref<2x8x16xi32, #tpu.memory_space<vmem>>, vector<1x1x16xi32>,
    %get3A_1312 = vector.shape_cast %get3A_1311 : vector<1x1x16xi32> to vector<16xi32>
    %get3A_1313 = arith.constant 1 : i32
    %get3A_1314 = arith.constant 0 : i32
    %get3A_1315 = arith.index_cast %get3A_1313 : i32 to index
    %get3A_1316 = arith.index_cast %get3A_1314 : i32 to index
    %get3A_1317 = arith.constant 0 : index
    %get3A_1318 = tpu.vector_load %arg6[%get3A_1315, %get3A_1316, %get3A_1317] {strides = array<i32>} : memref<2x8x16xi32, #tpu.memory_space<vmem>>, vector<1x1x16xi32>,
    %get3A_1319 = vector.shape_cast %get3A_1318 : vector<1x1x16xi32> to vector<16xi32>
    %ge3A_1320 = arith.cmpi sge, %add3A_1305, %get3A_1312 : vector<16xi32>
    %jit3A_1321 = arith.constant 0 : i32
    %broadcast_in_dim3A_1322 = vector.broadcast %jit3A_1321 : i32 to vector<16xi32>
    %select_n3A_1323 = arith.select %ge3A_1320, %get3A_1319, %broadcast_in_dim3A_1322 : vector<16xi1>, vector<16xi32>
    %add3A_1324 = arith.addi %add3A_1305, %select_n3A_1323 : vector<16xi32>
    %get3A_1325 = arith.constant 0 : i32
    %get3A_1326 = arith.constant 1 : i32
    %get3A_1327 = arith.index_cast %get3A_1325 : i32 to index
    %get3A_1328 = arith.index_cast %get3A_1326 : i32 to index
    %get3A_1329 = arith.constant 0 : index
    %get3A_1330 = tpu.vector_load %arg6[%get3A_1327, %get3A_1328, %get3A_1329] {strides = array<i32>} : memref<2x8x16xi32, #tpu.memory_space<vmem>>, vector<1x1x16xi32>,
    %get3A_1331 = vector.shape_cast %get3A_1330 : vector<1x1x16xi32> to vector<16xi32>
    %get3A_1332 = arith.constant 1 : i32
    %get3A_1333 = arith.constant 1 : i32
    %get3A_1334 = arith.index_cast %get3A_1332 : i32 to index
    %get3A_1335 = arith.index_cast %get3A_1333 : i32 to index
    %get3A_1336 = arith.constant 0 : index
    %get3A_1337 = tpu.vector_load %arg6[%get3A_1334, %get3A_1335, %get3A_1336] {strides = array<i32>} : memref<2x8x16xi32, #tpu.memory_space<vmem>>, vector<1x1x16xi32>,
    %get3A_1338 = vector.shape_cast %get3A_1337 : vector<1x1x16xi32> to vector<16xi32>
    %ge3A_1339 = arith.cmpi sge, %add3A_1305, %get3A_1331 : vector<16xi32>
    %jit3A_1340 = arith.constant 0 : i32
    %broadcast_in_dim3A_1341 = vector.broadcast %jit3A_1340 : i32 to vector<16xi32>
    %select_n3A_1342 = arith.select %ge3A_1339, %get3A_1338, %broadcast_in_dim3A_1341 : vector<16xi1>, vector<16xi32>
    %add3A_1343 = arith.addi %add3A_1324, %select_n3A_1342 : vector<16xi32>
    %get3A_1344 = arith.constant 0 : i32
    %get3A_1345 = arith.constant 2 : i32
    %get3A_1346 = arith.index_cast %get3A_1344 : i32 to index
    %get3A_1347 = arith.index_cast %get3A_1345 : i32 to index
    %get3A_1348 = arith.constant 0 : index
    %get3A_1349 = tpu.vector_load %arg6[%get3A_1346, %get3A_1347, %get3A_1348] {strides = array<i32>} : memref<2x8x16xi32, #tpu.memory_space<vmem>>, vector<1x1x16xi32>,
    %get3A_1350 = vector.shape_cast %get3A_1349 : vector<1x1x16xi32> to vector<16xi32>
    %get3A_1351 = arith.constant 1 : i32
    %get3A_1352 = arith.constant 2 : i32
    %get3A_1353 = arith.index_cast %get3A_1351 : i32 to index
    %get3A_1354 = arith.index_cast %get3A_1352 : i32 to index
    %get3A_1355 = arith.constant 0 : index
    %get3A_1356 = tpu.vector_load %arg6[%get3A_1353, %get3A_1354, %get3A_1355] {strides = array<i32>} : memref<2x8x16xi32, #tpu.memory_space<vmem>>, vector<1x1x16xi32>,
    %get3A_1357 = vector.shape_cast %get3A_1356 : vector<1x1x16xi32> to vector<16xi32>
    %ge3A_1358 = arith.cmpi sge, %add3A_1305, %get3A_1350 : vector<16xi32>
    %jit3A_1359 = arith.constant 0 : i32
    %broadcast_in_dim3A_1360 = vector.broadcast %jit3A_1359 : i32 to vector<16xi32>
    %select_n3A_1361 = arith.select %ge3A_1358, %get3A_1357, %broadcast_in_dim3A_1360 : vector<16xi1>, vector<16xi32>
    %add3A_1362 = arith.addi %add3A_1343, %select_n3A_1361 : vector<16xi32>
    %get3A_1363 = arith.constant 0 : i32
    %get3A_1364 = arith.constant 3 : i32
    %get3A_1365 = arith.index_cast %get3A_1363 : i32 to index
    %get3A_1366 = arith.index_cast %get3A_1364 : i32 to index
    %get3A_1367 = arith.constant 0 : index
    %get3A_1368 = tpu.vector_load %arg6[%get3A_1365, %get3A_1366, %get3A_1367] {strides = array<i32>} : memref<2x8x16xi32, #tpu.memory_space<vmem>>, vector<1x1x16xi32>,
    %get3A_1369 = vector.shape_cast %get3A_1368 : vector<1x1x16xi32> to vector<16xi32>
    %get3A_1370 = arith.constant 1 : i32
    %get3A_1371 = arith.constant 3 : i32
    %get3A_1372 = arith.index_cast %get3A_1370 : i32 to index
    %get3A_1373 = arith.index_cast %get3A_1371 : i32 to index
    %get3A_1374 = arith.constant 0 : index
    %get3A_1375 = tpu.vector_load %arg6[%get3A_1372, %get3A_1373, %get3A_1374] {strides = array<i32>} : memref<2x8x16xi32, #tpu.memory_space<vmem>>, vector<1x1x16xi32>,
    %get3A_1376 = vector.shape_cast %get3A_1375 : vector<1x1x16xi32> to vector<16xi32>
    %ge3A_1377 = arith.cmpi sge, %add3A_1305, %get3A_1369 : vector<16xi32>
    %jit3A_1378 = arith.constant 0 : i32
    %broadcast_in_dim3A_1379 = vector.broadcast %jit3A_1378 : i32 to vector<16xi32>
    %select_n3A_1380 = arith.select %ge3A_1377, %get3A_1376, %broadcast_in_dim3A_1379 : vector<16xi1>, vector<16xi32>
    %add3A_1381 = arith.addi %add3A_1362, %select_n3A_1380 : vector<16xi32>
    %get3A_1382 = arith.constant 0 : i32
    %get3A_1383 = arith.constant 4 : i32
    %get3A_1384 = arith.index_cast %get3A_1382 : i32 to index
    %get3A_1385 = arith.index_cast %get3A_1383 : i32 to index
    %get3A_1386 = arith.constant 0 : index
    %get3A_1387 = tpu.vector_load %arg6[%get3A_1384, %get3A_1385, %get3A_1386] {strides = array<i32>} : memref<2x8x16xi32, #tpu.memory_space<vmem>>, vector<1x1x16xi32>,
    %get3A_1388 = vector.shape_cast %get3A_1387 : vector<1x1x16xi32> to vector<16xi32>
    %get3A_1389 = arith.constant 1 : i32
    %get3A_1390 = arith.constant 4 : i32
    %get3A_1391 = arith.index_cast %get3A_1389 : i32 to index
    %get3A_1392 = arith.index_cast %get3A_1390 : i32 to index
    %get3A_1393 = arith.constant 0 : index
    %get3A_1394 = tpu.vector_load %arg6[%get3A_1391, %get3A_1392, %get3A_1393] {strides = array<i32>} : memref<2x8x16xi32, #tpu.memory_space<vmem>>, vector<1x1x16xi32>,
    %get3A_1395 = vector.shape_cast %get3A_1394 : vector<1x1x16xi32> to vector<16xi32>
    %ge3A_1396 = arith.cmpi sge, %add3A_1305, %get3A_1388 : vector<16xi32>
    %jit3A_1397 = arith.constant 0 : i32
    %broadcast_in_dim3A_1398 = vector.broadcast %jit3A_1397 : i32 to vector<16xi32>
    %select_n3A_1399 = arith.select %ge3A_1396, %get3A_1395, %broadcast_in_dim3A_1398 : vector<16xi1>, vector<16xi32>
    %add3A_1400 = arith.addi %add3A_1381, %select_n3A_1399 : vector<16xi32>
    %get3A_1401 = arith.constant 0 : i32
    %get3A_1402 = arith.constant 5 : i32
    %get3A_1403 = arith.index_cast %get3A_1401 : i32 to index
    %get3A_1404 = arith.index_cast %get3A_1402 : i32 to index
    %get3A_1405 = arith.constant 0 : index
    %get3A_1406 = tpu.vector_load %arg6[%get3A_1403, %get3A_1404, %get3A_1405] {strides = array<i32>} : memref<2x8x16xi32, #tpu.memory_space<vmem>>, vector<1x1x16xi32>,
    %get3A_1407 = vector.shape_cast %get3A_1406 : vector<1x1x16xi32> to vector<16xi32>
    %get3A_1408 = arith.constant 1 : i32
    %get3A_1409 = arith.constant 5 : i32
    %get3A_1410 = arith.index_cast %get3A_1408 : i32 to index
    %get3A_1411 = arith.index_cast %get3A_1409 : i32 to index
    %get3A_1412 = arith.constant 0 : index
    %get3A_1413 = tpu.vector_load %arg6[%get3A_1410, %get3A_1411, %get3A_1412] {strides = array<i32>} : memref<2x8x16xi32, #tpu.memory_space<vmem>>, vector<1x1x16xi32>,
    %get3A_1414 = vector.shape_cast %get3A_1413 : vector<1x1x16xi32> to vector<16xi32>
    %ge3A_1415 = arith.cmpi sge, %add3A_1305, %get3A_1407 : vector<16xi32>
    %jit3A_1416 = arith.constant 0 : i32
    %broadcast_in_dim3A_1417 = vector.broadcast %jit3A_1416 : i32 to vector<16xi32>
    %select_n3A_1418 = arith.select %ge3A_1415, %get3A_1414, %broadcast_in_dim3A_1417 : vector<16xi1>, vector<16xi32>
    %add3A_1419 = arith.addi %add3A_1400, %select_n3A_1418 : vector<16xi32>
    %get3A_1420 = arith.constant 0 : i32
    %get3A_1421 = arith.constant 6 : i32
    %get3A_1422 = arith.index_cast %get3A_1420 : i32 to index
    %get3A_1423 = arith.index_cast %get3A_1421 : i32 to index
    %get3A_1424 = arith.constant 0 : index
    %get3A_1425 = tpu.vector_load %arg6[%get3A_1422, %get3A_1423, %get3A_1424] {strides = array<i32>} : memref<2x8x16xi32, #tpu.memory_space<vmem>>, vector<1x1x16xi32>,
    %get3A_1426 = vector.shape_cast %get3A_1425 : vector<1x1x16xi32> to vector<16xi32>
    %get3A_1427 = arith.constant 1 : i32
    %get3A_1428 = arith.constant 6 : i32
    %get3A_1429 = arith.index_cast %get3A_1427 : i32 to index
    %get3A_1430 = arith.index_cast %get3A_1428 : i32 to index
    %get3A_1431 = arith.constant 0 : index
    %get3A_1432 = tpu.vector_load %arg6[%get3A_1429, %get3A_1430, %get3A_1431] {strides = array<i32>} : memref<2x8x16xi32, #tpu.memory_space<vmem>>, vector<1x1x16xi32>,
    %get3A_1433 = vector.shape_cast %get3A_1432 : vector<1x1x16xi32> to vector<16xi32>
    %ge3A_1434 = arith.cmpi sge, %add3A_1305, %get3A_1426 : vector<16xi32>
    %jit3A_1435 = arith.constant 0 : i32
    %broadcast_in_dim3A_1436 = vector.broadcast %jit3A_1435 : i32 to vector<16xi32>
    %select_n3A_1437 = arith.select %ge3A_1434, %get3A_1433, %broadcast_in_dim3A_1436 : vector<16xi1>, vector<16xi32>
    %add3A_1438 = arith.addi %add3A_1419, %select_n3A_1437 : vector<16xi32>
    %get3A_1439 = arith.constant 0 : i32
    %get3A_1440 = arith.constant 7 : i32
    %get3A_1441 = arith.index_cast %get3A_1439 : i32 to index
    %get3A_1442 = arith.index_cast %get3A_1440 : i32 to index
    %get3A_1443 = arith.constant 0 : index
    %get3A_1444 = tpu.vector_load %arg6[%get3A_1441, %get3A_1442, %get3A_1443] {strides = array<i32>} : memref<2x8x16xi32, #tpu.memory_space<vmem>>, vector<1x1x16xi32>,
    %get3A_1445 = vector.shape_cast %get3A_1444 : vector<1x1x16xi32> to vector<16xi32>
    %get3A_1446 = arith.constant 1 : i32
    %get3A_1447 = arith.constant 7 : i32
    %get3A_1448 = arith.index_cast %get3A_1446 : i32 to index
    %get3A_1449 = arith.index_cast %get3A_1447 : i32 to index
    %get3A_1450 = arith.constant 0 : index
    %get3A_1451 = tpu.vector_load %arg6[%get3A_1448, %get3A_1449, %get3A_1450] {strides = array<i32>} : memref<2x8x16xi32, #tpu.memory_space<vmem>>, vector<1x1x16xi32>,
    %get3A_1452 = vector.shape_cast %get3A_1451 : vector<1x1x16xi32> to vector<16xi32>
    %ge3A_1453 = arith.cmpi sge, %add3A_1305, %get3A_1445 : vector<16xi32>
    %jit3A_1454 = arith.constant 0 : i32
    %broadcast_in_dim3A_1455 = vector.broadcast %jit3A_1454 : i32 to vector<16xi32>
    %select_n3A_1456 = arith.select %ge3A_1453, %get3A_1452, %broadcast_in_dim3A_1455 : vector<16xi1>, vector<16xi32>
    %add3A_1457 = arith.addi %add3A_1438, %select_n3A_1456 : vector<16xi32>
    %swap3A_1458 = arith.constant 8 : i32
    %swap3A_1459 = arith.index_cast %swap3A_1458 : i32 to index
    %swap3A_1460 = arith.constant 0 : index
    %swap3A_1461 = tpu.vector_load %arg7[%swap3A_1459, %swap3A_1460] {strides = array<i32>} : memref<16x16xi32, #tpu.memory_space<vmem>>, vector<1x16xi32>,
    %swap3A_1462 = vector.shape_cast %swap3A_1461 : vector<1x16xi32> to vector<16xi32>
    %swap3A_1463 = vector.shape_cast %add3A_1457 : vector<16xi32> to vector<1x16xi32>
    tpu.vector_store %arg7[%swap3A_1459, %swap3A_1460], %swap3A_1463 {strides = array<i32>} : memref<16x16xi32, #tpu.memory_space<vmem>>, vector<1x16xi32>,
    %add3A_1464 = arith.constant 144 : i32
    %add3A_1465 = arith.addi %multiple_of3A, %add3A_1464 : i32
    %iota3A_1466 = tpu.iota {dimensions = array<i32: 0>} : vector<16xi32>
    %add3A_1467 = vector.broadcast %add3A_1465 : i32 to vector<16xi32>
    %add3A_1468 = arith.addi %add3A_1467, %iota3A_1466 : vector<16xi32>
    %get3A_1469 = arith.constant 0 : i32
    %get3A_1470 = arith.constant 0 : i32
    %get3A_1471 = arith.index_cast %get3A_1469 : i32 to index
    %get3A_1472 = arith.index_cast %get3A_1470 : i32 to index
    %get3A_1473 = arith.constant 0 : index
    %get3A_1474 = tpu.vector_load %arg6[%get3A_1471, %get3A_1472, %get3A_1473] {strides = array<i32>} : memref<2x8x16xi32, #tpu.memory_space<vmem>>, vector<1x1x16xi32>,
    %get3A_1475 = vector.shape_cast %get3A_1474 : vector<1x1x16xi32> to vector<16xi32>
    %get3A_1476 = arith.constant 1 : i32
    %get3A_1477 = arith.constant 0 : i32
    %get3A_1478 = arith.index_cast %get3A_1476 : i32 to index
    %get3A_1479 = arith.index_cast %get3A_1477 : i32 to index
    %get3A_1480 = arith.constant 0 : index
    %get3A_1481 = tpu.vector_load %arg6[%get3A_1478, %get3A_1479, %get3A_1480] {strides = array<i32>} : memref<2x8x16xi32, #tpu.memory_space<vmem>>, vector<1x1x16xi32>,
    %get3A_1482 = vector.shape_cast %get3A_1481 : vector<1x1x16xi32> to vector<16xi32>
    %ge3A_1483 = arith.cmpi sge, %add3A_1468, %get3A_1475 : vector<16xi32>
    %jit3A_1484 = arith.constant 0 : i32
    %broadcast_in_dim3A_1485 = vector.broadcast %jit3A_1484 : i32 to vector<16xi32>
    %select_n3A_1486 = arith.select %ge3A_1483, %get3A_1482, %broadcast_in_dim3A_1485 : vector<16xi1>, vector<16xi32>
    %add3A_1487 = arith.addi %add3A_1468, %select_n3A_1486 : vector<16xi32>
    %get3A_1488 = arith.constant 0 : i32
    %get3A_1489 = arith.constant 1 : i32
    %get3A_1490 = arith.index_cast %get3A_1488 : i32 to index
    %get3A_1491 = arith.index_cast %get3A_1489 : i32 to index
    %get3A_1492 = arith.constant 0 : index
    %get3A_1493 = tpu.vector_load %arg6[%get3A_1490, %get3A_1491, %get3A_1492] {strides = array<i32>} : memref<2x8x16xi32, #tpu.memory_space<vmem>>, vector<1x1x16xi32>,
    %get3A_1494 = vector.shape_cast %get3A_1493 : vector<1x1x16xi32> to vector<16xi32>
    %get3A_1495 = arith.constant 1 : i32
    %get3A_1496 = arith.constant 1 : i32
    %get3A_1497 = arith.index_cast %get3A_1495 : i32 to index
    %get3A_1498 = arith.index_cast %get3A_1496 : i32 to index
    %get3A_1499 = arith.constant 0 : index
    %get3A_1500 = tpu.vector_load %arg6[%get3A_1497, %get3A_1498, %get3A_1499] {strides = array<i32>} : memref<2x8x16xi32, #tpu.memory_space<vmem>>, vector<1x1x16xi32>,
    %get3A_1501 = vector.shape_cast %get3A_1500 : vector<1x1x16xi32> to vector<16xi32>
    %ge3A_1502 = arith.cmpi sge, %add3A_1468, %get3A_1494 : vector<16xi32>
    %jit3A_1503 = arith.constant 0 : i32
    %broadcast_in_dim3A_1504 = vector.broadcast %jit3A_1503 : i32 to vector<16xi32>
    %select_n3A_1505 = arith.select %ge3A_1502, %get3A_1501, %broadcast_in_dim3A_1504 : vector<16xi1>, vector<16xi32>
    %add3A_1506 = arith.addi %add3A_1487, %select_n3A_1505 : vector<16xi32>
    %get3A_1507 = arith.constant 0 : i32
    %get3A_1508 = arith.constant 2 : i32
    %get3A_1509 = arith.index_cast %get3A_1507 : i32 to index
    %get3A_1510 = arith.index_cast %get3A_1508 : i32 to index
    %get3A_1511 = arith.constant 0 : index
    %get3A_1512 = tpu.vector_load %arg6[%get3A_1509, %get3A_1510, %get3A_1511] {strides = array<i32>} : memref<2x8x16xi32, #tpu.memory_space<vmem>>, vector<1x1x16xi32>,
    %get3A_1513 = vector.shape_cast %get3A_1512 : vector<1x1x16xi32> to vector<16xi32>
    %get3A_1514 = arith.constant 1 : i32
    %get3A_1515 = arith.constant 2 : i32
    %get3A_1516 = arith.index_cast %get3A_1514 : i32 to index
    %get3A_1517 = arith.index_cast %get3A_1515 : i32 to index
    %get3A_1518 = arith.constant 0 : index
    %get3A_1519 = tpu.vector_load %arg6[%get3A_1516, %get3A_1517, %get3A_1518] {strides = array<i32>} : memref<2x8x16xi32, #tpu.memory_space<vmem>>, vector<1x1x16xi32>,
    %get3A_1520 = vector.shape_cast %get3A_1519 : vector<1x1x16xi32> to vector<16xi32>
    %ge3A_1521 = arith.cmpi sge, %add3A_1468, %get3A_1513 : vector<16xi32>
    %jit3A_1522 = arith.constant 0 : i32
    %broadcast_in_dim3A_1523 = vector.broadcast %jit3A_1522 : i32 to vector<16xi32>
    %select_n3A_1524 = arith.select %ge3A_1521, %get3A_1520, %broadcast_in_dim3A_1523 : vector<16xi1>, vector<16xi32>
    %add3A_1525 = arith.addi %add3A_1506, %select_n3A_1524 : vector<16xi32>
    %get3A_1526 = arith.constant 0 : i32
    %get3A_1527 = arith.constant 3 : i32
    %get3A_1528 = arith.index_cast %get3A_1526 : i32 to index
    %get3A_1529 = arith.index_cast %get3A_1527 : i32 to index
    %get3A_1530 = arith.constant 0 : index
    %get3A_1531 = tpu.vector_load %arg6[%get3A_1528, %get3A_1529, %get3A_1530] {strides = array<i32>} : memref<2x8x16xi32, #tpu.memory_space<vmem>>, vector<1x1x16xi32>,
    %get3A_1532 = vector.shape_cast %get3A_1531 : vector<1x1x16xi32> to vector<16xi32>
    %get3A_1533 = arith.constant 1 : i32
    %get3A_1534 = arith.constant 3 : i32
    %get3A_1535 = arith.index_cast %get3A_1533 : i32 to index
    %get3A_1536 = arith.index_cast %get3A_1534 : i32 to index
    %get3A_1537 = arith.constant 0 : index
    %get3A_1538 = tpu.vector_load %arg6[%get3A_1535, %get3A_1536, %get3A_1537] {strides = array<i32>} : memref<2x8x16xi32, #tpu.memory_space<vmem>>, vector<1x1x16xi32>,
    %get3A_1539 = vector.shape_cast %get3A_1538 : vector<1x1x16xi32> to vector<16xi32>
    %ge3A_1540 = arith.cmpi sge, %add3A_1468, %get3A_1532 : vector<16xi32>
    %jit3A_1541 = arith.constant 0 : i32
    %broadcast_in_dim3A_1542 = vector.broadcast %jit3A_1541 : i32 to vector<16xi32>
    %select_n3A_1543 = arith.select %ge3A_1540, %get3A_1539, %broadcast_in_dim3A_1542 : vector<16xi1>, vector<16xi32>
    %add3A_1544 = arith.addi %add3A_1525, %select_n3A_1543 : vector<16xi32>
    %get3A_1545 = arith.constant 0 : i32
    %get3A_1546 = arith.constant 4 : i32
    %get3A_1547 = arith.index_cast %get3A_1545 : i32 to index
    %get3A_1548 = arith.index_cast %get3A_1546 : i32 to index
    %get3A_1549 = arith.constant 0 : index
    %get3A_1550 = tpu.vector_load %arg6[%get3A_1547, %get3A_1548, %get3A_1549] {strides = array<i32>} : memref<2x8x16xi32, #tpu.memory_space<vmem>>, vector<1x1x16xi32>,
    %get3A_1551 = vector.shape_cast %get3A_1550 : vector<1x1x16xi32> to vector<16xi32>
    %get3A_1552 = arith.constant 1 : i32
    %get3A_1553 = arith.constant 4 : i32
    %get3A_1554 = arith.index_cast %get3A_1552 : i32 to index
    %get3A_1555 = arith.index_cast %get3A_1553 : i32 to index
    %get3A_1556 = arith.constant 0 : index
    %get3A_1557 = tpu.vector_load %arg6[%get3A_1554, %get3A_1555, %get3A_1556] {strides = array<i32>} : memref<2x8x16xi32, #tpu.memory_space<vmem>>, vector<1x1x16xi32>,
    %get3A_1558 = vector.shape_cast %get3A_1557 : vector<1x1x16xi32> to vector<16xi32>
    %ge3A_1559 = arith.cmpi sge, %add3A_1468, %get3A_1551 : vector<16xi32>
    %jit3A_1560 = arith.constant 0 : i32
    %broadcast_in_dim3A_1561 = vector.broadcast %jit3A_1560 : i32 to vector<16xi32>
    %select_n3A_1562 = arith.select %ge3A_1559, %get3A_1558, %broadcast_in_dim3A_1561 : vector<16xi1>, vector<16xi32>
    %add3A_1563 = arith.addi %add3A_1544, %select_n3A_1562 : vector<16xi32>
    %get3A_1564 = arith.constant 0 : i32
    %get3A_1565 = arith.constant 5 : i32
    %get3A_1566 = arith.index_cast %get3A_1564 : i32 to index
    %get3A_1567 = arith.index_cast %get3A_1565 : i32 to index
    %get3A_1568 = arith.constant 0 : index
    %get3A_1569 = tpu.vector_load %arg6[%get3A_1566, %get3A_1567, %get3A_1568] {strides = array<i32>} : memref<2x8x16xi32, #tpu.memory_space<vmem>>, vector<1x1x16xi32>,
    %get3A_1570 = vector.shape_cast %get3A_1569 : vector<1x1x16xi32> to vector<16xi32>
    %get3A_1571 = arith.constant 1 : i32
    %get3A_1572 = arith.constant 5 : i32
    %get3A_1573 = arith.index_cast %get3A_1571 : i32 to index
    %get3A_1574 = arith.index_cast %get3A_1572 : i32 to index
    %get3A_1575 = arith.constant 0 : index
    %get3A_1576 = tpu.vector_load %arg6[%get3A_1573, %get3A_1574, %get3A_1575] {strides = array<i32>} : memref<2x8x16xi32, #tpu.memory_space<vmem>>, vector<1x1x16xi32>,
    %get3A_1577 = vector.shape_cast %get3A_1576 : vector<1x1x16xi32> to vector<16xi32>
    %ge3A_1578 = arith.cmpi sge, %add3A_1468, %get3A_1570 : vector<16xi32>
    %jit3A_1579 = arith.constant 0 : i32
    %broadcast_in_dim3A_1580 = vector.broadcast %jit3A_1579 : i32 to vector<16xi32>
    %select_n3A_1581 = arith.select %ge3A_1578, %get3A_1577, %broadcast_in_dim3A_1580 : vector<16xi1>, vector<16xi32>
    %add3A_1582 = arith.addi %add3A_1563, %select_n3A_1581 : vector<16xi32>
    %get3A_1583 = arith.constant 0 : i32
    %get3A_1584 = arith.constant 6 : i32
    %get3A_1585 = arith.index_cast %get3A_1583 : i32 to index
    %get3A_1586 = arith.index_cast %get3A_1584 : i32 to index
    %get3A_1587 = arith.constant 0 : index
    %get3A_1588 = tpu.vector_load %arg6[%get3A_1585, %get3A_1586, %get3A_1587] {strides = array<i32>} : memref<2x8x16xi32, #tpu.memory_space<vmem>>, vector<1x1x16xi32>,
    %get3A_1589 = vector.shape_cast %get3A_1588 : vector<1x1x16xi32> to vector<16xi32>
    %get3A_1590 = arith.constant 1 : i32
    %get3A_1591 = arith.constant 6 : i32
    %get3A_1592 = arith.index_cast %get3A_1590 : i32 to index
    %get3A_1593 = arith.index_cast %get3A_1591 : i32 to index
    %get3A_1594 = arith.constant 0 : index
    %get3A_1595 = tpu.vector_load %arg6[%get3A_1592, %get3A_1593, %get3A_1594] {strides = array<i32>} : memref<2x8x16xi32, #tpu.memory_space<vmem>>, vector<1x1x16xi32>,
    %get3A_1596 = vector.shape_cast %get3A_1595 : vector<1x1x16xi32> to vector<16xi32>
    %ge3A_1597 = arith.cmpi sge, %add3A_1468, %get3A_1589 : vector<16xi32>
    %jit3A_1598 = arith.constant 0 : i32
    %broadcast_in_dim3A_1599 = vector.broadcast %jit3A_1598 : i32 to vector<16xi32>
    %select_n3A_1600 = arith.select %ge3A_1597, %get3A_1596, %broadcast_in_dim3A_1599 : vector<16xi1>, vector<16xi32>
    %add3A_1601 = arith.addi %add3A_1582, %select_n3A_1600 : vector<16xi32>
    %get3A_1602 = arith.constant 0 : i32
    %get3A_1603 = arith.constant 7 : i32
    %get3A_1604 = arith.index_cast %get3A_1602 : i32 to index
    %get3A_1605 = arith.index_cast %get3A_1603 : i32 to index
    %get3A_1606 = arith.constant 0 : index
    %get3A_1607 = tpu.vector_load %arg6[%get3A_1604, %get3A_1605, %get3A_1606] {strides = array<i32>} : memref<2x8x16xi32, #tpu.memory_space<vmem>>, vector<1x1x16xi32>,
    %get3A_1608 = vector.shape_cast %get3A_1607 : vector<1x1x16xi32> to vector<16xi32>
    %get3A_1609 = arith.constant 1 : i32
    %get3A_1610 = arith.constant 7 : i32
    %get3A_1611 = arith.index_cast %get3A_1609 : i32 to index
    %get3A_1612 = arith.index_cast %get3A_1610 : i32 to index
    %get3A_1613 = arith.constant 0 : index
    %get3A_1614 = tpu.vector_load %arg6[%get3A_1611, %get3A_1612, %get3A_1613] {strides = array<i32>} : memref<2x8x16xi32, #tpu.memory_space<vmem>>, vector<1x1x16xi32>,
    %get3A_1615 = vector.shape_cast %get3A_1614 : vector<1x1x16xi32> to vector<16xi32>
    %ge3A_1616 = arith.cmpi sge, %add3A_1468, %get3A_1608 : vector<16xi32>
    %jit3A_1617 = arith.constant 0 : i32
    %broadcast_in_dim3A_1618 = vector.broadcast %jit3A_1617 : i32 to vector<16xi32>
    %select_n3A_1619 = arith.select %ge3A_1616, %get3A_1615, %broadcast_in_dim3A_1618 : vector<16xi1>, vector<16xi32>
    %add3A_1620 = arith.addi %add3A_1601, %select_n3A_1619 : vector<16xi32>
    %swap3A_1621 = arith.constant 9 : i32
    %swap3A_1622 = arith.index_cast %swap3A_1621 : i32 to index
    %swap3A_1623 = arith.constant 0 : index
    %swap3A_1624 = tpu.vector_load %arg7[%swap3A_1622, %swap3A_1623] {strides = array<i32>} : memref<16x16xi32, #tpu.memory_space<vmem>>, vector<1x16xi32>,
    %swap3A_1625 = vector.shape_cast %swap3A_1624 : vector<1x16xi32> to vector<16xi32>
    %swap3A_1626 = vector.shape_cast %add3A_1620 : vector<16xi32> to vector<1x16xi32>
    tpu.vector_store %arg7[%swap3A_1622, %swap3A_1623], %swap3A_1626 {strides = array<i32>} : memref<16x16xi32, #tpu.memory_space<vmem>>, vector<1x16xi32>,
    %add3A_1627 = arith.constant 160 : i32
    %add3A_1628 = arith.addi %multiple_of3A, %add3A_1627 : i32
    %iota3A_1629 = tpu.iota {dimensions = array<i32: 0>} : vector<16xi32>
    %add3A_1630 = vector.broadcast %add3A_1628 : i32 to vector<16xi32>
    %add3A_1631 = arith.addi %add3A_1630, %iota3A_1629 : vector<16xi32>
    %get3A_1632 = arith.constant 0 : i32
    %get3A_1633 = arith.constant 0 : i32
    %get3A_1634 = arith.index_cast %get3A_1632 : i32 to index
    %get3A_1635 = arith.index_cast %get3A_1633 : i32 to index
    %get3A_1636 = arith.constant 0 : index
    %get3A_1637 = tpu.vector_load %arg6[%get3A_1634, %get3A_1635, %get3A_1636] {strides = array<i32>} : memref<2x8x16xi32, #tpu.memory_space<vmem>>, vector<1x1x16xi32>,
    %get3A_1638 = vector.shape_cast %get3A_1637 : vector<1x1x16xi32> to vector<16xi32>
    %get3A_1639 = arith.constant 1 : i32
    %get3A_1640 = arith.constant 0 : i32
    %get3A_1641 = arith.index_cast %get3A_1639 : i32 to index
    %get3A_1642 = arith.index_cast %get3A_1640 : i32 to index
    %get3A_1643 = arith.constant 0 : index
    %get3A_1644 = tpu.vector_load %arg6[%get3A_1641, %get3A_1642, %get3A_1643] {strides = array<i32>} : memref<2x8x16xi32, #tpu.memory_space<vmem>>, vector<1x1x16xi32>,
    %get3A_1645 = vector.shape_cast %get3A_1644 : vector<1x1x16xi32> to vector<16xi32>
    %ge3A_1646 = arith.cmpi sge, %add3A_1631, %get3A_1638 : vector<16xi32>
    %jit3A_1647 = arith.constant 0 : i32
    %broadcast_in_dim3A_1648 = vector.broadcast %jit3A_1647 : i32 to vector<16xi32>
    %select_n3A_1649 = arith.select %ge3A_1646, %get3A_1645, %broadcast_in_dim3A_1648 : vector<16xi1>, vector<16xi32>
    %add3A_1650 = arith.addi %add3A_1631, %select_n3A_1649 : vector<16xi32>
    %get3A_1651 = arith.constant 0 : i32
    %get3A_1652 = arith.constant 1 : i32
    %get3A_1653 = arith.index_cast %get3A_1651 : i32 to index
    %get3A_1654 = arith.index_cast %get3A_1652 : i32 to index
    %get3A_1655 = arith.constant 0 : index
    %get3A_1656 = tpu.vector_load %arg6[%get3A_1653, %get3A_1654, %get3A_1655] {strides = array<i32>} : memref<2x8x16xi32, #tpu.memory_space<vmem>>, vector<1x1x16xi32>,
    %get3A_1657 = vector.shape_cast %get3A_1656 : vector<1x1x16xi32> to vector<16xi32>
    %get3A_1658 = arith.constant 1 : i32
    %get3A_1659 = arith.constant 1 : i32
    %get3A_1660 = arith.index_cast %get3A_1658 : i32 to index
    %get3A_1661 = arith.index_cast %get3A_1659 : i32 to index
    %get3A_1662 = arith.constant 0 : index
    %get3A_1663 = tpu.vector_load %arg6[%get3A_1660, %get3A_1661, %get3A_1662] {strides = array<i32>} : memref<2x8x16xi32, #tpu.memory_space<vmem>>, vector<1x1x16xi32>,
    %get3A_1664 = vector.shape_cast %get3A_1663 : vector<1x1x16xi32> to vector<16xi32>
    %ge3A_1665 = arith.cmpi sge, %add3A_1631, %get3A_1657 : vector<16xi32>
    %jit3A_1666 = arith.constant 0 : i32
    %broadcast_in_dim3A_1667 = vector.broadcast %jit3A_1666 : i32 to vector<16xi32>
    %select_n3A_1668 = arith.select %ge3A_1665, %get3A_1664, %broadcast_in_dim3A_1667 : vector<16xi1>, vector<16xi32>
    %add3A_1669 = arith.addi %add3A_1650, %select_n3A_1668 : vector<16xi32>
    %get3A_1670 = arith.constant 0 : i32
    %get3A_1671 = arith.constant 2 : i32
    %get3A_1672 = arith.index_cast %get3A_1670 : i32 to index
    %get3A_1673 = arith.index_cast %get3A_1671 : i32 to index
    %get3A_1674 = arith.constant 0 : index
    %get3A_1675 = tpu.vector_load %arg6[%get3A_1672, %get3A_1673, %get3A_1674] {strides = array<i32>} : memref<2x8x16xi32, #tpu.memory_space<vmem>>, vector<1x1x16xi32>,
    %get3A_1676 = vector.shape_cast %get3A_1675 : vector<1x1x16xi32> to vector<16xi32>
    %get3A_1677 = arith.constant 1 : i32
    %get3A_1678 = arith.constant 2 : i32
    %get3A_1679 = arith.index_cast %get3A_1677 : i32 to index
    %get3A_1680 = arith.index_cast %get3A_1678 : i32 to index
    %get3A_1681 = arith.constant 0 : index
    %get3A_1682 = tpu.vector_load %arg6[%get3A_1679, %get3A_1680, %get3A_1681] {strides = array<i32>} : memref<2x8x16xi32, #tpu.memory_space<vmem>>, vector<1x1x16xi32>,
    %get3A_1683 = vector.shape_cast %get3A_1682 : vector<1x1x16xi32> to vector<16xi32>
    %ge3A_1684 = arith.cmpi sge, %add3A_1631, %get3A_1676 : vector<16xi32>
    %jit3A_1685 = arith.constant 0 : i32
    %broadcast_in_dim3A_1686 = vector.broadcast %jit3A_1685 : i32 to vector<16xi32>
    %select_n3A_1687 = arith.select %ge3A_1684, %get3A_1683, %broadcast_in_dim3A_1686 : vector<16xi1>, vector<16xi32>
    %add3A_1688 = arith.addi %add3A_1669, %select_n3A_1687 : vector<16xi32>
    %get3A_1689 = arith.constant 0 : i32
    %get3A_1690 = arith.constant 3 : i32
    %get3A_1691 = arith.index_cast %get3A_1689 : i32 to index
    %get3A_1692 = arith.index_cast %get3A_1690 : i32 to index
    %get3A_1693 = arith.constant 0 : index
    %get3A_1694 = tpu.vector_load %arg6[%get3A_1691, %get3A_1692, %get3A_1693] {strides = array<i32>} : memref<2x8x16xi32, #tpu.memory_space<vmem>>, vector<1x1x16xi32>,
    %get3A_1695 = vector.shape_cast %get3A_1694 : vector<1x1x16xi32> to vector<16xi32>
    %get3A_1696 = arith.constant 1 : i32
    %get3A_1697 = arith.constant 3 : i32
    %get3A_1698 = arith.index_cast %get3A_1696 : i32 to index
    %get3A_1699 = arith.index_cast %get3A_1697 : i32 to index
    %get3A_1700 = arith.constant 0 : index
    %get3A_1701 = tpu.vector_load %arg6[%get3A_1698, %get3A_1699, %get3A_1700] {strides = array<i32>} : memref<2x8x16xi32, #tpu.memory_space<vmem>>, vector<1x1x16xi32>,
    %get3A_1702 = vector.shape_cast %get3A_1701 : vector<1x1x16xi32> to vector<16xi32>
    %ge3A_1703 = arith.cmpi sge, %add3A_1631, %get3A_1695 : vector<16xi32>
    %jit3A_1704 = arith.constant 0 : i32
    %broadcast_in_dim3A_1705 = vector.broadcast %jit3A_1704 : i32 to vector<16xi32>
    %select_n3A_1706 = arith.select %ge3A_1703, %get3A_1702, %broadcast_in_dim3A_1705 : vector<16xi1>, vector<16xi32>
    %add3A_1707 = arith.addi %add3A_1688, %select_n3A_1706 : vector<16xi32>
    %get3A_1708 = arith.constant 0 : i32
    %get3A_1709 = arith.constant 4 : i32
    %get3A_1710 = arith.index_cast %get3A_1708 : i32 to index
    %get3A_1711 = arith.index_cast %get3A_1709 : i32 to index
    %get3A_1712 = arith.constant 0 : index
    %get3A_1713 = tpu.vector_load %arg6[%get3A_1710, %get3A_1711, %get3A_1712] {strides = array<i32>} : memref<2x8x16xi32, #tpu.memory_space<vmem>>, vector<1x1x16xi32>,
    %get3A_1714 = vector.shape_cast %get3A_1713 : vector<1x1x16xi32> to vector<16xi32>
    %get3A_1715 = arith.constant 1 : i32
    %get3A_1716 = arith.constant 4 : i32
    %get3A_1717 = arith.index_cast %get3A_1715 : i32 to index
    %get3A_1718 = arith.index_cast %get3A_1716 : i32 to index
    %get3A_1719 = arith.constant 0 : index
    %get3A_1720 = tpu.vector_load %arg6[%get3A_1717, %get3A_1718, %get3A_1719] {strides = array<i32>} : memref<2x8x16xi32, #tpu.memory_space<vmem>>, vector<1x1x16xi32>,
    %get3A_1721 = vector.shape_cast %get3A_1720 : vector<1x1x16xi32> to vector<16xi32>
    %ge3A_1722 = arith.cmpi sge, %add3A_1631, %get3A_1714 : vector<16xi32>
    %jit3A_1723 = arith.constant 0 : i32
    %broadcast_in_dim3A_1724 = vector.broadcast %jit3A_1723 : i32 to vector<16xi32>
    %select_n3A_1725 = arith.select %ge3A_1722, %get3A_1721, %broadcast_in_dim3A_1724 : vector<16xi1>, vector<16xi32>
    %add3A_1726 = arith.addi %add3A_1707, %select_n3A_1725 : vector<16xi32>
    %get3A_1727 = arith.constant 0 : i32
    %get3A_1728 = arith.constant 5 : i32
    %get3A_1729 = arith.index_cast %get3A_1727 : i32 to index
    %get3A_1730 = arith.index_cast %get3A_1728 : i32 to index
    %get3A_1731 = arith.constant 0 : index
    %get3A_1732 = tpu.vector_load %arg6[%get3A_1729, %get3A_1730, %get3A_1731] {strides = array<i32>} : memref<2x8x16xi32, #tpu.memory_space<vmem>>, vector<1x1x16xi32>,
    %get3A_1733 = vector.shape_cast %get3A_1732 : vector<1x1x16xi32> to vector<16xi32>
    %get3A_1734 = arith.constant 1 : i32
    %get3A_1735 = arith.constant 5 : i32
    %get3A_1736 = arith.index_cast %get3A_1734 : i32 to index
    %get3A_1737 = arith.index_cast %get3A_1735 : i32 to index
    %get3A_1738 = arith.constant 0 : index
    %get3A_1739 = tpu.vector_load %arg6[%get3A_1736, %get3A_1737, %get3A_1738] {strides = array<i32>} : memref<2x8x16xi32, #tpu.memory_space<vmem>>, vector<1x1x16xi32>,
    %get3A_1740 = vector.shape_cast %get3A_1739 : vector<1x1x16xi32> to vector<16xi32>
    %ge3A_1741 = arith.cmpi sge, %add3A_1631, %get3A_1733 : vector<16xi32>
    %jit3A_1742 = arith.constant 0 : i32
    %broadcast_in_dim3A_1743 = vector.broadcast %jit3A_1742 : i32 to vector<16xi32>
    %select_n3A_1744 = arith.select %ge3A_1741, %get3A_1740, %broadcast_in_dim3A_1743 : vector<16xi1>, vector<16xi32>
    %add3A_1745 = arith.addi %add3A_1726, %select_n3A_1744 : vector<16xi32>
    %get3A_1746 = arith.constant 0 : i32
    %get3A_1747 = arith.constant 6 : i32
    %get3A_1748 = arith.index_cast %get3A_1746 : i32 to index
    %get3A_1749 = arith.index_cast %get3A_1747 : i32 to index
    %get3A_1750 = arith.constant 0 : index
    %get3A_1751 = tpu.vector_load %arg6[%get3A_1748, %get3A_1749, %get3A_1750] {strides = array<i32>} : memref<2x8x16xi32, #tpu.memory_space<vmem>>, vector<1x1x16xi32>,
    %get3A_1752 = vector.shape_cast %get3A_1751 : vector<1x1x16xi32> to vector<16xi32>
    %get3A_1753 = arith.constant 1 : i32
    %get3A_1754 = arith.constant 6 : i32
    %get3A_1755 = arith.index_cast %get3A_1753 : i32 to index
    %get3A_1756 = arith.index_cast %get3A_1754 : i32 to index
    %get3A_1757 = arith.constant 0 : index
    %get3A_1758 = tpu.vector_load %arg6[%get3A_1755, %get3A_1756, %get3A_1757] {strides = array<i32>} : memref<2x8x16xi32, #tpu.memory_space<vmem>>, vector<1x1x16xi32>,
    %get3A_1759 = vector.shape_cast %get3A_1758 : vector<1x1x16xi32> to vector<16xi32>
    %ge3A_1760 = arith.cmpi sge, %add3A_1631, %get3A_1752 : vector<16xi32>
    %jit3A_1761 = arith.constant 0 : i32
    %broadcast_in_dim3A_1762 = vector.broadcast %jit3A_1761 : i32 to vector<16xi32>
    %select_n3A_1763 = arith.select %ge3A_1760, %get3A_1759, %broadcast_in_dim3A_1762 : vector<16xi1>, vector<16xi32>
    %add3A_1764 = arith.addi %add3A_1745, %select_n3A_1763 : vector<16xi32>
    %get3A_1765 = arith.constant 0 : i32
    %get3A_1766 = arith.constant 7 : i32
    %get3A_1767 = arith.index_cast %get3A_1765 : i32 to index
    %get3A_1768 = arith.index_cast %get3A_1766 : i32 to index
    %get3A_1769 = arith.constant 0 : index
    %get3A_1770 = tpu.vector_load %arg6[%get3A_1767, %get3A_1768, %get3A_1769] {strides = array<i32>} : memref<2x8x16xi32, #tpu.memory_space<vmem>>, vector<1x1x16xi32>,
    %get3A_1771 = vector.shape_cast %get3A_1770 : vector<1x1x16xi32> to vector<16xi32>
    %get3A_1772 = arith.constant 1 : i32
    %get3A_1773 = arith.constant 7 : i32
    %get3A_1774 = arith.index_cast %get3A_1772 : i32 to index
    %get3A_1775 = arith.index_cast %get3A_1773 : i32 to index
    %get3A_1776 = arith.constant 0 : index
    %get3A_1777 = tpu.vector_load %arg6[%get3A_1774, %get3A_1775, %get3A_1776] {strides = array<i32>} : memref<2x8x16xi32, #tpu.memory_space<vmem>>, vector<1x1x16xi32>,
    %get3A_1778 = vector.shape_cast %get3A_1777 : vector<1x1x16xi32> to vector<16xi32>
    %ge3A_1779 = arith.cmpi sge, %add3A_1631, %get3A_1771 : vector<16xi32>
    %jit3A_1780 = arith.constant 0 : i32
    %broadcast_in_dim3A_1781 = vector.broadcast %jit3A_1780 : i32 to vector<16xi32>
    %select_n3A_1782 = arith.select %ge3A_1779, %get3A_1778, %broadcast_in_dim3A_1781 : vector<16xi1>, vector<16xi32>
    %add3A_1783 = arith.addi %add3A_1764, %select_n3A_1782 : vector<16xi32>
    %swap3A_1784 = arith.constant 10 : i32
    %swap3A_1785 = arith.index_cast %swap3A_1784 : i32 to index
    %swap3A_1786 = arith.constant 0 : index
    %swap3A_1787 = tpu.vector_load %arg7[%swap3A_1785, %swap3A_1786] {strides = array<i32>} : memref<16x16xi32, #tpu.memory_space<vmem>>, vector<1x16xi32>,
    %swap3A_1788 = vector.shape_cast %swap3A_1787 : vector<1x16xi32> to vector<16xi32>
    %swap3A_1789 = vector.shape_cast %add3A_1783 : vector<16xi32> to vector<1x16xi32>
    tpu.vector_store %arg7[%swap3A_1785, %swap3A_1786], %swap3A_1789 {strides = array<i32>} : memref<16x16xi32, #tpu.memory_space<vmem>>, vector<1x16xi32>,
    %add3A_1790 = arith.constant 176 : i32
    %add3A_1791 = arith.addi %multiple_of3A, %add3A_1790 : i32
    %iota3A_1792 = tpu.iota {dimensions = array<i32: 0>} : vector<16xi32>
    %add3A_1793 = vector.broadcast %add3A_1791 : i32 to vector<16xi32>
    %add3A_1794 = arith.addi %add3A_1793, %iota3A_1792 : vector<16xi32>
    %get3A_1795 = arith.constant 0 : i32
    %get3A_1796 = arith.constant 0 : i32
    %get3A_1797 = arith.index_cast %get3A_1795 : i32 to index
    %get3A_1798 = arith.index_cast %get3A_1796 : i32 to index
    %get3A_1799 = arith.constant 0 : index
    %get3A_1800 = tpu.vector_load %arg6[%get3A_1797, %get3A_1798, %get3A_1799] {strides = array<i32>} : memref<2x8x16xi32, #tpu.memory_space<vmem>>, vector<1x1x16xi32>,
    %get3A_1801 = vector.shape_cast %get3A_1800 : vector<1x1x16xi32> to vector<16xi32>
    %get3A_1802 = arith.constant 1 : i32
    %get3A_1803 = arith.constant 0 : i32
    %get3A_1804 = arith.index_cast %get3A_1802 : i32 to index
    %get3A_1805 = arith.index_cast %get3A_1803 : i32 to index
    %get3A_1806 = arith.constant 0 : index
    %get3A_1807 = tpu.vector_load %arg6[%get3A_1804, %get3A_1805, %get3A_1806] {strides = array<i32>} : memref<2x8x16xi32, #tpu.memory_space<vmem>>, vector<1x1x16xi32>,
    %get3A_1808 = vector.shape_cast %get3A_1807 : vector<1x1x16xi32> to vector<16xi32>
    %ge3A_1809 = arith.cmpi sge, %add3A_1794, %get3A_1801 : vector<16xi32>
    %jit3A_1810 = arith.constant 0 : i32
    %broadcast_in_dim3A_1811 = vector.broadcast %jit3A_1810 : i32 to vector<16xi32>
    %select_n3A_1812 = arith.select %ge3A_1809, %get3A_1808, %broadcast_in_dim3A_1811 : vector<16xi1>, vector<16xi32>
    %add3A_1813 = arith.addi %add3A_1794, %select_n3A_1812 : vector<16xi32>
    %get3A_1814 = arith.constant 0 : i32
    %get3A_1815 = arith.constant 1 : i32
    %get3A_1816 = arith.index_cast %get3A_1814 : i32 to index
    %get3A_1817 = arith.index_cast %get3A_1815 : i32 to index
    %get3A_1818 = arith.constant 0 : index
    %get3A_1819 = tpu.vector_load %arg6[%get3A_1816, %get3A_1817, %get3A_1818] {strides = array<i32>} : memref<2x8x16xi32, #tpu.memory_space<vmem>>, vector<1x1x16xi32>,
    %get3A_1820 = vector.shape_cast %get3A_1819 : vector<1x1x16xi32> to vector<16xi32>
    %get3A_1821 = arith.constant 1 : i32
    %get3A_1822 = arith.constant 1 : i32
    %get3A_1823 = arith.index_cast %get3A_1821 : i32 to index
    %get3A_1824 = arith.index_cast %get3A_1822 : i32 to index
    %get3A_1825 = arith.constant 0 : index
    %get3A_1826 = tpu.vector_load %arg6[%get3A_1823, %get3A_1824, %get3A_1825] {strides = array<i32>} : memref<2x8x16xi32, #tpu.memory_space<vmem>>, vector<1x1x16xi32>,
    %get3A_1827 = vector.shape_cast %get3A_1826 : vector<1x1x16xi32> to vector<16xi32>
    %ge3A_1828 = arith.cmpi sge, %add3A_1794, %get3A_1820 : vector<16xi32>
    %jit3A_1829 = arith.constant 0 : i32
    %broadcast_in_dim3A_1830 = vector.broadcast %jit3A_1829 : i32 to vector<16xi32>
    %select_n3A_1831 = arith.select %ge3A_1828, %get3A_1827, %broadcast_in_dim3A_1830 : vector<16xi1>, vector<16xi32>
    %add3A_1832 = arith.addi %add3A_1813, %select_n3A_1831 : vector<16xi32>
    %get3A_1833 = arith.constant 0 : i32
    %get3A_1834 = arith.constant 2 : i32
    %get3A_1835 = arith.index_cast %get3A_1833 : i32 to index
    %get3A_1836 = arith.index_cast %get3A_1834 : i32 to index
    %get3A_1837 = arith.constant 0 : index
    %get3A_1838 = tpu.vector_load %arg6[%get3A_1835, %get3A_1836, %get3A_1837] {strides = array<i32>} : memref<2x8x16xi32, #tpu.memory_space<vmem>>, vector<1x1x16xi32>,
    %get3A_1839 = vector.shape_cast %get3A_1838 : vector<1x1x16xi32> to vector<16xi32>
    %get3A_1840 = arith.constant 1 : i32
    %get3A_1841 = arith.constant 2 : i32
    %get3A_1842 = arith.index_cast %get3A_1840 : i32 to index
    %get3A_1843 = arith.index_cast %get3A_1841 : i32 to index
    %get3A_1844 = arith.constant 0 : index
    %get3A_1845 = tpu.vector_load %arg6[%get3A_1842, %get3A_1843, %get3A_1844] {strides = array<i32>} : memref<2x8x16xi32, #tpu.memory_space<vmem>>, vector<1x1x16xi32>,
    %get3A_1846 = vector.shape_cast %get3A_1845 : vector<1x1x16xi32> to vector<16xi32>
    %ge3A_1847 = arith.cmpi sge, %add3A_1794, %get3A_1839 : vector<16xi32>
    %jit3A_1848 = arith.constant 0 : i32
    %broadcast_in_dim3A_1849 = vector.broadcast %jit3A_1848 : i32 to vector<16xi32>
    %select_n3A_1850 = arith.select %ge3A_1847, %get3A_1846, %broadcast_in_dim3A_1849 : vector<16xi1>, vector<16xi32>
    %add3A_1851 = arith.addi %add3A_1832, %select_n3A_1850 : vector<16xi32>
    %get3A_1852 = arith.constant 0 : i32
    %get3A_1853 = arith.constant 3 : i32
    %get3A_1854 = arith.index_cast %get3A_1852 : i32 to index
    %get3A_1855 = arith.index_cast %get3A_1853 : i32 to index
    %get3A_1856 = arith.constant 0 : index
    %get3A_1857 = tpu.vector_load %arg6[%get3A_1854, %get3A_1855, %get3A_1856] {strides = array<i32>} : memref<2x8x16xi32, #tpu.memory_space<vmem>>, vector<1x1x16xi32>,
    %get3A_1858 = vector.shape_cast %get3A_1857 : vector<1x1x16xi32> to vector<16xi32>
    %get3A_1859 = arith.constant 1 : i32
    %get3A_1860 = arith.constant 3 : i32
    %get3A_1861 = arith.index_cast %get3A_1859 : i32 to index
    %get3A_1862 = arith.index_cast %get3A_1860 : i32 to index
    %get3A_1863 = arith.constant 0 : index
    %get3A_1864 = tpu.vector_load %arg6[%get3A_1861, %get3A_1862, %get3A_1863] {strides = array<i32>} : memref<2x8x16xi32, #tpu.memory_space<vmem>>, vector<1x1x16xi32>,
    %get3A_1865 = vector.shape_cast %get3A_1864 : vector<1x1x16xi32> to vector<16xi32>
    %ge3A_1866 = arith.cmpi sge, %add3A_1794, %get3A_1858 : vector<16xi32>
    %jit3A_1867 = arith.constant 0 : i32
    %broadcast_in_dim3A_1868 = vector.broadcast %jit3A_1867 : i32 to vector<16xi32>
    %select_n3A_1869 = arith.select %ge3A_1866, %get3A_1865, %broadcast_in_dim3A_1868 : vector<16xi1>, vector<16xi32>
    %add3A_1870 = arith.addi %add3A_1851, %select_n3A_1869 : vector<16xi32>
    %get3A_1871 = arith.constant 0 : i32
    %get3A_1872 = arith.constant 4 : i32
    %get3A_1873 = arith.index_cast %get3A_1871 : i32 to index
    %get3A_1874 = arith.index_cast %get3A_1872 : i32 to index
    %get3A_1875 = arith.constant 0 : index
    %get3A_1876 = tpu.vector_load %arg6[%get3A_1873, %get3A_1874, %get3A_1875] {strides = array<i32>} : memref<2x8x16xi32, #tpu.memory_space<vmem>>, vector<1x1x16xi32>,
    %get3A_1877 = vector.shape_cast %get3A_1876 : vector<1x1x16xi32> to vector<16xi32>
    %get3A_1878 = arith.constant 1 : i32
    %get3A_1879 = arith.constant 4 : i32
    %get3A_1880 = arith.index_cast %get3A_1878 : i32 to index
    %get3A_1881 = arith.index_cast %get3A_1879 : i32 to index
    %get3A_1882 = arith.constant 0 : index
    %get3A_1883 = tpu.vector_load %arg6[%get3A_1880, %get3A_1881, %get3A_1882] {strides = array<i32>} : memref<2x8x16xi32, #tpu.memory_space<vmem>>, vector<1x1x16xi32>,
    %get3A_1884 = vector.shape_cast %get3A_1883 : vector<1x1x16xi32> to vector<16xi32>
    %ge3A_1885 = arith.cmpi sge, %add3A_1794, %get3A_1877 : vector<16xi32>
    %jit3A_1886 = arith.constant 0 : i32
    %broadcast_in_dim3A_1887 = vector.broadcast %jit3A_1886 : i32 to vector<16xi32>
    %select_n3A_1888 = arith.select %ge3A_1885, %get3A_1884, %broadcast_in_dim3A_1887 : vector<16xi1>, vector<16xi32>
    %add3A_1889 = arith.addi %add3A_1870, %select_n3A_1888 : vector<16xi32>
    %get3A_1890 = arith.constant 0 : i32
    %get3A_1891 = arith.constant 5 : i32
    %get3A_1892 = arith.index_cast %get3A_1890 : i32 to index
    %get3A_1893 = arith.index_cast %get3A_1891 : i32 to index
    %get3A_1894 = arith.constant 0 : index
    %get3A_1895 = tpu.vector_load %arg6[%get3A_1892, %get3A_1893, %get3A_1894] {strides = array<i32>} : memref<2x8x16xi32, #tpu.memory_space<vmem>>, vector<1x1x16xi32>,
    %get3A_1896 = vector.shape_cast %get3A_1895 : vector<1x1x16xi32> to vector<16xi32>
    %get3A_1897 = arith.constant 1 : i32
    %get3A_1898 = arith.constant 5 : i32
    %get3A_1899 = arith.index_cast %get3A_1897 : i32 to index
    %get3A_1900 = arith.index_cast %get3A_1898 : i32 to index
    %get3A_1901 = arith.constant 0 : index
    %get3A_1902 = tpu.vector_load %arg6[%get3A_1899, %get3A_1900, %get3A_1901] {strides = array<i32>} : memref<2x8x16xi32, #tpu.memory_space<vmem>>, vector<1x1x16xi32>,
    %get3A_1903 = vector.shape_cast %get3A_1902 : vector<1x1x16xi32> to vector<16xi32>
    %ge3A_1904 = arith.cmpi sge, %add3A_1794, %get3A_1896 : vector<16xi32>
    %jit3A_1905 = arith.constant 0 : i32
    %broadcast_in_dim3A_1906 = vector.broadcast %jit3A_1905 : i32 to vector<16xi32>
    %select_n3A_1907 = arith.select %ge3A_1904, %get3A_1903, %broadcast_in_dim3A_1906 : vector<16xi1>, vector<16xi32>
    %add3A_1908 = arith.addi %add3A_1889, %select_n3A_1907 : vector<16xi32>
    %get3A_1909 = arith.constant 0 : i32
    %get3A_1910 = arith.constant 6 : i32
    %get3A_1911 = arith.index_cast %get3A_1909 : i32 to index
    %get3A_1912 = arith.index_cast %get3A_1910 : i32 to index
    %get3A_1913 = arith.constant 0 : index
    %get3A_1914 = tpu.vector_load %arg6[%get3A_1911, %get3A_1912, %get3A_1913] {strides = array<i32>} : memref<2x8x16xi32, #tpu.memory_space<vmem>>, vector<1x1x16xi32>,
    %get3A_1915 = vector.shape_cast %get3A_1914 : vector<1x1x16xi32> to vector<16xi32>
    %get3A_1916 = arith.constant 1 : i32
    %get3A_1917 = arith.constant 6 : i32
    %get3A_1918 = arith.index_cast %get3A_1916 : i32 to index
    %get3A_1919 = arith.index_cast %get3A_1917 : i32 to index
    %get3A_1920 = arith.constant 0 : index
    %get3A_1921 = tpu.vector_load %arg6[%get3A_1918, %get3A_1919, %get3A_1920] {strides = array<i32>} : memref<2x8x16xi32, #tpu.memory_space<vmem>>, vector<1x1x16xi32>,
    %get3A_1922 = vector.shape_cast %get3A_1921 : vector<1x1x16xi32> to vector<16xi32>
    %ge3A_1923 = arith.cmpi sge, %add3A_1794, %get3A_1915 : vector<16xi32>
    %jit3A_1924 = arith.constant 0 : i32
    %broadcast_in_dim3A_1925 = vector.broadcast %jit3A_1924 : i32 to vector<16xi32>
    %select_n3A_1926 = arith.select %ge3A_1923, %get3A_1922, %broadcast_in_dim3A_1925 : vector<16xi1>, vector<16xi32>
    %add3A_1927 = arith.addi %add3A_1908, %select_n3A_1926 : vector<16xi32>
    %get3A_1928 = arith.constant 0 : i32
    %get3A_1929 = arith.constant 7 : i32
    %get3A_1930 = arith.index_cast %get3A_1928 : i32 to index
    %get3A_1931 = arith.index_cast %get3A_1929 : i32 to index
    %get3A_1932 = arith.constant 0 : index
    %get3A_1933 = tpu.vector_load %arg6[%get3A_1930, %get3A_1931, %get3A_1932] {strides = array<i32>} : memref<2x8x16xi32, #tpu.memory_space<vmem>>, vector<1x1x16xi32>,
    %get3A_1934 = vector.shape_cast %get3A_1933 : vector<1x1x16xi32> to vector<16xi32>
    %get3A_1935 = arith.constant 1 : i32
    %get3A_1936 = arith.constant 7 : i32
    %get3A_1937 = arith.index_cast %get3A_1935 : i32 to index
    %get3A_1938 = arith.index_cast %get3A_1936 : i32 to index
    %get3A_1939 = arith.constant 0 : index
    %get3A_1940 = tpu.vector_load %arg6[%get3A_1937, %get3A_1938, %get3A_1939] {strides = array<i32>} : memref<2x8x16xi32, #tpu.memory_space<vmem>>, vector<1x1x16xi32>,
    %get3A_1941 = vector.shape_cast %get3A_1940 : vector<1x1x16xi32> to vector<16xi32>
    %ge3A_1942 = arith.cmpi sge, %add3A_1794, %get3A_1934 : vector<16xi32>
    %jit3A_1943 = arith.constant 0 : i32
    %broadcast_in_dim3A_1944 = vector.broadcast %jit3A_1943 : i32 to vector<16xi32>
    %select_n3A_1945 = arith.select %ge3A_1942, %get3A_1941, %broadcast_in_dim3A_1944 : vector<16xi1>, vector<16xi32>
    %add3A_1946 = arith.addi %add3A_1927, %select_n3A_1945 : vector<16xi32>
    %swap3A_1947 = arith.constant 11 : i32
    %swap3A_1948 = arith.index_cast %swap3A_1947 : i32 to index
    %swap3A_1949 = arith.constant 0 : index
    %swap3A_1950 = tpu.vector_load %arg7[%swap3A_1948, %swap3A_1949] {strides = array<i32>} : memref<16x16xi32, #tpu.memory_space<vmem>>, vector<1x16xi32>,
    %swap3A_1951 = vector.shape_cast %swap3A_1950 : vector<1x16xi32> to vector<16xi32>
    %swap3A_1952 = vector.shape_cast %add3A_1946 : vector<16xi32> to vector<1x16xi32>
    tpu.vector_store %arg7[%swap3A_1948, %swap3A_1949], %swap3A_1952 {strides = array<i32>} : memref<16x16xi32, #tpu.memory_space<vmem>>, vector<1x16xi32>,
    %add3A_1953 = arith.constant 192 : i32
    %add3A_1954 = arith.addi %multiple_of3A, %add3A_1953 : i32
    %iota3A_1955 = tpu.iota {dimensions = array<i32: 0>} : vector<16xi32>
    %add3A_1956 = vector.broadcast %add3A_1954 : i32 to vector<16xi32>
    %add3A_1957 = arith.addi %add3A_1956, %iota3A_1955 : vector<16xi32>
    %get3A_1958 = arith.constant 0 : i32
    %get3A_1959 = arith.constant 0 : i32
    %get3A_1960 = arith.index_cast %get3A_1958 : i32 to index
    %get3A_1961 = arith.index_cast %get3A_1959 : i32 to index
    %get3A_1962 = arith.constant 0 : index
    %get3A_1963 = tpu.vector_load %arg6[%get3A_1960, %get3A_1961, %get3A_1962] {strides = array<i32>} : memref<2x8x16xi32, #tpu.memory_space<vmem>>, vector<1x1x16xi32>,
    %get3A_1964 = vector.shape_cast %get3A_1963 : vector<1x1x16xi32> to vector<16xi32>
    %get3A_1965 = arith.constant 1 : i32
    %get3A_1966 = arith.constant 0 : i32
    %get3A_1967 = arith.index_cast %get3A_1965 : i32 to index
    %get3A_1968 = arith.index_cast %get3A_1966 : i32 to index
    %get3A_1969 = arith.constant 0 : index
    %get3A_1970 = tpu.vector_load %arg6[%get3A_1967, %get3A_1968, %get3A_1969] {strides = array<i32>} : memref<2x8x16xi32, #tpu.memory_space<vmem>>, vector<1x1x16xi32>,
    %get3A_1971 = vector.shape_cast %get3A_1970 : vector<1x1x16xi32> to vector<16xi32>
    %ge3A_1972 = arith.cmpi sge, %add3A_1957, %get3A_1964 : vector<16xi32>
    %jit3A_1973 = arith.constant 0 : i32
    %broadcast_in_dim3A_1974 = vector.broadcast %jit3A_1973 : i32 to vector<16xi32>
    %select_n3A_1975 = arith.select %ge3A_1972, %get3A_1971, %broadcast_in_dim3A_1974 : vector<16xi1>, vector<16xi32>
    %add3A_1976 = arith.addi %add3A_1957, %select_n3A_1975 : vector<16xi32>
    %get3A_1977 = arith.constant 0 : i32
    %get3A_1978 = arith.constant 1 : i32
    %get3A_1979 = arith.index_cast %get3A_1977 : i32 to index
    %get3A_1980 = arith.index_cast %get3A_1978 : i32 to index
    %get3A_1981 = arith.constant 0 : index
    %get3A_1982 = tpu.vector_load %arg6[%get3A_1979, %get3A_1980, %get3A_1981] {strides = array<i32>} : memref<2x8x16xi32, #tpu.memory_space<vmem>>, vector<1x1x16xi32>,
    %get3A_1983 = vector.shape_cast %get3A_1982 : vector<1x1x16xi32> to vector<16xi32>
    %get3A_1984 = arith.constant 1 : i32
    %get3A_1985 = arith.constant 1 : i32
    %get3A_1986 = arith.index_cast %get3A_1984 : i32 to index
    %get3A_1987 = arith.index_cast %get3A_1985 : i32 to index
    %get3A_1988 = arith.constant 0 : index
    %get3A_1989 = tpu.vector_load %arg6[%get3A_1986, %get3A_1987, %get3A_1988] {strides = array<i32>} : memref<2x8x16xi32, #tpu.memory_space<vmem>>, vector<1x1x16xi32>,
    %get3A_1990 = vector.shape_cast %get3A_1989 : vector<1x1x16xi32> to vector<16xi32>
    %ge3A_1991 = arith.cmpi sge, %add3A_1957, %get3A_1983 : vector<16xi32>
    %jit3A_1992 = arith.constant 0 : i32
    %broadcast_in_dim3A_1993 = vector.broadcast %jit3A_1992 : i32 to vector<16xi32>
    %select_n3A_1994 = arith.select %ge3A_1991, %get3A_1990, %broadcast_in_dim3A_1993 : vector<16xi1>, vector<16xi32>
    %add3A_1995 = arith.addi %add3A_1976, %select_n3A_1994 : vector<16xi32>
    %get3A_1996 = arith.constant 0 : i32
    %get3A_1997 = arith.constant 2 : i32
    %get3A_1998 = arith.index_cast %get3A_1996 : i32 to index
    %get3A_1999 = arith.index_cast %get3A_1997 : i32 to index
    %get3A_2000 = arith.constant 0 : index
    %get3A_2001 = tpu.vector_load %arg6[%get3A_1998, %get3A_1999, %get3A_2000] {strides = array<i32>} : memref<2x8x16xi32, #tpu.memory_space<vmem>>, vector<1x1x16xi32>,
    %get3A_2002 = vector.shape_cast %get3A_2001 : vector<1x1x16xi32> to vector<16xi32>
    %get3A_2003 = arith.constant 1 : i32
    %get3A_2004 = arith.constant 2 : i32
    %get3A_2005 = arith.index_cast %get3A_2003 : i32 to index
    %get3A_2006 = arith.index_cast %get3A_2004 : i32 to index
    %get3A_2007 = arith.constant 0 : index
    %get3A_2008 = tpu.vector_load %arg6[%get3A_2005, %get3A_2006, %get3A_2007] {strides = array<i32>} : memref<2x8x16xi32, #tpu.memory_space<vmem>>, vector<1x1x16xi32>,
    %get3A_2009 = vector.shape_cast %get3A_2008 : vector<1x1x16xi32> to vector<16xi32>
    %ge3A_2010 = arith.cmpi sge, %add3A_1957, %get3A_2002 : vector<16xi32>
    %jit3A_2011 = arith.constant 0 : i32
    %broadcast_in_dim3A_2012 = vector.broadcast %jit3A_2011 : i32 to vector<16xi32>
    %select_n3A_2013 = arith.select %ge3A_2010, %get3A_2009, %broadcast_in_dim3A_2012 : vector<16xi1>, vector<16xi32>
    %add3A_2014 = arith.addi %add3A_1995, %select_n3A_2013 : vector<16xi32>
    %get3A_2015 = arith.constant 0 : i32
    %get3A_2016 = arith.constant 3 : i32
    %get3A_2017 = arith.index_cast %get3A_2015 : i32 to index
    %get3A_2018 = arith.index_cast %get3A_2016 : i32 to index
    %get3A_2019 = arith.constant 0 : index
    %get3A_2020 = tpu.vector_load %arg6[%get3A_2017, %get3A_2018, %get3A_2019] {strides = array<i32>} : memref<2x8x16xi32, #tpu.memory_space<vmem>>, vector<1x1x16xi32>,
    %get3A_2021 = vector.shape_cast %get3A_2020 : vector<1x1x16xi32> to vector<16xi32>
    %get3A_2022 = arith.constant 1 : i32
    %get3A_2023 = arith.constant 3 : i32
    %get3A_2024 = arith.index_cast %get3A_2022 : i32 to index
    %get3A_2025 = arith.index_cast %get3A_2023 : i32 to index
    %get3A_2026 = arith.constant 0 : index
    %get3A_2027 = tpu.vector_load %arg6[%get3A_2024, %get3A_2025, %get3A_2026] {strides = array<i32>} : memref<2x8x16xi32, #tpu.memory_space<vmem>>, vector<1x1x16xi32>,
    %get3A_2028 = vector.shape_cast %get3A_2027 : vector<1x1x16xi32> to vector<16xi32>
    %ge3A_2029 = arith.cmpi sge, %add3A_1957, %get3A_2021 : vector<16xi32>
    %jit3A_2030 = arith.constant 0 : i32
    %broadcast_in_dim3A_2031 = vector.broadcast %jit3A_2030 : i32 to vector<16xi32>
    %select_n3A_2032 = arith.select %ge3A_2029, %get3A_2028, %broadcast_in_dim3A_2031 : vector<16xi1>, vector<16xi32>
    %add3A_2033 = arith.addi %add3A_2014, %select_n3A_2032 : vector<16xi32>
    %get3A_2034 = arith.constant 0 : i32
    %get3A_2035 = arith.constant 4 : i32
    %get3A_2036 = arith.index_cast %get3A_2034 : i32 to index
    %get3A_2037 = arith.index_cast %get3A_2035 : i32 to index
    %get3A_2038 = arith.constant 0 : index
    %get3A_2039 = tpu.vector_load %arg6[%get3A_2036, %get3A_2037, %get3A_2038] {strides = array<i32>} : memref<2x8x16xi32, #tpu.memory_space<vmem>>, vector<1x1x16xi32>,
    %get3A_2040 = vector.shape_cast %get3A_2039 : vector<1x1x16xi32> to vector<16xi32>
    %get3A_2041 = arith.constant 1 : i32
    %get3A_2042 = arith.constant 4 : i32
    %get3A_2043 = arith.index_cast %get3A_2041 : i32 to index
    %get3A_2044 = arith.index_cast %get3A_2042 : i32 to index
    %get3A_2045 = arith.constant 0 : index
    %get3A_2046 = tpu.vector_load %arg6[%get3A_2043, %get3A_2044, %get3A_2045] {strides = array<i32>} : memref<2x8x16xi32, #tpu.memory_space<vmem>>, vector<1x1x16xi32>,
    %get3A_2047 = vector.shape_cast %get3A_2046 : vector<1x1x16xi32> to vector<16xi32>
    %ge3A_2048 = arith.cmpi sge, %add3A_1957, %get3A_2040 : vector<16xi32>
    %jit3A_2049 = arith.constant 0 : i32
    %broadcast_in_dim3A_2050 = vector.broadcast %jit3A_2049 : i32 to vector<16xi32>
    %select_n3A_2051 = arith.select %ge3A_2048, %get3A_2047, %broadcast_in_dim3A_2050 : vector<16xi1>, vector<16xi32>
    %add3A_2052 = arith.addi %add3A_2033, %select_n3A_2051 : vector<16xi32>
    %get3A_2053 = arith.constant 0 : i32
    %get3A_2054 = arith.constant 5 : i32
    %get3A_2055 = arith.index_cast %get3A_2053 : i32 to index
    %get3A_2056 = arith.index_cast %get3A_2054 : i32 to index
    %get3A_2057 = arith.constant 0 : index
    %get3A_2058 = tpu.vector_load %arg6[%get3A_2055, %get3A_2056, %get3A_2057] {strides = array<i32>} : memref<2x8x16xi32, #tpu.memory_space<vmem>>, vector<1x1x16xi32>,
    %get3A_2059 = vector.shape_cast %get3A_2058 : vector<1x1x16xi32> to vector<16xi32>
    %get3A_2060 = arith.constant 1 : i32
    %get3A_2061 = arith.constant 5 : i32
    %get3A_2062 = arith.index_cast %get3A_2060 : i32 to index
    %get3A_2063 = arith.index_cast %get3A_2061 : i32 to index
    %get3A_2064 = arith.constant 0 : index
    %get3A_2065 = tpu.vector_load %arg6[%get3A_2062, %get3A_2063, %get3A_2064] {strides = array<i32>} : memref<2x8x16xi32, #tpu.memory_space<vmem>>, vector<1x1x16xi32>,
    %get3A_2066 = vector.shape_cast %get3A_2065 : vector<1x1x16xi32> to vector<16xi32>
    %ge3A_2067 = arith.cmpi sge, %add3A_1957, %get3A_2059 : vector<16xi32>
    %jit3A_2068 = arith.constant 0 : i32
    %broadcast_in_dim3A_2069 = vector.broadcast %jit3A_2068 : i32 to vector<16xi32>
    %select_n3A_2070 = arith.select %ge3A_2067, %get3A_2066, %broadcast_in_dim3A_2069 : vector<16xi1>, vector<16xi32>
    %add3A_2071 = arith.addi %add3A_2052, %select_n3A_2070 : vector<16xi32>
    %get3A_2072 = arith.constant 0 : i32
    %get3A_2073 = arith.constant 6 : i32
    %get3A_2074 = arith.index_cast %get3A_2072 : i32 to index
    %get3A_2075 = arith.index_cast %get3A_2073 : i32 to index
    %get3A_2076 = arith.constant 0 : index
    %get3A_2077 = tpu.vector_load %arg6[%get3A_2074, %get3A_2075, %get3A_2076] {strides = array<i32>} : memref<2x8x16xi32, #tpu.memory_space<vmem>>, vector<1x1x16xi32>,
    %get3A_2078 = vector.shape_cast %get3A_2077 : vector<1x1x16xi32> to vector<16xi32>
    %get3A_2079 = arith.constant 1 : i32
    %get3A_2080 = arith.constant 6 : i32
    %get3A_2081 = arith.index_cast %get3A_2079 : i32 to index
    %get3A_2082 = arith.index_cast %get3A_2080 : i32 to index
    %get3A_2083 = arith.constant 0 : index
    %get3A_2084 = tpu.vector_load %arg6[%get3A_2081, %get3A_2082, %get3A_2083] {strides = array<i32>} : memref<2x8x16xi32, #tpu.memory_space<vmem>>, vector<1x1x16xi32>,
    %get3A_2085 = vector.shape_cast %get3A_2084 : vector<1x1x16xi32> to vector<16xi32>
    %ge3A_2086 = arith.cmpi sge, %add3A_1957, %get3A_2078 : vector<16xi32>
    %jit3A_2087 = arith.constant 0 : i32
    %broadcast_in_dim3A_2088 = vector.broadcast %jit3A_2087 : i32 to vector<16xi32>
    %select_n3A_2089 = arith.select %ge3A_2086, %get3A_2085, %broadcast_in_dim3A_2088 : vector<16xi1>, vector<16xi32>
    %add3A_2090 = arith.addi %add3A_2071, %select_n3A_2089 : vector<16xi32>
    %get3A_2091 = arith.constant 0 : i32
    %get3A_2092 = arith.constant 7 : i32
    %get3A_2093 = arith.index_cast %get3A_2091 : i32 to index
    %get3A_2094 = arith.index_cast %get3A_2092 : i32 to index
    %get3A_2095 = arith.constant 0 : index
    %get3A_2096 = tpu.vector_load %arg6[%get3A_2093, %get3A_2094, %get3A_2095] {strides = array<i32>} : memref<2x8x16xi32, #tpu.memory_space<vmem>>, vector<1x1x16xi32>,
    %get3A_2097 = vector.shape_cast %get3A_2096 : vector<1x1x16xi32> to vector<16xi32>
    %get3A_2098 = arith.constant 1 : i32
    %get3A_2099 = arith.constant 7 : i32
    %get3A_2100 = arith.index_cast %get3A_2098 : i32 to index
    %get3A_2101 = arith.index_cast %get3A_2099 : i32 to index
    %get3A_2102 = arith.constant 0 : index
    %get3A_2103 = tpu.vector_load %arg6[%get3A_2100, %get3A_2101, %get3A_2102] {strides = array<i32>} : memref<2x8x16xi32, #tpu.memory_space<vmem>>, vector<1x1x16xi32>,
    %get3A_2104 = vector.shape_cast %get3A_2103 : vector<1x1x16xi32> to vector<16xi32>
    %ge3A_2105 = arith.cmpi sge, %add3A_1957, %get3A_2097 : vector<16xi32>
    %jit3A_2106 = arith.constant 0 : i32
    %broadcast_in_dim3A_2107 = vector.broadcast %jit3A_2106 : i32 to vector<16xi32>
    %select_n3A_2108 = arith.select %ge3A_2105, %get3A_2104, %broadcast_in_dim3A_2107 : vector<16xi1>, vector<16xi32>
    %add3A_2109 = arith.addi %add3A_2090, %select_n3A_2108 : vector<16xi32>
    %swap3A_2110 = arith.constant 12 : i32
    %swap3A_2111 = arith.index_cast %swap3A_2110 : i32 to index
    %swap3A_2112 = arith.constant 0 : index
    %swap3A_2113 = tpu.vector_load %arg7[%swap3A_2111, %swap3A_2112] {strides = array<i32>} : memref<16x16xi32, #tpu.memory_space<vmem>>, vector<1x16xi32>,
    %swap3A_2114 = vector.shape_cast %swap3A_2113 : vector<1x16xi32> to vector<16xi32>
    %swap3A_2115 = vector.shape_cast %add3A_2109 : vector<16xi32> to vector<1x16xi32>
    tpu.vector_store %arg7[%swap3A_2111, %swap3A_2112], %swap3A_2115 {strides = array<i32>} : memref<16x16xi32, #tpu.memory_space<vmem>>, vector<1x16xi32>,
    %add3A_2116 = arith.constant 208 : i32
    %add3A_2117 = arith.addi %multiple_of3A, %add3A_2116 : i32
    %iota3A_2118 = tpu.iota {dimensions = array<i32: 0>} : vector<16xi32>
    %add3A_2119 = vector.broadcast %add3A_2117 : i32 to vector<16xi32>
    %add3A_2120 = arith.addi %add3A_2119, %iota3A_2118 : vector<16xi32>
    %get3A_2121 = arith.constant 0 : i32
    %get3A_2122 = arith.constant 0 : i32
    %get3A_2123 = arith.index_cast %get3A_2121 : i32 to index
    %get3A_2124 = arith.index_cast %get3A_2122 : i32 to index
    %get3A_2125 = arith.constant 0 : index
    %get3A_2126 = tpu.vector_load %arg6[%get3A_2123, %get3A_2124, %get3A_2125] {strides = array<i32>} : memref<2x8x16xi32, #tpu.memory_space<vmem>>, vector<1x1x16xi32>,
    %get3A_2127 = vector.shape_cast %get3A_2126 : vector<1x1x16xi32> to vector<16xi32>
    %get3A_2128 = arith.constant 1 : i32
    %get3A_2129 = arith.constant 0 : i32
    %get3A_2130 = arith.index_cast %get3A_2128 : i32 to index
    %get3A_2131 = arith.index_cast %get3A_2129 : i32 to index
    %get3A_2132 = arith.constant 0 : index
    %get3A_2133 = tpu.vector_load %arg6[%get3A_2130, %get3A_2131, %get3A_2132] {strides = array<i32>} : memref<2x8x16xi32, #tpu.memory_space<vmem>>, vector<1x1x16xi32>,
    %get3A_2134 = vector.shape_cast %get3A_2133 : vector<1x1x16xi32> to vector<16xi32>
    %ge3A_2135 = arith.cmpi sge, %add3A_2120, %get3A_2127 : vector<16xi32>
    %jit3A_2136 = arith.constant 0 : i32
    %broadcast_in_dim3A_2137 = vector.broadcast %jit3A_2136 : i32 to vector<16xi32>
    %select_n3A_2138 = arith.select %ge3A_2135, %get3A_2134, %broadcast_in_dim3A_2137 : vector<16xi1>, vector<16xi32>
    %add3A_2139 = arith.addi %add3A_2120, %select_n3A_2138 : vector<16xi32>
    %get3A_2140 = arith.constant 0 : i32
    %get3A_2141 = arith.constant 1 : i32
    %get3A_2142 = arith.index_cast %get3A_2140 : i32 to index
    %get3A_2143 = arith.index_cast %get3A_2141 : i32 to index
    %get3A_2144 = arith.constant 0 : index
    %get3A_2145 = tpu.vector_load %arg6[%get3A_2142, %get3A_2143, %get3A_2144] {strides = array<i32>} : memref<2x8x16xi32, #tpu.memory_space<vmem>>, vector<1x1x16xi32>,
    %get3A_2146 = vector.shape_cast %get3A_2145 : vector<1x1x16xi32> to vector<16xi32>
    %get3A_2147 = arith.constant 1 : i32
    %get3A_2148 = arith.constant 1 : i32
    %get3A_2149 = arith.index_cast %get3A_2147 : i32 to index
    %get3A_2150 = arith.index_cast %get3A_2148 : i32 to index
    %get3A_2151 = arith.constant 0 : index
    %get3A_2152 = tpu.vector_load %arg6[%get3A_2149, %get3A_2150, %get3A_2151] {strides = array<i32>} : memref<2x8x16xi32, #tpu.memory_space<vmem>>, vector<1x1x16xi32>,
    %get3A_2153 = vector.shape_cast %get3A_2152 : vector<1x1x16xi32> to vector<16xi32>
    %ge3A_2154 = arith.cmpi sge, %add3A_2120, %get3A_2146 : vector<16xi32>
    %jit3A_2155 = arith.constant 0 : i32
    %broadcast_in_dim3A_2156 = vector.broadcast %jit3A_2155 : i32 to vector<16xi32>
    %select_n3A_2157 = arith.select %ge3A_2154, %get3A_2153, %broadcast_in_dim3A_2156 : vector<16xi1>, vector<16xi32>
    %add3A_2158 = arith.addi %add3A_2139, %select_n3A_2157 : vector<16xi32>
    %get3A_2159 = arith.constant 0 : i32
    %get3A_2160 = arith.constant 2 : i32
    %get3A_2161 = arith.index_cast %get3A_2159 : i32 to index
    %get3A_2162 = arith.index_cast %get3A_2160 : i32 to index
    %get3A_2163 = arith.constant 0 : index
    %get3A_2164 = tpu.vector_load %arg6[%get3A_2161, %get3A_2162, %get3A_2163] {strides = array<i32>} : memref<2x8x16xi32, #tpu.memory_space<vmem>>, vector<1x1x16xi32>,
    %get3A_2165 = vector.shape_cast %get3A_2164 : vector<1x1x16xi32> to vector<16xi32>
    %get3A_2166 = arith.constant 1 : i32
    %get3A_2167 = arith.constant 2 : i32
    %get3A_2168 = arith.index_cast %get3A_2166 : i32 to index
    %get3A_2169 = arith.index_cast %get3A_2167 : i32 to index
    %get3A_2170 = arith.constant 0 : index
    %get3A_2171 = tpu.vector_load %arg6[%get3A_2168, %get3A_2169, %get3A_2170] {strides = array<i32>} : memref<2x8x16xi32, #tpu.memory_space<vmem>>, vector<1x1x16xi32>,
    %get3A_2172 = vector.shape_cast %get3A_2171 : vector<1x1x16xi32> to vector<16xi32>
    %ge3A_2173 = arith.cmpi sge, %add3A_2120, %get3A_2165 : vector<16xi32>
    %jit3A_2174 = arith.constant 0 : i32
    %broadcast_in_dim3A_2175 = vector.broadcast %jit3A_2174 : i32 to vector<16xi32>
    %select_n3A_2176 = arith.select %ge3A_2173, %get3A_2172, %broadcast_in_dim3A_2175 : vector<16xi1>, vector<16xi32>
    %add3A_2177 = arith.addi %add3A_2158, %select_n3A_2176 : vector<16xi32>
    %get3A_2178 = arith.constant 0 : i32
    %get3A_2179 = arith.constant 3 : i32
    %get3A_2180 = arith.index_cast %get3A_2178 : i32 to index
    %get3A_2181 = arith.index_cast %get3A_2179 : i32 to index
    %get3A_2182 = arith.constant 0 : index
    %get3A_2183 = tpu.vector_load %arg6[%get3A_2180, %get3A_2181, %get3A_2182] {strides = array<i32>} : memref<2x8x16xi32, #tpu.memory_space<vmem>>, vector<1x1x16xi32>,
    %get3A_2184 = vector.shape_cast %get3A_2183 : vector<1x1x16xi32> to vector<16xi32>
    %get3A_2185 = arith.constant 1 : i32
    %get3A_2186 = arith.constant 3 : i32
    %get3A_2187 = arith.index_cast %get3A_2185 : i32 to index
    %get3A_2188 = arith.index_cast %get3A_2186 : i32 to index
    %get3A_2189 = arith.constant 0 : index
    %get3A_2190 = tpu.vector_load %arg6[%get3A_2187, %get3A_2188, %get3A_2189] {strides = array<i32>} : memref<2x8x16xi32, #tpu.memory_space<vmem>>, vector<1x1x16xi32>,
    %get3A_2191 = vector.shape_cast %get3A_2190 : vector<1x1x16xi32> to vector<16xi32>
    %ge3A_2192 = arith.cmpi sge, %add3A_2120, %get3A_2184 : vector<16xi32>
    %jit3A_2193 = arith.constant 0 : i32
    %broadcast_in_dim3A_2194 = vector.broadcast %jit3A_2193 : i32 to vector<16xi32>
    %select_n3A_2195 = arith.select %ge3A_2192, %get3A_2191, %broadcast_in_dim3A_2194 : vector<16xi1>, vector<16xi32>
    %add3A_2196 = arith.addi %add3A_2177, %select_n3A_2195 : vector<16xi32>
    %get3A_2197 = arith.constant 0 : i32
    %get3A_2198 = arith.constant 4 : i32
    %get3A_2199 = arith.index_cast %get3A_2197 : i32 to index
    %get3A_2200 = arith.index_cast %get3A_2198 : i32 to index
    %get3A_2201 = arith.constant 0 : index
    %get3A_2202 = tpu.vector_load %arg6[%get3A_2199, %get3A_2200, %get3A_2201] {strides = array<i32>} : memref<2x8x16xi32, #tpu.memory_space<vmem>>, vector<1x1x16xi32>,
    %get3A_2203 = vector.shape_cast %get3A_2202 : vector<1x1x16xi32> to vector<16xi32>
    %get3A_2204 = arith.constant 1 : i32
    %get3A_2205 = arith.constant 4 : i32
    %get3A_2206 = arith.index_cast %get3A_2204 : i32 to index
    %get3A_2207 = arith.index_cast %get3A_2205 : i32 to index
    %get3A_2208 = arith.constant 0 : index
    %get3A_2209 = tpu.vector_load %arg6[%get3A_2206, %get3A_2207, %get3A_2208] {strides = array<i32>} : memref<2x8x16xi32, #tpu.memory_space<vmem>>, vector<1x1x16xi32>,
    %get3A_2210 = vector.shape_cast %get3A_2209 : vector<1x1x16xi32> to vector<16xi32>
    %ge3A_2211 = arith.cmpi sge, %add3A_2120, %get3A_2203 : vector<16xi32>
    %jit3A_2212 = arith.constant 0 : i32
    %broadcast_in_dim3A_2213 = vector.broadcast %jit3A_2212 : i32 to vector<16xi32>
    %select_n3A_2214 = arith.select %ge3A_2211, %get3A_2210, %broadcast_in_dim3A_2213 : vector<16xi1>, vector<16xi32>
    %add3A_2215 = arith.addi %add3A_2196, %select_n3A_2214 : vector<16xi32>
    %get3A_2216 = arith.constant 0 : i32
    %get3A_2217 = arith.constant 5 : i32
    %get3A_2218 = arith.index_cast %get3A_2216 : i32 to index
    %get3A_2219 = arith.index_cast %get3A_2217 : i32 to index
    %get3A_2220 = arith.constant 0 : index
    %get3A_2221 = tpu.vector_load %arg6[%get3A_2218, %get3A_2219, %get3A_2220] {strides = array<i32>} : memref<2x8x16xi32, #tpu.memory_space<vmem>>, vector<1x1x16xi32>,
    %get3A_2222 = vector.shape_cast %get3A_2221 : vector<1x1x16xi32> to vector<16xi32>
    %get3A_2223 = arith.constant 1 : i32
    %get3A_2224 = arith.constant 5 : i32
    %get3A_2225 = arith.index_cast %get3A_2223 : i32 to index
    %get3A_2226 = arith.index_cast %get3A_2224 : i32 to index
    %get3A_2227 = arith.constant 0 : index
    %get3A_2228 = tpu.vector_load %arg6[%get3A_2225, %get3A_2226, %get3A_2227] {strides = array<i32>} : memref<2x8x16xi32, #tpu.memory_space<vmem>>, vector<1x1x16xi32>,
    %get3A_2229 = vector.shape_cast %get3A_2228 : vector<1x1x16xi32> to vector<16xi32>
    %ge3A_2230 = arith.cmpi sge, %add3A_2120, %get3A_2222 : vector<16xi32>
    %jit3A_2231 = arith.constant 0 : i32
    %broadcast_in_dim3A_2232 = vector.broadcast %jit3A_2231 : i32 to vector<16xi32>
    %select_n3A_2233 = arith.select %ge3A_2230, %get3A_2229, %broadcast_in_dim3A_2232 : vector<16xi1>, vector<16xi32>
    %add3A_2234 = arith.addi %add3A_2215, %select_n3A_2233 : vector<16xi32>
    %get3A_2235 = arith.constant 0 : i32
    %get3A_2236 = arith.constant 6 : i32
    %get3A_2237 = arith.index_cast %get3A_2235 : i32 to index
    %get3A_2238 = arith.index_cast %get3A_2236 : i32 to index
    %get3A_2239 = arith.constant 0 : index
    %get3A_2240 = tpu.vector_load %arg6[%get3A_2237, %get3A_2238, %get3A_2239] {strides = array<i32>} : memref<2x8x16xi32, #tpu.memory_space<vmem>>, vector<1x1x16xi32>,
    %get3A_2241 = vector.shape_cast %get3A_2240 : vector<1x1x16xi32> to vector<16xi32>
    %get3A_2242 = arith.constant 1 : i32
    %get3A_2243 = arith.constant 6 : i32
    %get3A_2244 = arith.index_cast %get3A_2242 : i32 to index
    %get3A_2245 = arith.index_cast %get3A_2243 : i32 to index
    %get3A_2246 = arith.constant 0 : index
    %get3A_2247 = tpu.vector_load %arg6[%get3A_2244, %get3A_2245, %get3A_2246] {strides = array<i32>} : memref<2x8x16xi32, #tpu.memory_space<vmem>>, vector<1x1x16xi32>,
    %get3A_2248 = vector.shape_cast %get3A_2247 : vector<1x1x16xi32> to vector<16xi32>
    %ge3A_2249 = arith.cmpi sge, %add3A_2120, %get3A_2241 : vector<16xi32>
    %jit3A_2250 = arith.constant 0 : i32
    %broadcast_in_dim3A_2251 = vector.broadcast %jit3A_2250 : i32 to vector<16xi32>
    %select_n3A_2252 = arith.select %ge3A_2249, %get3A_2248, %broadcast_in_dim3A_2251 : vector<16xi1>, vector<16xi32>
    %add3A_2253 = arith.addi %add3A_2234, %select_n3A_2252 : vector<16xi32>
    %get3A_2254 = arith.constant 0 : i32
    %get3A_2255 = arith.constant 7 : i32
    %get3A_2256 = arith.index_cast %get3A_2254 : i32 to index
    %get3A_2257 = arith.index_cast %get3A_2255 : i32 to index
    %get3A_2258 = arith.constant 0 : index
    %get3A_2259 = tpu.vector_load %arg6[%get3A_2256, %get3A_2257, %get3A_2258] {strides = array<i32>} : memref<2x8x16xi32, #tpu.memory_space<vmem>>, vector<1x1x16xi32>,
    %get3A_2260 = vector.shape_cast %get3A_2259 : vector<1x1x16xi32> to vector<16xi32>
    %get3A_2261 = arith.constant 1 : i32
    %get3A_2262 = arith.constant 7 : i32
    %get3A_2263 = arith.index_cast %get3A_2261 : i32 to index
    %get3A_2264 = arith.index_cast %get3A_2262 : i32 to index
    %get3A_2265 = arith.constant 0 : index
    %get3A_2266 = tpu.vector_load %arg6[%get3A_2263, %get3A_2264, %get3A_2265] {strides = array<i32>} : memref<2x8x16xi32, #tpu.memory_space<vmem>>, vector<1x1x16xi32>,
    %get3A_2267 = vector.shape_cast %get3A_2266 : vector<1x1x16xi32> to vector<16xi32>
    %ge3A_2268 = arith.cmpi sge, %add3A_2120, %get3A_2260 : vector<16xi32>
    %jit3A_2269 = arith.constant 0 : i32
    %broadcast_in_dim3A_2270 = vector.broadcast %jit3A_2269 : i32 to vector<16xi32>
    %select_n3A_2271 = arith.select %ge3A_2268, %get3A_2267, %broadcast_in_dim3A_2270 : vector<16xi1>, vector<16xi32>
    %add3A_2272 = arith.addi %add3A_2253, %select_n3A_2271 : vector<16xi32>
    %swap3A_2273 = arith.constant 13 : i32
    %swap3A_2274 = arith.index_cast %swap3A_2273 : i32 to index
    %swap3A_2275 = arith.constant 0 : index
    %swap3A_2276 = tpu.vector_load %arg7[%swap3A_2274, %swap3A_2275] {strides = array<i32>} : memref<16x16xi32, #tpu.memory_space<vmem>>, vector<1x16xi32>,
    %swap3A_2277 = vector.shape_cast %swap3A_2276 : vector<1x16xi32> to vector<16xi32>
    %swap3A_2278 = vector.shape_cast %add3A_2272 : vector<16xi32> to vector<1x16xi32>
    tpu.vector_store %arg7[%swap3A_2274, %swap3A_2275], %swap3A_2278 {strides = array<i32>} : memref<16x16xi32, #tpu.memory_space<vmem>>, vector<1x16xi32>,
    %add3A_2279 = arith.constant 224 : i32
    %add3A_2280 = arith.addi %multiple_of3A, %add3A_2279 : i32
    %iota3A_2281 = tpu.iota {dimensions = array<i32: 0>} : vector<16xi32>
    %add3A_2282 = vector.broadcast %add3A_2280 : i32 to vector<16xi32>
    %add3A_2283 = arith.addi %add3A_2282, %iota3A_2281 : vector<16xi32>
    %get3A_2284 = arith.constant 0 : i32
    %get3A_2285 = arith.constant 0 : i32
    %get3A_2286 = arith.index_cast %get3A_2284 : i32 to index
    %get3A_2287 = arith.index_cast %get3A_2285 : i32 to index
    %get3A_2288 = arith.constant 0 : index
    %get3A_2289 = tpu.vector_load %arg6[%get3A_2286, %get3A_2287, %get3A_2288] {strides = array<i32>} : memref<2x8x16xi32, #tpu.memory_space<vmem>>, vector<1x1x16xi32>,
    %get3A_2290 = vector.shape_cast %get3A_2289 : vector<1x1x16xi32> to vector<16xi32>
    %get3A_2291 = arith.constant 1 : i32
    %get3A_2292 = arith.constant 0 : i32
    %get3A_2293 = arith.index_cast %get3A_2291 : i32 to index
    %get3A_2294 = arith.index_cast %get3A_2292 : i32 to index
    %get3A_2295 = arith.constant 0 : index
    %get3A_2296 = tpu.vector_load %arg6[%get3A_2293, %get3A_2294, %get3A_2295] {strides = array<i32>} : memref<2x8x16xi32, #tpu.memory_space<vmem>>, vector<1x1x16xi32>,
    %get3A_2297 = vector.shape_cast %get3A_2296 : vector<1x1x16xi32> to vector<16xi32>
    %ge3A_2298 = arith.cmpi sge, %add3A_2283, %get3A_2290 : vector<16xi32>
    %jit3A_2299 = arith.constant 0 : i32
    %broadcast_in_dim3A_2300 = vector.broadcast %jit3A_2299 : i32 to vector<16xi32>
    %select_n3A_2301 = arith.select %ge3A_2298, %get3A_2297, %broadcast_in_dim3A_2300 : vector<16xi1>, vector<16xi32>
    %add3A_2302 = arith.addi %add3A_2283, %select_n3A_2301 : vector<16xi32>
    %get3A_2303 = arith.constant 0 : i32
    %get3A_2304 = arith.constant 1 : i32
    %get3A_2305 = arith.index_cast %get3A_2303 : i32 to index
    %get3A_2306 = arith.index_cast %get3A_2304 : i32 to index
    %get3A_2307 = arith.constant 0 : index
    %get3A_2308 = tpu.vector_load %arg6[%get3A_2305, %get3A_2306, %get3A_2307] {strides = array<i32>} : memref<2x8x16xi32, #tpu.memory_space<vmem>>, vector<1x1x16xi32>,
    %get3A_2309 = vector.shape_cast %get3A_2308 : vector<1x1x16xi32> to vector<16xi32>
    %get3A_2310 = arith.constant 1 : i32
    %get3A_2311 = arith.constant 1 : i32
    %get3A_2312 = arith.index_cast %get3A_2310 : i32 to index
    %get3A_2313 = arith.index_cast %get3A_2311 : i32 to index
    %get3A_2314 = arith.constant 0 : index
    %get3A_2315 = tpu.vector_load %arg6[%get3A_2312, %get3A_2313, %get3A_2314] {strides = array<i32>} : memref<2x8x16xi32, #tpu.memory_space<vmem>>, vector<1x1x16xi32>,
    %get3A_2316 = vector.shape_cast %get3A_2315 : vector<1x1x16xi32> to vector<16xi32>
    %ge3A_2317 = arith.cmpi sge, %add3A_2283, %get3A_2309 : vector<16xi32>
    %jit3A_2318 = arith.constant 0 : i32
    %broadcast_in_dim3A_2319 = vector.broadcast %jit3A_2318 : i32 to vector<16xi32>
    %select_n3A_2320 = arith.select %ge3A_2317, %get3A_2316, %broadcast_in_dim3A_2319 : vector<16xi1>, vector<16xi32>
    %add3A_2321 = arith.addi %add3A_2302, %select_n3A_2320 : vector<16xi32>
    %get3A_2322 = arith.constant 0 : i32
    %get3A_2323 = arith.constant 2 : i32
    %get3A_2324 = arith.index_cast %get3A_2322 : i32 to index
    %get3A_2325 = arith.index_cast %get3A_2323 : i32 to index
    %get3A_2326 = arith.constant 0 : index
    %get3A_2327 = tpu.vector_load %arg6[%get3A_2324, %get3A_2325, %get3A_2326] {strides = array<i32>} : memref<2x8x16xi32, #tpu.memory_space<vmem>>, vector<1x1x16xi32>,
    %get3A_2328 = vector.shape_cast %get3A_2327 : vector<1x1x16xi32> to vector<16xi32>
    %get3A_2329 = arith.constant 1 : i32
    %get3A_2330 = arith.constant 2 : i32
    %get3A_2331 = arith.index_cast %get3A_2329 : i32 to index
    %get3A_2332 = arith.index_cast %get3A_2330 : i32 to index
    %get3A_2333 = arith.constant 0 : index
    %get3A_2334 = tpu.vector_load %arg6[%get3A_2331, %get3A_2332, %get3A_2333] {strides = array<i32>} : memref<2x8x16xi32, #tpu.memory_space<vmem>>, vector<1x1x16xi32>,
    %get3A_2335 = vector.shape_cast %get3A_2334 : vector<1x1x16xi32> to vector<16xi32>
    %ge3A_2336 = arith.cmpi sge, %add3A_2283, %get3A_2328 : vector<16xi32>
    %jit3A_2337 = arith.constant 0 : i32
    %broadcast_in_dim3A_2338 = vector.broadcast %jit3A_2337 : i32 to vector<16xi32>
    %select_n3A_2339 = arith.select %ge3A_2336, %get3A_2335, %broadcast_in_dim3A_2338 : vector<16xi1>, vector<16xi32>
    %add3A_2340 = arith.addi %add3A_2321, %select_n3A_2339 : vector<16xi32>
    %get3A_2341 = arith.constant 0 : i32
    %get3A_2342 = arith.constant 3 : i32
    %get3A_2343 = arith.index_cast %get3A_2341 : i32 to index
    %get3A_2344 = arith.index_cast %get3A_2342 : i32 to index
    %get3A_2345 = arith.constant 0 : index
    %get3A_2346 = tpu.vector_load %arg6[%get3A_2343, %get3A_2344, %get3A_2345] {strides = array<i32>} : memref<2x8x16xi32, #tpu.memory_space<vmem>>, vector<1x1x16xi32>,
    %get3A_2347 = vector.shape_cast %get3A_2346 : vector<1x1x16xi32> to vector<16xi32>
    %get3A_2348 = arith.constant 1 : i32
    %get3A_2349 = arith.constant 3 : i32
    %get3A_2350 = arith.index_cast %get3A_2348 : i32 to index
    %get3A_2351 = arith.index_cast %get3A_2349 : i32 to index
    %get3A_2352 = arith.constant 0 : index
    %get3A_2353 = tpu.vector_load %arg6[%get3A_2350, %get3A_2351, %get3A_2352] {strides = array<i32>} : memref<2x8x16xi32, #tpu.memory_space<vmem>>, vector<1x1x16xi32>,
    %get3A_2354 = vector.shape_cast %get3A_2353 : vector<1x1x16xi32> to vector<16xi32>
    %ge3A_2355 = arith.cmpi sge, %add3A_2283, %get3A_2347 : vector<16xi32>
    %jit3A_2356 = arith.constant 0 : i32
    %broadcast_in_dim3A_2357 = vector.broadcast %jit3A_2356 : i32 to vector<16xi32>
    %select_n3A_2358 = arith.select %ge3A_2355, %get3A_2354, %broadcast_in_dim3A_2357 : vector<16xi1>, vector<16xi32>
    %add3A_2359 = arith.addi %add3A_2340, %select_n3A_2358 : vector<16xi32>
    %get3A_2360 = arith.constant 0 : i32
    %get3A_2361 = arith.constant 4 : i32
    %get3A_2362 = arith.index_cast %get3A_2360 : i32 to index
    %get3A_2363 = arith.index_cast %get3A_2361 : i32 to index
    %get3A_2364 = arith.constant 0 : index
    %get3A_2365 = tpu.vector_load %arg6[%get3A_2362, %get3A_2363, %get3A_2364] {strides = array<i32>} : memref<2x8x16xi32, #tpu.memory_space<vmem>>, vector<1x1x16xi32>,
    %get3A_2366 = vector.shape_cast %get3A_2365 : vector<1x1x16xi32> to vector<16xi32>
    %get3A_2367 = arith.constant 1 : i32
    %get3A_2368 = arith.constant 4 : i32
    %get3A_2369 = arith.index_cast %get3A_2367 : i32 to index
    %get3A_2370 = arith.index_cast %get3A_2368 : i32 to index
    %get3A_2371 = arith.constant 0 : index
    %get3A_2372 = tpu.vector_load %arg6[%get3A_2369, %get3A_2370, %get3A_2371] {strides = array<i32>} : memref<2x8x16xi32, #tpu.memory_space<vmem>>, vector<1x1x16xi32>,
    %get3A_2373 = vector.shape_cast %get3A_2372 : vector<1x1x16xi32> to vector<16xi32>
    %ge3A_2374 = arith.cmpi sge, %add3A_2283, %get3A_2366 : vector<16xi32>
    %jit3A_2375 = arith.constant 0 : i32
    %broadcast_in_dim3A_2376 = vector.broadcast %jit3A_2375 : i32 to vector<16xi32>
    %select_n3A_2377 = arith.select %ge3A_2374, %get3A_2373, %broadcast_in_dim3A_2376 : vector<16xi1>, vector<16xi32>
    %add3A_2378 = arith.addi %add3A_2359, %select_n3A_2377 : vector<16xi32>
    %get3A_2379 = arith.constant 0 : i32
    %get3A_2380 = arith.constant 5 : i32
    %get3A_2381 = arith.index_cast %get3A_2379 : i32 to index
    %get3A_2382 = arith.index_cast %get3A_2380 : i32 to index
    %get3A_2383 = arith.constant 0 : index
    %get3A_2384 = tpu.vector_load %arg6[%get3A_2381, %get3A_2382, %get3A_2383] {strides = array<i32>} : memref<2x8x16xi32, #tpu.memory_space<vmem>>, vector<1x1x16xi32>,
    %get3A_2385 = vector.shape_cast %get3A_2384 : vector<1x1x16xi32> to vector<16xi32>
    %get3A_2386 = arith.constant 1 : i32
    %get3A_2387 = arith.constant 5 : i32
    %get3A_2388 = arith.index_cast %get3A_2386 : i32 to index
    %get3A_2389 = arith.index_cast %get3A_2387 : i32 to index
    %get3A_2390 = arith.constant 0 : index
    %get3A_2391 = tpu.vector_load %arg6[%get3A_2388, %get3A_2389, %get3A_2390] {strides = array<i32>} : memref<2x8x16xi32, #tpu.memory_space<vmem>>, vector<1x1x16xi32>,
    %get3A_2392 = vector.shape_cast %get3A_2391 : vector<1x1x16xi32> to vector<16xi32>
    %ge3A_2393 = arith.cmpi sge, %add3A_2283, %get3A_2385 : vector<16xi32>
    %jit3A_2394 = arith.constant 0 : i32
    %broadcast_in_dim3A_2395 = vector.broadcast %jit3A_2394 : i32 to vector<16xi32>
    %select_n3A_2396 = arith.select %ge3A_2393, %get3A_2392, %broadcast_in_dim3A_2395 : vector<16xi1>, vector<16xi32>
    %add3A_2397 = arith.addi %add3A_2378, %select_n3A_2396 : vector<16xi32>
    %get3A_2398 = arith.constant 0 : i32
    %get3A_2399 = arith.constant 6 : i32
    %get3A_2400 = arith.index_cast %get3A_2398 : i32 to index
    %get3A_2401 = arith.index_cast %get3A_2399 : i32 to index
    %get3A_2402 = arith.constant 0 : index
    %get3A_2403 = tpu.vector_load %arg6[%get3A_2400, %get3A_2401, %get3A_2402] {strides = array<i32>} : memref<2x8x16xi32, #tpu.memory_space<vmem>>, vector<1x1x16xi32>,
    %get3A_2404 = vector.shape_cast %get3A_2403 : vector<1x1x16xi32> to vector<16xi32>
    %get3A_2405 = arith.constant 1 : i32
    %get3A_2406 = arith.constant 6 : i32
    %get3A_2407 = arith.index_cast %get3A_2405 : i32 to index
    %get3A_2408 = arith.index_cast %get3A_2406 : i32 to index
    %get3A_2409 = arith.constant 0 : index
    %get3A_2410 = tpu.vector_load %arg6[%get3A_2407, %get3A_2408, %get3A_2409] {strides = array<i32>} : memref<2x8x16xi32, #tpu.memory_space<vmem>>, vector<1x1x16xi32>,
    %get3A_2411 = vector.shape_cast %get3A_2410 : vector<1x1x16xi32> to vector<16xi32>
    %ge3A_2412 = arith.cmpi sge, %add3A_2283, %get3A_2404 : vector<16xi32>
    %jit3A_2413 = arith.constant 0 : i32
    %broadcast_in_dim3A_2414 = vector.broadcast %jit3A_2413 : i32 to vector<16xi32>
    %select_n3A_2415 = arith.select %ge3A_2412, %get3A_2411, %broadcast_in_dim3A_2414 : vector<16xi1>, vector<16xi32>
    %add3A_2416 = arith.addi %add3A_2397, %select_n3A_2415 : vector<16xi32>
    %get3A_2417 = arith.constant 0 : i32
    %get3A_2418 = arith.constant 7 : i32
    %get3A_2419 = arith.index_cast %get3A_2417 : i32 to index
    %get3A_2420 = arith.index_cast %get3A_2418 : i32 to index
    %get3A_2421 = arith.constant 0 : index
    %get3A_2422 = tpu.vector_load %arg6[%get3A_2419, %get3A_2420, %get3A_2421] {strides = array<i32>} : memref<2x8x16xi32, #tpu.memory_space<vmem>>, vector<1x1x16xi32>,
    %get3A_2423 = vector.shape_cast %get3A_2422 : vector<1x1x16xi32> to vector<16xi32>
    %get3A_2424 = arith.constant 1 : i32
    %get3A_2425 = arith.constant 7 : i32
    %get3A_2426 = arith.index_cast %get3A_2424 : i32 to index
    %get3A_2427 = arith.index_cast %get3A_2425 : i32 to index
    %get3A_2428 = arith.constant 0 : index
    %get3A_2429 = tpu.vector_load %arg6[%get3A_2426, %get3A_2427, %get3A_2428] {strides = array<i32>} : memref<2x8x16xi32, #tpu.memory_space<vmem>>, vector<1x1x16xi32>,
    %get3A_2430 = vector.shape_cast %get3A_2429 : vector<1x1x16xi32> to vector<16xi32>
    %ge3A_2431 = arith.cmpi sge, %add3A_2283, %get3A_2423 : vector<16xi32>
    %jit3A_2432 = arith.constant 0 : i32
    %broadcast_in_dim3A_2433 = vector.broadcast %jit3A_2432 : i32 to vector<16xi32>
    %select_n3A_2434 = arith.select %ge3A_2431, %get3A_2430, %broadcast_in_dim3A_2433 : vector<16xi1>, vector<16xi32>
    %add3A_2435 = arith.addi %add3A_2416, %select_n3A_2434 : vector<16xi32>
    %swap3A_2436 = arith.constant 14 : i32
    %swap3A_2437 = arith.index_cast %swap3A_2436 : i32 to index
    %swap3A_2438 = arith.constant 0 : index
    %swap3A_2439 = tpu.vector_load %arg7[%swap3A_2437, %swap3A_2438] {strides = array<i32>} : memref<16x16xi32, #tpu.memory_space<vmem>>, vector<1x16xi32>,
    %swap3A_2440 = vector.shape_cast %swap3A_2439 : vector<1x16xi32> to vector<16xi32>
    %swap3A_2441 = vector.shape_cast %add3A_2435 : vector<16xi32> to vector<1x16xi32>
    tpu.vector_store %arg7[%swap3A_2437, %swap3A_2438], %swap3A_2441 {strides = array<i32>} : memref<16x16xi32, #tpu.memory_space<vmem>>, vector<1x16xi32>,
    %add3A_2442 = arith.constant 240 : i32
    %add3A_2443 = arith.addi %multiple_of3A, %add3A_2442 : i32
    %iota3A_2444 = tpu.iota {dimensions = array<i32: 0>} : vector<16xi32>
    %add3A_2445 = vector.broadcast %add3A_2443 : i32 to vector<16xi32>
    %add3A_2446 = arith.addi %add3A_2445, %iota3A_2444 : vector<16xi32>
    %get3A_2447 = arith.constant 0 : i32
    %get3A_2448 = arith.constant 0 : i32
    %get3A_2449 = arith.index_cast %get3A_2447 : i32 to index
    %get3A_2450 = arith.index_cast %get3A_2448 : i32 to index
    %get3A_2451 = arith.constant 0 : index
    %get3A_2452 = tpu.vector_load %arg6[%get3A_2449, %get3A_2450, %get3A_2451] {strides = array<i32>} : memref<2x8x16xi32, #tpu.memory_space<vmem>>, vector<1x1x16xi32>,
    %get3A_2453 = vector.shape_cast %get3A_2452 : vector<1x1x16xi32> to vector<16xi32>
    %get3A_2454 = arith.constant 1 : i32
    %get3A_2455 = arith.constant 0 : i32
    %get3A_2456 = arith.index_cast %get3A_2454 : i32 to index
    %get3A_2457 = arith.index_cast %get3A_2455 : i32 to index
    %get3A_2458 = arith.constant 0 : index
    %get3A_2459 = tpu.vector_load %arg6[%get3A_2456, %get3A_2457, %get3A_2458] {strides = array<i32>} : memref<2x8x16xi32, #tpu.memory_space<vmem>>, vector<1x1x16xi32>,
    %get3A_2460 = vector.shape_cast %get3A_2459 : vector<1x1x16xi32> to vector<16xi32>
    %ge3A_2461 = arith.cmpi sge, %add3A_2446, %get3A_2453 : vector<16xi32>
    %jit3A_2462 = arith.constant 0 : i32
    %broadcast_in_dim3A_2463 = vector.broadcast %jit3A_2462 : i32 to vector<16xi32>
    %select_n3A_2464 = arith.select %ge3A_2461, %get3A_2460, %broadcast_in_dim3A_2463 : vector<16xi1>, vector<16xi32>
    %add3A_2465 = arith.addi %add3A_2446, %select_n3A_2464 : vector<16xi32>
    %get3A_2466 = arith.constant 0 : i32
    %get3A_2467 = arith.constant 1 : i32
    %get3A_2468 = arith.index_cast %get3A_2466 : i32 to index
    %get3A_2469 = arith.index_cast %get3A_2467 : i32 to index
    %get3A_2470 = arith.constant 0 : index
    %get3A_2471 = tpu.vector_load %arg6[%get3A_2468, %get3A_2469, %get3A_2470] {strides = array<i32>} : memref<2x8x16xi32, #tpu.memory_space<vmem>>, vector<1x1x16xi32>,
    %get3A_2472 = vector.shape_cast %get3A_2471 : vector<1x1x16xi32> to vector<16xi32>
    %get3A_2473 = arith.constant 1 : i32
    %get3A_2474 = arith.constant 1 : i32
    %get3A_2475 = arith.index_cast %get3A_2473 : i32 to index
    %get3A_2476 = arith.index_cast %get3A_2474 : i32 to index
    %get3A_2477 = arith.constant 0 : index
    %get3A_2478 = tpu.vector_load %arg6[%get3A_2475, %get3A_2476, %get3A_2477] {strides = array<i32>} : memref<2x8x16xi32, #tpu.memory_space<vmem>>, vector<1x1x16xi32>,
    %get3A_2479 = vector.shape_cast %get3A_2478 : vector<1x1x16xi32> to vector<16xi32>
    %ge3A_2480 = arith.cmpi sge, %add3A_2446, %get3A_2472 : vector<16xi32>
    %jit3A_2481 = arith.constant 0 : i32
    %broadcast_in_dim3A_2482 = vector.broadcast %jit3A_2481 : i32 to vector<16xi32>
    %select_n3A_2483 = arith.select %ge3A_2480, %get3A_2479, %broadcast_in_dim3A_2482 : vector<16xi1>, vector<16xi32>
    %add3A_2484 = arith.addi %add3A_2465, %select_n3A_2483 : vector<16xi32>
    %get3A_2485 = arith.constant 0 : i32
    %get3A_2486 = arith.constant 2 : i32
    %get3A_2487 = arith.index_cast %get3A_2485 : i32 to index
    %get3A_2488 = arith.index_cast %get3A_2486 : i32 to index
    %get3A_2489 = arith.constant 0 : index
    %get3A_2490 = tpu.vector_load %arg6[%get3A_2487, %get3A_2488, %get3A_2489] {strides = array<i32>} : memref<2x8x16xi32, #tpu.memory_space<vmem>>, vector<1x1x16xi32>,
    %get3A_2491 = vector.shape_cast %get3A_2490 : vector<1x1x16xi32> to vector<16xi32>
    %get3A_2492 = arith.constant 1 : i32
    %get3A_2493 = arith.constant 2 : i32
    %get3A_2494 = arith.index_cast %get3A_2492 : i32 to index
    %get3A_2495 = arith.index_cast %get3A_2493 : i32 to index
    %get3A_2496 = arith.constant 0 : index
    %get3A_2497 = tpu.vector_load %arg6[%get3A_2494, %get3A_2495, %get3A_2496] {strides = array<i32>} : memref<2x8x16xi32, #tpu.memory_space<vmem>>, vector<1x1x16xi32>,
    %get3A_2498 = vector.shape_cast %get3A_2497 : vector<1x1x16xi32> to vector<16xi32>
    %ge3A_2499 = arith.cmpi sge, %add3A_2446, %get3A_2491 : vector<16xi32>
    %jit3A_2500 = arith.constant 0 : i32
    %broadcast_in_dim3A_2501 = vector.broadcast %jit3A_2500 : i32 to vector<16xi32>
    %select_n3A_2502 = arith.select %ge3A_2499, %get3A_2498, %broadcast_in_dim3A_2501 : vector<16xi1>, vector<16xi32>
    %add3A_2503 = arith.addi %add3A_2484, %select_n3A_2502 : vector<16xi32>
    %get3A_2504 = arith.constant 0 : i32
    %get3A_2505 = arith.constant 3 : i32
    %get3A_2506 = arith.index_cast %get3A_2504 : i32 to index
    %get3A_2507 = arith.index_cast %get3A_2505 : i32 to index
    %get3A_2508 = arith.constant 0 : index
    %get3A_2509 = tpu.vector_load %arg6[%get3A_2506, %get3A_2507, %get3A_2508] {strides = array<i32>} : memref<2x8x16xi32, #tpu.memory_space<vmem>>, vector<1x1x16xi32>,
    %get3A_2510 = vector.shape_cast %get3A_2509 : vector<1x1x16xi32> to vector<16xi32>
    %get3A_2511 = arith.constant 1 : i32
    %get3A_2512 = arith.constant 3 : i32
    %get3A_2513 = arith.index_cast %get3A_2511 : i32 to index
    %get3A_2514 = arith.index_cast %get3A_2512 : i32 to index
    %get3A_2515 = arith.constant 0 : index
    %get3A_2516 = tpu.vector_load %arg6[%get3A_2513, %get3A_2514, %get3A_2515] {strides = array<i32>} : memref<2x8x16xi32, #tpu.memory_space<vmem>>, vector<1x1x16xi32>,
    %get3A_2517 = vector.shape_cast %get3A_2516 : vector<1x1x16xi32> to vector<16xi32>
    %ge3A_2518 = arith.cmpi sge, %add3A_2446, %get3A_2510 : vector<16xi32>
    %jit3A_2519 = arith.constant 0 : i32
    %broadcast_in_dim3A_2520 = vector.broadcast %jit3A_2519 : i32 to vector<16xi32>
    %select_n3A_2521 = arith.select %ge3A_2518, %get3A_2517, %broadcast_in_dim3A_2520 : vector<16xi1>, vector<16xi32>
    %add3A_2522 = arith.addi %add3A_2503, %select_n3A_2521 : vector<16xi32>
    %get3A_2523 = arith.constant 0 : i32
    %get3A_2524 = arith.constant 4 : i32
    %get3A_2525 = arith.index_cast %get3A_2523 : i32 to index
    %get3A_2526 = arith.index_cast %get3A_2524 : i32 to index
    %get3A_2527 = arith.constant 0 : index
    %get3A_2528 = tpu.vector_load %arg6[%get3A_2525, %get3A_2526, %get3A_2527] {strides = array<i32>} : memref<2x8x16xi32, #tpu.memory_space<vmem>>, vector<1x1x16xi32>,
    %get3A_2529 = vector.shape_cast %get3A_2528 : vector<1x1x16xi32> to vector<16xi32>
    %get3A_2530 = arith.constant 1 : i32
    %get3A_2531 = arith.constant 4 : i32
    %get3A_2532 = arith.index_cast %get3A_2530 : i32 to index
    %get3A_2533 = arith.index_cast %get3A_2531 : i32 to index
    %get3A_2534 = arith.constant 0 : index
    %get3A_2535 = tpu.vector_load %arg6[%get3A_2532, %get3A_2533, %get3A_2534] {strides = array<i32>} : memref<2x8x16xi32, #tpu.memory_space<vmem>>, vector<1x1x16xi32>,
    %get3A_2536 = vector.shape_cast %get3A_2535 : vector<1x1x16xi32> to vector<16xi32>
    %ge3A_2537 = arith.cmpi sge, %add3A_2446, %get3A_2529 : vector<16xi32>
    %jit3A_2538 = arith.constant 0 : i32
    %broadcast_in_dim3A_2539 = vector.broadcast %jit3A_2538 : i32 to vector<16xi32>
    %select_n3A_2540 = arith.select %ge3A_2537, %get3A_2536, %broadcast_in_dim3A_2539 : vector<16xi1>, vector<16xi32>
    %add3A_2541 = arith.addi %add3A_2522, %select_n3A_2540 : vector<16xi32>
    %get3A_2542 = arith.constant 0 : i32
    %get3A_2543 = arith.constant 5 : i32
    %get3A_2544 = arith.index_cast %get3A_2542 : i32 to index
    %get3A_2545 = arith.index_cast %get3A_2543 : i32 to index
    %get3A_2546 = arith.constant 0 : index
    %get3A_2547 = tpu.vector_load %arg6[%get3A_2544, %get3A_2545, %get3A_2546] {strides = array<i32>} : memref<2x8x16xi32, #tpu.memory_space<vmem>>, vector<1x1x16xi32>,
    %get3A_2548 = vector.shape_cast %get3A_2547 : vector<1x1x16xi32> to vector<16xi32>
    %get3A_2549 = arith.constant 1 : i32
    %get3A_2550 = arith.constant 5 : i32
    %get3A_2551 = arith.index_cast %get3A_2549 : i32 to index
    %get3A_2552 = arith.index_cast %get3A_2550 : i32 to index
    %get3A_2553 = arith.constant 0 : index
    %get3A_2554 = tpu.vector_load %arg6[%get3A_2551, %get3A_2552, %get3A_2553] {strides = array<i32>} : memref<2x8x16xi32, #tpu.memory_space<vmem>>, vector<1x1x16xi32>,
    %get3A_2555 = vector.shape_cast %get3A_2554 : vector<1x1x16xi32> to vector<16xi32>
    %ge3A_2556 = arith.cmpi sge, %add3A_2446, %get3A_2548 : vector<16xi32>
    %jit3A_2557 = arith.constant 0 : i32
    %broadcast_in_dim3A_2558 = vector.broadcast %jit3A_2557 : i32 to vector<16xi32>
    %select_n3A_2559 = arith.select %ge3A_2556, %get3A_2555, %broadcast_in_dim3A_2558 : vector<16xi1>, vector<16xi32>
    %add3A_2560 = arith.addi %add3A_2541, %select_n3A_2559 : vector<16xi32>
    %get3A_2561 = arith.constant 0 : i32
    %get3A_2562 = arith.constant 6 : i32
    %get3A_2563 = arith.index_cast %get3A_2561 : i32 to index
    %get3A_2564 = arith.index_cast %get3A_2562 : i32 to index
    %get3A_2565 = arith.constant 0 : index
    %get3A_2566 = tpu.vector_load %arg6[%get3A_2563, %get3A_2564, %get3A_2565] {strides = array<i32>} : memref<2x8x16xi32, #tpu.memory_space<vmem>>, vector<1x1x16xi32>,
    %get3A_2567 = vector.shape_cast %get3A_2566 : vector<1x1x16xi32> to vector<16xi32>
    %get3A_2568 = arith.constant 1 : i32
    %get3A_2569 = arith.constant 6 : i32
    %get3A_2570 = arith.index_cast %get3A_2568 : i32 to index
    %get3A_2571 = arith.index_cast %get3A_2569 : i32 to index
    %get3A_2572 = arith.constant 0 : index
    %get3A_2573 = tpu.vector_load %arg6[%get3A_2570, %get3A_2571, %get3A_2572] {strides = array<i32>} : memref<2x8x16xi32, #tpu.memory_space<vmem>>, vector<1x1x16xi32>,
    %get3A_2574 = vector.shape_cast %get3A_2573 : vector<1x1x16xi32> to vector<16xi32>
    %ge3A_2575 = arith.cmpi sge, %add3A_2446, %get3A_2567 : vector<16xi32>
    %jit3A_2576 = arith.constant 0 : i32
    %broadcast_in_dim3A_2577 = vector.broadcast %jit3A_2576 : i32 to vector<16xi32>
    %select_n3A_2578 = arith.select %ge3A_2575, %get3A_2574, %broadcast_in_dim3A_2577 : vector<16xi1>, vector<16xi32>
    %add3A_2579 = arith.addi %add3A_2560, %select_n3A_2578 : vector<16xi32>
    %get3A_2580 = arith.constant 0 : i32
    %get3A_2581 = arith.constant 7 : i32
    %get3A_2582 = arith.index_cast %get3A_2580 : i32 to index
    %get3A_2583 = arith.index_cast %get3A_2581 : i32 to index
    %get3A_2584 = arith.constant 0 : index
    %get3A_2585 = tpu.vector_load %arg6[%get3A_2582, %get3A_2583, %get3A_2584] {strides = array<i32>} : memref<2x8x16xi32, #tpu.memory_space<vmem>>, vector<1x1x16xi32>,
    %get3A_2586 = vector.shape_cast %get3A_2585 : vector<1x1x16xi32> to vector<16xi32>
    %get3A_2587 = arith.constant 1 : i32
    %get3A_2588 = arith.constant 7 : i32
    %get3A_2589 = arith.index_cast %get3A_2587 : i32 to index
    %get3A_2590 = arith.index_cast %get3A_2588 : i32 to index
    %get3A_2591 = arith.constant 0 : index
    %get3A_2592 = tpu.vector_load %arg6[%get3A_2589, %get3A_2590, %get3A_2591] {strides = array<i32>} : memref<2x8x16xi32, #tpu.memory_space<vmem>>, vector<1x1x16xi32>,
    %get3A_2593 = vector.shape_cast %get3A_2592 : vector<1x1x16xi32> to vector<16xi32>
    %ge3A_2594 = arith.cmpi sge, %add3A_2446, %get3A_2586 : vector<16xi32>
    %jit3A_2595 = arith.constant 0 : i32
    %broadcast_in_dim3A_2596 = vector.broadcast %jit3A_2595 : i32 to vector<16xi32>
    %select_n3A_2597 = arith.select %ge3A_2594, %get3A_2593, %broadcast_in_dim3A_2596 : vector<16xi1>, vector<16xi32>
    %add3A_2598 = arith.addi %add3A_2579, %select_n3A_2597 : vector<16xi32>
    %swap3A_2599 = arith.constant 15 : i32
    %swap3A_2600 = arith.index_cast %swap3A_2599 : i32 to index
    %swap3A_2601 = arith.constant 0 : index
    %swap3A_2602 = tpu.vector_load %arg7[%swap3A_2600, %swap3A_2601] {strides = array<i32>} : memref<16x16xi32, #tpu.memory_space<vmem>>, vector<1x16xi32>,
    %swap3A_2603 = vector.shape_cast %swap3A_2602 : vector<1x16xi32> to vector<16xi32>
    %swap3A_2604 = vector.shape_cast %add3A_2598 : vector<16xi32> to vector<1x16xi32>
    tpu.vector_store %arg7[%swap3A_2600, %swap3A_2601], %swap3A_2604 {strides = array<i32>} : memref<16x16xi32, #tpu.memory_space<vmem>>, vector<1x16xi32>,
    %dma_start3A = arith.constant 0 : i32
    %dma_start3A_2605 = arith.constant 0 : i32
    %dma_start3A_2606 = arith.constant 0 : i32
    %dma_start3A_2607 = arith.constant 0 : i32
    %dma_start3A_2608 = tpu.memref_slice %arg8[%dma_start3A_2605, %dma_start3A_2606, %dma_start3A_2607] : memref<6x16x1024xf32, #tpu.memory_space<vmem>> -> memref<1x16x1024xf32, #tpu.memory_space<vmem>>
    %dma_start3A_2609 = tpu.memref_squeeze %dma_start3A_2608 : memref<1x16x1024xf32, #tpu.memory_space<vmem>> -> memref<16x1024xf32, #tpu.memory_space<vmem>>
    %dma_start3A_2610 = arith.constant 0 : i32
    %dma_start3A_2611 = tpu.memref_slice %arg7[%dma_start3A, %dma_start3A_2610] : memref<16x16xi32, #tpu.memory_space<vmem>> -> memref<1x16xi32, #tpu.memory_space<vmem>>
    %dma_start3A_2612 = tpu.memref_squeeze %dma_start3A_2611 : memref<1x16xi32, #tpu.memory_space<vmem>> -> memref<16xi32, #tpu.memory_space<vmem>>
    %dma_start3A_2613 = arith.constant 0 : i32
    %dma_start3A_2614 = arith.constant 0 : i32
    %dma_start3A_2615 = tpu.memref_slice %arg2[%dma_start3A_2613, %dma_start3A_2614] : memref<16384x1024xf32, #tpu.memory_space<hbm>> -> memref<16384x1024xf32, #tpu.memory_space<hbm>>
    tpu.enqueue_indirect_dma source(%dma_start3A_2615 : memref<16384x1024xf32, #tpu.memory_space<hbm>>) target(%dma_start3A_2609 : memref<16x1024xf32, #tpu.memory_space<vmem>>) offsets(%dma_start3A_2612 : memref<16xi32, #tpu.memory_space<vmem>>) semaphore(%arg9 : memref<!tpu.dma_semaphore, #tpu.memory_space<semaphore_mem>>)
    %dma_start3A_2616 = arith.constant 1 : i32
    %dma_start3A_2617 = arith.constant 1 : i32
    %dma_start3A_2618 = arith.constant 0 : i32
    %dma_start3A_2619 = arith.constant 0 : i32
    %dma_start3A_2620 = tpu.memref_slice %arg8[%dma_start3A_2617, %dma_start3A_2618, %dma_start3A_2619] : memref<6x16x1024xf32, #tpu.memory_space<vmem>> -> memref<1x16x1024xf32, #tpu.memory_space<vmem>>
    %dma_start3A_2621 = tpu.memref_squeeze %dma_start3A_2620 : memref<1x16x1024xf32, #tpu.memory_space<vmem>> -> memref<16x1024xf32, #tpu.memory_space<vmem>>
    %dma_start3A_2622 = arith.constant 0 : i32
    %dma_start3A_2623 = tpu.memref_slice %arg7[%dma_start3A_2616, %dma_start3A_2622] : memref<16x16xi32, #tpu.memory_space<vmem>> -> memref<1x16xi32, #tpu.memory_space<vmem>>
    %dma_start3A_2624 = tpu.memref_squeeze %dma_start3A_2623 : memref<1x16xi32, #tpu.memory_space<vmem>> -> memref<16xi32, #tpu.memory_space<vmem>>
    %dma_start3A_2625 = arith.constant 0 : i32
    %dma_start3A_2626 = arith.constant 0 : i32
    %dma_start3A_2627 = tpu.memref_slice %arg2[%dma_start3A_2625, %dma_start3A_2626] : memref<16384x1024xf32, #tpu.memory_space<hbm>> -> memref<16384x1024xf32, #tpu.memory_space<hbm>>
    tpu.enqueue_indirect_dma source(%dma_start3A_2627 : memref<16384x1024xf32, #tpu.memory_space<hbm>>) target(%dma_start3A_2621 : memref<16x1024xf32, #tpu.memory_space<vmem>>) offsets(%dma_start3A_2624 : memref<16xi32, #tpu.memory_space<vmem>>) semaphore(%arg10 : memref<!tpu.dma_semaphore, #tpu.memory_space<semaphore_mem>>)
    %dma_start3A_2628 = arith.constant 2 : i32
    %dma_start3A_2629 = arith.constant 2 : i32
    %dma_start3A_2630 = arith.constant 0 : i32
    %dma_start3A_2631 = arith.constant 0 : i32
    %dma_start3A_2632 = tpu.memref_slice %arg8[%dma_start3A_2629, %dma_start3A_2630, %dma_start3A_2631] : memref<6x16x1024xf32, #tpu.memory_space<vmem>> -> memref<1x16x1024xf32, #tpu.memory_space<vmem>>
    %dma_start3A_2633 = tpu.memref_squeeze %dma_start3A_2632 : memref<1x16x1024xf32, #tpu.memory_space<vmem>> -> memref<16x1024xf32, #tpu.memory_space<vmem>>
    %dma_start3A_2634 = arith.constant 0 : i32
    %dma_start3A_2635 = tpu.memref_slice %arg7[%dma_start3A_2628, %dma_start3A_2634] : memref<16x16xi32, #tpu.memory_space<vmem>> -> memref<1x16xi32, #tpu.memory_space<vmem>>
    %dma_start3A_2636 = tpu.memref_squeeze %dma_start3A_2635 : memref<1x16xi32, #tpu.memory_space<vmem>> -> memref<16xi32, #tpu.memory_space<vmem>>
    %dma_start3A_2637 = arith.constant 0 : i32
    %dma_start3A_2638 = arith.constant 0 : i32
    %dma_start3A_2639 = tpu.memref_slice %arg2[%dma_start3A_2637, %dma_start3A_2638] : memref<16384x1024xf32, #tpu.memory_space<hbm>> -> memref<16384x1024xf32, #tpu.memory_space<hbm>>
    tpu.enqueue_indirect_dma source(%dma_start3A_2639 : memref<16384x1024xf32, #tpu.memory_space<hbm>>) target(%dma_start3A_2633 : memref<16x1024xf32, #tpu.memory_space<vmem>>) offsets(%dma_start3A_2636 : memref<16xi32, #tpu.memory_space<vmem>>) semaphore(%arg11 : memref<!tpu.dma_semaphore, #tpu.memory_space<semaphore_mem>>)
    %dma_start3A_2640 = arith.constant 3 : i32
    %dma_start3A_2641 = arith.constant 3 : i32
    %dma_start3A_2642 = arith.constant 0 : i32
    %dma_start3A_2643 = arith.constant 0 : i32
    %dma_start3A_2644 = tpu.memref_slice %arg8[%dma_start3A_2641, %dma_start3A_2642, %dma_start3A_2643] : memref<6x16x1024xf32, #tpu.memory_space<vmem>> -> memref<1x16x1024xf32, #tpu.memory_space<vmem>>
    %dma_start3A_2645 = tpu.memref_squeeze %dma_start3A_2644 : memref<1x16x1024xf32, #tpu.memory_space<vmem>> -> memref<16x1024xf32, #tpu.memory_space<vmem>>
    %dma_start3A_2646 = arith.constant 0 : i32
    %dma_start3A_2647 = tpu.memref_slice %arg7[%dma_start3A_2640, %dma_start3A_2646] : memref<16x16xi32, #tpu.memory_space<vmem>> -> memref<1x16xi32, #tpu.memory_space<vmem>>
    %dma_start3A_2648 = tpu.memref_squeeze %dma_start3A_2647 : memref<1x16xi32, #tpu.memory_space<vmem>> -> memref<16xi32, #tpu.memory_space<vmem>>
    %dma_start3A_2649 = arith.constant 0 : i32
    %dma_start3A_2650 = arith.constant 0 : i32
    %dma_start3A_2651 = tpu.memref_slice %arg2[%dma_start3A_2649, %dma_start3A_2650] : memref<16384x1024xf32, #tpu.memory_space<hbm>> -> memref<16384x1024xf32, #tpu.memory_space<hbm>>
    tpu.enqueue_indirect_dma source(%dma_start3A_2651 : memref<16384x1024xf32, #tpu.memory_space<hbm>>) target(%dma_start3A_2645 : memref<16x1024xf32, #tpu.memory_space<vmem>>) offsets(%dma_start3A_2648 : memref<16xi32, #tpu.memory_space<vmem>>) semaphore(%arg12 : memref<!tpu.dma_semaphore, #tpu.memory_space<semaphore_mem>>)
    %dma_start3A_2652 = arith.constant 4 : i32
    %dma_start3A_2653 = arith.constant 4 : i32
    %dma_start3A_2654 = arith.constant 0 : i32
    %dma_start3A_2655 = arith.constant 0 : i32
    %dma_start3A_2656 = tpu.memref_slice %arg8[%dma_start3A_2653, %dma_start3A_2654, %dma_start3A_2655] : memref<6x16x1024xf32, #tpu.memory_space<vmem>> -> memref<1x16x1024xf32, #tpu.memory_space<vmem>>
    %dma_start3A_2657 = tpu.memref_squeeze %dma_start3A_2656 : memref<1x16x1024xf32, #tpu.memory_space<vmem>> -> memref<16x1024xf32, #tpu.memory_space<vmem>>
    %dma_start3A_2658 = arith.constant 0 : i32
    %dma_start3A_2659 = tpu.memref_slice %arg7[%dma_start3A_2652, %dma_start3A_2658] : memref<16x16xi32, #tpu.memory_space<vmem>> -> memref<1x16xi32, #tpu.memory_space<vmem>>
    %dma_start3A_2660 = tpu.memref_squeeze %dma_start3A_2659 : memref<1x16xi32, #tpu.memory_space<vmem>> -> memref<16xi32, #tpu.memory_space<vmem>>
    %dma_start3A_2661 = arith.constant 0 : i32
    %dma_start3A_2662 = arith.constant 0 : i32
    %dma_start3A_2663 = tpu.memref_slice %arg2[%dma_start3A_2661, %dma_start3A_2662] : memref<16384x1024xf32, #tpu.memory_space<hbm>> -> memref<16384x1024xf32, #tpu.memory_space<hbm>>
    tpu.enqueue_indirect_dma source(%dma_start3A_2663 : memref<16384x1024xf32, #tpu.memory_space<hbm>>) target(%dma_start3A_2657 : memref<16x1024xf32, #tpu.memory_space<vmem>>) offsets(%dma_start3A_2660 : memref<16xi32, #tpu.memory_space<vmem>>) semaphore(%arg13 : memref<!tpu.dma_semaphore, #tpu.memory_space<semaphore_mem>>)
    %dma_wait3A = arith.constant 0 : i32
    %dma_wait3A_2664 = arith.constant 0 : i32
    %dma_wait3A_2665 = arith.constant 0 : i32
    %dma_wait3A_2666 = arith.constant 0 : i32
    %dma_wait3A_2667 = tpu.memref_slice %arg8[%dma_wait3A_2664, %dma_wait3A_2665, %dma_wait3A_2666] : memref<6x16x1024xf32, #tpu.memory_space<vmem>> -> memref<1x16x1024xf32, #tpu.memory_space<vmem>>
    %dma_wait3A_2668 = tpu.memref_squeeze %dma_wait3A_2667 : memref<1x16x1024xf32, #tpu.memory_space<vmem>> -> memref<16x1024xf32, #tpu.memory_space<vmem>>
    %dma_wait3A_2669 = arith.constant 0 : i32
    %dma_wait3A_2670 = tpu.memref_slice %arg7[%dma_wait3A, %dma_wait3A_2669] : memref<16x16xi32, #tpu.memory_space<vmem>> -> memref<1x16xi32, #tpu.memory_space<vmem>>
    %dma_wait3A_2671 = tpu.memref_squeeze %dma_wait3A_2670 : memref<1x16xi32, #tpu.memory_space<vmem>> -> memref<16xi32, #tpu.memory_space<vmem>>
    %dma_wait3A_2672 = arith.constant 0 : i32
    %dma_wait3A_2673 = arith.constant 0 : i32
    %dma_wait3A_2674 = tpu.memref_slice %arg2[%dma_wait3A_2672, %dma_wait3A_2673] : memref<16384x1024xf32, #tpu.memory_space<hbm>> -> memref<16384x1024xf32, #tpu.memory_space<hbm>>
    tpu.wait_indirect_dma semaphore(%arg9 : memref<!tpu.dma_semaphore, #tpu.memory_space<semaphore_mem>>) src(%dma_wait3A_2674 : memref<16384x1024xf32, #tpu.memory_space<hbm>>) dst(%dma_wait3A_2668 : memref<16x1024xf32, #tpu.memory_space<vmem>>)
    %add3A_2675 = arith.constant 0 : i32
    %add3A_2676 = arith.addi %multiple_of3A, %add3A_2675 : i32
    %dma_start3A_2677 = arith.constant 0 : i32
    %dma_start3A_2678 = arith.constant 0 : i32
    %dma_start3A_2679 = arith.constant 0 : i32
    %dma_start3A_2680 = tpu.memref_slice %arg8[%dma_start3A_2677, %dma_start3A_2678, %dma_start3A_2679] : memref<6x16x1024xf32, #tpu.memory_space<vmem>> -> memref<1x16x1024xf32, #tpu.memory_space<vmem>>
    %dma_start3A_2681 = tpu.memref_squeeze %dma_start3A_2680 : memref<1x16x1024xf32, #tpu.memory_space<vmem>> -> memref<16x1024xf32, #tpu.memory_space<vmem>>
    %dma_start3A_2682 = arith.constant 0 : i32
    %dma_start3A_2683 = tpu.memref_slice %arg5[%add3A_2676, %dma_start3A_2682] : memref<8192x1024xf32, #tpu.memory_space<hbm>> -> memref<16x1024xf32, #tpu.memory_space<hbm>>
    %dma_start3A_2684 = arith.constant 0 : i32
    %dma_start3A_2685 = tpu.memref_slice %arg5[%add3A_2676, %dma_start3A_2684] : memref<8192x1024xf32, #tpu.memory_space<hbm>> -> memref<16x1024xf32, #tpu.memory_space<hbm>>
    %dma_start3A_2686 = arith.constant 0 : i32
    %dma_start3A_2687 = arith.constant 0 : i32
    %dma_start3A_2688 = tpu.memref_slice %arg8[%dma_start3A_2677, %dma_start3A_2686, %dma_start3A_2687] : memref<6x16x1024xf32, #tpu.memory_space<vmem>> -> memref<1x16x1024xf32, #tpu.memory_space<vmem>>
    %dma_start3A_2689 = tpu.memref_squeeze %dma_start3A_2688 : memref<1x16x1024xf32, #tpu.memory_space<vmem>> -> memref<16x1024xf32, #tpu.memory_space<vmem>>
    tpu.enqueue_dma source(%dma_start3A_2689 : memref<16x1024xf32, #tpu.memory_space<vmem>>) target(%dma_start3A_2685 : memref<16x1024xf32, #tpu.memory_space<hbm>>) target_semaphore(%arg15 : memref<!tpu.dma_semaphore, #tpu.memory_space<semaphore_mem>>)
    %dma_start3A_2690 = arith.constant 5 : i32
    %dma_start3A_2691 = arith.constant 5 : i32
    %dma_start3A_2692 = arith.constant 0 : i32
    %dma_start3A_2693 = arith.constant 0 : i32
    %dma_start3A_2694 = tpu.memref_slice %arg8[%dma_start3A_2691, %dma_start3A_2692, %dma_start3A_2693] : memref<6x16x1024xf32, #tpu.memory_space<vmem>> -> memref<1x16x1024xf32, #tpu.memory_space<vmem>>
    %dma_start3A_2695 = tpu.memref_squeeze %dma_start3A_2694 : memref<1x16x1024xf32, #tpu.memory_space<vmem>> -> memref<16x1024xf32, #tpu.memory_space<vmem>>
    %dma_start3A_2696 = arith.constant 0 : i32
    %dma_start3A_2697 = tpu.memref_slice %arg7[%dma_start3A_2690, %dma_start3A_2696] : memref<16x16xi32, #tpu.memory_space<vmem>> -> memref<1x16xi32, #tpu.memory_space<vmem>>
    %dma_start3A_2698 = tpu.memref_squeeze %dma_start3A_2697 : memref<1x16xi32, #tpu.memory_space<vmem>> -> memref<16xi32, #tpu.memory_space<vmem>>
    %dma_start3A_2699 = arith.constant 0 : i32
    %dma_start3A_2700 = arith.constant 0 : i32
    %dma_start3A_2701 = tpu.memref_slice %arg2[%dma_start3A_2699, %dma_start3A_2700] : memref<16384x1024xf32, #tpu.memory_space<hbm>> -> memref<16384x1024xf32, #tpu.memory_space<hbm>>
    tpu.enqueue_indirect_dma source(%dma_start3A_2701 : memref<16384x1024xf32, #tpu.memory_space<hbm>>) target(%dma_start3A_2695 : memref<16x1024xf32, #tpu.memory_space<vmem>>) offsets(%dma_start3A_2698 : memref<16xi32, #tpu.memory_space<vmem>>) semaphore(%arg14 : memref<!tpu.dma_semaphore, #tpu.memory_space<semaphore_mem>>)
    %dma_wait3A_2702 = arith.constant 1 : i32
    %dma_wait3A_2703 = arith.constant 1 : i32
    %dma_wait3A_2704 = arith.constant 0 : i32
    %dma_wait3A_2705 = arith.constant 0 : i32
    %dma_wait3A_2706 = tpu.memref_slice %arg8[%dma_wait3A_2703, %dma_wait3A_2704, %dma_wait3A_2705] : memref<6x16x1024xf32, #tpu.memory_space<vmem>> -> memref<1x16x1024xf32, #tpu.memory_space<vmem>>
    %dma_wait3A_2707 = tpu.memref_squeeze %dma_wait3A_2706 : memref<1x16x1024xf32, #tpu.memory_space<vmem>> -> memref<16x1024xf32, #tpu.memory_space<vmem>>
    %dma_wait3A_2708 = arith.constant 0 : i32
    %dma_wait3A_2709 = tpu.memref_slice %arg7[%dma_wait3A_2702, %dma_wait3A_2708] : memref<16x16xi32, #tpu.memory_space<vmem>> -> memref<1x16xi32, #tpu.memory_space<vmem>>
    %dma_wait3A_2710 = tpu.memref_squeeze %dma_wait3A_2709 : memref<1x16xi32, #tpu.memory_space<vmem>> -> memref<16xi32, #tpu.memory_space<vmem>>
    %dma_wait3A_2711 = arith.constant 0 : i32
    %dma_wait3A_2712 = arith.constant 0 : i32
    %dma_wait3A_2713 = tpu.memref_slice %arg2[%dma_wait3A_2711, %dma_wait3A_2712] : memref<16384x1024xf32, #tpu.memory_space<hbm>> -> memref<16384x1024xf32, #tpu.memory_space<hbm>>
    tpu.wait_indirect_dma semaphore(%arg10 : memref<!tpu.dma_semaphore, #tpu.memory_space<semaphore_mem>>) src(%dma_wait3A_2713 : memref<16384x1024xf32, #tpu.memory_space<hbm>>) dst(%dma_wait3A_2707 : memref<16x1024xf32, #tpu.memory_space<vmem>>)
    %add3A_2714 = arith.constant 16 : i32
    %add3A_2715 = arith.addi %multiple_of3A, %add3A_2714 : i32
    %dma_start3A_2716 = arith.constant 1 : i32
    %dma_start3A_2717 = arith.constant 0 : i32
    %dma_start3A_2718 = arith.constant 0 : i32
    %dma_start3A_2719 = tpu.memref_slice %arg8[%dma_start3A_2716, %dma_start3A_2717, %dma_start3A_2718] : memref<6x16x1024xf32, #tpu.memory_space<vmem>> -> memref<1x16x1024xf32, #tpu.memory_space<vmem>>
    %dma_start3A_2720 = tpu.memref_squeeze %dma_start3A_2719 : memref<1x16x1024xf32, #tpu.memory_space<vmem>> -> memref<16x1024xf32, #tpu.memory_space<vmem>>
    %dma_start3A_2721 = arith.constant 0 : i32
    %dma_start3A_2722 = tpu.memref_slice %arg5[%add3A_2715, %dma_start3A_2721] : memref<8192x1024xf32, #tpu.memory_space<hbm>> -> memref<16x1024xf32, #tpu.memory_space<hbm>>
    %dma_start3A_2723 = arith.constant 0 : i32
    %dma_start3A_2724 = tpu.memref_slice %arg5[%add3A_2715, %dma_start3A_2723] : memref<8192x1024xf32, #tpu.memory_space<hbm>> -> memref<16x1024xf32, #tpu.memory_space<hbm>>
    %dma_start3A_2725 = arith.constant 0 : i32
    %dma_start3A_2726 = arith.constant 0 : i32
    %dma_start3A_2727 = tpu.memref_slice %arg8[%dma_start3A_2716, %dma_start3A_2725, %dma_start3A_2726] : memref<6x16x1024xf32, #tpu.memory_space<vmem>> -> memref<1x16x1024xf32, #tpu.memory_space<vmem>>
    %dma_start3A_2728 = tpu.memref_squeeze %dma_start3A_2727 : memref<1x16x1024xf32, #tpu.memory_space<vmem>> -> memref<16x1024xf32, #tpu.memory_space<vmem>>
    tpu.enqueue_dma source(%dma_start3A_2728 : memref<16x1024xf32, #tpu.memory_space<vmem>>) target(%dma_start3A_2724 : memref<16x1024xf32, #tpu.memory_space<hbm>>) target_semaphore(%arg16 : memref<!tpu.dma_semaphore, #tpu.memory_space<semaphore_mem>>)
    %dma_wait3A_2729 = arith.constant 0 : i32
    %dma_wait3A_2730 = arith.constant 0 : i32
    %dma_wait3A_2731 = arith.constant 0 : i32
    %dma_wait3A_2732 = tpu.memref_slice %arg8[%dma_wait3A_2729, %dma_wait3A_2730, %dma_wait3A_2731] : memref<6x16x1024xf32, #tpu.memory_space<vmem>> -> memref<1x16x1024xf32, #tpu.memory_space<vmem>>
    %dma_wait3A_2733 = tpu.memref_squeeze %dma_wait3A_2732 : memref<1x16x1024xf32, #tpu.memory_space<vmem>> -> memref<16x1024xf32, #tpu.memory_space<vmem>>
    %dma_wait3A_2734 = arith.constant 0 : i32
    %dma_wait3A_2735 = tpu.memref_slice %arg5[%add3A_2676, %dma_wait3A_2734] : memref<8192x1024xf32, #tpu.memory_space<hbm>> -> memref<16x1024xf32, #tpu.memory_space<hbm>>
    %dma_wait3A_2736 = arith.constant 0 : i32
    %dma_wait3A_2737 = tpu.memref_slice %arg5[%add3A_2676, %dma_wait3A_2736] : memref<8192x1024xf32, #tpu.memory_space<hbm>> -> memref<16x1024xf32, #tpu.memory_space<hbm>>
    %dma_wait3A_2738 = arith.constant 0 : i32
    %dma_wait3A_2739 = arith.constant 0 : i32
    %dma_wait3A_2740 = tpu.memref_slice %arg8[%dma_wait3A_2729, %dma_wait3A_2738, %dma_wait3A_2739] : memref<6x16x1024xf32, #tpu.memory_space<vmem>> -> memref<1x16x1024xf32, #tpu.memory_space<vmem>>
    %dma_wait3A_2741 = tpu.memref_squeeze %dma_wait3A_2740 : memref<1x16x1024xf32, #tpu.memory_space<vmem>> -> memref<16x1024xf32, #tpu.memory_space<vmem>>
    tpu.wait_dma2 semaphore(%arg15 : memref<!tpu.dma_semaphore, #tpu.memory_space<semaphore_mem>>) src(%dma_wait3A_2741 : memref<16x1024xf32, #tpu.memory_space<vmem>>) dst(%dma_wait3A_2737 : memref<16x1024xf32, #tpu.memory_space<hbm>>)
    %dma_start3A_2742 = arith.constant 6 : i32
    %dma_start3A_2743 = arith.constant 0 : i32
    %dma_start3A_2744 = arith.constant 0 : i32
    %dma_start3A_2745 = arith.constant 0 : i32
    %dma_start3A_2746 = tpu.memref_slice %arg8[%dma_start3A_2743, %dma_start3A_2744, %dma_start3A_2745] : memref<6x16x1024xf32, #tpu.memory_space<vmem>> -> memref<1x16x1024xf32, #tpu.memory_space<vmem>>
    %dma_start3A_2747 = tpu.memref_squeeze %dma_start3A_2746 : memref<1x16x1024xf32, #tpu.memory_space<vmem>> -> memref<16x1024xf32, #tpu.memory_space<vmem>>
    %dma_start3A_2748 = arith.constant 0 : i32
    %dma_start3A_2749 = tpu.memref_slice %arg7[%dma_start3A_2742, %dma_start3A_2748] : memref<16x16xi32, #tpu.memory_space<vmem>> -> memref<1x16xi32, #tpu.memory_space<vmem>>
    %dma_start3A_2750 = tpu.memref_squeeze %dma_start3A_2749 : memref<1x16xi32, #tpu.memory_space<vmem>> -> memref<16xi32, #tpu.memory_space<vmem>>
    %dma_start3A_2751 = arith.constant 0 : i32
    %dma_start3A_2752 = arith.constant 0 : i32
    %dma_start3A_2753 = tpu.memref_slice %arg2[%dma_start3A_2751, %dma_start3A_2752] : memref<16384x1024xf32, #tpu.memory_space<hbm>> -> memref<16384x1024xf32, #tpu.memory_space<hbm>>
    tpu.enqueue_indirect_dma source(%dma_start3A_2753 : memref<16384x1024xf32, #tpu.memory_space<hbm>>) target(%dma_start3A_2747 : memref<16x1024xf32, #tpu.memory_space<vmem>>) offsets(%dma_start3A_2750 : memref<16xi32, #tpu.memory_space<vmem>>) semaphore(%arg9 : memref<!tpu.dma_semaphore, #tpu.memory_space<semaphore_mem>>)
    %dma_wait3A_2754 = arith.constant 2 : i32
    %dma_wait3A_2755 = arith.constant 2 : i32
    %dma_wait3A_2756 = arith.constant 0 : i32
    %dma_wait3A_2757 = arith.constant 0 : i32
    %dma_wait3A_2758 = tpu.memref_slice %arg8[%dma_wait3A_2755, %dma_wait3A_2756, %dma_wait3A_2757] : memref<6x16x1024xf32, #tpu.memory_space<vmem>> -> memref<1x16x1024xf32, #tpu.memory_space<vmem>>
    %dma_wait3A_2759 = tpu.memref_squeeze %dma_wait3A_2758 : memref<1x16x1024xf32, #tpu.memory_space<vmem>> -> memref<16x1024xf32, #tpu.memory_space<vmem>>
    %dma_wait3A_2760 = arith.constant 0 : i32
    %dma_wait3A_2761 = tpu.memref_slice %arg7[%dma_wait3A_2754, %dma_wait3A_2760] : memref<16x16xi32, #tpu.memory_space<vmem>> -> memref<1x16xi32, #tpu.memory_space<vmem>>
    %dma_wait3A_2762 = tpu.memref_squeeze %dma_wait3A_2761 : memref<1x16xi32, #tpu.memory_space<vmem>> -> memref<16xi32, #tpu.memory_space<vmem>>
    %dma_wait3A_2763 = arith.constant 0 : i32
    %dma_wait3A_2764 = arith.constant 0 : i32
    %dma_wait3A_2765 = tpu.memref_slice %arg2[%dma_wait3A_2763, %dma_wait3A_2764] : memref<16384x1024xf32, #tpu.memory_space<hbm>> -> memref<16384x1024xf32, #tpu.memory_space<hbm>>
    tpu.wait_indirect_dma semaphore(%arg11 : memref<!tpu.dma_semaphore, #tpu.memory_space<semaphore_mem>>) src(%dma_wait3A_2765 : memref<16384x1024xf32, #tpu.memory_space<hbm>>) dst(%dma_wait3A_2759 : memref<16x1024xf32, #tpu.memory_space<vmem>>)
    %add3A_2766 = arith.constant 32 : i32
    %add3A_2767 = arith.addi %multiple_of3A, %add3A_2766 : i32
    %dma_start3A_2768 = arith.constant 2 : i32
    %dma_start3A_2769 = arith.constant 0 : i32
    %dma_start3A_2770 = arith.constant 0 : i32
    %dma_start3A_2771 = tpu.memref_slice %arg8[%dma_start3A_2768, %dma_start3A_2769, %dma_start3A_2770] : memref<6x16x1024xf32, #tpu.memory_space<vmem>> -> memref<1x16x1024xf32, #tpu.memory_space<vmem>>
    %dma_start3A_2772 = tpu.memref_squeeze %dma_start3A_2771 : memref<1x16x1024xf32, #tpu.memory_space<vmem>> -> memref<16x1024xf32, #tpu.memory_space<vmem>>
    %dma_start3A_2773 = arith.constant 0 : i32
    %dma_start3A_2774 = tpu.memref_slice %arg5[%add3A_2767, %dma_start3A_2773] : memref<8192x1024xf32, #tpu.memory_space<hbm>> -> memref<16x1024xf32, #tpu.memory_space<hbm>>
    %dma_start3A_2775 = arith.constant 0 : i32
    %dma_start3A_2776 = tpu.memref_slice %arg5[%add3A_2767, %dma_start3A_2775] : memref<8192x1024xf32, #tpu.memory_space<hbm>> -> memref<16x1024xf32, #tpu.memory_space<hbm>>
    %dma_start3A_2777 = arith.constant 0 : i32
    %dma_start3A_2778 = arith.constant 0 : i32
    %dma_start3A_2779 = tpu.memref_slice %arg8[%dma_start3A_2768, %dma_start3A_2777, %dma_start3A_2778] : memref<6x16x1024xf32, #tpu.memory_space<vmem>> -> memref<1x16x1024xf32, #tpu.memory_space<vmem>>
    %dma_start3A_2780 = tpu.memref_squeeze %dma_start3A_2779 : memref<1x16x1024xf32, #tpu.memory_space<vmem>> -> memref<16x1024xf32, #tpu.memory_space<vmem>>
    tpu.enqueue_dma source(%dma_start3A_2780 : memref<16x1024xf32, #tpu.memory_space<vmem>>) target(%dma_start3A_2776 : memref<16x1024xf32, #tpu.memory_space<hbm>>) target_semaphore(%arg17 : memref<!tpu.dma_semaphore, #tpu.memory_space<semaphore_mem>>)
    %dma_wait3A_2781 = arith.constant 1 : i32
    %dma_wait3A_2782 = arith.constant 0 : i32
    %dma_wait3A_2783 = arith.constant 0 : i32
    %dma_wait3A_2784 = tpu.memref_slice %arg8[%dma_wait3A_2781, %dma_wait3A_2782, %dma_wait3A_2783] : memref<6x16x1024xf32, #tpu.memory_space<vmem>> -> memref<1x16x1024xf32, #tpu.memory_space<vmem>>
    %dma_wait3A_2785 = tpu.memref_squeeze %dma_wait3A_2784 : memref<1x16x1024xf32, #tpu.memory_space<vmem>> -> memref<16x1024xf32, #tpu.memory_space<vmem>>
    %dma_wait3A_2786 = arith.constant 0 : i32
    %dma_wait3A_2787 = tpu.memref_slice %arg5[%add3A_2715, %dma_wait3A_2786] : memref<8192x1024xf32, #tpu.memory_space<hbm>> -> memref<16x1024xf32, #tpu.memory_space<hbm>>
    %dma_wait3A_2788 = arith.constant 0 : i32
    %dma_wait3A_2789 = tpu.memref_slice %arg5[%add3A_2715, %dma_wait3A_2788] : memref<8192x1024xf32, #tpu.memory_space<hbm>> -> memref<16x1024xf32, #tpu.memory_space<hbm>>
    %dma_wait3A_2790 = arith.constant 0 : i32
    %dma_wait3A_2791 = arith.constant 0 : i32
    %dma_wait3A_2792 = tpu.memref_slice %arg8[%dma_wait3A_2781, %dma_wait3A_2790, %dma_wait3A_2791] : memref<6x16x1024xf32, #tpu.memory_space<vmem>> -> memref<1x16x1024xf32, #tpu.memory_space<vmem>>
    %dma_wait3A_2793 = tpu.memref_squeeze %dma_wait3A_2792 : memref<1x16x1024xf32, #tpu.memory_space<vmem>> -> memref<16x1024xf32, #tpu.memory_space<vmem>>
    tpu.wait_dma2 semaphore(%arg16 : memref<!tpu.dma_semaphore, #tpu.memory_space<semaphore_mem>>) src(%dma_wait3A_2793 : memref<16x1024xf32, #tpu.memory_space<vmem>>) dst(%dma_wait3A_2789 : memref<16x1024xf32, #tpu.memory_space<hbm>>)
    %dma_start3A_2794 = arith.constant 7 : i32
    %dma_start3A_2795 = arith.constant 1 : i32
    %dma_start3A_2796 = arith.constant 0 : i32
    %dma_start3A_2797 = arith.constant 0 : i32
    %dma_start3A_2798 = tpu.memref_slice %arg8[%dma_start3A_2795, %dma_start3A_2796, %dma_start3A_2797] : memref<6x16x1024xf32, #tpu.memory_space<vmem>> -> memref<1x16x1024xf32, #tpu.memory_space<vmem>>
    %dma_start3A_2799 = tpu.memref_squeeze %dma_start3A_2798 : memref<1x16x1024xf32, #tpu.memory_space<vmem>> -> memref<16x1024xf32, #tpu.memory_space<vmem>>
    %dma_start3A_2800 = arith.constant 0 : i32
    %dma_start3A_2801 = tpu.memref_slice %arg7[%dma_start3A_2794, %dma_start3A_2800] : memref<16x16xi32, #tpu.memory_space<vmem>> -> memref<1x16xi32, #tpu.memory_space<vmem>>
    %dma_start3A_2802 = tpu.memref_squeeze %dma_start3A_2801 : memref<1x16xi32, #tpu.memory_space<vmem>> -> memref<16xi32, #tpu.memory_space<vmem>>
    %dma_start3A_2803 = arith.constant 0 : i32
    %dma_start3A_2804 = arith.constant 0 : i32
    %dma_start3A_2805 = tpu.memref_slice %arg2[%dma_start3A_2803, %dma_start3A_2804] : memref<16384x1024xf32, #tpu.memory_space<hbm>> -> memref<16384x1024xf32, #tpu.memory_space<hbm>>
    tpu.enqueue_indirect_dma source(%dma_start3A_2805 : memref<16384x1024xf32, #tpu.memory_space<hbm>>) target(%dma_start3A_2799 : memref<16x1024xf32, #tpu.memory_space<vmem>>) offsets(%dma_start3A_2802 : memref<16xi32, #tpu.memory_space<vmem>>) semaphore(%arg10 : memref<!tpu.dma_semaphore, #tpu.memory_space<semaphore_mem>>)
    %dma_wait3A_2806 = arith.constant 3 : i32
    %dma_wait3A_2807 = arith.constant 3 : i32
    %dma_wait3A_2808 = arith.constant 0 : i32
    %dma_wait3A_2809 = arith.constant 0 : i32
    %dma_wait3A_2810 = tpu.memref_slice %arg8[%dma_wait3A_2807, %dma_wait3A_2808, %dma_wait3A_2809] : memref<6x16x1024xf32, #tpu.memory_space<vmem>> -> memref<1x16x1024xf32, #tpu.memory_space<vmem>>
    %dma_wait3A_2811 = tpu.memref_squeeze %dma_wait3A_2810 : memref<1x16x1024xf32, #tpu.memory_space<vmem>> -> memref<16x1024xf32, #tpu.memory_space<vmem>>
    %dma_wait3A_2812 = arith.constant 0 : i32
    %dma_wait3A_2813 = tpu.memref_slice %arg7[%dma_wait3A_2806, %dma_wait3A_2812] : memref<16x16xi32, #tpu.memory_space<vmem>> -> memref<1x16xi32, #tpu.memory_space<vmem>>
    %dma_wait3A_2814 = tpu.memref_squeeze %dma_wait3A_2813 : memref<1x16xi32, #tpu.memory_space<vmem>> -> memref<16xi32, #tpu.memory_space<vmem>>
    %dma_wait3A_2815 = arith.constant 0 : i32
    %dma_wait3A_2816 = arith.constant 0 : i32
    %dma_wait3A_2817 = tpu.memref_slice %arg2[%dma_wait3A_2815, %dma_wait3A_2816] : memref<16384x1024xf32, #tpu.memory_space<hbm>> -> memref<16384x1024xf32, #tpu.memory_space<hbm>>
    tpu.wait_indirect_dma semaphore(%arg12 : memref<!tpu.dma_semaphore, #tpu.memory_space<semaphore_mem>>) src(%dma_wait3A_2817 : memref<16384x1024xf32, #tpu.memory_space<hbm>>) dst(%dma_wait3A_2811 : memref<16x1024xf32, #tpu.memory_space<vmem>>)
    %add3A_2818 = arith.constant 48 : i32
    %add3A_2819 = arith.addi %multiple_of3A, %add3A_2818 : i32
    %dma_start3A_2820 = arith.constant 3 : i32
    %dma_start3A_2821 = arith.constant 0 : i32
    %dma_start3A_2822 = arith.constant 0 : i32
    %dma_start3A_2823 = tpu.memref_slice %arg8[%dma_start3A_2820, %dma_start3A_2821, %dma_start3A_2822] : memref<6x16x1024xf32, #tpu.memory_space<vmem>> -> memref<1x16x1024xf32, #tpu.memory_space<vmem>>
    %dma_start3A_2824 = tpu.memref_squeeze %dma_start3A_2823 : memref<1x16x1024xf32, #tpu.memory_space<vmem>> -> memref<16x1024xf32, #tpu.memory_space<vmem>>
    %dma_start3A_2825 = arith.constant 0 : i32
    %dma_start3A_2826 = tpu.memref_slice %arg5[%add3A_2819, %dma_start3A_2825] : memref<8192x1024xf32, #tpu.memory_space<hbm>> -> memref<16x1024xf32, #tpu.memory_space<hbm>>
    %dma_start3A_2827 = arith.constant 0 : i32
    %dma_start3A_2828 = tpu.memref_slice %arg5[%add3A_2819, %dma_start3A_2827] : memref<8192x1024xf32, #tpu.memory_space<hbm>> -> memref<16x1024xf32, #tpu.memory_space<hbm>>
    %dma_start3A_2829 = arith.constant 0 : i32
    %dma_start3A_2830 = arith.constant 0 : i32
    %dma_start3A_2831 = tpu.memref_slice %arg8[%dma_start3A_2820, %dma_start3A_2829, %dma_start3A_2830] : memref<6x16x1024xf32, #tpu.memory_space<vmem>> -> memref<1x16x1024xf32, #tpu.memory_space<vmem>>
    %dma_start3A_2832 = tpu.memref_squeeze %dma_start3A_2831 : memref<1x16x1024xf32, #tpu.memory_space<vmem>> -> memref<16x1024xf32, #tpu.memory_space<vmem>>
    tpu.enqueue_dma source(%dma_start3A_2832 : memref<16x1024xf32, #tpu.memory_space<vmem>>) target(%dma_start3A_2828 : memref<16x1024xf32, #tpu.memory_space<hbm>>) target_semaphore(%arg18 : memref<!tpu.dma_semaphore, #tpu.memory_space<semaphore_mem>>)
    %dma_wait3A_2833 = arith.constant 2 : i32
    %dma_wait3A_2834 = arith.constant 0 : i32
    %dma_wait3A_2835 = arith.constant 0 : i32
    %dma_wait3A_2836 = tpu.memref_slice %arg8[%dma_wait3A_2833, %dma_wait3A_2834, %dma_wait3A_2835] : memref<6x16x1024xf32, #tpu.memory_space<vmem>> -> memref<1x16x1024xf32, #tpu.memory_space<vmem>>
    %dma_wait3A_2837 = tpu.memref_squeeze %dma_wait3A_2836 : memref<1x16x1024xf32, #tpu.memory_space<vmem>> -> memref<16x1024xf32, #tpu.memory_space<vmem>>
    %dma_wait3A_2838 = arith.constant 0 : i32
    %dma_wait3A_2839 = tpu.memref_slice %arg5[%add3A_2767, %dma_wait3A_2838] : memref<8192x1024xf32, #tpu.memory_space<hbm>> -> memref<16x1024xf32, #tpu.memory_space<hbm>>
    %dma_wait3A_2840 = arith.constant 0 : i32
    %dma_wait3A_2841 = tpu.memref_slice %arg5[%add3A_2767, %dma_wait3A_2840] : memref<8192x1024xf32, #tpu.memory_space<hbm>> -> memref<16x1024xf32, #tpu.memory_space<hbm>>
    %dma_wait3A_2842 = arith.constant 0 : i32
    %dma_wait3A_2843 = arith.constant 0 : i32
    %dma_wait3A_2844 = tpu.memref_slice %arg8[%dma_wait3A_2833, %dma_wait3A_2842, %dma_wait3A_2843] : memref<6x16x1024xf32, #tpu.memory_space<vmem>> -> memref<1x16x1024xf32, #tpu.memory_space<vmem>>
    %dma_wait3A_2845 = tpu.memref_squeeze %dma_wait3A_2844 : memref<1x16x1024xf32, #tpu.memory_space<vmem>> -> memref<16x1024xf32, #tpu.memory_space<vmem>>
    tpu.wait_dma2 semaphore(%arg17 : memref<!tpu.dma_semaphore, #tpu.memory_space<semaphore_mem>>) src(%dma_wait3A_2845 : memref<16x1024xf32, #tpu.memory_space<vmem>>) dst(%dma_wait3A_2841 : memref<16x1024xf32, #tpu.memory_space<hbm>>)
    %dma_start3A_2846 = arith.constant 8 : i32
    %dma_start3A_2847 = arith.constant 2 : i32
    %dma_start3A_2848 = arith.constant 0 : i32
    %dma_start3A_2849 = arith.constant 0 : i32
    %dma_start3A_2850 = tpu.memref_slice %arg8[%dma_start3A_2847, %dma_start3A_2848, %dma_start3A_2849] : memref<6x16x1024xf32, #tpu.memory_space<vmem>> -> memref<1x16x1024xf32, #tpu.memory_space<vmem>>
    %dma_start3A_2851 = tpu.memref_squeeze %dma_start3A_2850 : memref<1x16x1024xf32, #tpu.memory_space<vmem>> -> memref<16x1024xf32, #tpu.memory_space<vmem>>
    %dma_start3A_2852 = arith.constant 0 : i32
    %dma_start3A_2853 = tpu.memref_slice %arg7[%dma_start3A_2846, %dma_start3A_2852] : memref<16x16xi32, #tpu.memory_space<vmem>> -> memref<1x16xi32, #tpu.memory_space<vmem>>
    %dma_start3A_2854 = tpu.memref_squeeze %dma_start3A_2853 : memref<1x16xi32, #tpu.memory_space<vmem>> -> memref<16xi32, #tpu.memory_space<vmem>>
    %dma_start3A_2855 = arith.constant 0 : i32
    %dma_start3A_2856 = arith.constant 0 : i32
    %dma_start3A_2857 = tpu.memref_slice %arg2[%dma_start3A_2855, %dma_start3A_2856] : memref<16384x1024xf32, #tpu.memory_space<hbm>> -> memref<16384x1024xf32, #tpu.memory_space<hbm>>
    tpu.enqueue_indirect_dma source(%dma_start3A_2857 : memref<16384x1024xf32, #tpu.memory_space<hbm>>) target(%dma_start3A_2851 : memref<16x1024xf32, #tpu.memory_space<vmem>>) offsets(%dma_start3A_2854 : memref<16xi32, #tpu.memory_space<vmem>>) semaphore(%arg11 : memref<!tpu.dma_semaphore, #tpu.memory_space<semaphore_mem>>)
    %dma_wait3A_2858 = arith.constant 4 : i32
    %dma_wait3A_2859 = arith.constant 4 : i32
    %dma_wait3A_2860 = arith.constant 0 : i32
    %dma_wait3A_2861 = arith.constant 0 : i32
    %dma_wait3A_2862 = tpu.memref_slice %arg8[%dma_wait3A_2859, %dma_wait3A_2860, %dma_wait3A_2861] : memref<6x16x1024xf32, #tpu.memory_space<vmem>> -> memref<1x16x1024xf32, #tpu.memory_space<vmem>>
    %dma_wait3A_2863 = tpu.memref_squeeze %dma_wait3A_2862 : memref<1x16x1024xf32, #tpu.memory_space<vmem>> -> memref<16x1024xf32, #tpu.memory_space<vmem>>
    %dma_wait3A_2864 = arith.constant 0 : i32
    %dma_wait3A_2865 = tpu.memref_slice %arg7[%dma_wait3A_2858, %dma_wait3A_2864] : memref<16x16xi32, #tpu.memory_space<vmem>> -> memref<1x16xi32, #tpu.memory_space<vmem>>
    %dma_wait3A_2866 = tpu.memref_squeeze %dma_wait3A_2865 : memref<1x16xi32, #tpu.memory_space<vmem>> -> memref<16xi32, #tpu.memory_space<vmem>>
    %dma_wait3A_2867 = arith.constant 0 : i32
    %dma_wait3A_2868 = arith.constant 0 : i32
    %dma_wait3A_2869 = tpu.memref_slice %arg2[%dma_wait3A_2867, %dma_wait3A_2868] : memref<16384x1024xf32, #tpu.memory_space<hbm>> -> memref<16384x1024xf32, #tpu.memory_space<hbm>>
    tpu.wait_indirect_dma semaphore(%arg13 : memref<!tpu.dma_semaphore, #tpu.memory_space<semaphore_mem>>) src(%dma_wait3A_2869 : memref<16384x1024xf32, #tpu.memory_space<hbm>>) dst(%dma_wait3A_2863 : memref<16x1024xf32, #tpu.memory_space<vmem>>)
    %add3A_2870 = arith.constant 64 : i32
    %add3A_2871 = arith.addi %multiple_of3A, %add3A_2870 : i32
    %dma_start3A_2872 = arith.constant 4 : i32
    %dma_start3A_2873 = arith.constant 0 : i32
    %dma_start3A_2874 = arith.constant 0 : i32
    %dma_start3A_2875 = tpu.memref_slice %arg8[%dma_start3A_2872, %dma_start3A_2873, %dma_start3A_2874] : memref<6x16x1024xf32, #tpu.memory_space<vmem>> -> memref<1x16x1024xf32, #tpu.memory_space<vmem>>
    %dma_start3A_2876 = tpu.memref_squeeze %dma_start3A_2875 : memref<1x16x1024xf32, #tpu.memory_space<vmem>> -> memref<16x1024xf32, #tpu.memory_space<vmem>>
    %dma_start3A_2877 = arith.constant 0 : i32
    %dma_start3A_2878 = tpu.memref_slice %arg5[%add3A_2871, %dma_start3A_2877] : memref<8192x1024xf32, #tpu.memory_space<hbm>> -> memref<16x1024xf32, #tpu.memory_space<hbm>>
    %dma_start3A_2879 = arith.constant 0 : i32
    %dma_start3A_2880 = tpu.memref_slice %arg5[%add3A_2871, %dma_start3A_2879] : memref<8192x1024xf32, #tpu.memory_space<hbm>> -> memref<16x1024xf32, #tpu.memory_space<hbm>>
    %dma_start3A_2881 = arith.constant 0 : i32
    %dma_start3A_2882 = arith.constant 0 : i32
    %dma_start3A_2883 = tpu.memref_slice %arg8[%dma_start3A_2872, %dma_start3A_2881, %dma_start3A_2882] : memref<6x16x1024xf32, #tpu.memory_space<vmem>> -> memref<1x16x1024xf32, #tpu.memory_space<vmem>>
    %dma_start3A_2884 = tpu.memref_squeeze %dma_start3A_2883 : memref<1x16x1024xf32, #tpu.memory_space<vmem>> -> memref<16x1024xf32, #tpu.memory_space<vmem>>
    tpu.enqueue_dma source(%dma_start3A_2884 : memref<16x1024xf32, #tpu.memory_space<vmem>>) target(%dma_start3A_2880 : memref<16x1024xf32, #tpu.memory_space<hbm>>) target_semaphore(%arg19 : memref<!tpu.dma_semaphore, #tpu.memory_space<semaphore_mem>>)
    %dma_wait3A_2885 = arith.constant 3 : i32
    %dma_wait3A_2886 = arith.constant 0 : i32
    %dma_wait3A_2887 = arith.constant 0 : i32
    %dma_wait3A_2888 = tpu.memref_slice %arg8[%dma_wait3A_2885, %dma_wait3A_2886, %dma_wait3A_2887] : memref<6x16x1024xf32, #tpu.memory_space<vmem>> -> memref<1x16x1024xf32, #tpu.memory_space<vmem>>
    %dma_wait3A_2889 = tpu.memref_squeeze %dma_wait3A_2888 : memref<1x16x1024xf32, #tpu.memory_space<vmem>> -> memref<16x1024xf32, #tpu.memory_space<vmem>>
    %dma_wait3A_2890 = arith.constant 0 : i32
    %dma_wait3A_2891 = tpu.memref_slice %arg5[%add3A_2819, %dma_wait3A_2890] : memref<8192x1024xf32, #tpu.memory_space<hbm>> -> memref<16x1024xf32, #tpu.memory_space<hbm>>
    %dma_wait3A_2892 = arith.constant 0 : i32
    %dma_wait3A_2893 = tpu.memref_slice %arg5[%add3A_2819, %dma_wait3A_2892] : memref<8192x1024xf32, #tpu.memory_space<hbm>> -> memref<16x1024xf32, #tpu.memory_space<hbm>>
    %dma_wait3A_2894 = arith.constant 0 : i32
    %dma_wait3A_2895 = arith.constant 0 : i32
    %dma_wait3A_2896 = tpu.memref_slice %arg8[%dma_wait3A_2885, %dma_wait3A_2894, %dma_wait3A_2895] : memref<6x16x1024xf32, #tpu.memory_space<vmem>> -> memref<1x16x1024xf32, #tpu.memory_space<vmem>>
    %dma_wait3A_2897 = tpu.memref_squeeze %dma_wait3A_2896 : memref<1x16x1024xf32, #tpu.memory_space<vmem>> -> memref<16x1024xf32, #tpu.memory_space<vmem>>
    tpu.wait_dma2 semaphore(%arg18 : memref<!tpu.dma_semaphore, #tpu.memory_space<semaphore_mem>>) src(%dma_wait3A_2897 : memref<16x1024xf32, #tpu.memory_space<vmem>>) dst(%dma_wait3A_2893 : memref<16x1024xf32, #tpu.memory_space<hbm>>)
    %dma_start3A_2898 = arith.constant 9 : i32
    %dma_start3A_2899 = arith.constant 3 : i32
    %dma_start3A_2900 = arith.constant 0 : i32
    %dma_start3A_2901 = arith.constant 0 : i32
    %dma_start3A_2902 = tpu.memref_slice %arg8[%dma_start3A_2899, %dma_start3A_2900, %dma_start3A_2901] : memref<6x16x1024xf32, #tpu.memory_space<vmem>> -> memref<1x16x1024xf32, #tpu.memory_space<vmem>>
    %dma_start3A_2903 = tpu.memref_squeeze %dma_start3A_2902 : memref<1x16x1024xf32, #tpu.memory_space<vmem>> -> memref<16x1024xf32, #tpu.memory_space<vmem>>
    %dma_start3A_2904 = arith.constant 0 : i32
    %dma_start3A_2905 = tpu.memref_slice %arg7[%dma_start3A_2898, %dma_start3A_2904] : memref<16x16xi32, #tpu.memory_space<vmem>> -> memref<1x16xi32, #tpu.memory_space<vmem>>
    %dma_start3A_2906 = tpu.memref_squeeze %dma_start3A_2905 : memref<1x16xi32, #tpu.memory_space<vmem>> -> memref<16xi32, #tpu.memory_space<vmem>>
    %dma_start3A_2907 = arith.constant 0 : i32
    %dma_start3A_2908 = arith.constant 0 : i32
    %dma_start3A_2909 = tpu.memref_slice %arg2[%dma_start3A_2907, %dma_start3A_2908] : memref<16384x1024xf32, #tpu.memory_space<hbm>> -> memref<16384x1024xf32, #tpu.memory_space<hbm>>
    tpu.enqueue_indirect_dma source(%dma_start3A_2909 : memref<16384x1024xf32, #tpu.memory_space<hbm>>) target(%dma_start3A_2903 : memref<16x1024xf32, #tpu.memory_space<vmem>>) offsets(%dma_start3A_2906 : memref<16xi32, #tpu.memory_space<vmem>>) semaphore(%arg12 : memref<!tpu.dma_semaphore, #tpu.memory_space<semaphore_mem>>)
    %dma_wait3A_2910 = arith.constant 5 : i32
    %dma_wait3A_2911 = arith.constant 5 : i32
    %dma_wait3A_2912 = arith.constant 0 : i32
    %dma_wait3A_2913 = arith.constant 0 : i32
    %dma_wait3A_2914 = tpu.memref_slice %arg8[%dma_wait3A_2911, %dma_wait3A_2912, %dma_wait3A_2913] : memref<6x16x1024xf32, #tpu.memory_space<vmem>> -> memref<1x16x1024xf32, #tpu.memory_space<vmem>>
    %dma_wait3A_2915 = tpu.memref_squeeze %dma_wait3A_2914 : memref<1x16x1024xf32, #tpu.memory_space<vmem>> -> memref<16x1024xf32, #tpu.memory_space<vmem>>
    %dma_wait3A_2916 = arith.constant 0 : i32
    %dma_wait3A_2917 = tpu.memref_slice %arg7[%dma_wait3A_2910, %dma_wait3A_2916] : memref<16x16xi32, #tpu.memory_space<vmem>> -> memref<1x16xi32, #tpu.memory_space<vmem>>
    %dma_wait3A_2918 = tpu.memref_squeeze %dma_wait3A_2917 : memref<1x16xi32, #tpu.memory_space<vmem>> -> memref<16xi32, #tpu.memory_space<vmem>>
    %dma_wait3A_2919 = arith.constant 0 : i32
    %dma_wait3A_2920 = arith.constant 0 : i32
    %dma_wait3A_2921 = tpu.memref_slice %arg2[%dma_wait3A_2919, %dma_wait3A_2920] : memref<16384x1024xf32, #tpu.memory_space<hbm>> -> memref<16384x1024xf32, #tpu.memory_space<hbm>>
    tpu.wait_indirect_dma semaphore(%arg14 : memref<!tpu.dma_semaphore, #tpu.memory_space<semaphore_mem>>) src(%dma_wait3A_2921 : memref<16384x1024xf32, #tpu.memory_space<hbm>>) dst(%dma_wait3A_2915 : memref<16x1024xf32, #tpu.memory_space<vmem>>)
    %add3A_2922 = arith.constant 80 : i32
    %add3A_2923 = arith.addi %multiple_of3A, %add3A_2922 : i32
    %dma_start3A_2924 = arith.constant 5 : i32
    %dma_start3A_2925 = arith.constant 0 : i32
    %dma_start3A_2926 = arith.constant 0 : i32
    %dma_start3A_2927 = tpu.memref_slice %arg8[%dma_start3A_2924, %dma_start3A_2925, %dma_start3A_2926] : memref<6x16x1024xf32, #tpu.memory_space<vmem>> -> memref<1x16x1024xf32, #tpu.memory_space<vmem>>
    %dma_start3A_2928 = tpu.memref_squeeze %dma_start3A_2927 : memref<1x16x1024xf32, #tpu.memory_space<vmem>> -> memref<16x1024xf32, #tpu.memory_space<vmem>>
    %dma_start3A_2929 = arith.constant 0 : i32
    %dma_start3A_2930 = tpu.memref_slice %arg5[%add3A_2923, %dma_start3A_2929] : memref<8192x1024xf32, #tpu.memory_space<hbm>> -> memref<16x1024xf32, #tpu.memory_space<hbm>>
    %dma_start3A_2931 = arith.constant 0 : i32
    %dma_start3A_2932 = tpu.memref_slice %arg5[%add3A_2923, %dma_start3A_2931] : memref<8192x1024xf32, #tpu.memory_space<hbm>> -> memref<16x1024xf32, #tpu.memory_space<hbm>>
    %dma_start3A_2933 = arith.constant 0 : i32
    %dma_start3A_2934 = arith.constant 0 : i32
    %dma_start3A_2935 = tpu.memref_slice %arg8[%dma_start3A_2924, %dma_start3A_2933, %dma_start3A_2934] : memref<6x16x1024xf32, #tpu.memory_space<vmem>> -> memref<1x16x1024xf32, #tpu.memory_space<vmem>>
    %dma_start3A_2936 = tpu.memref_squeeze %dma_start3A_2935 : memref<1x16x1024xf32, #tpu.memory_space<vmem>> -> memref<16x1024xf32, #tpu.memory_space<vmem>>
    tpu.enqueue_dma source(%dma_start3A_2936 : memref<16x1024xf32, #tpu.memory_space<vmem>>) target(%dma_start3A_2932 : memref<16x1024xf32, #tpu.memory_space<hbm>>) target_semaphore(%arg20 : memref<!tpu.dma_semaphore, #tpu.memory_space<semaphore_mem>>)
    %dma_wait3A_2937 = arith.constant 4 : i32
    %dma_wait3A_2938 = arith.constant 0 : i32
    %dma_wait3A_2939 = arith.constant 0 : i32
    %dma_wait3A_2940 = tpu.memref_slice %arg8[%dma_wait3A_2937, %dma_wait3A_2938, %dma_wait3A_2939] : memref<6x16x1024xf32, #tpu.memory_space<vmem>> -> memref<1x16x1024xf32, #tpu.memory_space<vmem>>
    %dma_wait3A_2941 = tpu.memref_squeeze %dma_wait3A_2940 : memref<1x16x1024xf32, #tpu.memory_space<vmem>> -> memref<16x1024xf32, #tpu.memory_space<vmem>>
    %dma_wait3A_2942 = arith.constant 0 : i32
    %dma_wait3A_2943 = tpu.memref_slice %arg5[%add3A_2871, %dma_wait3A_2942] : memref<8192x1024xf32, #tpu.memory_space<hbm>> -> memref<16x1024xf32, #tpu.memory_space<hbm>>
    %dma_wait3A_2944 = arith.constant 0 : i32
    %dma_wait3A_2945 = tpu.memref_slice %arg5[%add3A_2871, %dma_wait3A_2944] : memref<8192x1024xf32, #tpu.memory_space<hbm>> -> memref<16x1024xf32, #tpu.memory_space<hbm>>
    %dma_wait3A_2946 = arith.constant 0 : i32
    %dma_wait3A_2947 = arith.constant 0 : i32
    %dma_wait3A_2948 = tpu.memref_slice %arg8[%dma_wait3A_2937, %dma_wait3A_2946, %dma_wait3A_2947] : memref<6x16x1024xf32, #tpu.memory_space<vmem>> -> memref<1x16x1024xf32, #tpu.memory_space<vmem>>
    %dma_wait3A_2949 = tpu.memref_squeeze %dma_wait3A_2948 : memref<1x16x1024xf32, #tpu.memory_space<vmem>> -> memref<16x1024xf32, #tpu.memory_space<vmem>>
    tpu.wait_dma2 semaphore(%arg19 : memref<!tpu.dma_semaphore, #tpu.memory_space<semaphore_mem>>) src(%dma_wait3A_2949 : memref<16x1024xf32, #tpu.memory_space<vmem>>) dst(%dma_wait3A_2945 : memref<16x1024xf32, #tpu.memory_space<hbm>>)
    %dma_start3A_2950 = arith.constant 10 : i32
    %dma_start3A_2951 = arith.constant 4 : i32
    %dma_start3A_2952 = arith.constant 0 : i32
    %dma_start3A_2953 = arith.constant 0 : i32
    %dma_start3A_2954 = tpu.memref_slice %arg8[%dma_start3A_2951, %dma_start3A_2952, %dma_start3A_2953] : memref<6x16x1024xf32, #tpu.memory_space<vmem>> -> memref<1x16x1024xf32, #tpu.memory_space<vmem>>
    %dma_start3A_2955 = tpu.memref_squeeze %dma_start3A_2954 : memref<1x16x1024xf32, #tpu.memory_space<vmem>> -> memref<16x1024xf32, #tpu.memory_space<vmem>>
    %dma_start3A_2956 = arith.constant 0 : i32
    %dma_start3A_2957 = tpu.memref_slice %arg7[%dma_start3A_2950, %dma_start3A_2956] : memref<16x16xi32, #tpu.memory_space<vmem>> -> memref<1x16xi32, #tpu.memory_space<vmem>>
    %dma_start3A_2958 = tpu.memref_squeeze %dma_start3A_2957 : memref<1x16xi32, #tpu.memory_space<vmem>> -> memref<16xi32, #tpu.memory_space<vmem>>
    %dma_start3A_2959 = arith.constant 0 : i32
    %dma_start3A_2960 = arith.constant 0 : i32
    %dma_start3A_2961 = tpu.memref_slice %arg2[%dma_start3A_2959, %dma_start3A_2960] : memref<16384x1024xf32, #tpu.memory_space<hbm>> -> memref<16384x1024xf32, #tpu.memory_space<hbm>>
    tpu.enqueue_indirect_dma source(%dma_start3A_2961 : memref<16384x1024xf32, #tpu.memory_space<hbm>>) target(%dma_start3A_2955 : memref<16x1024xf32, #tpu.memory_space<vmem>>) offsets(%dma_start3A_2958 : memref<16xi32, #tpu.memory_space<vmem>>) semaphore(%arg13 : memref<!tpu.dma_semaphore, #tpu.memory_space<semaphore_mem>>)
    %dma_wait3A_2962 = arith.constant 6 : i32
    %dma_wait3A_2963 = arith.constant 0 : i32
    %dma_wait3A_2964 = arith.constant 0 : i32
    %dma_wait3A_2965 = arith.constant 0 : i32
    %dma_wait3A_2966 = tpu.memref_slice %arg8[%dma_wait3A_2963, %dma_wait3A_2964, %dma_wait3A_2965] : memref<6x16x1024xf32, #tpu.memory_space<vmem>> -> memref<1x16x1024xf32, #tpu.memory_space<vmem>>
    %dma_wait3A_2967 = tpu.memref_squeeze %dma_wait3A_2966 : memref<1x16x1024xf32, #tpu.memory_space<vmem>> -> memref<16x1024xf32, #tpu.memory_space<vmem>>
    %dma_wait3A_2968 = arith.constant 0 : i32
    %dma_wait3A_2969 = tpu.memref_slice %arg7[%dma_wait3A_2962, %dma_wait3A_2968] : memref<16x16xi32, #tpu.memory_space<vmem>> -> memref<1x16xi32, #tpu.memory_space<vmem>>
    %dma_wait3A_2970 = tpu.memref_squeeze %dma_wait3A_2969 : memref<1x16xi32, #tpu.memory_space<vmem>> -> memref<16xi32, #tpu.memory_space<vmem>>
    %dma_wait3A_2971 = arith.constant 0 : i32
    %dma_wait3A_2972 = arith.constant 0 : i32
    %dma_wait3A_2973 = tpu.memref_slice %arg2[%dma_wait3A_2971, %dma_wait3A_2972] : memref<16384x1024xf32, #tpu.memory_space<hbm>> -> memref<16384x1024xf32, #tpu.memory_space<hbm>>
    tpu.wait_indirect_dma semaphore(%arg9 : memref<!tpu.dma_semaphore, #tpu.memory_space<semaphore_mem>>) src(%dma_wait3A_2973 : memref<16384x1024xf32, #tpu.memory_space<hbm>>) dst(%dma_wait3A_2967 : memref<16x1024xf32, #tpu.memory_space<vmem>>)
    %add3A_2974 = arith.constant 96 : i32
    %add3A_2975 = arith.addi %multiple_of3A, %add3A_2974 : i32
    %dma_start3A_2976 = arith.constant 0 : i32
    %dma_start3A_2977 = arith.constant 0 : i32
    %dma_start3A_2978 = arith.constant 0 : i32
    %dma_start3A_2979 = tpu.memref_slice %arg8[%dma_start3A_2976, %dma_start3A_2977, %dma_start3A_2978] : memref<6x16x1024xf32, #tpu.memory_space<vmem>> -> memref<1x16x1024xf32, #tpu.memory_space<vmem>>
    %dma_start3A_2980 = tpu.memref_squeeze %dma_start3A_2979 : memref<1x16x1024xf32, #tpu.memory_space<vmem>> -> memref<16x1024xf32, #tpu.memory_space<vmem>>
    %dma_start3A_2981 = arith.constant 0 : i32
    %dma_start3A_2982 = tpu.memref_slice %arg5[%add3A_2975, %dma_start3A_2981] : memref<8192x1024xf32, #tpu.memory_space<hbm>> -> memref<16x1024xf32, #tpu.memory_space<hbm>>
    %dma_start3A_2983 = arith.constant 0 : i32
    %dma_start3A_2984 = tpu.memref_slice %arg5[%add3A_2975, %dma_start3A_2983] : memref<8192x1024xf32, #tpu.memory_space<hbm>> -> memref<16x1024xf32, #tpu.memory_space<hbm>>
    %dma_start3A_2985 = arith.constant 0 : i32
    %dma_start3A_2986 = arith.constant 0 : i32
    %dma_start3A_2987 = tpu.memref_slice %arg8[%dma_start3A_2976, %dma_start3A_2985, %dma_start3A_2986] : memref<6x16x1024xf32, #tpu.memory_space<vmem>> -> memref<1x16x1024xf32, #tpu.memory_space<vmem>>
    %dma_start3A_2988 = tpu.memref_squeeze %dma_start3A_2987 : memref<1x16x1024xf32, #tpu.memory_space<vmem>> -> memref<16x1024xf32, #tpu.memory_space<vmem>>
    tpu.enqueue_dma source(%dma_start3A_2988 : memref<16x1024xf32, #tpu.memory_space<vmem>>) target(%dma_start3A_2984 : memref<16x1024xf32, #tpu.memory_space<hbm>>) target_semaphore(%arg15 : memref<!tpu.dma_semaphore, #tpu.memory_space<semaphore_mem>>)
    %dma_wait3A_2989 = arith.constant 5 : i32
    %dma_wait3A_2990 = arith.constant 0 : i32
    %dma_wait3A_2991 = arith.constant 0 : i32
    %dma_wait3A_2992 = tpu.memref_slice %arg8[%dma_wait3A_2989, %dma_wait3A_2990, %dma_wait3A_2991] : memref<6x16x1024xf32, #tpu.memory_space<vmem>> -> memref<1x16x1024xf32, #tpu.memory_space<vmem>>
    %dma_wait3A_2993 = tpu.memref_squeeze %dma_wait3A_2992 : memref<1x16x1024xf32, #tpu.memory_space<vmem>> -> memref<16x1024xf32, #tpu.memory_space<vmem>>
    %dma_wait3A_2994 = arith.constant 0 : i32
    %dma_wait3A_2995 = tpu.memref_slice %arg5[%add3A_2923, %dma_wait3A_2994] : memref<8192x1024xf32, #tpu.memory_space<hbm>> -> memref<16x1024xf32, #tpu.memory_space<hbm>>
    %dma_wait3A_2996 = arith.constant 0 : i32
    %dma_wait3A_2997 = tpu.memref_slice %arg5[%add3A_2923, %dma_wait3A_2996] : memref<8192x1024xf32, #tpu.memory_space<hbm>> -> memref<16x1024xf32, #tpu.memory_space<hbm>>
    %dma_wait3A_2998 = arith.constant 0 : i32
    %dma_wait3A_2999 = arith.constant 0 : i32
    %dma_wait3A_3000 = tpu.memref_slice %arg8[%dma_wait3A_2989, %dma_wait3A_2998, %dma_wait3A_2999] : memref<6x16x1024xf32, #tpu.memory_space<vmem>> -> memref<1x16x1024xf32, #tpu.memory_space<vmem>>
    %dma_wait3A_3001 = tpu.memref_squeeze %dma_wait3A_3000 : memref<1x16x1024xf32, #tpu.memory_space<vmem>> -> memref<16x1024xf32, #tpu.memory_space<vmem>>
    tpu.wait_dma2 semaphore(%arg20 : memref<!tpu.dma_semaphore, #tpu.memory_space<semaphore_mem>>) src(%dma_wait3A_3001 : memref<16x1024xf32, #tpu.memory_space<vmem>>) dst(%dma_wait3A_2997 : memref<16x1024xf32, #tpu.memory_space<hbm>>)
    %dma_start3A_3002 = arith.constant 11 : i32
    %dma_start3A_3003 = arith.constant 5 : i32
    %dma_start3A_3004 = arith.constant 0 : i32
    %dma_start3A_3005 = arith.constant 0 : i32
    %dma_start3A_3006 = tpu.memref_slice %arg8[%dma_start3A_3003, %dma_start3A_3004, %dma_start3A_3005] : memref<6x16x1024xf32, #tpu.memory_space<vmem>> -> memref<1x16x1024xf32, #tpu.memory_space<vmem>>
    %dma_start3A_3007 = tpu.memref_squeeze %dma_start3A_3006 : memref<1x16x1024xf32, #tpu.memory_space<vmem>> -> memref<16x1024xf32, #tpu.memory_space<vmem>>
    %dma_start3A_3008 = arith.constant 0 : i32
    %dma_start3A_3009 = tpu.memref_slice %arg7[%dma_start3A_3002, %dma_start3A_3008] : memref<16x16xi32, #tpu.memory_space<vmem>> -> memref<1x16xi32, #tpu.memory_space<vmem>>
    %dma_start3A_3010 = tpu.memref_squeeze %dma_start3A_3009 : memref<1x16xi32, #tpu.memory_space<vmem>> -> memref<16xi32, #tpu.memory_space<vmem>>
    %dma_start3A_3011 = arith.constant 0 : i32
    %dma_start3A_3012 = arith.constant 0 : i32
    %dma_start3A_3013 = tpu.memref_slice %arg2[%dma_start3A_3011, %dma_start3A_3012] : memref<16384x1024xf32, #tpu.memory_space<hbm>> -> memref<16384x1024xf32, #tpu.memory_space<hbm>>
    tpu.enqueue_indirect_dma source(%dma_start3A_3013 : memref<16384x1024xf32, #tpu.memory_space<hbm>>) target(%dma_start3A_3007 : memref<16x1024xf32, #tpu.memory_space<vmem>>) offsets(%dma_start3A_3010 : memref<16xi32, #tpu.memory_space<vmem>>) semaphore(%arg14 : memref<!tpu.dma_semaphore, #tpu.memory_space<semaphore_mem>>)
    %dma_wait3A_3014 = arith.constant 7 : i32
    %dma_wait3A_3015 = arith.constant 1 : i32
    %dma_wait3A_3016 = arith.constant 0 : i32
    %dma_wait3A_3017 = arith.constant 0 : i32
    %dma_wait3A_3018 = tpu.memref_slice %arg8[%dma_wait3A_3015, %dma_wait3A_3016, %dma_wait3A_3017] : memref<6x16x1024xf32, #tpu.memory_space<vmem>> -> memref<1x16x1024xf32, #tpu.memory_space<vmem>>
    %dma_wait3A_3019 = tpu.memref_squeeze %dma_wait3A_3018 : memref<1x16x1024xf32, #tpu.memory_space<vmem>> -> memref<16x1024xf32, #tpu.memory_space<vmem>>
    %dma_wait3A_3020 = arith.constant 0 : i32
    %dma_wait3A_3021 = tpu.memref_slice %arg7[%dma_wait3A_3014, %dma_wait3A_3020] : memref<16x16xi32, #tpu.memory_space<vmem>> -> memref<1x16xi32, #tpu.memory_space<vmem>>
    %dma_wait3A_3022 = tpu.memref_squeeze %dma_wait3A_3021 : memref<1x16xi32, #tpu.memory_space<vmem>> -> memref<16xi32, #tpu.memory_space<vmem>>
    %dma_wait3A_3023 = arith.constant 0 : i32
    %dma_wait3A_3024 = arith.constant 0 : i32
    %dma_wait3A_3025 = tpu.memref_slice %arg2[%dma_wait3A_3023, %dma_wait3A_3024] : memref<16384x1024xf32, #tpu.memory_space<hbm>> -> memref<16384x1024xf32, #tpu.memory_space<hbm>>
    tpu.wait_indirect_dma semaphore(%arg10 : memref<!tpu.dma_semaphore, #tpu.memory_space<semaphore_mem>>) src(%dma_wait3A_3025 : memref<16384x1024xf32, #tpu.memory_space<hbm>>) dst(%dma_wait3A_3019 : memref<16x1024xf32, #tpu.memory_space<vmem>>)
    %add3A_3026 = arith.constant 112 : i32
    %add3A_3027 = arith.addi %multiple_of3A, %add3A_3026 : i32
    %dma_start3A_3028 = arith.constant 1 : i32
    %dma_start3A_3029 = arith.constant 0 : i32
    %dma_start3A_3030 = arith.constant 0 : i32
    %dma_start3A_3031 = tpu.memref_slice %arg8[%dma_start3A_3028, %dma_start3A_3029, %dma_start3A_3030] : memref<6x16x1024xf32, #tpu.memory_space<vmem>> -> memref<1x16x1024xf32, #tpu.memory_space<vmem>>
    %dma_start3A_3032 = tpu.memref_squeeze %dma_start3A_3031 : memref<1x16x1024xf32, #tpu.memory_space<vmem>> -> memref<16x1024xf32, #tpu.memory_space<vmem>>
    %dma_start3A_3033 = arith.constant 0 : i32
    %dma_start3A_3034 = tpu.memref_slice %arg5[%add3A_3027, %dma_start3A_3033] : memref<8192x1024xf32, #tpu.memory_space<hbm>> -> memref<16x1024xf32, #tpu.memory_space<hbm>>
    %dma_start3A_3035 = arith.constant 0 : i32
    %dma_start3A_3036 = tpu.memref_slice %arg5[%add3A_3027, %dma_start3A_3035] : memref<8192x1024xf32, #tpu.memory_space<hbm>> -> memref<16x1024xf32, #tpu.memory_space<hbm>>
    %dma_start3A_3037 = arith.constant 0 : i32
    %dma_start3A_3038 = arith.constant 0 : i32
    %dma_start3A_3039 = tpu.memref_slice %arg8[%dma_start3A_3028, %dma_start3A_3037, %dma_start3A_3038] : memref<6x16x1024xf32, #tpu.memory_space<vmem>> -> memref<1x16x1024xf32, #tpu.memory_space<vmem>>
    %dma_start3A_3040 = tpu.memref_squeeze %dma_start3A_3039 : memref<1x16x1024xf32, #tpu.memory_space<vmem>> -> memref<16x1024xf32, #tpu.memory_space<vmem>>
    tpu.enqueue_dma source(%dma_start3A_3040 : memref<16x1024xf32, #tpu.memory_space<vmem>>) target(%dma_start3A_3036 : memref<16x1024xf32, #tpu.memory_space<hbm>>) target_semaphore(%arg16 : memref<!tpu.dma_semaphore, #tpu.memory_space<semaphore_mem>>)
    %dma_wait3A_3041 = arith.constant 0 : i32
    %dma_wait3A_3042 = arith.constant 0 : i32
    %dma_wait3A_3043 = arith.constant 0 : i32
    %dma_wait3A_3044 = tpu.memref_slice %arg8[%dma_wait3A_3041, %dma_wait3A_3042, %dma_wait3A_3043] : memref<6x16x1024xf32, #tpu.memory_space<vmem>> -> memref<1x16x1024xf32, #tpu.memory_space<vmem>>
    %dma_wait3A_3045 = tpu.memref_squeeze %dma_wait3A_3044 : memref<1x16x1024xf32, #tpu.memory_space<vmem>> -> memref<16x1024xf32, #tpu.memory_space<vmem>>
    %dma_wait3A_3046 = arith.constant 0 : i32
    %dma_wait3A_3047 = tpu.memref_slice %arg5[%add3A_2975, %dma_wait3A_3046] : memref<8192x1024xf32, #tpu.memory_space<hbm>> -> memref<16x1024xf32, #tpu.memory_space<hbm>>
    %dma_wait3A_3048 = arith.constant 0 : i32
    %dma_wait3A_3049 = tpu.memref_slice %arg5[%add3A_2975, %dma_wait3A_3048] : memref<8192x1024xf32, #tpu.memory_space<hbm>> -> memref<16x1024xf32, #tpu.memory_space<hbm>>
    %dma_wait3A_3050 = arith.constant 0 : i32
    %dma_wait3A_3051 = arith.constant 0 : i32
    %dma_wait3A_3052 = tpu.memref_slice %arg8[%dma_wait3A_3041, %dma_wait3A_3050, %dma_wait3A_3051] : memref<6x16x1024xf32, #tpu.memory_space<vmem>> -> memref<1x16x1024xf32, #tpu.memory_space<vmem>>
    %dma_wait3A_3053 = tpu.memref_squeeze %dma_wait3A_3052 : memref<1x16x1024xf32, #tpu.memory_space<vmem>> -> memref<16x1024xf32, #tpu.memory_space<vmem>>
    tpu.wait_dma2 semaphore(%arg15 : memref<!tpu.dma_semaphore, #tpu.memory_space<semaphore_mem>>) src(%dma_wait3A_3053 : memref<16x1024xf32, #tpu.memory_space<vmem>>) dst(%dma_wait3A_3049 : memref<16x1024xf32, #tpu.memory_space<hbm>>)
    %dma_start3A_3054 = arith.constant 12 : i32
    %dma_start3A_3055 = arith.constant 0 : i32
    %dma_start3A_3056 = arith.constant 0 : i32
    %dma_start3A_3057 = arith.constant 0 : i32
    %dma_start3A_3058 = tpu.memref_slice %arg8[%dma_start3A_3055, %dma_start3A_3056, %dma_start3A_3057] : memref<6x16x1024xf32, #tpu.memory_space<vmem>> -> memref<1x16x1024xf32, #tpu.memory_space<vmem>>
    %dma_start3A_3059 = tpu.memref_squeeze %dma_start3A_3058 : memref<1x16x1024xf32, #tpu.memory_space<vmem>> -> memref<16x1024xf32, #tpu.memory_space<vmem>>
    %dma_start3A_3060 = arith.constant 0 : i32
    %dma_start3A_3061 = tpu.memref_slice %arg7[%dma_start3A_3054, %dma_start3A_3060] : memref<16x16xi32, #tpu.memory_space<vmem>> -> memref<1x16xi32, #tpu.memory_space<vmem>>
    %dma_start3A_3062 = tpu.memref_squeeze %dma_start3A_3061 : memref<1x16xi32, #tpu.memory_space<vmem>> -> memref<16xi32, #tpu.memory_space<vmem>>
    %dma_start3A_3063 = arith.constant 0 : i32
    %dma_start3A_3064 = arith.constant 0 : i32
    %dma_start3A_3065 = tpu.memref_slice %arg2[%dma_start3A_3063, %dma_start3A_3064] : memref<16384x1024xf32, #tpu.memory_space<hbm>> -> memref<16384x1024xf32, #tpu.memory_space<hbm>>
    tpu.enqueue_indirect_dma source(%dma_start3A_3065 : memref<16384x1024xf32, #tpu.memory_space<hbm>>) target(%dma_start3A_3059 : memref<16x1024xf32, #tpu.memory_space<vmem>>) offsets(%dma_start3A_3062 : memref<16xi32, #tpu.memory_space<vmem>>) semaphore(%arg9 : memref<!tpu.dma_semaphore, #tpu.memory_space<semaphore_mem>>)
    %dma_wait3A_3066 = arith.constant 8 : i32
    %dma_wait3A_3067 = arith.constant 2 : i32
    %dma_wait3A_3068 = arith.constant 0 : i32
    %dma_wait3A_3069 = arith.constant 0 : i32
    %dma_wait3A_3070 = tpu.memref_slice %arg8[%dma_wait3A_3067, %dma_wait3A_3068, %dma_wait3A_3069] : memref<6x16x1024xf32, #tpu.memory_space<vmem>> -> memref<1x16x1024xf32, #tpu.memory_space<vmem>>
    %dma_wait3A_3071 = tpu.memref_squeeze %dma_wait3A_3070 : memref<1x16x1024xf32, #tpu.memory_space<vmem>> -> memref<16x1024xf32, #tpu.memory_space<vmem>>
    %dma_wait3A_3072 = arith.constant 0 : i32
    %dma_wait3A_3073 = tpu.memref_slice %arg7[%dma_wait3A_3066, %dma_wait3A_3072] : memref<16x16xi32, #tpu.memory_space<vmem>> -> memref<1x16xi32, #tpu.memory_space<vmem>>
    %dma_wait3A_3074 = tpu.memref_squeeze %dma_wait3A_3073 : memref<1x16xi32, #tpu.memory_space<vmem>> -> memref<16xi32, #tpu.memory_space<vmem>>
    %dma_wait3A_3075 = arith.constant 0 : i32
    %dma_wait3A_3076 = arith.constant 0 : i32
    %dma_wait3A_3077 = tpu.memref_slice %arg2[%dma_wait3A_3075, %dma_wait3A_3076] : memref<16384x1024xf32, #tpu.memory_space<hbm>> -> memref<16384x1024xf32, #tpu.memory_space<hbm>>
    tpu.wait_indirect_dma semaphore(%arg11 : memref<!tpu.dma_semaphore, #tpu.memory_space<semaphore_mem>>) src(%dma_wait3A_3077 : memref<16384x1024xf32, #tpu.memory_space<hbm>>) dst(%dma_wait3A_3071 : memref<16x1024xf32, #tpu.memory_space<vmem>>)
    %add3A_3078 = arith.constant 128 : i32
    %add3A_3079 = arith.addi %multiple_of3A, %add3A_3078 : i32
    %dma_start3A_3080 = arith.constant 2 : i32
    %dma_start3A_3081 = arith.constant 0 : i32
    %dma_start3A_3082 = arith.constant 0 : i32
    %dma_start3A_3083 = tpu.memref_slice %arg8[%dma_start3A_3080, %dma_start3A_3081, %dma_start3A_3082] : memref<6x16x1024xf32, #tpu.memory_space<vmem>> -> memref<1x16x1024xf32, #tpu.memory_space<vmem>>
    %dma_start3A_3084 = tpu.memref_squeeze %dma_start3A_3083 : memref<1x16x1024xf32, #tpu.memory_space<vmem>> -> memref<16x1024xf32, #tpu.memory_space<vmem>>
    %dma_start3A_3085 = arith.constant 0 : i32
    %dma_start3A_3086 = tpu.memref_slice %arg5[%add3A_3079, %dma_start3A_3085] : memref<8192x1024xf32, #tpu.memory_space<hbm>> -> memref<16x1024xf32, #tpu.memory_space<hbm>>
    %dma_start3A_3087 = arith.constant 0 : i32
    %dma_start3A_3088 = tpu.memref_slice %arg5[%add3A_3079, %dma_start3A_3087] : memref<8192x1024xf32, #tpu.memory_space<hbm>> -> memref<16x1024xf32, #tpu.memory_space<hbm>>
    %dma_start3A_3089 = arith.constant 0 : i32
    %dma_start3A_3090 = arith.constant 0 : i32
    %dma_start3A_3091 = tpu.memref_slice %arg8[%dma_start3A_3080, %dma_start3A_3089, %dma_start3A_3090] : memref<6x16x1024xf32, #tpu.memory_space<vmem>> -> memref<1x16x1024xf32, #tpu.memory_space<vmem>>
    %dma_start3A_3092 = tpu.memref_squeeze %dma_start3A_3091 : memref<1x16x1024xf32, #tpu.memory_space<vmem>> -> memref<16x1024xf32, #tpu.memory_space<vmem>>
    tpu.enqueue_dma source(%dma_start3A_3092 : memref<16x1024xf32, #tpu.memory_space<vmem>>) target(%dma_start3A_3088 : memref<16x1024xf32, #tpu.memory_space<hbm>>) target_semaphore(%arg17 : memref<!tpu.dma_semaphore, #tpu.memory_space<semaphore_mem>>)
    %dma_wait3A_3093 = arith.constant 1 : i32
    %dma_wait3A_3094 = arith.constant 0 : i32
    %dma_wait3A_3095 = arith.constant 0 : i32
    %dma_wait3A_3096 = tpu.memref_slice %arg8[%dma_wait3A_3093, %dma_wait3A_3094, %dma_wait3A_3095] : memref<6x16x1024xf32, #tpu.memory_space<vmem>> -> memref<1x16x1024xf32, #tpu.memory_space<vmem>>
    %dma_wait3A_3097 = tpu.memref_squeeze %dma_wait3A_3096 : memref<1x16x1024xf32, #tpu.memory_space<vmem>> -> memref<16x1024xf32, #tpu.memory_space<vmem>>
    %dma_wait3A_3098 = arith.constant 0 : i32
    %dma_wait3A_3099 = tpu.memref_slice %arg5[%add3A_3027, %dma_wait3A_3098] : memref<8192x1024xf32, #tpu.memory_space<hbm>> -> memref<16x1024xf32, #tpu.memory_space<hbm>>
    %dma_wait3A_3100 = arith.constant 0 : i32
    %dma_wait3A_3101 = tpu.memref_slice %arg5[%add3A_3027, %dma_wait3A_3100] : memref<8192x1024xf32, #tpu.memory_space<hbm>> -> memref<16x1024xf32, #tpu.memory_space<hbm>>
    %dma_wait3A_3102 = arith.constant 0 : i32
    %dma_wait3A_3103 = arith.constant 0 : i32
    %dma_wait3A_3104 = tpu.memref_slice %arg8[%dma_wait3A_3093, %dma_wait3A_3102, %dma_wait3A_3103] : memref<6x16x1024xf32, #tpu.memory_space<vmem>> -> memref<1x16x1024xf32, #tpu.memory_space<vmem>>
    %dma_wait3A_3105 = tpu.memref_squeeze %dma_wait3A_3104 : memref<1x16x1024xf32, #tpu.memory_space<vmem>> -> memref<16x1024xf32, #tpu.memory_space<vmem>>
    tpu.wait_dma2 semaphore(%arg16 : memref<!tpu.dma_semaphore, #tpu.memory_space<semaphore_mem>>) src(%dma_wait3A_3105 : memref<16x1024xf32, #tpu.memory_space<vmem>>) dst(%dma_wait3A_3101 : memref<16x1024xf32, #tpu.memory_space<hbm>>)
    %dma_start3A_3106 = arith.constant 13 : i32
    %dma_start3A_3107 = arith.constant 1 : i32
    %dma_start3A_3108 = arith.constant 0 : i32
    %dma_start3A_3109 = arith.constant 0 : i32
    %dma_start3A_3110 = tpu.memref_slice %arg8[%dma_start3A_3107, %dma_start3A_3108, %dma_start3A_3109] : memref<6x16x1024xf32, #tpu.memory_space<vmem>> -> memref<1x16x1024xf32, #tpu.memory_space<vmem>>
    %dma_start3A_3111 = tpu.memref_squeeze %dma_start3A_3110 : memref<1x16x1024xf32, #tpu.memory_space<vmem>> -> memref<16x1024xf32, #tpu.memory_space<vmem>>
    %dma_start3A_3112 = arith.constant 0 : i32
    %dma_start3A_3113 = tpu.memref_slice %arg7[%dma_start3A_3106, %dma_start3A_3112] : memref<16x16xi32, #tpu.memory_space<vmem>> -> memref<1x16xi32, #tpu.memory_space<vmem>>
    %dma_start3A_3114 = tpu.memref_squeeze %dma_start3A_3113 : memref<1x16xi32, #tpu.memory_space<vmem>> -> memref<16xi32, #tpu.memory_space<vmem>>
    %dma_start3A_3115 = arith.constant 0 : i32
    %dma_start3A_3116 = arith.constant 0 : i32
    %dma_start3A_3117 = tpu.memref_slice %arg2[%dma_start3A_3115, %dma_start3A_3116] : memref<16384x1024xf32, #tpu.memory_space<hbm>> -> memref<16384x1024xf32, #tpu.memory_space<hbm>>
    tpu.enqueue_indirect_dma source(%dma_start3A_3117 : memref<16384x1024xf32, #tpu.memory_space<hbm>>) target(%dma_start3A_3111 : memref<16x1024xf32, #tpu.memory_space<vmem>>) offsets(%dma_start3A_3114 : memref<16xi32, #tpu.memory_space<vmem>>) semaphore(%arg10 : memref<!tpu.dma_semaphore, #tpu.memory_space<semaphore_mem>>)
    %dma_wait3A_3118 = arith.constant 9 : i32
    %dma_wait3A_3119 = arith.constant 3 : i32
    %dma_wait3A_3120 = arith.constant 0 : i32
    %dma_wait3A_3121 = arith.constant 0 : i32
    %dma_wait3A_3122 = tpu.memref_slice %arg8[%dma_wait3A_3119, %dma_wait3A_3120, %dma_wait3A_3121] : memref<6x16x1024xf32, #tpu.memory_space<vmem>> -> memref<1x16x1024xf32, #tpu.memory_space<vmem>>
    %dma_wait3A_3123 = tpu.memref_squeeze %dma_wait3A_3122 : memref<1x16x1024xf32, #tpu.memory_space<vmem>> -> memref<16x1024xf32, #tpu.memory_space<vmem>>
    %dma_wait3A_3124 = arith.constant 0 : i32
    %dma_wait3A_3125 = tpu.memref_slice %arg7[%dma_wait3A_3118, %dma_wait3A_3124] : memref<16x16xi32, #tpu.memory_space<vmem>> -> memref<1x16xi32, #tpu.memory_space<vmem>>
    %dma_wait3A_3126 = tpu.memref_squeeze %dma_wait3A_3125 : memref<1x16xi32, #tpu.memory_space<vmem>> -> memref<16xi32, #tpu.memory_space<vmem>>
    %dma_wait3A_3127 = arith.constant 0 : i32
    %dma_wait3A_3128 = arith.constant 0 : i32
    %dma_wait3A_3129 = tpu.memref_slice %arg2[%dma_wait3A_3127, %dma_wait3A_3128] : memref<16384x1024xf32, #tpu.memory_space<hbm>> -> memref<16384x1024xf32, #tpu.memory_space<hbm>>
    tpu.wait_indirect_dma semaphore(%arg12 : memref<!tpu.dma_semaphore, #tpu.memory_space<semaphore_mem>>) src(%dma_wait3A_3129 : memref<16384x1024xf32, #tpu.memory_space<hbm>>) dst(%dma_wait3A_3123 : memref<16x1024xf32, #tpu.memory_space<vmem>>)
    %add3A_3130 = arith.constant 144 : i32
    %add3A_3131 = arith.addi %multiple_of3A, %add3A_3130 : i32
    %dma_start3A_3132 = arith.constant 3 : i32
    %dma_start3A_3133 = arith.constant 0 : i32
    %dma_start3A_3134 = arith.constant 0 : i32
    %dma_start3A_3135 = tpu.memref_slice %arg8[%dma_start3A_3132, %dma_start3A_3133, %dma_start3A_3134] : memref<6x16x1024xf32, #tpu.memory_space<vmem>> -> memref<1x16x1024xf32, #tpu.memory_space<vmem>>
    %dma_start3A_3136 = tpu.memref_squeeze %dma_start3A_3135 : memref<1x16x1024xf32, #tpu.memory_space<vmem>> -> memref<16x1024xf32, #tpu.memory_space<vmem>>
    %dma_start3A_3137 = arith.constant 0 : i32
    %dma_start3A_3138 = tpu.memref_slice %arg5[%add3A_3131, %dma_start3A_3137] : memref<8192x1024xf32, #tpu.memory_space<hbm>> -> memref<16x1024xf32, #tpu.memory_space<hbm>>
    %dma_start3A_3139 = arith.constant 0 : i32
    %dma_start3A_3140 = tpu.memref_slice %arg5[%add3A_3131, %dma_start3A_3139] : memref<8192x1024xf32, #tpu.memory_space<hbm>> -> memref<16x1024xf32, #tpu.memory_space<hbm>>
    %dma_start3A_3141 = arith.constant 0 : i32
    %dma_start3A_3142 = arith.constant 0 : i32
    %dma_start3A_3143 = tpu.memref_slice %arg8[%dma_start3A_3132, %dma_start3A_3141, %dma_start3A_3142] : memref<6x16x1024xf32, #tpu.memory_space<vmem>> -> memref<1x16x1024xf32, #tpu.memory_space<vmem>>
    %dma_start3A_3144 = tpu.memref_squeeze %dma_start3A_3143 : memref<1x16x1024xf32, #tpu.memory_space<vmem>> -> memref<16x1024xf32, #tpu.memory_space<vmem>>
    tpu.enqueue_dma source(%dma_start3A_3144 : memref<16x1024xf32, #tpu.memory_space<vmem>>) target(%dma_start3A_3140 : memref<16x1024xf32, #tpu.memory_space<hbm>>) target_semaphore(%arg18 : memref<!tpu.dma_semaphore, #tpu.memory_space<semaphore_mem>>)
    %dma_wait3A_3145 = arith.constant 2 : i32
    %dma_wait3A_3146 = arith.constant 0 : i32
    %dma_wait3A_3147 = arith.constant 0 : i32
    %dma_wait3A_3148 = tpu.memref_slice %arg8[%dma_wait3A_3145, %dma_wait3A_3146, %dma_wait3A_3147] : memref<6x16x1024xf32, #tpu.memory_space<vmem>> -> memref<1x16x1024xf32, #tpu.memory_space<vmem>>
    %dma_wait3A_3149 = tpu.memref_squeeze %dma_wait3A_3148 : memref<1x16x1024xf32, #tpu.memory_space<vmem>> -> memref<16x1024xf32, #tpu.memory_space<vmem>>
    %dma_wait3A_3150 = arith.constant 0 : i32
    %dma_wait3A_3151 = tpu.memref_slice %arg5[%add3A_3079, %dma_wait3A_3150] : memref<8192x1024xf32, #tpu.memory_space<hbm>> -> memref<16x1024xf32, #tpu.memory_space<hbm>>
    %dma_wait3A_3152 = arith.constant 0 : i32
    %dma_wait3A_3153 = tpu.memref_slice %arg5[%add3A_3079, %dma_wait3A_3152] : memref<8192x1024xf32, #tpu.memory_space<hbm>> -> memref<16x1024xf32, #tpu.memory_space<hbm>>
    %dma_wait3A_3154 = arith.constant 0 : i32
    %dma_wait3A_3155 = arith.constant 0 : i32
    %dma_wait3A_3156 = tpu.memref_slice %arg8[%dma_wait3A_3145, %dma_wait3A_3154, %dma_wait3A_3155] : memref<6x16x1024xf32, #tpu.memory_space<vmem>> -> memref<1x16x1024xf32, #tpu.memory_space<vmem>>
    %dma_wait3A_3157 = tpu.memref_squeeze %dma_wait3A_3156 : memref<1x16x1024xf32, #tpu.memory_space<vmem>> -> memref<16x1024xf32, #tpu.memory_space<vmem>>
    tpu.wait_dma2 semaphore(%arg17 : memref<!tpu.dma_semaphore, #tpu.memory_space<semaphore_mem>>) src(%dma_wait3A_3157 : memref<16x1024xf32, #tpu.memory_space<vmem>>) dst(%dma_wait3A_3153 : memref<16x1024xf32, #tpu.memory_space<hbm>>)
    %dma_start3A_3158 = arith.constant 14 : i32
    %dma_start3A_3159 = arith.constant 2 : i32
    %dma_start3A_3160 = arith.constant 0 : i32
    %dma_start3A_3161 = arith.constant 0 : i32
    %dma_start3A_3162 = tpu.memref_slice %arg8[%dma_start3A_3159, %dma_start3A_3160, %dma_start3A_3161] : memref<6x16x1024xf32, #tpu.memory_space<vmem>> -> memref<1x16x1024xf32, #tpu.memory_space<vmem>>
    %dma_start3A_3163 = tpu.memref_squeeze %dma_start3A_3162 : memref<1x16x1024xf32, #tpu.memory_space<vmem>> -> memref<16x1024xf32, #tpu.memory_space<vmem>>
    %dma_start3A_3164 = arith.constant 0 : i32
    %dma_start3A_3165 = tpu.memref_slice %arg7[%dma_start3A_3158, %dma_start3A_3164] : memref<16x16xi32, #tpu.memory_space<vmem>> -> memref<1x16xi32, #tpu.memory_space<vmem>>
    %dma_start3A_3166 = tpu.memref_squeeze %dma_start3A_3165 : memref<1x16xi32, #tpu.memory_space<vmem>> -> memref<16xi32, #tpu.memory_space<vmem>>
    %dma_start3A_3167 = arith.constant 0 : i32
    %dma_start3A_3168 = arith.constant 0 : i32
    %dma_start3A_3169 = tpu.memref_slice %arg2[%dma_start3A_3167, %dma_start3A_3168] : memref<16384x1024xf32, #tpu.memory_space<hbm>> -> memref<16384x1024xf32, #tpu.memory_space<hbm>>
    tpu.enqueue_indirect_dma source(%dma_start3A_3169 : memref<16384x1024xf32, #tpu.memory_space<hbm>>) target(%dma_start3A_3163 : memref<16x1024xf32, #tpu.memory_space<vmem>>) offsets(%dma_start3A_3166 : memref<16xi32, #tpu.memory_space<vmem>>) semaphore(%arg11 : memref<!tpu.dma_semaphore, #tpu.memory_space<semaphore_mem>>)
    %dma_wait3A_3170 = arith.constant 10 : i32
    %dma_wait3A_3171 = arith.constant 4 : i32
    %dma_wait3A_3172 = arith.constant 0 : i32
    %dma_wait3A_3173 = arith.constant 0 : i32
    %dma_wait3A_3174 = tpu.memref_slice %arg8[%dma_wait3A_3171, %dma_wait3A_3172, %dma_wait3A_3173] : memref<6x16x1024xf32, #tpu.memory_space<vmem>> -> memref<1x16x1024xf32, #tpu.memory_space<vmem>>
    %dma_wait3A_3175 = tpu.memref_squeeze %dma_wait3A_3174 : memref<1x16x1024xf32, #tpu.memory_space<vmem>> -> memref<16x1024xf32, #tpu.memory_space<vmem>>
    %dma_wait3A_3176 = arith.constant 0 : i32
    %dma_wait3A_3177 = tpu.memref_slice %arg7[%dma_wait3A_3170, %dma_wait3A_3176] : memref<16x16xi32, #tpu.memory_space<vmem>> -> memref<1x16xi32, #tpu.memory_space<vmem>>
    %dma_wait3A_3178 = tpu.memref_squeeze %dma_wait3A_3177 : memref<1x16xi32, #tpu.memory_space<vmem>> -> memref<16xi32, #tpu.memory_space<vmem>>
    %dma_wait3A_3179 = arith.constant 0 : i32
    %dma_wait3A_3180 = arith.constant 0 : i32
    %dma_wait3A_3181 = tpu.memref_slice %arg2[%dma_wait3A_3179, %dma_wait3A_3180] : memref<16384x1024xf32, #tpu.memory_space<hbm>> -> memref<16384x1024xf32, #tpu.memory_space<hbm>>
    tpu.wait_indirect_dma semaphore(%arg13 : memref<!tpu.dma_semaphore, #tpu.memory_space<semaphore_mem>>) src(%dma_wait3A_3181 : memref<16384x1024xf32, #tpu.memory_space<hbm>>) dst(%dma_wait3A_3175 : memref<16x1024xf32, #tpu.memory_space<vmem>>)
    %add3A_3182 = arith.constant 160 : i32
    %add3A_3183 = arith.addi %multiple_of3A, %add3A_3182 : i32
    %dma_start3A_3184 = arith.constant 4 : i32
    %dma_start3A_3185 = arith.constant 0 : i32
    %dma_start3A_3186 = arith.constant 0 : i32
    %dma_start3A_3187 = tpu.memref_slice %arg8[%dma_start3A_3184, %dma_start3A_3185, %dma_start3A_3186] : memref<6x16x1024xf32, #tpu.memory_space<vmem>> -> memref<1x16x1024xf32, #tpu.memory_space<vmem>>
    %dma_start3A_3188 = tpu.memref_squeeze %dma_start3A_3187 : memref<1x16x1024xf32, #tpu.memory_space<vmem>> -> memref<16x1024xf32, #tpu.memory_space<vmem>>
    %dma_start3A_3189 = arith.constant 0 : i32
    %dma_start3A_3190 = tpu.memref_slice %arg5[%add3A_3183, %dma_start3A_3189] : memref<8192x1024xf32, #tpu.memory_space<hbm>> -> memref<16x1024xf32, #tpu.memory_space<hbm>>
    %dma_start3A_3191 = arith.constant 0 : i32
    %dma_start3A_3192 = tpu.memref_slice %arg5[%add3A_3183, %dma_start3A_3191] : memref<8192x1024xf32, #tpu.memory_space<hbm>> -> memref<16x1024xf32, #tpu.memory_space<hbm>>
    %dma_start3A_3193 = arith.constant 0 : i32
    %dma_start3A_3194 = arith.constant 0 : i32
    %dma_start3A_3195 = tpu.memref_slice %arg8[%dma_start3A_3184, %dma_start3A_3193, %dma_start3A_3194] : memref<6x16x1024xf32, #tpu.memory_space<vmem>> -> memref<1x16x1024xf32, #tpu.memory_space<vmem>>
    %dma_start3A_3196 = tpu.memref_squeeze %dma_start3A_3195 : memref<1x16x1024xf32, #tpu.memory_space<vmem>> -> memref<16x1024xf32, #tpu.memory_space<vmem>>
    tpu.enqueue_dma source(%dma_start3A_3196 : memref<16x1024xf32, #tpu.memory_space<vmem>>) target(%dma_start3A_3192 : memref<16x1024xf32, #tpu.memory_space<hbm>>) target_semaphore(%arg19 : memref<!tpu.dma_semaphore, #tpu.memory_space<semaphore_mem>>)
    %dma_wait3A_3197 = arith.constant 3 : i32
    %dma_wait3A_3198 = arith.constant 0 : i32
    %dma_wait3A_3199 = arith.constant 0 : i32
    %dma_wait3A_3200 = tpu.memref_slice %arg8[%dma_wait3A_3197, %dma_wait3A_3198, %dma_wait3A_3199] : memref<6x16x1024xf32, #tpu.memory_space<vmem>> -> memref<1x16x1024xf32, #tpu.memory_space<vmem>>
    %dma_wait3A_3201 = tpu.memref_squeeze %dma_wait3A_3200 : memref<1x16x1024xf32, #tpu.memory_space<vmem>> -> memref<16x1024xf32, #tpu.memory_space<vmem>>
    %dma_wait3A_3202 = arith.constant 0 : i32
    %dma_wait3A_3203 = tpu.memref_slice %arg5[%add3A_3131, %dma_wait3A_3202] : memref<8192x1024xf32, #tpu.memory_space<hbm>> -> memref<16x1024xf32, #tpu.memory_space<hbm>>
    %dma_wait3A_3204 = arith.constant 0 : i32
    %dma_wait3A_3205 = tpu.memref_slice %arg5[%add3A_3131, %dma_wait3A_3204] : memref<8192x1024xf32, #tpu.memory_space<hbm>> -> memref<16x1024xf32, #tpu.memory_space<hbm>>
    %dma_wait3A_3206 = arith.constant 0 : i32
    %dma_wait3A_3207 = arith.constant 0 : i32
    %dma_wait3A_3208 = tpu.memref_slice %arg8[%dma_wait3A_3197, %dma_wait3A_3206, %dma_wait3A_3207] : memref<6x16x1024xf32, #tpu.memory_space<vmem>> -> memref<1x16x1024xf32, #tpu.memory_space<vmem>>
    %dma_wait3A_3209 = tpu.memref_squeeze %dma_wait3A_3208 : memref<1x16x1024xf32, #tpu.memory_space<vmem>> -> memref<16x1024xf32, #tpu.memory_space<vmem>>
    tpu.wait_dma2 semaphore(%arg18 : memref<!tpu.dma_semaphore, #tpu.memory_space<semaphore_mem>>) src(%dma_wait3A_3209 : memref<16x1024xf32, #tpu.memory_space<vmem>>) dst(%dma_wait3A_3205 : memref<16x1024xf32, #tpu.memory_space<hbm>>)
    %dma_start3A_3210 = arith.constant 15 : i32
    %dma_start3A_3211 = arith.constant 3 : i32
    %dma_start3A_3212 = arith.constant 0 : i32
    %dma_start3A_3213 = arith.constant 0 : i32
    %dma_start3A_3214 = tpu.memref_slice %arg8[%dma_start3A_3211, %dma_start3A_3212, %dma_start3A_3213] : memref<6x16x1024xf32, #tpu.memory_space<vmem>> -> memref<1x16x1024xf32, #tpu.memory_space<vmem>>
    %dma_start3A_3215 = tpu.memref_squeeze %dma_start3A_3214 : memref<1x16x1024xf32, #tpu.memory_space<vmem>> -> memref<16x1024xf32, #tpu.memory_space<vmem>>
    %dma_start3A_3216 = arith.constant 0 : i32
    %dma_start3A_3217 = tpu.memref_slice %arg7[%dma_start3A_3210, %dma_start3A_3216] : memref<16x16xi32, #tpu.memory_space<vmem>> -> memref<1x16xi32, #tpu.memory_space<vmem>>
    %dma_start3A_3218 = tpu.memref_squeeze %dma_start3A_3217 : memref<1x16xi32, #tpu.memory_space<vmem>> -> memref<16xi32, #tpu.memory_space<vmem>>
    %dma_start3A_3219 = arith.constant 0 : i32
    %dma_start3A_3220 = arith.constant 0 : i32
    %dma_start3A_3221 = tpu.memref_slice %arg2[%dma_start3A_3219, %dma_start3A_3220] : memref<16384x1024xf32, #tpu.memory_space<hbm>> -> memref<16384x1024xf32, #tpu.memory_space<hbm>>
    tpu.enqueue_indirect_dma source(%dma_start3A_3221 : memref<16384x1024xf32, #tpu.memory_space<hbm>>) target(%dma_start3A_3215 : memref<16x1024xf32, #tpu.memory_space<vmem>>) offsets(%dma_start3A_3218 : memref<16xi32, #tpu.memory_space<vmem>>) semaphore(%arg12 : memref<!tpu.dma_semaphore, #tpu.memory_space<semaphore_mem>>)
    %dma_wait3A_3222 = arith.constant 11 : i32
    %dma_wait3A_3223 = arith.constant 5 : i32
    %dma_wait3A_3224 = arith.constant 0 : i32
    %dma_wait3A_3225 = arith.constant 0 : i32
    %dma_wait3A_3226 = tpu.memref_slice %arg8[%dma_wait3A_3223, %dma_wait3A_3224, %dma_wait3A_3225] : memref<6x16x1024xf32, #tpu.memory_space<vmem>> -> memref<1x16x1024xf32, #tpu.memory_space<vmem>>
    %dma_wait3A_3227 = tpu.memref_squeeze %dma_wait3A_3226 : memref<1x16x1024xf32, #tpu.memory_space<vmem>> -> memref<16x1024xf32, #tpu.memory_space<vmem>>
    %dma_wait3A_3228 = arith.constant 0 : i32
    %dma_wait3A_3229 = tpu.memref_slice %arg7[%dma_wait3A_3222, %dma_wait3A_3228] : memref<16x16xi32, #tpu.memory_space<vmem>> -> memref<1x16xi32, #tpu.memory_space<vmem>>
    %dma_wait3A_3230 = tpu.memref_squeeze %dma_wait3A_3229 : memref<1x16xi32, #tpu.memory_space<vmem>> -> memref<16xi32, #tpu.memory_space<vmem>>
    %dma_wait3A_3231 = arith.constant 0 : i32
    %dma_wait3A_3232 = arith.constant 0 : i32
    %dma_wait3A_3233 = tpu.memref_slice %arg2[%dma_wait3A_3231, %dma_wait3A_3232] : memref<16384x1024xf32, #tpu.memory_space<hbm>> -> memref<16384x1024xf32, #tpu.memory_space<hbm>>
    tpu.wait_indirect_dma semaphore(%arg14 : memref<!tpu.dma_semaphore, #tpu.memory_space<semaphore_mem>>) src(%dma_wait3A_3233 : memref<16384x1024xf32, #tpu.memory_space<hbm>>) dst(%dma_wait3A_3227 : memref<16x1024xf32, #tpu.memory_space<vmem>>)
    %add3A_3234 = arith.constant 176 : i32
    %add3A_3235 = arith.addi %multiple_of3A, %add3A_3234 : i32
    %dma_start3A_3236 = arith.constant 5 : i32
    %dma_start3A_3237 = arith.constant 0 : i32
    %dma_start3A_3238 = arith.constant 0 : i32
    %dma_start3A_3239 = tpu.memref_slice %arg8[%dma_start3A_3236, %dma_start3A_3237, %dma_start3A_3238] : memref<6x16x1024xf32, #tpu.memory_space<vmem>> -> memref<1x16x1024xf32, #tpu.memory_space<vmem>>
    %dma_start3A_3240 = tpu.memref_squeeze %dma_start3A_3239 : memref<1x16x1024xf32, #tpu.memory_space<vmem>> -> memref<16x1024xf32, #tpu.memory_space<vmem>>
    %dma_start3A_3241 = arith.constant 0 : i32
    %dma_start3A_3242 = tpu.memref_slice %arg5[%add3A_3235, %dma_start3A_3241] : memref<8192x1024xf32, #tpu.memory_space<hbm>> -> memref<16x1024xf32, #tpu.memory_space<hbm>>
    %dma_start3A_3243 = arith.constant 0 : i32
    %dma_start3A_3244 = tpu.memref_slice %arg5[%add3A_3235, %dma_start3A_3243] : memref<8192x1024xf32, #tpu.memory_space<hbm>> -> memref<16x1024xf32, #tpu.memory_space<hbm>>
    %dma_start3A_3245 = arith.constant 0 : i32
    %dma_start3A_3246 = arith.constant 0 : i32
    %dma_start3A_3247 = tpu.memref_slice %arg8[%dma_start3A_3236, %dma_start3A_3245, %dma_start3A_3246] : memref<6x16x1024xf32, #tpu.memory_space<vmem>> -> memref<1x16x1024xf32, #tpu.memory_space<vmem>>
    %dma_start3A_3248 = tpu.memref_squeeze %dma_start3A_3247 : memref<1x16x1024xf32, #tpu.memory_space<vmem>> -> memref<16x1024xf32, #tpu.memory_space<vmem>>
    tpu.enqueue_dma source(%dma_start3A_3248 : memref<16x1024xf32, #tpu.memory_space<vmem>>) target(%dma_start3A_3244 : memref<16x1024xf32, #tpu.memory_space<hbm>>) target_semaphore(%arg20 : memref<!tpu.dma_semaphore, #tpu.memory_space<semaphore_mem>>)
    %dma_wait3A_3249 = arith.constant 12 : i32
    %dma_wait3A_3250 = arith.constant 0 : i32
    %dma_wait3A_3251 = arith.constant 0 : i32
    %dma_wait3A_3252 = arith.constant 0 : i32
    %dma_wait3A_3253 = tpu.memref_slice %arg8[%dma_wait3A_3250, %dma_wait3A_3251, %dma_wait3A_3252] : memref<6x16x1024xf32, #tpu.memory_space<vmem>> -> memref<1x16x1024xf32, #tpu.memory_space<vmem>>
    %dma_wait3A_3254 = tpu.memref_squeeze %dma_wait3A_3253 : memref<1x16x1024xf32, #tpu.memory_space<vmem>> -> memref<16x1024xf32, #tpu.memory_space<vmem>>
    %dma_wait3A_3255 = arith.constant 0 : i32
    %dma_wait3A_3256 = tpu.memref_slice %arg7[%dma_wait3A_3249, %dma_wait3A_3255] : memref<16x16xi32, #tpu.memory_space<vmem>> -> memref<1x16xi32, #tpu.memory_space<vmem>>
    %dma_wait3A_3257 = tpu.memref_squeeze %dma_wait3A_3256 : memref<1x16xi32, #tpu.memory_space<vmem>> -> memref<16xi32, #tpu.memory_space<vmem>>
    %dma_wait3A_3258 = arith.constant 0 : i32
    %dma_wait3A_3259 = arith.constant 0 : i32
    %dma_wait3A_3260 = tpu.memref_slice %arg2[%dma_wait3A_3258, %dma_wait3A_3259] : memref<16384x1024xf32, #tpu.memory_space<hbm>> -> memref<16384x1024xf32, #tpu.memory_space<hbm>>
    tpu.wait_indirect_dma semaphore(%arg9 : memref<!tpu.dma_semaphore, #tpu.memory_space<semaphore_mem>>) src(%dma_wait3A_3260 : memref<16384x1024xf32, #tpu.memory_space<hbm>>) dst(%dma_wait3A_3254 : memref<16x1024xf32, #tpu.memory_space<vmem>>)
    %add3A_3261 = arith.constant 192 : i32
    %add3A_3262 = arith.addi %multiple_of3A, %add3A_3261 : i32
    %dma_start3A_3263 = arith.constant 0 : i32
    %dma_start3A_3264 = arith.constant 0 : i32
    %dma_start3A_3265 = arith.constant 0 : i32
    %dma_start3A_3266 = tpu.memref_slice %arg8[%dma_start3A_3263, %dma_start3A_3264, %dma_start3A_3265] : memref<6x16x1024xf32, #tpu.memory_space<vmem>> -> memref<1x16x1024xf32, #tpu.memory_space<vmem>>
    %dma_start3A_3267 = tpu.memref_squeeze %dma_start3A_3266 : memref<1x16x1024xf32, #tpu.memory_space<vmem>> -> memref<16x1024xf32, #tpu.memory_space<vmem>>
    %dma_start3A_3268 = arith.constant 0 : i32
    %dma_start3A_3269 = tpu.memref_slice %arg5[%add3A_3262, %dma_start3A_3268] : memref<8192x1024xf32, #tpu.memory_space<hbm>> -> memref<16x1024xf32, #tpu.memory_space<hbm>>
    %dma_start3A_3270 = arith.constant 0 : i32
    %dma_start3A_3271 = tpu.memref_slice %arg5[%add3A_3262, %dma_start3A_3270] : memref<8192x1024xf32, #tpu.memory_space<hbm>> -> memref<16x1024xf32, #tpu.memory_space<hbm>>
    %dma_start3A_3272 = arith.constant 0 : i32
    %dma_start3A_3273 = arith.constant 0 : i32
    %dma_start3A_3274 = tpu.memref_slice %arg8[%dma_start3A_3263, %dma_start3A_3272, %dma_start3A_3273] : memref<6x16x1024xf32, #tpu.memory_space<vmem>> -> memref<1x16x1024xf32, #tpu.memory_space<vmem>>
    %dma_start3A_3275 = tpu.memref_squeeze %dma_start3A_3274 : memref<1x16x1024xf32, #tpu.memory_space<vmem>> -> memref<16x1024xf32, #tpu.memory_space<vmem>>
    tpu.enqueue_dma source(%dma_start3A_3275 : memref<16x1024xf32, #tpu.memory_space<vmem>>) target(%dma_start3A_3271 : memref<16x1024xf32, #tpu.memory_space<hbm>>) target_semaphore(%arg15 : memref<!tpu.dma_semaphore, #tpu.memory_space<semaphore_mem>>)
    %dma_wait3A_3276 = arith.constant 13 : i32
    %dma_wait3A_3277 = arith.constant 1 : i32
    %dma_wait3A_3278 = arith.constant 0 : i32
    %dma_wait3A_3279 = arith.constant 0 : i32
    %dma_wait3A_3280 = tpu.memref_slice %arg8[%dma_wait3A_3277, %dma_wait3A_3278, %dma_wait3A_3279] : memref<6x16x1024xf32, #tpu.memory_space<vmem>> -> memref<1x16x1024xf32, #tpu.memory_space<vmem>>
    %dma_wait3A_3281 = tpu.memref_squeeze %dma_wait3A_3280 : memref<1x16x1024xf32, #tpu.memory_space<vmem>> -> memref<16x1024xf32, #tpu.memory_space<vmem>>
    %dma_wait3A_3282 = arith.constant 0 : i32
    %dma_wait3A_3283 = tpu.memref_slice %arg7[%dma_wait3A_3276, %dma_wait3A_3282] : memref<16x16xi32, #tpu.memory_space<vmem>> -> memref<1x16xi32, #tpu.memory_space<vmem>>
    %dma_wait3A_3284 = tpu.memref_squeeze %dma_wait3A_3283 : memref<1x16xi32, #tpu.memory_space<vmem>> -> memref<16xi32, #tpu.memory_space<vmem>>
    %dma_wait3A_3285 = arith.constant 0 : i32
    %dma_wait3A_3286 = arith.constant 0 : i32
    %dma_wait3A_3287 = tpu.memref_slice %arg2[%dma_wait3A_3285, %dma_wait3A_3286] : memref<16384x1024xf32, #tpu.memory_space<hbm>> -> memref<16384x1024xf32, #tpu.memory_space<hbm>>
    tpu.wait_indirect_dma semaphore(%arg10 : memref<!tpu.dma_semaphore, #tpu.memory_space<semaphore_mem>>) src(%dma_wait3A_3287 : memref<16384x1024xf32, #tpu.memory_space<hbm>>) dst(%dma_wait3A_3281 : memref<16x1024xf32, #tpu.memory_space<vmem>>)
    %add3A_3288 = arith.constant 208 : i32
    %add3A_3289 = arith.addi %multiple_of3A, %add3A_3288 : i32
    %dma_start3A_3290 = arith.constant 1 : i32
    %dma_start3A_3291 = arith.constant 0 : i32
    %dma_start3A_3292 = arith.constant 0 : i32
    %dma_start3A_3293 = tpu.memref_slice %arg8[%dma_start3A_3290, %dma_start3A_3291, %dma_start3A_3292] : memref<6x16x1024xf32, #tpu.memory_space<vmem>> -> memref<1x16x1024xf32, #tpu.memory_space<vmem>>
    %dma_start3A_3294 = tpu.memref_squeeze %dma_start3A_3293 : memref<1x16x1024xf32, #tpu.memory_space<vmem>> -> memref<16x1024xf32, #tpu.memory_space<vmem>>
    %dma_start3A_3295 = arith.constant 0 : i32
    %dma_start3A_3296 = tpu.memref_slice %arg5[%add3A_3289, %dma_start3A_3295] : memref<8192x1024xf32, #tpu.memory_space<hbm>> -> memref<16x1024xf32, #tpu.memory_space<hbm>>
    %dma_start3A_3297 = arith.constant 0 : i32
    %dma_start3A_3298 = tpu.memref_slice %arg5[%add3A_3289, %dma_start3A_3297] : memref<8192x1024xf32, #tpu.memory_space<hbm>> -> memref<16x1024xf32, #tpu.memory_space<hbm>>
    %dma_start3A_3299 = arith.constant 0 : i32
    %dma_start3A_3300 = arith.constant 0 : i32
    %dma_start3A_3301 = tpu.memref_slice %arg8[%dma_start3A_3290, %dma_start3A_3299, %dma_start3A_3300] : memref<6x16x1024xf32, #tpu.memory_space<vmem>> -> memref<1x16x1024xf32, #tpu.memory_space<vmem>>
    %dma_start3A_3302 = tpu.memref_squeeze %dma_start3A_3301 : memref<1x16x1024xf32, #tpu.memory_space<vmem>> -> memref<16x1024xf32, #tpu.memory_space<vmem>>
    tpu.enqueue_dma source(%dma_start3A_3302 : memref<16x1024xf32, #tpu.memory_space<vmem>>) target(%dma_start3A_3298 : memref<16x1024xf32, #tpu.memory_space<hbm>>) target_semaphore(%arg16 : memref<!tpu.dma_semaphore, #tpu.memory_space<semaphore_mem>>)
    %dma_wait3A_3303 = arith.constant 14 : i32
    %dma_wait3A_3304 = arith.constant 2 : i32
    %dma_wait3A_3305 = arith.constant 0 : i32
    %dma_wait3A_3306 = arith.constant 0 : i32
    %dma_wait3A_3307 = tpu.memref_slice %arg8[%dma_wait3A_3304, %dma_wait3A_3305, %dma_wait3A_3306] : memref<6x16x1024xf32, #tpu.memory_space<vmem>> -> memref<1x16x1024xf32, #tpu.memory_space<vmem>>
    %dma_wait3A_3308 = tpu.memref_squeeze %dma_wait3A_3307 : memref<1x16x1024xf32, #tpu.memory_space<vmem>> -> memref<16x1024xf32, #tpu.memory_space<vmem>>
    %dma_wait3A_3309 = arith.constant 0 : i32
    %dma_wait3A_3310 = tpu.memref_slice %arg7[%dma_wait3A_3303, %dma_wait3A_3309] : memref<16x16xi32, #tpu.memory_space<vmem>> -> memref<1x16xi32, #tpu.memory_space<vmem>>
    %dma_wait3A_3311 = tpu.memref_squeeze %dma_wait3A_3310 : memref<1x16xi32, #tpu.memory_space<vmem>> -> memref<16xi32, #tpu.memory_space<vmem>>
    %dma_wait3A_3312 = arith.constant 0 : i32
    %dma_wait3A_3313 = arith.constant 0 : i32
    %dma_wait3A_3314 = tpu.memref_slice %arg2[%dma_wait3A_3312, %dma_wait3A_3313] : memref<16384x1024xf32, #tpu.memory_space<hbm>> -> memref<16384x1024xf32, #tpu.memory_space<hbm>>
    tpu.wait_indirect_dma semaphore(%arg11 : memref<!tpu.dma_semaphore, #tpu.memory_space<semaphore_mem>>) src(%dma_wait3A_3314 : memref<16384x1024xf32, #tpu.memory_space<hbm>>) dst(%dma_wait3A_3308 : memref<16x1024xf32, #tpu.memory_space<vmem>>)
    %add3A_3315 = arith.constant 224 : i32
    %add3A_3316 = arith.addi %multiple_of3A, %add3A_3315 : i32
    %dma_start3A_3317 = arith.constant 2 : i32
    %dma_start3A_3318 = arith.constant 0 : i32
    %dma_start3A_3319 = arith.constant 0 : i32
    %dma_start3A_3320 = tpu.memref_slice %arg8[%dma_start3A_3317, %dma_start3A_3318, %dma_start3A_3319] : memref<6x16x1024xf32, #tpu.memory_space<vmem>> -> memref<1x16x1024xf32, #tpu.memory_space<vmem>>
    %dma_start3A_3321 = tpu.memref_squeeze %dma_start3A_3320 : memref<1x16x1024xf32, #tpu.memory_space<vmem>> -> memref<16x1024xf32, #tpu.memory_space<vmem>>
    %dma_start3A_3322 = arith.constant 0 : i32
    %dma_start3A_3323 = tpu.memref_slice %arg5[%add3A_3316, %dma_start3A_3322] : memref<8192x1024xf32, #tpu.memory_space<hbm>> -> memref<16x1024xf32, #tpu.memory_space<hbm>>
    %dma_start3A_3324 = arith.constant 0 : i32
    %dma_start3A_3325 = tpu.memref_slice %arg5[%add3A_3316, %dma_start3A_3324] : memref<8192x1024xf32, #tpu.memory_space<hbm>> -> memref<16x1024xf32, #tpu.memory_space<hbm>>
    %dma_start3A_3326 = arith.constant 0 : i32
    %dma_start3A_3327 = arith.constant 0 : i32
    %dma_start3A_3328 = tpu.memref_slice %arg8[%dma_start3A_3317, %dma_start3A_3326, %dma_start3A_3327] : memref<6x16x1024xf32, #tpu.memory_space<vmem>> -> memref<1x16x1024xf32, #tpu.memory_space<vmem>>
    %dma_start3A_3329 = tpu.memref_squeeze %dma_start3A_3328 : memref<1x16x1024xf32, #tpu.memory_space<vmem>> -> memref<16x1024xf32, #tpu.memory_space<vmem>>
    tpu.enqueue_dma source(%dma_start3A_3329 : memref<16x1024xf32, #tpu.memory_space<vmem>>) target(%dma_start3A_3325 : memref<16x1024xf32, #tpu.memory_space<hbm>>) target_semaphore(%arg17 : memref<!tpu.dma_semaphore, #tpu.memory_space<semaphore_mem>>)
    %dma_wait3A_3330 = arith.constant 15 : i32
    %dma_wait3A_3331 = arith.constant 3 : i32
    %dma_wait3A_3332 = arith.constant 0 : i32
    %dma_wait3A_3333 = arith.constant 0 : i32
    %dma_wait3A_3334 = tpu.memref_slice %arg8[%dma_wait3A_3331, %dma_wait3A_3332, %dma_wait3A_3333] : memref<6x16x1024xf32, #tpu.memory_space<vmem>> -> memref<1x16x1024xf32, #tpu.memory_space<vmem>>
    %dma_wait3A_3335 = tpu.memref_squeeze %dma_wait3A_3334 : memref<1x16x1024xf32, #tpu.memory_space<vmem>> -> memref<16x1024xf32, #tpu.memory_space<vmem>>
    %dma_wait3A_3336 = arith.constant 0 : i32
    %dma_wait3A_3337 = tpu.memref_slice %arg7[%dma_wait3A_3330, %dma_wait3A_3336] : memref<16x16xi32, #tpu.memory_space<vmem>> -> memref<1x16xi32, #tpu.memory_space<vmem>>
    %dma_wait3A_3338 = tpu.memref_squeeze %dma_wait3A_3337 : memref<1x16xi32, #tpu.memory_space<vmem>> -> memref<16xi32, #tpu.memory_space<vmem>>
    %dma_wait3A_3339 = arith.constant 0 : i32
    %dma_wait3A_3340 = arith.constant 0 : i32
    %dma_wait3A_3341 = tpu.memref_slice %arg2[%dma_wait3A_3339, %dma_wait3A_3340] : memref<16384x1024xf32, #tpu.memory_space<hbm>> -> memref<16384x1024xf32, #tpu.memory_space<hbm>>
    tpu.wait_indirect_dma semaphore(%arg12 : memref<!tpu.dma_semaphore, #tpu.memory_space<semaphore_mem>>) src(%dma_wait3A_3341 : memref<16384x1024xf32, #tpu.memory_space<hbm>>) dst(%dma_wait3A_3335 : memref<16x1024xf32, #tpu.memory_space<vmem>>)
    %add3A_3342 = arith.constant 240 : i32
    %add3A_3343 = arith.addi %multiple_of3A, %add3A_3342 : i32
    %dma_start3A_3344 = arith.constant 3 : i32
    %dma_start3A_3345 = arith.constant 0 : i32
    %dma_start3A_3346 = arith.constant 0 : i32
    %dma_start3A_3347 = tpu.memref_slice %arg8[%dma_start3A_3344, %dma_start3A_3345, %dma_start3A_3346] : memref<6x16x1024xf32, #tpu.memory_space<vmem>> -> memref<1x16x1024xf32, #tpu.memory_space<vmem>>
    %dma_start3A_3348 = tpu.memref_squeeze %dma_start3A_3347 : memref<1x16x1024xf32, #tpu.memory_space<vmem>> -> memref<16x1024xf32, #tpu.memory_space<vmem>>
    %dma_start3A_3349 = arith.constant 0 : i32
    %dma_start3A_3350 = tpu.memref_slice %arg5[%add3A_3343, %dma_start3A_3349] : memref<8192x1024xf32, #tpu.memory_space<hbm>> -> memref<16x1024xf32, #tpu.memory_space<hbm>>
    %dma_start3A_3351 = arith.constant 0 : i32
    %dma_start3A_3352 = tpu.memref_slice %arg5[%add3A_3343, %dma_start3A_3351] : memref<8192x1024xf32, #tpu.memory_space<hbm>> -> memref<16x1024xf32, #tpu.memory_space<hbm>>
    %dma_start3A_3353 = arith.constant 0 : i32
    %dma_start3A_3354 = arith.constant 0 : i32
    %dma_start3A_3355 = tpu.memref_slice %arg8[%dma_start3A_3344, %dma_start3A_3353, %dma_start3A_3354] : memref<6x16x1024xf32, #tpu.memory_space<vmem>> -> memref<1x16x1024xf32, #tpu.memory_space<vmem>>
    %dma_start3A_3356 = tpu.memref_squeeze %dma_start3A_3355 : memref<1x16x1024xf32, #tpu.memory_space<vmem>> -> memref<16x1024xf32, #tpu.memory_space<vmem>>
    tpu.enqueue_dma source(%dma_start3A_3356 : memref<16x1024xf32, #tpu.memory_space<vmem>>) target(%dma_start3A_3352 : memref<16x1024xf32, #tpu.memory_space<hbm>>) target_semaphore(%arg18 : memref<!tpu.dma_semaphore, #tpu.memory_space<semaphore_mem>>)
    %dma_wait3A_3357 = arith.constant 0 : i32
    %dma_wait3A_3358 = arith.constant 0 : i32
    %dma_wait3A_3359 = arith.constant 0 : i32
    %dma_wait3A_3360 = tpu.memref_slice %arg8[%dma_wait3A_3357, %dma_wait3A_3358, %dma_wait3A_3359] : memref<6x16x1024xf32, #tpu.memory_space<vmem>> -> memref<1x16x1024xf32, #tpu.memory_space<vmem>>
    %dma_wait3A_3361 = tpu.memref_squeeze %dma_wait3A_3360 : memref<1x16x1024xf32, #tpu.memory_space<vmem>> -> memref<16x1024xf32, #tpu.memory_space<vmem>>
    %dma_wait3A_3362 = arith.constant 0 : i32
    %dma_wait3A_3363 = tpu.memref_slice %arg5[%add3A_3262, %dma_wait3A_3362] : memref<8192x1024xf32, #tpu.memory_space<hbm>> -> memref<16x1024xf32, #tpu.memory_space<hbm>>
    %dma_wait3A_3364 = arith.constant 0 : i32
    %dma_wait3A_3365 = tpu.memref_slice %arg5[%add3A_3262, %dma_wait3A_3364] : memref<8192x1024xf32, #tpu.memory_space<hbm>> -> memref<16x1024xf32, #tpu.memory_space<hbm>>
    %dma_wait3A_3366 = arith.constant 0 : i32
    %dma_wait3A_3367 = arith.constant 0 : i32
    %dma_wait3A_3368 = tpu.memref_slice %arg8[%dma_wait3A_3357, %dma_wait3A_3366, %dma_wait3A_3367] : memref<6x16x1024xf32, #tpu.memory_space<vmem>> -> memref<1x16x1024xf32, #tpu.memory_space<vmem>>
    %dma_wait3A_3369 = tpu.memref_squeeze %dma_wait3A_3368 : memref<1x16x1024xf32, #tpu.memory_space<vmem>> -> memref<16x1024xf32, #tpu.memory_space<vmem>>
    tpu.wait_dma2 semaphore(%arg15 : memref<!tpu.dma_semaphore, #tpu.memory_space<semaphore_mem>>) src(%dma_wait3A_3369 : memref<16x1024xf32, #tpu.memory_space<vmem>>) dst(%dma_wait3A_3365 : memref<16x1024xf32, #tpu.memory_space<hbm>>)
    %dma_wait3A_3370 = arith.constant 1 : i32
    %dma_wait3A_3371 = arith.constant 0 : i32
    %dma_wait3A_3372 = arith.constant 0 : i32
    %dma_wait3A_3373 = tpu.memref_slice %arg8[%dma_wait3A_3370, %dma_wait3A_3371, %dma_wait3A_3372] : memref<6x16x1024xf32, #tpu.memory_space<vmem>> -> memref<1x16x1024xf32, #tpu.memory_space<vmem>>
    %dma_wait3A_3374 = tpu.memref_squeeze %dma_wait3A_3373 : memref<1x16x1024xf32, #tpu.memory_space<vmem>> -> memref<16x1024xf32, #tpu.memory_space<vmem>>
    %dma_wait3A_3375 = arith.constant 0 : i32
    %dma_wait3A_3376 = tpu.memref_slice %arg5[%add3A_3289, %dma_wait3A_3375] : memref<8192x1024xf32, #tpu.memory_space<hbm>> -> memref<16x1024xf32, #tpu.memory_space<hbm>>
    %dma_wait3A_3377 = arith.constant 0 : i32
    %dma_wait3A_3378 = tpu.memref_slice %arg5[%add3A_3289, %dma_wait3A_3377] : memref<8192x1024xf32, #tpu.memory_space<hbm>> -> memref<16x1024xf32, #tpu.memory_space<hbm>>
    %dma_wait3A_3379 = arith.constant 0 : i32
    %dma_wait3A_3380 = arith.constant 0 : i32
    %dma_wait3A_3381 = tpu.memref_slice %arg8[%dma_wait3A_3370, %dma_wait3A_3379, %dma_wait3A_3380] : memref<6x16x1024xf32, #tpu.memory_space<vmem>> -> memref<1x16x1024xf32, #tpu.memory_space<vmem>>
    %dma_wait3A_3382 = tpu.memref_squeeze %dma_wait3A_3381 : memref<1x16x1024xf32, #tpu.memory_space<vmem>> -> memref<16x1024xf32, #tpu.memory_space<vmem>>
    tpu.wait_dma2 semaphore(%arg16 : memref<!tpu.dma_semaphore, #tpu.memory_space<semaphore_mem>>) src(%dma_wait3A_3382 : memref<16x1024xf32, #tpu.memory_space<vmem>>) dst(%dma_wait3A_3378 : memref<16x1024xf32, #tpu.memory_space<hbm>>)
    %dma_wait3A_3383 = arith.constant 2 : i32
    %dma_wait3A_3384 = arith.constant 0 : i32
    %dma_wait3A_3385 = arith.constant 0 : i32
    %dma_wait3A_3386 = tpu.memref_slice %arg8[%dma_wait3A_3383, %dma_wait3A_3384, %dma_wait3A_3385] : memref<6x16x1024xf32, #tpu.memory_space<vmem>> -> memref<1x16x1024xf32, #tpu.memory_space<vmem>>
    %dma_wait3A_3387 = tpu.memref_squeeze %dma_wait3A_3386 : memref<1x16x1024xf32, #tpu.memory_space<vmem>> -> memref<16x1024xf32, #tpu.memory_space<vmem>>
    %dma_wait3A_3388 = arith.constant 0 : i32
    %dma_wait3A_3389 = tpu.memref_slice %arg5[%add3A_3316, %dma_wait3A_3388] : memref<8192x1024xf32, #tpu.memory_space<hbm>> -> memref<16x1024xf32, #tpu.memory_space<hbm>>
    %dma_wait3A_3390 = arith.constant 0 : i32
    %dma_wait3A_3391 = tpu.memref_slice %arg5[%add3A_3316, %dma_wait3A_3390] : memref<8192x1024xf32, #tpu.memory_space<hbm>> -> memref<16x1024xf32, #tpu.memory_space<hbm>>
    %dma_wait3A_3392 = arith.constant 0 : i32
    %dma_wait3A_3393 = arith.constant 0 : i32
    %dma_wait3A_3394 = tpu.memref_slice %arg8[%dma_wait3A_3383, %dma_wait3A_3392, %dma_wait3A_3393] : memref<6x16x1024xf32, #tpu.memory_space<vmem>> -> memref<1x16x1024xf32, #tpu.memory_space<vmem>>
    %dma_wait3A_3395 = tpu.memref_squeeze %dma_wait3A_3394 : memref<1x16x1024xf32, #tpu.memory_space<vmem>> -> memref<16x1024xf32, #tpu.memory_space<vmem>>
    tpu.wait_dma2 semaphore(%arg17 : memref<!tpu.dma_semaphore, #tpu.memory_space<semaphore_mem>>) src(%dma_wait3A_3395 : memref<16x1024xf32, #tpu.memory_space<vmem>>) dst(%dma_wait3A_3391 : memref<16x1024xf32, #tpu.memory_space<hbm>>)
    %dma_wait3A_3396 = arith.constant 3 : i32
    %dma_wait3A_3397 = arith.constant 0 : i32
    %dma_wait3A_3398 = arith.constant 0 : i32
    %dma_wait3A_3399 = tpu.memref_slice %arg8[%dma_wait3A_3396, %dma_wait3A_3397, %dma_wait3A_3398] : memref<6x16x1024xf32, #tpu.memory_space<vmem>> -> memref<1x16x1024xf32, #tpu.memory_space<vmem>>
    %dma_wait3A_3400 = tpu.memref_squeeze %dma_wait3A_3399 : memref<1x16x1024xf32, #tpu.memory_space<vmem>> -> memref<16x1024xf32, #tpu.memory_space<vmem>>
    %dma_wait3A_3401 = arith.constant 0 : i32
    %dma_wait3A_3402 = tpu.memref_slice %arg5[%add3A_3343, %dma_wait3A_3401] : memref<8192x1024xf32, #tpu.memory_space<hbm>> -> memref<16x1024xf32, #tpu.memory_space<hbm>>
    %dma_wait3A_3403 = arith.constant 0 : i32
    %dma_wait3A_3404 = tpu.memref_slice %arg5[%add3A_3343, %dma_wait3A_3403] : memref<8192x1024xf32, #tpu.memory_space<hbm>> -> memref<16x1024xf32, #tpu.memory_space<hbm>>
    %dma_wait3A_3405 = arith.constant 0 : i32
    %dma_wait3A_3406 = arith.constant 0 : i32
    %dma_wait3A_3407 = tpu.memref_slice %arg8[%dma_wait3A_3396, %dma_wait3A_3405, %dma_wait3A_3406] : memref<6x16x1024xf32, #tpu.memory_space<vmem>> -> memref<1x16x1024xf32, #tpu.memory_space<vmem>>
    %dma_wait3A_3408 = tpu.memref_squeeze %dma_wait3A_3407 : memref<1x16x1024xf32, #tpu.memory_space<vmem>> -> memref<16x1024xf32, #tpu.memory_space<vmem>>
    tpu.wait_dma2 semaphore(%arg18 : memref<!tpu.dma_semaphore, #tpu.memory_space<semaphore_mem>>) src(%dma_wait3A_3408 : memref<16x1024xf32, #tpu.memory_space<vmem>>) dst(%dma_wait3A_3404 : memref<16x1024xf32, #tpu.memory_space<hbm>>)
    %dma_wait3A_3409 = arith.constant 4 : i32
    %dma_wait3A_3410 = arith.constant 0 : i32
    %dma_wait3A_3411 = arith.constant 0 : i32
    %dma_wait3A_3412 = tpu.memref_slice %arg8[%dma_wait3A_3409, %dma_wait3A_3410, %dma_wait3A_3411] : memref<6x16x1024xf32, #tpu.memory_space<vmem>> -> memref<1x16x1024xf32, #tpu.memory_space<vmem>>
    %dma_wait3A_3413 = tpu.memref_squeeze %dma_wait3A_3412 : memref<1x16x1024xf32, #tpu.memory_space<vmem>> -> memref<16x1024xf32, #tpu.memory_space<vmem>>
    %dma_wait3A_3414 = arith.constant 0 : i32
    %dma_wait3A_3415 = tpu.memref_slice %arg5[%add3A_3183, %dma_wait3A_3414] : memref<8192x1024xf32, #tpu.memory_space<hbm>> -> memref<16x1024xf32, #tpu.memory_space<hbm>>
    %dma_wait3A_3416 = arith.constant 0 : i32
    %dma_wait3A_3417 = tpu.memref_slice %arg5[%add3A_3183, %dma_wait3A_3416] : memref<8192x1024xf32, #tpu.memory_space<hbm>> -> memref<16x1024xf32, #tpu.memory_space<hbm>>
    %dma_wait3A_3418 = arith.constant 0 : i32
    %dma_wait3A_3419 = arith.constant 0 : i32
    %dma_wait3A_3420 = tpu.memref_slice %arg8[%dma_wait3A_3409, %dma_wait3A_3418, %dma_wait3A_3419] : memref<6x16x1024xf32, #tpu.memory_space<vmem>> -> memref<1x16x1024xf32, #tpu.memory_space<vmem>>
    %dma_wait3A_3421 = tpu.memref_squeeze %dma_wait3A_3420 : memref<1x16x1024xf32, #tpu.memory_space<vmem>> -> memref<16x1024xf32, #tpu.memory_space<vmem>>
    tpu.wait_dma2 semaphore(%arg19 : memref<!tpu.dma_semaphore, #tpu.memory_space<semaphore_mem>>) src(%dma_wait3A_3421 : memref<16x1024xf32, #tpu.memory_space<vmem>>) dst(%dma_wait3A_3417 : memref<16x1024xf32, #tpu.memory_space<hbm>>)
    %dma_wait3A_3422 = arith.constant 5 : i32
    %dma_wait3A_3423 = arith.constant 0 : i32
    %dma_wait3A_3424 = arith.constant 0 : i32
    %dma_wait3A_3425 = tpu.memref_slice %arg8[%dma_wait3A_3422, %dma_wait3A_3423, %dma_wait3A_3424] : memref<6x16x1024xf32, #tpu.memory_space<vmem>> -> memref<1x16x1024xf32, #tpu.memory_space<vmem>>
    %dma_wait3A_3426 = tpu.memref_squeeze %dma_wait3A_3425 : memref<1x16x1024xf32, #tpu.memory_space<vmem>> -> memref<16x1024xf32, #tpu.memory_space<vmem>>
    %dma_wait3A_3427 = arith.constant 0 : i32
    %dma_wait3A_3428 = tpu.memref_slice %arg5[%add3A_3235, %dma_wait3A_3427] : memref<8192x1024xf32, #tpu.memory_space<hbm>> -> memref<16x1024xf32, #tpu.memory_space<hbm>>
    %dma_wait3A_3429 = arith.constant 0 : i32
    %dma_wait3A_3430 = tpu.memref_slice %arg5[%add3A_3235, %dma_wait3A_3429] : memref<8192x1024xf32, #tpu.memory_space<hbm>> -> memref<16x1024xf32, #tpu.memory_space<hbm>>
    %dma_wait3A_3431 = arith.constant 0 : i32
    %dma_wait3A_3432 = arith.constant 0 : i32
    %dma_wait3A_3433 = tpu.memref_slice %arg8[%dma_wait3A_3422, %dma_wait3A_3431, %dma_wait3A_3432] : memref<6x16x1024xf32, #tpu.memory_space<vmem>> -> memref<1x16x1024xf32, #tpu.memory_space<vmem>>
    %dma_wait3A_3434 = tpu.memref_squeeze %dma_wait3A_3433 : memref<1x16x1024xf32, #tpu.memory_space<vmem>> -> memref<16x1024xf32, #tpu.memory_space<vmem>>
    tpu.wait_dma2 semaphore(%arg20 : memref<!tpu.dma_semaphore, #tpu.memory_space<semaphore_mem>>) src(%dma_wait3A_3434 : memref<16x1024xf32, #tpu.memory_space<vmem>>) dst(%dma_wait3A_3430 : memref<16x1024xf32, #tpu.memory_space<hbm>>)
    return
  }
}

</mosaic_0001>

<sc_bundles>
// kernel: kernel.3.cloned.1.call-start
scs
__scs_entry_jumppad:
0x0: {  	(pc) =	sbr.rel $0x88, $3  }
0x1: {  	(tag) =	ssettag $0x0;
	lr =	simm.s32 $0x1  }
0x2: {  	[smem:$0x3F9F] =	sst lr;
	_ =	strace $0xD0000000  }
0x3: {  	_ = 	snop  }
0x4: {  	_ = 	snop  }
0x5: {  	_ = 	snop  }
0x6: {  	_ = 	snop  }
0x7: {  	_ = 	snop  }
__scs_overlays_trampoline_lowered:
0x8: {  	[smem:$0x3FAE] =	sst s0  }
0x9: {  	[smem:$0x3FAF] =	sst s1  }
0xa: {  	[smem:$0x3FB0] =	sst s2  }
0xb: {  	[smem:$0x3FB1] =	sst s3  }
0xc: {  	[smem:$0x3FB2] =	sst s4  }
0xd: {  	[smem:$0x3FB3] =	sst s5  }
0xe: {  	[smem:$0x3FB4] =	sst s6  }
0xf: {  	[smem:$0x3FB5] =	sst s7  }
0x10: {  	[smem:$0x3FB6] =	sst s8  }
0x11: {  	[smem:$0x3FB7] =	sst s9;
	s0 =	simm.s32 @!p0 $0x0  }
0x12: {  	s1 =	sld [smem:$0x3F9D];
	s0 =	simm.s32 @p0 $0x1  }
0x13: {  	[smem:$0x3FB8] =	sst s0;
	s0 =	simm.s32 @!p1 $0x0  }
0x14: {  	s2 =	sld [smem:$0x3F9C];
	s0 =	simm.s32 @p1 $0x1  }
0x15: {  	[smem:$0x3FB9] =	sst s0;
	s0 =	simm.s32 @!p2 $0x0  }
0x16: {  	s3 =	sld [smem:$0x3FDB];
	s0 =	simm.s32 @p2 $0x1  }
0x17: {  	s4 =	simm.s32 $0x1BF5;
	[smem:$0x3FBB] =	sst s0  }
0x18: {  	s0 =	sld [smem:$0x3F9E];
	_ =	swait.ge [sflag:s4], $0x0  }
0x19: {  	s7 =	sld [smem:$0x3F9F]  }
0x1a: {  	s8 =	sadd.s32 $0xFFFFE003, lr  }
0x1b: {  	s9 =	sadd.s32 $0xFFFFFEF7, lr;
	s5 =	simm.s32 $0xFFFFFFFF;
	p2 =	slt.u32 s8, $0xFFFFF086  }
0x1c: {  	p1 =	slt.u32 s9, $0xF7A;
	s5 =	simm.s32 @!p2 $0x0  }
0x1d: {  	s5 =	simm.s32 @p1 $0x1;
	p0 =	seq.s32 s7, s2  }
0x1e: {  	s7 =	smul.u32 @!p0 $0xF7A, s2;
	p2 =	seq.s32 @!p0 s5, $0x0  }
0x1f: {  	s9 =	smul.u32 $0xF7A, s1;
	s8 =	simm.s32 @!p0 $0x1BF5;
	p2 =	por !p2, p0  }
0x20: {  	[sflag:s8] =	ssyncset.s32 @!p0 $0xFFFFF086;
	s6 =	sadd.s32 @!p0 s3, s7;
	s7 =	simm.s32 @!p0 $0x108  }
0x21: {  	s3 =	sadd.s32 s3, s9;
	s6 =	sadd.s32 @!p0 $0x88, s6;
	s7 =	simm.s32 @p2 $0x1082  }
0x22: {  	[simem:s7], [sflag:s8] =	dma.local @!p0 [hbm:s6], $0xF7A  }
0x23: {  	s9 =	sor.u32 $0xD0000000, s2;
	s6 =	simm.s32 $0x108;
	_ =	swait.ge @!p0 [sflag:s8], $0x0  }
0x24: {  	s3 =	sadd.s32 $0x88, s3;
	s6 =	simm.s32 @!p1 $0x1082;
	[sflag:s4] =	ssyncset.s32 $0xFFFFF086  }
0x25: {  	[simem:s6], [sflag:s4] =	dma.local [hbm:s3], $0xF7A  }
0x26: {  	[smem:$0x3F9F] =	sst s1;
	(tag) =	ssettag s2;
	_ =	strace s9  }
0x27: {  	s1 =	sld [smem:$0x3FAF]  }
0x28: {  	s2 =	sld [smem:$0x3FB0]  }
0x29: {  	s4 =	sld [smem:$0x3FB2]  }
0x2a: {  	p0 =	seq.s32 s5, $0x0;
	s5 =	sld [smem:$0x3FB3]  }
0x2b: {  	s6 =	sld [smem:$0x3FB4]  }
0x2c: {  	s7 =	sld [smem:$0x3FB5]  }
0x2d: {  	s3 =	simm.s32 $0x108;
	s8 =	sld [smem:$0x3FB6]  }
0x2e: {  	s3 =	simm.s32 @!p0 $0x1082;
	s9 =	sld [smem:$0x3FB7]  }
0x2f: {  	lr =	sadd.s32 s0, s3;
	s0 =	sld [smem:$0x3FAE]  }
0x30: {  	s3 =	sld [smem:$0x3FB1]  }
0x31: {  	[smem:$0x3FBA] =	sst s10  }
0x32: {  	s10 =	sld [smem:$0x3FB8];
	_ =	sdelay $0x3  }
0x33: {  	p0 =	seq.s32 s10, $0x1;
	s10 =	sld [smem:$0x3FBA];
	_ =	sdelay $0x3  }
0x34: {  	[smem:$0x3FBA] =	sst s10  }
0x35: {  	s10 =	sld [smem:$0x3FB9];
	_ =	sdelay $0x3  }
0x36: {  	p1 =	seq.s32 s10, $0x1;
	s10 =	sld [smem:$0x3FBA];
	_ =	sdelay $0x3  }
0x37: {  	[smem:$0x3FBA] =	sst s10  }
0x38: {  	s10 =	sld [smem:$0x3FBB]  }
0x39: {  	_ = 	snop;
	(pc) =	sbr.ind lr, $3  }
0x3a: {  	_ = 	snop  }
0x3b: {  	_ = 	snop  }
0x3c: {  	p2 =	seq.s32 s10, $0x1;
	s10 =	sld [smem:$0x3FBA]  }
0x3d: {  	_ =	shalt  }
0x3e: {  	_ =	shalt  }
0x3f: {  	_ =	shalt  }
0x40: {  	_ =	shalt  }
0x41: {  	_ =	shalt  }
0x42: {  	_ =	shalt  }
0x43: {  	_ =	shalt  }
0x44: {  	_ =	shalt  }
0x45: {  	_ =	shalt  }
0x46: {  	_ =	shalt  }
0x47: {  	_ =	shalt  }
0x48: {  	_ =	shalt  }
0x49: {  	_ =	shalt  }
0x4a: {  	_ =	shalt  }
0x4b: {  	_ =	shalt  }
0x4c: {  	_ =	shalt  }
0x4d: {  	_ =	shalt  }
0x4e: {  	_ =	shalt  }
0x4f: {  	_ =	shalt  }
0x50: {  	_ =	shalt  }
0x51: {  	_ =	shalt  }
0x52: {  	_ =	shalt  }
0x53: {  	_ =	shalt  }
0x54: {  	_ =	shalt  }
0x55: {  	_ =	shalt  }
0x56: {  	_ =	shalt  }
0x57: {  	_ =	shalt  }
0x58: {  	_ =	shalt  }
0x59: {  	_ =	shalt  }
0x5a: {  	_ =	shalt  }
0x5b: {  	_ =	shalt  }
0x5c: {  	_ =	shalt  }
0x5d: {  	_ =	shalt  }
0x5e: {  	_ =	shalt  }
0x5f: {  	_ =	shalt  }
0x60: {  	_ =	shalt  }
0x61: {  	_ =	shalt  }
0x62: {  	_ =	shalt  }
0x63: {  	_ =	shalt  }
0x64: {  	_ =	shalt  }
0x65: {  	_ =	shalt  }
0x66: {  	_ =	shalt  }
0x67: {  	_ =	shalt  }
0x68: {  	_ =	shalt  }
0x69: {  	_ =	shalt  }
0x6a: {  	_ =	shalt  }
0x6b: {  	_ =	shalt  }
0x6c: {  	_ =	shalt  }
0x6d: {  	_ =	shalt  }
0x6e: {  	_ =	shalt  }
0x6f: {  	_ =	shalt  }
0x70: {  	_ =	shalt  }
0x71: {  	_ =	shalt  }
0x72: {  	_ =	shalt  }
0x73: {  	_ =	shalt  }
0x74: {  	_ =	shalt  }
0x75: {  	_ =	shalt  }
0x76: {  	_ =	shalt  }
0x77: {  	_ =	shalt  }
0x78: {  	_ =	shalt  }
0x79: {  	_ =	shalt  }
0x7a: {  	_ =	shalt  }
0x7b: {  	_ =	shalt  }
0x7c: {  	_ =	shalt  }
0x7d: {  	_ =	shalt  }
0x7e: {  	_ =	shalt  }
0x7f: {  	_ =	shalt  }
0x80: {  	_ =	shalt  }
0x81: {  	_ =	shalt  }
0x82: {  	_ =	shalt  }
0x83: {  	_ =	shalt  }
0x84: {  	_ =	shalt  }
0x85: {  	_ =	shalt  }
0x86: {  	_ =	shalt  }
0x87: {  	_ =	shalt  }
.Lfunc_end0:
.L_simem_size_0:
called_computation_lowered:
.L_overlay_start_0:
0x88: {  	s2 =	sld [smem:$0x3FD9]  }
0x89: {  	s3 =	sld [smem:$0x3FFE];
	_ =	sdelay $0x1  }
0x8a: {  	s1 =	srdreg.scid  }
0x8b: {  	s0 =	sand.u32 $0x1, s1  }
0x8c: {  	s17 =	sshll.u32 s0, $0xA;
	s2 =	sadd.s32 s3, s2  }
0x8d: {  	s2 =	sadd.s32 s2, s17  }
0x8e: {  	[smem:$0x3FC6] =	sst s2  }
0x8f: {  	_ = 	snop  }
0x90: {  	s2 =	sld [smem:$0x3FC9]  }
0x91: {  	s18 =	sld [smem:$0x3FD0];
	(tm) =	ssettm $0x1  }
0x92: {  	s4 =	sld [smem:$0x3FFB];
	_ =	sdelay $0x3  }
0x93: {  	_ =	strace s4  }
0x94: {  	s4 =	sld [smem:$0x3FFC];
	_ =	sdelay $0x3  }
0x95: {  	_ =	strace s4  }
0x96: {  	s4 =	sld [smem:$0x3FFD];
	_ =	sdelay $0x3  }
0x97: {  	_ =	strace s4  }
0x98: {  	_ =	strace $0x8FFFFFFF  }
0x99: {  	s19 =	sld [smem:$0x3FDB];
	_ =	sdelay $0x1  }
0x9a: {  	s5 =	simm.s32 $_scs_section_size  }
0x9b: {  	s6 =	simm.s32 $_size__tile_overlayer_lowered;
	s7 =	simm.s32 $_tile_overlayer_lowered  }
0x9c: {  	s22 =	simm.s32 $0x1BFF;
	s21 =	sshll.u32 s7, $0x1;
	s4 =	sadd.s32 s5, s19  }
0x9d: {  	s8 =	simm.s32 $0x0;
	s20 =	sshll.u32 s6, $0x1;
	s6 =	sadd.s32 s21, s4  }
0x9e: {  	[timem:s8], [sflag:s22] =	dma.local [hbm:s6], s20  }
0x9f: {  	_ =	swait.ge [sflag:s22], s20  }
0xa0: {  	s5 =	ssub.s32 $0x0, s20;
	[sflag:s22] =	ssyncset.done $0x0  }
0xa1: {  	[sflag:s22] =	ssyncadd.s32 s5;
	_ =	sdelay $0x1  }
0xa2: {  	s23 =	simm.s32 $0x1B8B  }
0xa3: {  	_ =	swait.ge [sflag:s23], $0x1  }
0xa4: {  	[sflag:s23] =	ssyncset.done $0x0  }
0xa5: {  	s25 =	simm.s32 $0x1B8E;
	s24 =	sld [smem:$0x3FFE];
	[sflag:s23] =	ssyncadd.s32 $0xFFFFFFFF  }
0xa6: {  	s26 =	simm.s32 $execute0_lowered;
	[smem:$0x3FD2] =	sst s25  }
0xa7: {  	s6 =	sshll.u32 s26, $0x1;
	_ =	strace $0x80000046;
	[dreg:$0x1] =	wrdreg $0xFFFFFFFF  }
0xa8: {  	s28 =	simm.s32 $_size_execute0_lowered;
	s4 =	sadd.s32 s4, s6;
	[dreg:$0x0] =	wrdreg $0x0  }
0xa9: {  	s6 =	sshll.u32 s28, $0x1;
	[dreg:$0x2] =	wrdreg s4  }
0xaa: {  	[dreg:$0x3] =	wrdreg s6  }
0xab: {  	[dreg:$0x4] =	wrdreg $0xC0  }
0xac: {  	_ =	task [dreg:s8], $0x5FFFF  }
0xad: {  	[dreg:$0x1] =	wrdreg $0xFFFFFFFF  }
0xae: {  	[dreg:$0x0] =	wrdreg $0x60  }
0xaf: {  	[dreg:$0x2] =	wrdreg s2  }
0xb0: {  	[dreg:$0x3] =	wrdreg s24  }
0xb1: {  	[dreg:$0x4] =	wrdreg s18  }
0xb2: {  	[dreg:$0x5] =	wrdreg $0x9  }
0xb3: {  	_ =	task.clear_ibuf [dreg:s8], $0x6FFFF;
	_ =	strace $0x90000046  }
0xb4: {  	s29 =	simm.s32 $0x9;
	_ =	strace $0x80000048  }
0xb5: {  	_ =	swait.ge [sflag:s29], $0x1  }
0xb6: {  	[sflag:s29] =	ssyncadd.s32 $0xFFFFFFFF  }
0xb7: {  	_ =	strace $0x90000048  }
0xb8: {  	_ =	sfence  }
0xb9: {  	s30 =	sld [smem:$0x0];
	_ =	sdelay $0x2  }
0xba: {  	s31 =	sshll.u32 s1, $0xD;
	s1 =	sshrl.u32 s1, $0x2  }
0xbb: {  	s3 =	sand.u32 $0x4000, s31;
	s1 =	sadd.s32 s1, s30  }
0xbc: {  	s0 =	sor.u32 s3, s0;
	s1 =	sshll.u32 s1, $0x11  }
0xbd: {  	s0 =	sor.u32 s1, s0  }
0xbe: {  	s0 =	sadd.s32 $0x8F2B, s0  }
0xbf: {  	[sflag:s0] =	ssyncadd.remote.s32 $0x1  }
0xc0: {  	_ =	sfence.sel $0xFFFF  }
0xc1: {  	[dreg:$0x0] =	wrdreg $0xFFFFFFFF;
	(pc) =	sbr.abs _section_cstart, $3  }
0xc2: {  	[dreg:$0x1] =	wrdreg $0xFFFFFFFF  }
0xc3: {  	_ =	task.clear_ibuf [dreg:s8], $0x2FFFF;
	_ =	strace $0x9FFFFFFF  }
0xc4: {  	(tm) =	ssettm $0x7FFFFFFF  }
0xc5: {  	_ =	shalt  }
tec
execute0_lowered:
.L_overlay_start_1:
0x0: {  	(tag) =	ssettag $0x1  }
0x1: {  	s24 =	rddreg [dreg:$0x0]  }
0x2: {  	s5 =	rddreg [dreg:$0x1]  }
0x3: {  	s7 =	rddreg [dreg:$0x2]  }
0x4: {  	s4 =	simm.s32 $0x0;
	s0 =	srdreg.scid;
	s3 =	stileid.u32  }
0x5: {  	s28 =	simm.s32 $0x7;
	[smem:$0x7FF] =	sst s4;
	s0 =	sand.u32 $0x1, s0  }
0x6: {  	s3 =	sshll.u32 s3, $0x9;
	s5 =	sadd.s32 $0x200, s5;
	_ =	strace $0x80000047  }
0x7: {  	s2 =	ssub.s32 $0x2, s0;
	s0 =	sshll.u32 s0, $0x8;
	[dreg:$0x4] =	wrdreg s5  }
0x8: {  	s5 =	sadd.s32 $0x100, s24;
	s6 =	sshrl.u32 s2, $0x1;
	s21 =	sor.u32 s0, s3  }
0x9: {  	s8 =	ssub.s32 s2, s6;
	s14 =	sor.u32 $0x10, s21;
	s0 =	sor.u32 $0x20, s21  }
0xa: {  	s13 =	sor.u32 $0x30, s21;
	s3 =	sor.u32 $0x40, s21;
	s2 =	sor.u32 $0x50, s21  }
0xb: {  	s1 =	sor.u32 $0x60, s21;
	s10 =	sor.u32 $0x70, s21;
	s11 =	sor.u32 $0x80, s21  }
0xc: {  	s15 =	sor.u32 $0x90, s21;
	s16 =	sor.u32 $0xA0, s21;
	s25 =	sor.u32 $0xB0, s21  }
0xd: {  	v0 =	vlaneseq.u32;
	s18 =	sor.u32 $0xC0, s21;
	s19 =	sor.u32 $0xD0, s21;
	s12 =	sor.u32 $0xE0, s21  }
0xe: {  	s17 =	sor.u32 $0xF0, s21;
	s20 =	sshll.u32 s21, $0x7;
	v1 =	vor.u32 s21, v0;
	s21 =	simm.s32 $0x9000  }
0xf: {  	s6 =	sadd.s32 s7, s20;
	s9 =	sshll.u32 s14, $0x7;
	s23 =	sshll.u32 s0, $0x7  }
0x10: {  	s29 =	sshll.u32 s13, $0x7;
	s31 =	sshll.u32 s3, $0x7;
	s20 =	sshll.u32 s2, $0x7  }
0x11: {  	s8 =	smax.u32 s8, $0x1;
	[dreg:$0x5] =	wrdreg s6;
	s22 =	sadd.s32 s7, s9  }
0x12: {  	s26 =	sadd.s32 s7, s23;
	s30 =	sadd.s32 s7, s29;
	s9 =	sadd.s32 s7, s31  }
0x13: {  	[tilespmem:$0x1FF00] =	vst v1;
	v48 =	vor.u32 s14, v0;
	s23 =	sshll.u32 s1, $0x7;
	s29 =	sshll.u32 s10, $0x7;
	[dreg:$0x6] =	wrdreg s22  }
0x14: {  	v49 =	vor.u32 s0, v0;
	s31 =	sshll.u32 s11, $0x7;
	s6 =	sadd.s32 $0x200, s24;
	[tilespmem:$0x1FF10] =	vst v48;
	[dreg:$0x7] =	wrdreg s26  }
0x15: {  	v50 =	vor.u32 s13, v0;
	v54 =	vor.u32 s10, v0;
	v55 =	vor.u32 s11, v0;
	[tilespmem:$0x1FF20] =	vst v49;
	s10 =	simm.s32 $0x13000;
	s11 =	simm.s32 $0x13800;
	[dreg:$0x8] =	wrdreg s30  }
0x16: {  	v51 =	vor.u32 s3, v0;
	[tilespmem:$0x1FF30] =	vst v50;
	[dreg:$0x9] =	wrdreg s9;
	s22 =	sadd.s32 s7, s20;
	s26 =	sadd.s32 s7, s23  }
0x17: {  	v52 =	vor.u32 s2, v0;
	[tilespmem:$0x1FF40] =	vst v51;
	s30 =	sadd.s32 s7, s29;
	s9 =	sadd.s32 s7, s31;
	[dreg:$0xa] =	wrdreg s22  }
0x18: {  	v53 =	vor.u32 s1, v0;
	[tilespmem:$0x1FF50] =	vst v52;
	s20 =	sshll.u32 s15, $0x7;
	s23 =	sshll.u32 s16, $0x7;
	[dreg:$0xb] =	wrdreg s26  }
0x19: {  	[tilespmem:$0x1FF60] =	vst v53;
	s29 =	sshll.u32 s25, $0x7;
	s31 =	sshll.u32 s18, $0x7;
	[dreg:$0xc] =	wrdreg s30  }
0x1a: {  	v59 =	vor.u32 s18, v0;
	[tilespmem:$0x1FF70] =	vst v54;
	s18 =	simm.s32 $0x1000;
	[dreg:$0xd] =	wrdreg s9;
	s22 =	sadd.s32 s7, s20  }
0x1b: {  	v56 =	vor.u32 s15, v0;
	[tilespmem:$0x1FF80] =	vst v55;
	s15 =	simm.s32 $0x11800;
	s26 =	sadd.s32 s7, s23;
	[dreg:$0xe] =	wrdreg s22  }
0x1c: {  	v57 =	vor.u32 s16, v0;
	[tilespmem:$0x1FF90] =	vst v56;
	s16 =	simm.s32 $0x15000;
	s30 =	sadd.s32 s7, s29;
	[dreg:$0xf] =	wrdreg s26  }
0x1d: {  	v58 =	vor.u32 s25, v0;
	[tilespmem:$0x1FFA0] =	vst v57;
	s25 =	simm.s32 $0x18800;
	s20 =	sadd.s32 s7, s31;
	[dreg:$0x10] =	wrdreg s30  }
0x1e: {  	[tilespmem:$0x1FFB0] =	vst v58;
	s31 =	simm.s32 $0x400;
	s22 =	sshll.u32 s19, $0x7;
	[dreg:$0x11] =	wrdreg s20  }
0x1f: {  	v60 =	vor.u32 s19, v0;
	[tilespmem:$0x1FFC0] =	vst v59;
	s26 =	sshll.u32 s12, $0x7;
	[dreg:$0x15] =	wrdreg s31;
	s23 =	sadd.s32 s7, s22  }
0x20: {  	v61 =	vor.u32 s12, v0;
	[tilespmem:$0x1FFD0] =	vst v60;
	s30 =	sshll.u32 s17, $0x7;
	s29 =	sadd.s32 s7, s26;
	[dreg:$0x12] =	wrdreg s23  }
0x21: {  	vm0 =	vmmov $0xffff;
	v63 =	vshrl.u32 v0, $0x3;
	v62 =	vor.u32 s17, v0;
	[tilespmem:$0x1FFE0] =	vst v61;
	s12 =	simm.s32 $0x14000;
	s9 =	sadd.s32 s7, s30;
	[dreg:$0x13] =	wrdreg s29  }
0x22: {  	v18 =	vor.u32 $0x8, v0;
	v17 =	vmul.u32 $0x8, v63;
	[tilespmem:$0x1FFF0] =	vst v62;
	v53 =	vand.u32 $0x7, v0;
	s7 =	sadd.s32 $0x300, s24;
	s26 =	simm.s32 $0x5000;
	[dreg:$0x14] =	wrdreg s9  }
.LBB2_1:
0x23: {  	[dreg:$0x16] =	wrdreg s8  }
0x24: {  	s13 =	rddreg [dreg:$0x4];
	s9 =	simm.s32 $0xD  }
0x25: {  	[tilespmem:s4], [sflag:$0xD] =	stream.linear.gather [hbm4b:s13+s4], $0x400, $0x38;
	[tilespmem:$0x19000] =	vst v63  }
0x26: {  	_ =	swait.ge [sflag:s9], $0x400  }
0x27: {  	[sflag:s9] =	ssyncset.done $0x0  }
0x28: {  	s2 =	rddreg [dreg:$0x15];
	[sflag:s9] =	ssyncadd.s32 $0xFFFFFC00  }
0x29: {  	s14 =	rddreg [dreg:$0x1]  }
0x2a: {  	[tilespmem:s2], [sflag:$0xD] =	stream.linear.gather [hbm4b:s14+s4], $0x400, $0x38;
	[tilespmem:$0x19000] =	vst v63  }
0x2b: {  	_ =	swait.ge [sflag:s9], $0x400  }
0x2c: {  	[sflag:s9] =	ssyncset.done $0x0  }
0x2d: {  	[sflag:s9] =	ssyncadd.s32 $0xFFFFFC00  }
0x2e: {  	v16 =	vld [tilespmem:$0x380];
	_ =	sdelay $0x4  }
0x2f: {  	[tilespmem:$0x1F900] =	vst v16;
	v16 =	vld [tilespmem:$0x780];
	_ =	sdelay $0x4  }
0x30: {  	[tilespmem:$0x1F910] =	vst v16;
	v16 =	vld [tilespmem:$0x280];
	_ =	sdelay $0x4  }
0x31: {  	[tilespmem:$0x1F920] =	vst v16;
	v16 =	vld [tilespmem:$0x680];
	_ =	sdelay $0x4  }
0x32: {  	[tilespmem:$0x1F930] =	vst v16;
	v16 =	vld [tilespmem:$0x300];
	_ =	sdelay $0x4  }
0x33: {  	[tilespmem:$0x1F940] =	vst v16;
	v16 =	vld [tilespmem:$0x700];
	_ =	sdelay $0x4  }
0x34: {  	[tilespmem:$0x1F970] =	vst v16;
	v16 =	vld [tilespmem:$0x380];
	_ =	sdelay $0x4  }
0x35: {  	[tilespmem:$0x1F9A0] =	vst v16;
	v16 =	vld [tilespmem:$0x780];
	_ =	sdelay $0x4  }
0x36: {  	[tilespmem:$0x1F9D0] =	vst v16;
	v16 =	vld [tilespmem:$0x100];
	_ =	sdelay $0x4  }
0x37: {  	[tilespmem:$0x1F950] =	vst v16;
	v16 =	vld [tilespmem:$0x500];
	_ =	sdelay $0x4  }
0x38: {  	[tilespmem:$0x1F980] =	vst v16;
	v16 =	vld [tilespmem:$0x180];
	_ =	sdelay $0x4  }
0x39: {  	[tilespmem:$0x1F960] =	vst v16;
	v16 =	vld [tilespmem:$0x580];
	_ =	sdelay $0x4  }
0x3a: {  	[tilespmem:$0x1F990] =	vst v16;
	v16 =	vld [tilespmem:$0x200];
	_ =	sdelay $0x4  }
0x3b: {  	[tilespmem:$0x1F9B0] =	vst v16;
	v16 =	vld [tilespmem:$0x600];
	_ =	sdelay $0x4  }
0x3c: {  	[tilespmem:$0x1F9E0] =	vst v16;
	v16 =	vld [tilespmem:$0x280];
	_ =	sdelay $0x4  }
0x3d: {  	[tilespmem:$0x1F9C0] =	vst v16;
	v16 =	vld [tilespmem:$0x680];
	_ =	sdelay $0x4  }
0x3e: {  	[tilespmem:$0x1F9F0] =	vst v16;
	v16 =	vld [tilespmem:$0x300];
	_ =	sdelay $0x4  }
0x3f: {  	[tilespmem:$0x1FA00] =	vst v16;
	v16 =	vld [tilespmem:$0x700];
	_ =	sdelay $0x4  }
0x40: {  	[tilespmem:$0x1FA50] =	vst v16;
	v16 =	vld [tilespmem:$0x380];
	_ =	sdelay $0x4  }
0x41: {  	[tilespmem:$0x1FA80] =	vst v16;
	v16 =	vld [tilespmem:$0x780];
	_ =	sdelay $0x4  }
0x42: {  	[tilespmem:$0x1FAB0] =	vst v16;
	v16 =	vld [tilespmem:$0x0];
	_ =	sdelay $0x4  }
0x43: {  	[tilespmem:$0x1FA10] =	vst v16;
	v16 =	vld [tilespmem:$0x400];
	_ =	sdelay $0x4  }
0x44: {  	[tilespmem:$0x1FA40] =	vst v16;
	v16 =	vld [tilespmem:$0x80];
	_ =	sdelay $0x4  }
0x45: {  	[tilespmem:$0x1FA20] =	vst v16;
	v16 =	vld [tilespmem:$0x480];
	_ =	sdelay $0x4  }
0x46: {  	[tilespmem:$0x1FA60] =	vst v16;
	v16 =	vld [tilespmem:$0x100];
	_ =	sdelay $0x4  }
0x47: {  	[tilespmem:$0x1FA30] =	vst v16;
	v16 =	vld [tilespmem:$0x500];
	_ =	sdelay $0x4  }
0x48: {  	[tilespmem:$0x1FA70] =	vst v16;
	v16 =	vld [tilespmem:$0x180];
	_ =	sdelay $0x4  }
0x49: {  	[tilespmem:$0x1FA90] =	vst v16;
	v16 =	vld [tilespmem:$0x580];
	_ =	sdelay $0x4  }
0x4a: {  	[tilespmem:$0x1FAC0] =	vst v16;
	v16 =	vld [tilespmem:$0x200];
	_ =	sdelay $0x4  }
0x4b: {  	[tilespmem:$0x1FAA0] =	vst v16;
	v16 =	vld [tilespmem:$0x600];
	_ =	sdelay $0x4  }
0x4c: {  	[tilespmem:$0x1FAD0] =	vst v16;
	v16 =	vld [tilespmem:$0x280];
	_ =	sdelay $0x4  }
0x4d: {  	[tilespmem:$0x1FAE0] =	vst v16;
	v16 =	vld [tilespmem:$0x680];
	_ =	sdelay $0x4  }
0x4e: {  	[tilespmem:$0x1FB10] =	vst v16;
	v16 =	vld [tilespmem:$0x300];
	_ =	sdelay $0x4  }
0x4f: {  	[tilespmem:$0x1FB40] =	vst v16;
	v16 =	vld [tilespmem:$0x700];
	_ =	sdelay $0x4  }
0x50: {  	[tilespmem:$0x1FB70] =	vst v16;
	v16 =	vld [tilespmem:$0x380];
	_ =	sdelay $0x4  }
0x51: {  	[tilespmem:$0x1FBA0] =	vst v16;
	v16 =	vld [tilespmem:$0x780];
	_ =	sdelay $0x4  }
0x52: {  	[tilespmem:$0x1FBD0] =	vst v16;
	v16 =	vld [tilespmem:$0x0];
	_ =	sdelay $0x4  }
0x53: {  	[tilespmem:$0x1FAF0] =	vst v16;
	v16 =	vld [tilespmem:$0x400];
	_ =	sdelay $0x4  }
0x54: {  	[tilespmem:$0x1FB20] =	vst v16;
	v16 =	vld [tilespmem:$0x80];
	_ =	sdelay $0x4  }
0x55: {  	[tilespmem:$0x1FB00] =	vst v16;
	v16 =	vld [tilespmem:$0x480];
	_ =	sdelay $0x4  }
0x56: {  	[tilespmem:$0x1FB30] =	vst v16;
	v16 =	vld [tilespmem:$0x100];
	_ =	sdelay $0x4  }
0x57: {  	[tilespmem:$0x1FB50] =	vst v16;
	v16 =	vld [tilespmem:$0x500];
	_ =	sdelay $0x4  }
0x58: {  	[tilespmem:$0x1FB80] =	vst v16;
	v16 =	vld [tilespmem:$0x180];
	_ =	sdelay $0x4  }
0x59: {  	[tilespmem:$0x1FB60] =	vst v16;
	v16 =	vld [tilespmem:$0x580];
	_ =	sdelay $0x4  }
0x5a: {  	[tilespmem:$0x1FB90] =	vst v16;
	v16 =	vld [tilespmem:$0x200];
	_ =	sdelay $0x4  }
0x5b: {  	[tilespmem:$0x1FBB0] =	vst v16;
	v16 =	vld [tilespmem:$0x600];
	_ =	sdelay $0x4  }
0x5c: {  	[tilespmem:$0x1FBE0] =	vst v16;
	v16 =	vld [tilespmem:$0x280];
	_ =	sdelay $0x4  }
0x5d: {  	[tilespmem:$0x1FBC0] =	vst v16;
	v16 =	vld [tilespmem:$0x680];
	_ =	sdelay $0x4  }
0x5e: {  	[tilespmem:$0x1FBF0] =	vst v16;
	v16 =	vld [tilespmem:$0x300];
	_ =	sdelay $0x4  }
0x5f: {  	[tilespmem:$0x1FC00] =	vst v16;
	v16 =	vld [tilespmem:$0x700];
	_ =	sdelay $0x4  }
0x60: {  	[tilespmem:$0x1FC50] =	vst v16;
	v16 =	vld [tilespmem:$0x380];
	_ =	sdelay $0x4  }
0x61: {  	[tilespmem:$0x1FC80] =	vst v16;
	v16 =	vld [tilespmem:$0x780];
	_ =	sdelay $0x4  }
0x62: {  	[tilespmem:$0x1FCB0] =	vst v16;
	v16 =	vld [tilespmem:$0x0];
	_ =	sdelay $0x4  }
0x63: {  	[tilespmem:$0x1FC10] =	vst v16;
	v16 =	vld [tilespmem:$0x400];
	_ =	sdelay $0x4  }
0x64: {  	[tilespmem:$0x1FC40] =	vst v16;
	v16 =	vld [tilespmem:$0x80];
	_ =	sdelay $0x4  }
0x65: {  	[tilespmem:$0x1FC20] =	vst v16;
	v16 =	vld [tilespmem:$0x480];
	_ =	sdelay $0x4  }
0x66: {  	[tilespmem:$0x1FC60] =	vst v16;
	v16 =	vld [tilespmem:$0x100];
	_ =	sdelay $0x4  }
0x67: {  	[tilespmem:$0x1FC30] =	vst v16;
	v16 =	vld [tilespmem:$0x500];
	_ =	sdelay $0x4  }
0x68: {  	[tilespmem:$0x1FC70] =	vst v16;
	v16 =	vld [tilespmem:$0x180]  }
0x69: {  	v0 =	vld [tilespmem:$0x0]  }
0x6a: {  	v3 =	vld [tilespmem:$0x400]  }
0x6b: {  	v1 =	vld [tilespmem:$0x80]  }
0x6c: {  	v4 =	vld [tilespmem:$0x480]  }
0x6d: {  	[tilespmem:$0x1FC90] =	vst v16;
	v16 =	vld [tilespmem:$0x580]  }
0x6e: {  	v2 =	vld [tilespmem:$0x100]  }
0x6f: {  	v6 =	vld [tilespmem:$0x500]  }
0x70: {  	v5 =	vld [tilespmem:$0x180]  }
0x71: {  	v8 =	vld [tilespmem:$0x580]  }
0x72: {  	[tilespmem:$0x1FCC0] =	vst v16;
	v16 =	vld [tilespmem:$0x200]  }
0x73: {  	v7 =	vld [tilespmem:$0x200]  }
0x74: {  	v12 =	vld [tilespmem:$0x600]  }
0x75: {  	v9 =	vld [tilespmem:$0x280]  }
0x76: {  	v14 =	vld [tilespmem:$0x680]  }
0x77: {  	[tilespmem:$0x1FCA0] =	vst v16;
	v16 =	vld [tilespmem:$0x600]  }
0x78: {  	v19 =	vld [tilespmem:$0x300]  }
0x79: {  	v22 =	vld [tilespmem:$0x700]  }
0x7a: {  	v31 =	vld [tilespmem:$0x380]  }
0x7b: {  	v35 =	vld [tilespmem:$0x780]  }
0x7c: {  	[tilespmem:$0x1FCD0] =	vst v16;
	v16 =	vld [tilespmem:$0x280]  }
0x7d: {  	v13 =	vld [tilespmem:$0x0]  }
0x7e: {  	v15 =	vld [tilespmem:$0x400]  }
0x7f: {  	v11 =	vld [tilespmem:$0x80]  }
0x80: {  	v20 =	vld [tilespmem:$0x480]  }
0x81: {  	[tilespmem:$0x1FCE0] =	vst v16;
	v16 =	vld [tilespmem:$0x680]  }
0x82: {  	v10 =	vld [tilespmem:$0x100]  }
0x83: {  	v21 =	vld [tilespmem:$0x500]  }
0x84: {  	v23 =	vld [tilespmem:$0x180]  }
0x85: {  	v27 =	vld [tilespmem:$0x580]  }
0x86: {  	[tilespmem:$0x1FD10] =	vst v16;
	v16 =	vld [tilespmem:$0x300]  }
0x87: {  	v24 =	vld [tilespmem:$0x200]  }
0x88: {  	v29 =	vld [tilespmem:$0x600]  }
0x89: {  	v32 =	vld [tilespmem:$0x280]  }
0x8a: {  	v33 =	vld [tilespmem:$0x680]  }
0x8b: {  	[tilespmem:$0x1FD40] =	vst v16;
	v16 =	vld [tilespmem:$0x700]  }
0x8c: {  	v39 =	vld [tilespmem:$0x300]  }
0x8d: {  	v44 =	vld [tilespmem:$0x700]  }
0x8e: {  	v50 =	vld [tilespmem:$0x380]  }
0x8f: {  	v51 =	vld [tilespmem:$0x780]  }
0x90: {  	[tilespmem:$0x1FD70] =	vst v16;
	v16 =	vld [tilespmem:$0x380]  }
0x91: {  	v25 =	vld [tilespmem:$0x0]  }
0x92: {  	v28 =	vld [tilespmem:$0x400]  }
0x93: {  	v26 =	vld [tilespmem:$0x80]  }
0x94: {  	v30 =	vld [tilespmem:$0x480]  }
0x95: {  	[tilespmem:$0x1FDA0] =	vst v16;
	v16 =	vld [tilespmem:$0x780]  }
0x96: {  	v36 =	vld [tilespmem:$0x100]  }
0x97: {  	v37 =	vld [tilespmem:$0x500]  }
0x98: {  	v34 =	vld [tilespmem:$0x180]  }
0x99: {  	v38 =	vld [tilespmem:$0x580]  }
0x9a: {  	[tilespmem:$0x1FDD0] =	vst v16;
	v16 =	vld [tilespmem:$0x0]  }
0x9b: {  	v40 =	vld [tilespmem:$0x200]  }
0x9c: {  	v42 =	vld [tilespmem:$0x600]  }
0x9d: {  	v41 =	vld [tilespmem:$0x280]  }
0x9e: {  	v47 =	vld [tilespmem:$0x680]  }
0x9f: {  	[tilespmem:$0x1FCF0] =	vst v16;
	v16 =	vld [tilespmem:$0x400]  }
0xa0: {  	v48 =	vld [tilespmem:$0x300]  }
0xa1: {  	v59 =	vld [tilespmem:$0x700]  }
0xa2: {  	v45 =	vld [tilespmem:$0x0]  }
0xa3: {  	v52 =	vld [tilespmem:$0x400]  }
0xa4: {  	[tilespmem:$0x1FD20] =	vst v16;
	v16 =	vld [tilespmem:$0x1FF00]  }
0xa5: {  	v46 =	vld [tilespmem:$0x80]  }
0xa6: {  	v49 =	vld [tilespmem:$0x480]  }
0xa7: {  	v43 =	vld [tilespmem:$0x100]  }
0xa8: {  	v58 =	vld [tilespmem:$0x500]  }
0xa9: {  	vm1 =	vlt.s32 v16, v0;
	v0 =	vld [tilespmem:$0x80]  }
0xaa: {  	vm2 =	vlt.s32 v16, v1;
	v1 =	vld [tilespmem:$0x480]  }
0xab: {  	v55 =	vld [tilespmem:$0x180]  }
0xac: {  	v60 =	vld [tilespmem:$0x580]  }
0xad: {  	v54 =	vld [tilespmem:$0x200]  }
0xae: {  	v62 =	vld [tilespmem:$0x600];
	[tilespmem:$0x1FD00] =	vst v0;
	v0 =	vsel vm1, $0x0, v3  }
0xaf: {  	[tilespmem:$0x1FD30] =	vst v1;
	vm1 =	vlt.s32 v16, v2;
	v1 =	vsel vm2, $0x0, v4;
	v4 =	vld [tilespmem:$0x100];
	vm2 =	vlt.s32 v16, v5  }
0xb0: {  	v0 =	vadd.s32 v16, v0;
	v5 =	vsel vm1, $0x0, v6;
	v6 =	vld [tilespmem:$0x500];
	vm1 =	vlt.s32 v16, v7  }
0xb1: {  	v8 =	vsel vm2, $0x0, v8;
	vm2 =	vlt.s32 v16, v9;
	v9 =	vld [tilespmem:$0x600];
	v0 =	vadd.s32 v1, v0  }
0xb2: {  	v0 =	vadd.s32 v5, v0;
	v5 =	vsel vm1, $0x0, v12;
	v12 =	vld [tilespmem:$0x280]  }
0xb3: {  	v0 =	vadd.s32 v8, v0;
	v8 =	vld [tilespmem:$0x200]  }
0xb4: {  	[tilespmem:$0x1FD50] =	vst v4;
	v4 =	vld [tilespmem:$0x180]  }
0xb5: {  	[tilespmem:$0x1FD80] =	vst v6;
	v6 =	vld [tilespmem:$0x580]  }
0xb6: {  	v0 =	vadd.s32 v5, v0;
	v5 =	vld [tilespmem:$0x1FF10];
	[tilespmem:$0x1FDE0] =	vst v9  }
0xb7: {  	v57 =	vld [tilespmem:$0x0];
	[tilespmem:$0x1FDC0] =	vst v12  }
0xb8: {  	v61 =	vld [tilespmem:$0x400];
	[tilespmem:$0x1FDB0] =	vst v8  }
0xb9: {  	v56 =	vld [tilespmem:$0x80];
	[tilespmem:$0x1FD60] =	vst v4  }
0xba: {  	v63 =	vld [tilespmem:$0x480];
	vm1 =	vlt.s32 v16, v19;
	[tilespmem:$0x1FD90] =	vst v6  }
0xbb: {  	v7 =	vsel vm2, $0x0, v14;
	vm2 =	vlt.s32 v5, v13;
	v13 =	vsel vm1, $0x0, v22;
	v22 =	vld [tilespmem:$0x680]  }
0xbc: {  	v0 =	vadd.s32 v7, v0;
	v7 =	vld [tilespmem:$0x300]  }
0xbd: {  	vm3 =	vlt.s32 v5, v11;
	v11 =	vsel vm2, $0x0, v15;
	v8 =	vld [tilespmem:$0x700]  }
0xbe: {  	v1 =	vadd.s32 v5, v11;
	v11 =	vld [tilespmem:$0x380]  }
0xbf: {  	v14 =	vsel vm3, $0x0, v20;
	v0 =	vadd.s32 v13, v0;
	vm3 =	vlt.s32 v5, v24;
	v13 =	vld [tilespmem:$0x780]  }
0xc0: {  	vm4 =	vlt.s32 v5, v10;
	v12 =	vsel vm3, $0x0, v29;
	v29 =	vld [tilespmem:$0x400]  }
0xc1: {  	v6 =	vsel vm4, $0x0, v21;
	v21 =	vld [tilespmem:$0x80]  }
0xc2: {  	vm1 =	vlt.s32 v16, v31;
	v31 =	vld [tilespmem:$0x480]  }
0xc3: {  	v16 =	vld [tilespmem:$0x700]  }
0xc4: {  	vm2 =	vlt.s32 v5, v23;
	v9 =	vsel vm1, $0x0, v35;
	vm1 =	vlt.s32 v5, v32;
	v19 =	vld [tilespmem:$0x0]  }
0xc5: {  	v10 =	vsel vm2, $0x0, v27;
	v27 =	vsel vm1, $0x0, v33;
	vm1 =	vlt.s32 v5, v39;
	v39 =	vld [tilespmem:$0x1F980]  }
0xc6: {  	v1 =	vadd.s32 v14, v1;
	v14 =	vld [tilespmem:$0x1FF20]  }
0xc7: {  	v32 =	vsel vm1, $0x0, v44;
	v44 =	vld [tilespmem:$0x180]  }
0xc8: {  	v1 =	vadd.s32 v6, v1;
	v6 =	vld [tilespmem:$0x80]  }
0xc9: {  	v1 =	vadd.s32 v10, v1;
	v10 =	vld [tilespmem:$0x1FF30]  }
0xca: {  	v1 =	vadd.s32 v12, v1;
	v12 =	vld [tilespmem:$0x1F900]  }
0xcb: {  	[tilespmem:$0x1FE70] =	vst v13;
	v13 =	vld [tilespmem:$0x1F910]  }
0xcc: {  	v1 =	vadd.s32 v27, v1;
	v27 =	vld [tilespmem:$0x1F930]  }
0xcd: {  	[tilespmem:$0x1FE40] =	vst v31;
	v31 =	vld [tilespmem:$0x1F940]  }
0xce: {  	vm2 =	vlt.s32 v14, v25;
	v25 =	vld [tilespmem:$0x0]  }
0xcf: {  	vm3 =	vlt.s32 v14, v26;
	v26 =	vld [tilespmem:$0x200]  }
0xd0: {  	v30 =	vsel vm3, $0x0, v30;
	vm3 =	vlt.s32 v14, v34;
	v34 =	vld [tilespmem:$0x100]  }
0xd1: {  	vm1 =	vlt.s32 v5, v50;
	v28 =	vsel vm2, $0x0, v28;
	vm2 =	vlt.s32 v14, v36;
	v36 =	vld [tilespmem:$0x500]  }
0xd2: {  	v33 =	vsel vm2, $0x0, v37;
	v35 =	vsel vm3, $0x0, v38;
	vm3 =	vlt.s32 v14, v41;
	v41 =	vld [tilespmem:$0x580]  }
0xd3: {  	vm2 =	vlt.s32 v14, v40;
	v37 =	vsel vm1, $0x0, v51;
	vm1 =	vlt.s32 v14, v48;
	v48 =	vld [tilespmem:$0x600]  }
0xd4: {  	vm13 =	vlt.s32 v10, v43;
	v38 =	vsel vm2, $0x0, v42;
	vm2 =	vlt.s32 v10, v45;
	v45 =	vld [tilespmem:$0x680]  }
0xd5: {  	[tilespmem:$0x1FE50] =	vst v11;
	v3 =	vadd.s32 v14, v28;
	v11 =	vsel vm13, $0x0, v58;
	v58 =	vld [tilespmem:$0x300]  }
0xd6: {  	v1 =	vadd.s32 v32, v1;
	v2 =	vadd.s32 v30, v3;
	v3 =	vld [tilespmem:$0x400]  }
0xd7: {  	v1 =	vadd.s32 v37, v1;
	v37 =	vld [tilespmem:$0x1F970]  }
0xd8: {  	v47 =	vsel vm3, $0x0, v47;
	vm3 =	vlt.s32 v10, v46;
	v46 =	vld [tilespmem:$0x1F9A0]  }
0xd9: {  	[tilespmem:$0x1FE20] =	vst v8;
	v8 =	vsel vm1, $0x0, v59;
	v59 =	vld [tilespmem:$0x1FA10]  }
0xda: {  	v50 =	vsel vm2, $0x0, v52;
	v52 =	vld [tilespmem:$0x280]  }
0xdb: {  	v2 =	vadd.s32 v33, v2;
	v33 =	vld [tilespmem:$0x1F950]  }
0xdc: {  	v0 =	vadd.s32 v9, v0;
	v9 =	vsel vm3, $0x0, v49;
	v49 =	vld [tilespmem:$0x1F9D0]  }
0xdd: {  	vm2 =	vlt.s32 v10, v55;
	v55 =	vld [tilespmem:$0x1F9F0]  }
0xde: {  	v2 =	vadd.s32 v35, v2;
	v35 =	vld [tilespmem:$0x780]  }
0xdf: {  	[tilespmem:$0x1FE10] =	vst v25;
	v25 =	vld [tilespmem:$0x1F920]  }
0xe0: {  	[tilespmem:$0x1FDF0] =	vst v22;
	vm3 =	vlt.s32 v10, v54;
	v22 =	vsel vm2, $0x0, v60;
	v60 =	vld [tilespmem:$0x1FA20]  }
0xe1: {  	v24 =	vsel vm3, $0x0, v62;
	v62 =	vld [tilespmem:$0x1FA40]  }
0xe2: {  	[tilespmem:$0x1FE80] =	vst v36;
	v36 =	vld [tilespmem:$0x380]  }
0xe3: {  	[tilespmem:$0x1FE60] =	vst v34;
	v34 =	vld [tilespmem:$0x1F960]  }
0xe4: {  	v42 =	vadd.s32 v38, v2;
	v2 =	vadd.s32 v10, v50;
	v50 =	vld [tilespmem:$0x1F9E0]  }
0xe5: {  	[tilespmem:$0x1FEA0] =	vst v1;
	v1 =	vadd.s32 v47, v42;
	v42 =	vld [tilespmem:$0x1F990]  }
0xe6: {  	v2 =	vadd.s32 v9, v2;
	v47 =	vld [tilespmem:$0x1F9B0]  }
0xe7: {  	vm1 =	vlt.s32 v14, v12;
	[tilespmem:$0x1FE90] =	vst v48;
	v48 =	vld [tilespmem:$0x1F9C0];
	v2 =	vadd.s32 v11, v2  }
0xe8: {  	v14 =	vsel vm1, $0x0, v13;
	v1 =	vadd.s32 v8, v1;
	v23 =	vadd.s32 v22, v2;
	v22 =	vld [tilespmem:$0x580]  }
0xe9: {  	[tilespmem:$0x1FEF0] =	vst v0;
	v0 =	vadd.s32 v14, v1;
	v1 =	vld [tilespmem:$0x1FF50]  }
0xea: {  	[tilespmem:$0x1FEB0] =	vst v0;
	v0 =	vld [tilespmem:$0x1FF40]  }
0xeb: {  	v2 =	vadd.s32 v24, v23;
	v23 =	vld [tilespmem:$0x280]  }
0xec: {  	vm1 =	vlt.s32 v10, v25;
	v24 =	vld [tilespmem:$0x1FA60]  }
0xed: {  	v28 =	vsel vm1, $0x0, v27;
	v27 =	vld [tilespmem:$0x680]  }
0xee: {  	vm1 =	vlt.s32 v10, v31;
	v31 =	vld [tilespmem:$0x1FA70]  }
0xef: {  	v4 =	vadd.s32 v28, v2;
	v2 =	vld [tilespmem:$0x480]  }
0xf0: {  	v38 =	vsel vm1, $0x0, v37;
	v37 =	vld [tilespmem:$0x1FAB0]  }
0xf1: {  	v28 =	vld [tilespmem:$0x100]  }
0xf2: {  	v8 =	vadd.s32 v38, v4;
	v4 =	vld [tilespmem:$0x500]  }
0xf3: {  	vm1 =	vlt.s32 v10, v46;
	v38 =	vld [tilespmem:$0x1FAC0]  }
0xf4: {  	v10 =	vsel vm1, $0x0, v49;
	v49 =	vld [tilespmem:$0x1FB00]  }
0xf5: {  	v54 =	vadd.s32 v10, v8;
	v8 =	vld [tilespmem:$0x200]  }
0xf6: {  	vm2 =	vlt.s32 v0, v57;
	v57 =	vld [tilespmem:$0x1FA00]  }
0xf7: {  	[tilespmem:$0x1FE30] =	vst v29;
	vm3 =	vlt.s32 v0, v56;
	v29 =	vsel vm2, $0x0, v61;
	v61 =	vld [tilespmem:$0x1FA30]  }
0xf8: {  	v30 =	vsel vm3, $0x0, v63;
	v63 =	vld [tilespmem:$0x1FA50]  }
0xf9: {  	vm2 =	vlt.s32 v0, v33;
	v33 =	vld [tilespmem:$0x1FA90]  }
0xfa: {  	vm3 =	vlt.s32 v0, v34;
	v34 =	vld [tilespmem:$0x1FAA0]  }
0xfb: {  	v40 =	vsel vm2, $0x0, v39;
	vm2 =	vlt.s32 v0, v47;
	v47 =	vld [tilespmem:$0x1FAE0]  }
0xfc: {  	v43 =	vsel vm3, $0x0, v42;
	vm3 =	vlt.s32 v0, v48;
	v48 =	vld [tilespmem:$0x1FAF0]  }
0xfd: {  	v5 =	vadd.s32 v0, v29;
	v29 =	vld [tilespmem:$0x500]  }
0xfe: {  	v32 =	vadd.s32 v30, v5;
	v5 =	vld [tilespmem:$0x100]  }
0xff: {  	v30 =	vld [tilespmem:$0x300]  }
0x100: {  	v51 =	vsel vm2, $0x0, v50;
	v50 =	vld [tilespmem:$0x1FB10]  }
0x101: {  	v56 =	vsel vm3, $0x0, v55;
	v55 =	vld [tilespmem:$0x1FB30]  }
0x102: {  	vm2 =	vlt.s32 v1, v59;
	v59 =	vld [tilespmem:$0x1FB70]  }
0x103: {  	vm3 =	vlt.s32 v1, v60;
	v60 =	vld [tilespmem:$0x1FB80]  }
0x104: {  	[tilespmem:$0x1FE00] =	vst v7;
	v7 =	vadd.s32 v40, v32;
	v32 =	vld [tilespmem:$0x1FA80]  }
0x105: {  	v11 =	vsel vm2, $0x0, v62;
	v62 =	vld [tilespmem:$0x1FB90]  }
0x106: {  	v9 =	vadd.s32 v43, v7;
	v7 =	vld [tilespmem:$0x180]  }
0x107: {  	v43 =	vld [tilespmem:$0x1FAD0]  }
0x108: {  	vm1 =	vlt.s32 v0, v57;
	v57 =	vld [tilespmem:$0x1FB60]  }
0x109: {  	v9 =	vadd.s32 v51, v9;
	v51 =	vld [tilespmem:$0x1FB20]  }
0x10a: {  	v12 =	vsel vm1, $0x0, v63;
	v63 =	vld [tilespmem:$0x1FBA0]  }
0x10b: {  	vm2 =	vlt.s32 v1, v33;
	v33 =	vld [tilespmem:$0x1FBB0]  }
0x10c: {  	v13 =	vsel vm3, $0x0, v24;
	vm3 =	vlt.s32 v1, v34;
	v34 =	vld [tilespmem:$0x1FBC0]  }
0x10d: {  	v11 =	vadd.s32 v1, v11;
	vm14 =	vlt.s32 v1, v61;
	v10 =	vadd.s32 v56, v9;
	v9 =	vld [tilespmem:$0x600]  }
0x10e: {  	v25 =	vadd.s32 v13, v11;
	v11 =	vsel vm14, $0x0, v31;
	v31 =	vld [tilespmem:$0x700]  }
0x10f: {  	v56 =	vld [tilespmem:$0x1FB40]  }
0x110: {  	v39 =	vsel vm2, $0x0, v38;
	v12 =	vadd.s32 v12, v10;
	v11 =	vadd.s32 v11, v25;
	v10 =	vld [tilespmem:$0x380]  }
0x111: {  	v42 =	vadd.s32 v39, v11;
	v11 =	vld [tilespmem:$0x780]  }
0x112: {  	vm1 =	vlt.s32 v0, v32;
	v0 =	vld [tilespmem:$0x1FF60]  }
0x113: {  	v32 =	vld [tilespmem:$0x180]  }
0x114: {  	v39 =	vld [tilespmem:$0x1FBE0]  }
0x115: {  	v13 =	vsel vm1, $0x0, v37;
	v37 =	vld [tilespmem:$0x1FBD0]  }
0x116: {  	v46 =	vsel vm3, $0x0, v43;
	v43 =	vld [tilespmem:$0x1FBF0]  }
0x117: {  	vm1 =	vlt.s32 v1, v47;
	v47 =	vld [tilespmem:$0x1FC00]  }
0x118: {  	v15 =	vsel vm1, $0x0, v50;
	v50 =	vld [tilespmem:$0x1FC30];
	vm1 =	vlt.s32 v1, v56  }
0x119: {  	v25 =	vsel vm1, $0x0, v59;
	vm1 =	vlt.s32 v1, v63;
	v1 =	vld [tilespmem:$0x1FF70]  }
0x11a: {  	vm2 =	vlt.s32 v0, v48;
	v48 =	vld [tilespmem:$0x1FC10]  }
0x11b: {  	vm3 =	vlt.s32 v0, v49;
	v49 =	vld [tilespmem:$0x1FC20]  }
0x11c: {  	v14 =	vadd.s32 v46, v42;
	v20 =	vsel vm2, $0x0, v51;
	v51 =	vld [tilespmem:$0x1FC40]  }
0x11d: {  	[tilespmem:$0x1FEC0] =	vst v54;
	v54 =	vadd.s32 v15, v14;
	v15 =	vadd.s32 v0, v20;
	v20 =	vsel vm3, $0x0, v55;
	v55 =	vld [tilespmem:$0x1FC50]  }
0x11e: {  	vm3 =	vlt.s32 v0, v57;
	v57 =	vld [tilespmem:$0x1FC60]  }
0x11f: {  	v20 =	vadd.s32 v20, v15;
	v15 =	vld [tilespmem:$0x1FB50]  }
0x120: {  	v24 =	vadd.s32 v25, v54;
	v25 =	vsel vm3, $0x0, v62;
	v62 =	vld [tilespmem:$0x1FC80]  }
0x121: {  	v38 =	vsel vm1, $0x0, v37;
	vm1 =	vlt.s32 v0, v47;
	v47 =	vld [tilespmem:$0x1FC90]  }
0x122: {  	vm3 =	vlt.s32 v0, v34;
	vm15 =	vlt.s32 v1, v50;
	v50 =	vld [tilespmem:$0x1FCC0]  }
0x123: {  	v46 =	vsel vm3, $0x0, v43;
	vm3 =	vlt.s32 v1, v49;
	v49 =	vld [tilespmem:$0x1FCB0]  }
0x124: {  	v42 =	vadd.s32 v38, v24;
	v59 =	vsel vm3, $0x0, v57;
	v57 =	vld [tilespmem:$0x1FCF0]  }
0x125: {  	v38 =	vsel vm1, $0x0, v55;
	vm2 =	vlt.s32 v0, v15;
	vm1 =	vlt.s32 v0, v62;
	v62 =	vld [tilespmem:$0x1FD20]  }
0x126: {  	v40 =	vadd.s32 v13, v12;
	v61 =	vsel vm2, $0x0, v60;
	vm2 =	vlt.s32 v0, v33;
	v60 =	vld [tilespmem:$0x1FC70]  }
0x127: {  	[tilespmem:$0x1FED0] =	vst v40;
	v0 =	vld [tilespmem:$0x1FF80];
	v40 =	vsel vm2, $0x0, v39;
	vm2 =	vlt.s32 v1, v48  }
0x128: {  	v48 =	vld [tilespmem:$0x1FCA0];
	v54 =	vsel vm2, $0x0, v51  }
0x129: {  	v20 =	vadd.s32 v61, v20;
	v56 =	vadd.s32 v1, v54;
	v54 =	vld [tilespmem:$0x1FCD0]  }
0x12a: {  	v20 =	vadd.s32 v25, v20;
	v39 =	vadd.s32 v59, v56;
	v56 =	vld [tilespmem:$0x1FCE0]  }
0x12b: {  	vm2 =	vlt.s32 v1, v47;
	v20 =	vadd.s32 v40, v20;
	v61 =	vsel vm15, $0x0, v60;
	v60 =	vld [tilespmem:$0x1FD10]  }
0x12c: {  	[tilespmem:$0x1FEE0] =	vst v42;
	v42 =	vsel vm1, $0x0, v49;
	v51 =	vsel vm2, $0x0, v50;
	v20 =	vadd.s32 v46, v20;
	v59 =	vld [tilespmem:$0x1FD00]  }
0x12d: {  	v20 =	vadd.s32 v38, v20;
	vm2 =	vlt.s32 v0, v57;
	v57 =	vld [tilespmem:$0x1FD50];
	v63 =	vadd.s32 v61, v39  }
0x12e: {  	v42 =	vadd.s32 v42, v20;
	v20 =	vadd.s32 v51, v63;
	v63 =	vsel vm2, $0x0, v62;
	v62 =	vld [tilespmem:$0x1FD90]  }
0x12f: {  	vm1 =	vlt.s32 v1, v56;
	v56 =	vld [tilespmem:$0x1FD40]  }
0x130: {  	v61 =	vsel vm1, $0x0, v60;
	v60 =	vld [tilespmem:$0x1FD70]  }
0x131: {  	vm3 =	vlt.s32 v1, v48;
	v49 =	vadd.s32 v0, v63;
	v63 =	vld [tilespmem:$0x1FDA0]  }
0x132: {  	v55 =	vsel vm3, $0x0, v54;
	v54 =	vld [tilespmem:$0x1FD30]  }
0x133: {  	v20 =	vadd.s32 v55, v20;
	vm3 =	vlt.s32 v0, v59;
	v59 =	vld [tilespmem:$0x1FD60]  }
0x134: {  	v20 =	vadd.s32 v61, v20;
	v61 =	vld [tilespmem:$0x1FD80];
	vm1 =	vlt.s32 v1, v56  }
0x135: {  	v51 =	vsel vm1, $0x0, v60;
	v60 =	vld [tilespmem:$0x1FDB0]  }
0x136: {  	vm1 =	vlt.s32 v1, v63;
	v63 =	vld [tilespmem:$0x1FDE0]  }
0x137: {  	v12 =	vld [tilespmem:$0x0]  }
0x138: {  	v55 =	vsel vm3, $0x0, v54;
	vm3 =	vlt.s32 v0, v59;
	v59 =	vld [tilespmem:$0x1FE00]  }
0x139: {  	vm2 =	vlt.s32 v0, v57;
	v20 =	vadd.s32 v51, v20;
	v51 =	vsel vm3, $0x0, v62;
	v62 =	vld [tilespmem:$0x1FDD0]  }
0x13a: {  	v54 =	vsel vm2, $0x0, v61;
	v61 =	vld [tilespmem:$0x1FDC0];
	vm2 =	vlt.s32 v0, v60  }
0x13b: {  	v1 =	vsel vm2, $0x0, v63;
	v63 =	vld [tilespmem:$0x1FDF0]  }
0x13c: {  	v13 =	vld [tilespmem:$0x400]  }
0x13d: {  	v14 =	vld [tilespmem:$0x80];
	v50 =	vadd.s32 v55, v49  }
0x13e: {  	v50 =	vadd.s32 v54, v50;
	v56 =	vsel vm1, $0x0, v62;
	vm1 =	vlt.s32 v0, v59;
	v59 =	vld [tilespmem:$0x1FF90]  }
0x13f: {  	v50 =	vadd.s32 v51, v50;
	vm3 =	vlt.s32 v0, v61;
	v61 =	vld [tilespmem:$0x1FE10]  }
0x140: {  	v50 =	vadd.s32 v1, v50;
	v1 =	vsel vm3, $0x0, v63;
	v63 =	vld [tilespmem:$0x1FE30]  }
0x141: {  	v62 =	vld [tilespmem:$0x1FE20]  }
0x142: {  	v37 =	vld [tilespmem:$0x680]  }
0x143: {  	v24 =	vld [tilespmem:$0x600]  }
0x144: {  	v34 =	vld [tilespmem:$0x200];
	vm2 =	vlt.s32 v59, v61  }
0x145: {  	v50 =	vadd.s32 v1, v50;
	v1 =	vsel vm2, $0x0, v63;
	v63 =	vld [tilespmem:$0x1FE40]  }
0x146: {  	v43 =	vld [tilespmem:$0x780];
	vm3 =	vlt.s32 v59, v21;
	v21 =	vsel vm1, $0x0, v62  }
0x147: {  	v21 =	vadd.s32 v21, v50;
	v50 =	vadd.s32 v59, v1;
	v1 =	vld [tilespmem:$0x1FE50]  }
0x148: {  	v15 =	vld [tilespmem:$0x480]  }
0x149: {  	v33 =	vld [tilespmem:$0x580]  }
0x14a: {  	v25 =	vld [tilespmem:$0x280];
	v61 =	vsel vm3, $0x0, v63  }
0x14b: {  	v50 =	vadd.s32 v61, v50;
	v61 =	vld [tilespmem:$0x1FE60]  }
0x14c: {  	vm1 =	vlt.s32 v0, v1;
	v0 =	vld [tilespmem:$0x1FE80]  }
0x14d: {  	v47 =	vld [tilespmem:$0x400]  }
0x14e: {  	v40 =	vld [tilespmem:$0x380]  }
0x14f: {  	v46 =	vld [tilespmem:$0x0]  }
0x150: {  	vm3 =	vlt.s32 v59, v44;
	v44 =	vld [tilespmem:$0x1FE70];
	vm2 =	vlt.s32 v59, v61  }
0x151: {  	v0 =	vsel vm2, $0x0, v0;
	vm2 =	vlt.s32 v59, v52;
	v52 =	vld [tilespmem:$0x1FE90]  }
0x152: {  	v38 =	vld [tilespmem:$0x300]  }
0x153: {  	v39 =	vld [tilespmem:$0x700]  }
0x154: {  	v48 =	vld [tilespmem:$0x80];
	v41 =	vsel vm3, $0x0, v41  }
0x155: {  	v57 =	vld [tilespmem:$0x200];
	v44 =	vsel vm1, $0x0, v44;
	vm1 =	vlt.s32 v59, v26;
	v0 =	vadd.s32 v0, v50  }
0x156: {  	v49 =	vld [tilespmem:$0x480];
	v0 =	vadd.s32 v41, v0;
	v41 =	vsel vm1, $0x0, v52;
	vm1 =	vlt.s32 v59, v58  }
0x157: {  	v58 =	vsel vm1, $0x0, v16;
	v16 =	vld [tilespmem:$0x1FFA0]  }
0x158: {  	v55 =	vld [tilespmem:$0x100]  }
0x159: {  	v54 =	vld [tilespmem:$0x500]  }
0x15a: {  	v51 =	vld [tilespmem:$0x180]  }
0x15b: {  	v60 =	vld [tilespmem:$0x580];
	vm1 =	vlt.s32 v59, v36  }
0x15c: {  	v20 =	vadd.s32 v56, v20;
	v56 =	vld [tilespmem:$0x600];
	v35 =	vsel vm1, $0x0, v35;
	vm1 =	vlt.s32 v16, v19  }
0x15d: {  	v62 =	vld [tilespmem:$0x280];
	v3 =	vsel vm1, $0x0, v3;
	vm1 =	vlt.s32 v16, v6  }
0x15e: {  	v63 =	vld [tilespmem:$0x680];
	v45 =	vsel vm2, $0x0, v45;
	v2 =	vsel vm1, $0x0, v2;
	vm1 =	vlt.s32 v16, v5  }
0x15f: {  	v1 =	vld [tilespmem:$0x700];
	v0 =	vadd.s32 v41, v0;
	v4 =	vsel vm1, $0x0, v4;
	vm1 =	vlt.s32 v16, v7  }
0x160: {  	v26 =	vld [tilespmem:$0x780];
	v0 =	vadd.s32 v45, v0;
	v45 =	vsel vm1, $0x0, v22;
	vm1 =	vlt.s32 v16, v8  }
0x161: {  	v61 =	vld [tilespmem:$0x300];
	v21 =	vadd.s32 v44, v21;
	v52 =	vsel vm1, $0x0, v9;
	vm1 =	vlt.s32 v16, v23  }
0x162: {  	v44 =	vld [tilespmem:$0x380];
	v0 =	vadd.s32 v58, v0;
	v58 =	vsel vm1, $0x0, v27;
	vm1 =	vlt.s32 v16, v30  }
0x163: {  	v3 =	vadd.s32 v16, v3;
	v59 =	vsel vm1, $0x0, v31;
	vm1 =	vlt.s32 v16, v10;
	v16 =	vld [tilespmem:$0x1FFB0]  }
0x164: {  	v50 =	vld [tilespmem:$0x0]  }
0x165: {  	v36 =	vld [tilespmem:$0x400]  }
0x166: {  	v19 =	vld [tilespmem:$0x80]  }
0x167: {  	v6 =	vld [tilespmem:$0x480]  }
0x168: {  	v5 =	vld [tilespmem:$0x100];
	v23 =	vsel vm1, $0x0, v11;
	vm1 =	vlt.s32 v16, v12  }
0x169: {  	v0 =	vadd.s32 v35, v0;
	v7 =	vld [tilespmem:$0x500];
	v27 =	vsel vm1, $0x0, v13;
	vm1 =	vlt.s32 v16, v14  }
0x16a: {  	v2 =	vadd.s32 v2, v3;
	v8 =	vld [tilespmem:$0x180];
	v30 =	vsel vm1, $0x0, v15;
	vm1 =	vlt.s32 v16, v28  }
0x16b: {  	v2 =	vadd.s32 v4, v2;
	v22 =	vld [tilespmem:$0x200];
	v31 =	vsel vm1, $0x0, v29;
	vm1 =	vlt.s32 v16, v32  }
0x16c: {  	v9 =	vld [tilespmem:$0x580];
	v2 =	vadd.s32 v45, v2;
	v33 =	vsel vm1, $0x0, v33;
	vm1 =	vlt.s32 v16, v34  }
0x16d: {  	v2 =	vadd.s32 v52, v2;
	v10 =	vld [tilespmem:$0x600];
	v35 =	vsel vm1, $0x0, v24;
	vm1 =	vlt.s32 v16, v25  }
0x16e: {  	v2 =	vadd.s32 v58, v2;
	v11 =	vld [tilespmem:$0x280];
	v37 =	vsel vm1, $0x0, v37;
	vm1 =	vlt.s32 v16, v38  }
0x16f: {  	v4 =	vadd.s32 v16, v27;
	v39 =	vsel vm1, $0x0, v39;
	vm1 =	vlt.s32 v16, v40;
	v16 =	vld [tilespmem:$0x1FFC0]  }
0x170: {  	v2 =	vadd.s32 v59, v2;
	v59 =	vld [tilespmem:$0x280]  }
0x171: {  	v2 =	vadd.s32 v23, v2;
	v23 =	vld [tilespmem:$0x380]  }
0x172: {  	v12 =	vld [tilespmem:$0x680]  }
0x173: {  	v13 =	vld [tilespmem:$0x300]  }
0x174: {  	v15 =	vld [tilespmem:$0x700];
	v41 =	vsel vm1, $0x0, v43;
	vm1 =	vlt.s32 v16, v46  }
0x175: {  	v27 =	vld [tilespmem:$0x400];
	v43 =	vsel vm1, $0x0, v47;
	vm1 =	vlt.s32 v16, v48  }
0x176: {  	v28 =	vld [tilespmem:$0x80];
	v45 =	vsel vm1, $0x0, v49;
	vm1 =	vlt.s32 v16, v55  }
0x177: {  	v29 =	vld [tilespmem:$0x480];
	v47 =	vsel vm1, $0x0, v54;
	vm1 =	vlt.s32 v16, v51  }
0x178: {  	v24 =	vld [tilespmem:$0x780];
	v49 =	vsel vm1, $0x0, v60;
	vm1 =	vlt.s32 v16, v57  }
0x179: {  	v25 =	vld [tilespmem:$0x0];
	v52 =	vsel vm1, $0x0, v56;
	vm1 =	vlt.s32 v16, v62  }
0x17a: {  	v38 =	vld [tilespmem:$0x400];
	v55 =	vsel vm1, $0x0, v63;
	vm1 =	vlt.s32 v16, v61  }
0x17b: {  	v14 =	vadd.s32 v16, v43;
	v1 =	vsel vm1, $0x0, v1;
	vm1 =	vlt.s32 v16, v44;
	v16 =	vld [tilespmem:$0x1FFD0]  }
0x17c: {  	v3 =	vadd.s32 v30, v4;
	v40 =	vld [tilespmem:$0x80]  }
0x17d: {  	v3 =	vadd.s32 v31, v3;
	v46 =	vld [tilespmem:$0x100]  }
0x17e: {  	v3 =	vadd.s32 v33, v3;
	v48 =	vld [tilespmem:$0x500]  }
0x17f: {  	v3 =	vadd.s32 v35, v3;
	v43 =	vld [tilespmem:$0x480]  }
0x180: {  	v3 =	vadd.s32 v37, v3;
	v51 =	vld [tilespmem:$0x180];
	v58 =	vsel vm1, $0x0, v26;
	vm1 =	vlt.s32 v16, v50  }
0x181: {  	v4 =	vadd.s32 v45, v14;
	v54 =	vld [tilespmem:$0x580];
	v60 =	vsel vm1, $0x0, v36;
	vm1 =	vlt.s32 v16, v19  }
0x182: {  	v4 =	vadd.s32 v47, v4;
	v57 =	vld [tilespmem:$0x600];
	v6 =	vsel vm1, $0x0, v6;
	vm1 =	vlt.s32 v16, v5  }
0x183: {  	v4 =	vadd.s32 v49, v4;
	v56 =	vld [tilespmem:$0x200];
	v7 =	vsel vm1, $0x0, v7;
	vm1 =	vlt.s32 v16, v8  }
0x184: {  	v62 =	vld [tilespmem:$0x700];
	v4 =	vadd.s32 v52, v4;
	v63 =	vsel vm1, $0x0, v9;
	vm1 =	vlt.s32 v16, v22  }
0x185: {  	v49 =	vld [tilespmem:$0x1FEA0];
	v4 =	vadd.s32 v55, v4;
	v14 =	vsel vm1, $0x0, v10;
	vm1 =	vlt.s32 v16, v11  }
0x186: {  	v61 =	vld [tilespmem:$0x300];
	v1 =	vadd.s32 v1, v4;
	v22 =	vsel vm1, $0x0, v12;
	vm1 =	vlt.s32 v16, v13  }
0x187: {  	v4 =	vadd.s32 v16, v60;
	v37 =	vsel vm1, $0x0, v15;
	vm1 =	vlt.s32 v16, v23;
	v16 =	vld [tilespmem:$0x1FFE0]  }
0x188: {  	v52 =	vld [tilespmem:$0x1FEB0]  }
0x189: {  	v55 =	vld [tilespmem:$0x200]  }
0x18a: {  	v19 =	vld [tilespmem:$0x680]  }
0x18b: {  	v36 =	vld [tilespmem:$0x0]  }
0x18c: {  	v3 =	vadd.s32 v39, v3;
	v60 =	vld [tilespmem:$0x1FEE0];
	v39 =	vsel vm1, $0x0, v24;
	vm1 =	vlt.s32 v16, v25  }
0x18d: {  	v3 =	vadd.s32 v41, v3;
	v9 =	vld [tilespmem:$0x380];
	v41 =	vsel vm1, $0x0, v27;
	vm1 =	vlt.s32 v16, v28  }
0x18e: {  	v10 =	vld [tilespmem:$0x780];
	v44 =	vsel vm1, $0x0, v29;
	vm1 =	vlt.s32 v16, v46  }
0x18f: {  	v15 =	vld [tilespmem:$0x100];
	v45 =	vsel vm1, $0x0, v48;
	vm1 =	vlt.s32 v16, v51  }
0x190: {  	v4 =	vadd.s32 v6, v4;
	v27 =	vld [tilespmem:$0x1FEF0];
	v47 =	vsel vm1, $0x0, v54;
	vm1 =	vlt.s32 v16, v56  }
0x191: {  	v4 =	vadd.s32 v7, v4;
	v28 =	vld [tilespmem:$0x380];
	v50 =	vsel vm1, $0x0, v57;
	vm1 =	vlt.s32 v16, v59  }
0x192: {  	v4 =	vadd.s32 v63, v4;
	v54 =	vsel vm1, $0x0, v19;
	v19 =	vld [tilespmem:$0x1FEC0]  }
0x193: {  	v4 =	vadd.s32 v14, v4;
	v7 =	vadd.s32 v16, v41;
	v46 =	vld [tilespmem:$0x500]  }
0x194: {  	v4 =	vadd.s32 v22, v4;
	v6 =	vadd.s32 v44, v7;
	v56 =	vld [tilespmem:$0x1FFF0]  }
0x195: {  	[tilespmem:$0xB00] =	vst v42;
	v1 =	vadd.s32 v58, v1;
	v4 =	vadd.s32 v37, v4;
	v48 =	vld [tilespmem:$0x180];
	v6 =	vadd.s32 v45, v6  }
0x196: {  	[tilespmem:$0xB80] =	vst v20;
	v4 =	vadd.s32 v39, v4;
	v51 =	vld [tilespmem:$0x580];
	v6 =	vadd.s32 v47, v6;
	vm1 =	vlt.s32 v16, v61  }
0x197: {  	v6 =	vadd.s32 v50, v6;
	v20 =	vshll.u32 v27, $0x3;
	v22 =	vand.u32 $0x7, v27;
	[tilespmem:$0x980] =	vst v19;
	v19 =	vld [tilespmem:$0x1FED0]  }
0x198: {  	[tilespmem:$0xC00] =	vst v21;
	v57 =	vld [tilespmem:$0x600];
	v8 =	vsel vm1, $0x0, v62;
	v6 =	vadd.s32 v54, v6;
	v20 =	vand.u32 $0xFFFFFFC0, v20  }
0x199: {  	[tilespmem:$0xC80] =	vst v0;
	v59 =	vld [tilespmem:$0x280];
	v6 =	vadd.s32 v8, v6;
	v29 =	vor.u32 v22, v20;
	vm1 =	vlt.s32 v56, v36  }
0x19a: {  	[tilespmem:$0xD00] =	vst v2;
	v62 =	vld [tilespmem:$0x680];
	v31 =	vperm.xlane v29, v53;
	v58 =	vsel vm1, $0x0, v38;
	vm1 =	vlt.s32 v56, v40  }
0x19b: {  	[tilespmem:$0xD80] =	vst v3;
	v61 =	vsel vm1, $0x0, v43;
	vm1 =	vlt.s32 v56, v15;
	v7 =	vadd.s32 v56, v58;
	v15 =	vld [tilespmem:$0x300]  }
0x19c: {  	v63 =	vsel vm1, $0x0, v46;
	vm1 =	vlt.s32 v56, v48;
	v7 =	vadd.s32 v61, v7;
	[tilespmem:$0xA00] =	vst v19;
	v19 =	vld [tilespmem:$0x700]  }
0x19d: {  	[tilespmem:$0x880] =	vst v49;
	v20 =	vld [tilespmem:$0x780];
	v25 =	vsel vm1, $0x0, v51;
	vm1 =	vlt.s32 v56, v55;
	v7 =	vadd.s32 v63, v7  }
0x19e: {  	[tilespmem:$0xE00] =	vst v1;
	v11 =	vsel vm1, $0x0, v57;
	vm1 =	vlt.s32 v16, v9;
	v30 =	vadd.s32 v25, v7  }
0x19f: {  	[tilespmem:$0x900] =	vst v52;
	v7 =	vadd.s32 v17, v31;
	v32 =	vsel vm1, $0x0, v10;
	vm1 =	vlt.s32 v56, v59  }
0x1a0: {  	[tilespmem:$0xA80] =	vst v60;
	v0 =	vadd.s32 v11, v30;
	v33 =	vsel vm1, $0x0, v62;
	vm1 =	vlt.s32 v56, v15  }
0x1a1: {  	[tilespmem:$0xE80] =	vst v4;
	v0 =	vadd.s32 v33, v0;
	v34 =	vsel vm1, $0x0, v19;
	vm1 =	vlt.s32 v56, v28  }
0x1a2: {  	[tilespmem:$0x800] =	vst v27;
	v2 =	vadd.s32 v32, v6;
	v0 =	vadd.s32 v34, v0;
	v35 =	vsel vm1, $0x0, v20  }
0x1a3: {  	[tilespmem:$0xF00] =	vst v2;
	v0 =	vadd.s32 v35, v0  }
0x1a4: {  	[tilespmem:$0xF80] =	vst v0  }
0x1a5: {  	[tilespmem:s18], [sflag:$0x1] =	stream.indirect_vreg.gather [hbm4b:s24+s4], $0x80, v7, vm0, $0xb8;
	[tilespmem:$0x19000] =	vst v63  }
0x1a6: {  	s0 =	simm.s32 $0x1800;
	v36 =	vperm.xlane v29, v18  }
0x1a7: {  	[tilespmem:s0], [sflag:$0x1] =	stream.indirect_vreg.gather [hbm4b:s5+s4], $0x80, v7, vm0, $0xb8;
	[tilespmem:$0x19000] =	vst v63  }
0x1a8: {  	s3 =	simm.s32 $0x2000;
	v0 =	vadd.s32 v17, v36  }
0x1a9: {  	[tilespmem:s3], [sflag:$0x1] =	stream.indirect_vreg.gather [hbm4b:s6+s4], $0x80, v7, vm0, $0xb8;
	[tilespmem:$0x19000] =	vst v63  }
0x1aa: {  	s8 =	simm.s32 $0x2800  }
0x1ab: {  	[tilespmem:s8], [sflag:$0x1] =	stream.indirect_vreg.gather [hbm4b:s7+s4], $0x80, v7, vm0, $0xb8;
	[tilespmem:$0x19000] =	vst v63  }
0x1ac: {  	s9 =	simm.s32 $0x3000  }
0x1ad: {  	[tilespmem:s9], [sflag:$0x1] =	stream.indirect_vreg.gather [hbm4b:s24+s4], $0x80, v0, vm0, $0xb8;
	[tilespmem:$0x19000] =	vst v63  }
0x1ae: {  	s13 =	simm.s32 $0x3800  }
0x1af: {  	[tilespmem:s13], [sflag:$0x1] =	stream.indirect_vreg.gather [hbm4b:s5+s4], $0x80, v0, vm0, $0xb8;
	[tilespmem:$0x19000] =	vst v63  }
0x1b0: {  	s14 =	simm.s32 $0x4000  }
0x1b1: {  	[tilespmem:s14], [sflag:$0x1] =	stream.indirect_vreg.gather [hbm4b:s6+s4], $0x80, v0, vm0, $0xb8;
	[tilespmem:$0x19000] =	vst v63  }
0x1b2: {  	s19 =	simm.s32 $0x4800  }
0x1b3: {  	[tilespmem:s19], [sflag:$0x1] =	stream.indirect_vreg.gather [hbm4b:s7+s4], $0x80, v0, vm0, $0xb8;
	[tilespmem:$0x19000] =	vst v63  }
0x1b4: {  	v0 =	vld [tilespmem:$0x880];
	_ =	sdelay $0x4  }
0x1b5: {  	v37 =	vshll.u32 v0, $0x3  }
0x1b6: {  	v0 =	vand.u32 $0x7, v0;
	v1 =	vand.u32 $0xFFFFFFC0, v37  }
0x1b7: {  	v0 =	vor.u32 v0, v1  }
0x1b8: {  	v1 =	vperm.xlane v0, v53;
	_ =	sdelay $0x1  }
0x1b9: {  	v1 =	vadd.s32 v17, v1;
	_ =	sdelay $0x4  }
0x1ba: {  	[tilespmem:s26], [sflag:$0x2] =	stream.indirect_vreg.gather [hbm4b:s24+s4], $0x80, v1, vm0, $0xb8;
	[tilespmem:$0x19000] =	vst v63  }
0x1bb: {  	s31 =	simm.s32 $0x5800;
	v0 =	vperm.xlane v0, v18  }
0x1bc: {  	[tilespmem:s31], [sflag:$0x2] =	stream.indirect_vreg.gather [hbm4b:s5+s4], $0x80, v1, vm0, $0xb8;
	[tilespmem:$0x19000] =	vst v63  }
0x1bd: {  	s1 =	simm.s32 $0x6000;
	v0 =	vadd.s32 v17, v0  }
0x1be: {  	[tilespmem:s1], [sflag:$0x2] =	stream.indirect_vreg.gather [hbm4b:s6+s4], $0x80, v1, vm0, $0xb8;
	[tilespmem:$0x19000] =	vst v63  }
0x1bf: {  	s2 =	simm.s32 $0x6800  }
0x1c0: {  	[tilespmem:s2], [sflag:$0x2] =	stream.indirect_vreg.gather [hbm4b:s7+s4], $0x80, v1, vm0, $0xb8;
	[tilespmem:$0x19000] =	vst v63  }
0x1c1: {  	s3 =	simm.s32 $0x7000  }
0x1c2: {  	[tilespmem:s3], [sflag:$0x2] =	stream.indirect_vreg.gather [hbm4b:s24+s4], $0x80, v0, vm0, $0xb8;
	[tilespmem:$0x19000] =	vst v63  }
0x1c3: {  	s8 =	simm.s32 $0x7800  }
0x1c4: {  	[tilespmem:s8], [sflag:$0x2] =	stream.indirect_vreg.gather [hbm4b:s5+s4], $0x80, v0, vm0, $0xb8;
	[tilespmem:$0x19000] =	vst v63  }
0x1c5: {  	s9 =	simm.s32 $0x8000  }
0x1c6: {  	[tilespmem:s9], [sflag:$0x2] =	stream.indirect_vreg.gather [hbm4b:s6+s4], $0x80, v0, vm0, $0xb8;
	[tilespmem:$0x19000] =	vst v63  }
0x1c7: {  	s13 =	simm.s32 $0x8800  }
0x1c8: {  	[tilespmem:s13], [sflag:$0x2] =	stream.indirect_vreg.gather [hbm4b:s7+s4], $0x80, v0, vm0, $0xb8;
	[tilespmem:$0x19000] =	vst v63  }
0x1c9: {  	v0 =	vld [tilespmem:$0x900];
	_ =	sdelay $0x4  }
0x1ca: {  	v38 =	vshll.u32 v0, $0x3  }
0x1cb: {  	v0 =	vand.u32 $0x7, v0;
	v1 =	vand.u32 $0xFFFFFFC0, v38  }
0x1cc: {  	v0 =	vor.u32 v0, v1  }
0x1cd: {  	v1 =	vperm.xlane v0, v53;
	_ =	sdelay $0x1  }
0x1ce: {  	v1 =	vadd.s32 v17, v1;
	_ =	sdelay $0x4  }
0x1cf: {  	[tilespmem:s21], [sflag:$0x3] =	stream.indirect_vreg.gather [hbm4b:s24+s4], $0x80, v1, vm0, $0xb8;
	[tilespmem:$0x19000] =	vst v63  }
0x1d0: {  	s14 =	simm.s32 $0x9800;
	v0 =	vperm.xlane v0, v18  }
0x1d1: {  	[tilespmem:s14], [sflag:$0x3] =	stream.indirect_vreg.gather [hbm4b:s5+s4], $0x80, v1, vm0, $0xb8;
	[tilespmem:$0x19000] =	vst v63  }
0x1d2: {  	s1 =	simm.s32 $0xA000;
	v0 =	vadd.s32 v17, v0  }
0x1d3: {  	[tilespmem:s1], [sflag:$0x3] =	stream.indirect_vreg.gather [hbm4b:s6+s4], $0x80, v1, vm0, $0xb8;
	[tilespmem:$0x19000] =	vst v63  }
0x1d4: {  	s2 =	simm.s32 $0xA800  }
0x1d5: {  	[tilespmem:s2], [sflag:$0x3] =	stream.indirect_vreg.gather [hbm4b:s7+s4], $0x80, v1, vm0, $0xb8;
	[tilespmem:$0x19000] =	vst v63  }
0x1d6: {  	s3 =	simm.s32 $0xB000  }
0x1d7: {  	[tilespmem:s3], [sflag:$0x3] =	stream.indirect_vreg.gather [hbm4b:s24+s4], $0x80, v0, vm0, $0xb8;
	[tilespmem:$0x19000] =	vst v63  }
0x1d8: {  	s8 =	simm.s32 $0xB800  }
0x1d9: {  	[tilespmem:s8], [sflag:$0x3] =	stream.indirect_vreg.gather [hbm4b:s5+s4], $0x80, v0, vm0, $0xb8;
	[tilespmem:$0x19000] =	vst v63  }
0x1da: {  	s9 =	simm.s32 $0xC000  }
0x1db: {  	[tilespmem:s9], [sflag:$0x3] =	stream.indirect_vreg.gather [hbm4b:s6+s4], $0x80, v0, vm0, $0xb8;
	[tilespmem:$0x19000] =	vst v63  }
0x1dc: {  	s13 =	simm.s32 $0xC800  }
0x1dd: {  	[tilespmem:s13], [sflag:$0x3] =	stream.indirect_vreg.gather [hbm4b:s7+s4], $0x80, v0, vm0, $0xb8;
	[tilespmem:$0x19000] =	vst v63  }
0x1de: {  	v0 =	vld [tilespmem:$0x980];
	_ =	sdelay $0x4  }
0x1df: {  	v39 =	vshll.u32 v0, $0x3  }
0x1e0: {  	v0 =	vand.u32 $0x7, v0;
	v1 =	vand.u32 $0xFFFFFFC0, v39  }
0x1e1: {  	v0 =	vor.u32 v0, v1  }
0x1e2: {  	v1 =	vperm.xlane v0, v53;
	_ =	sdelay $0x1  }
0x1e3: {  	v1 =	vadd.s32 v17, v1;
	_ =	sdelay $0x3  }
0x1e4: {  	s8 =	simm.s32 $0xD000  }
0x1e5: {  	[tilespmem:s8], [sflag:$0x4] =	stream.indirect_vreg.gather [hbm4b:s24+s4], $0x80, v1, vm0, $0xb8;
	[tilespmem:$0x19000] =	vst v63  }
0x1e6: {  	s14 =	simm.s32 $0xD800;
	v0 =	vperm.xlane v0, v18  }
0x1e7: {  	[tilespmem:s14], [sflag:$0x4] =	stream.indirect_vreg.gather [hbm4b:s5+s4], $0x80, v1, vm0, $0xb8;
	[tilespmem:$0x19000] =	vst v63  }
0x1e8: {  	s1 =	simm.s32 $0xE000;
	v0 =	vadd.s32 v17, v0  }
0x1e9: {  	[tilespmem:s1], [sflag:$0x4] =	stream.indirect_vreg.gather [hbm4b:s6+s4], $0x80, v1, vm0, $0xb8;
	[tilespmem:$0x19000] =	vst v63  }
0x1ea: {  	s2 =	simm.s32 $0xE800  }
0x1eb: {  	[tilespmem:s2], [sflag:$0x4] =	stream.indirect_vreg.gather [hbm4b:s7+s4], $0x80, v1, vm0, $0xb8;
	[tilespmem:$0x19000] =	vst v63  }
0x1ec: {  	s3 =	simm.s32 $0xF000  }
0x1ed: {  	[tilespmem:s3], [sflag:$0x4] =	stream.indirect_vreg.gather [hbm4b:s24+s4], $0x80, v0, vm0, $0xb8;
	[tilespmem:$0x19000] =	vst v63  }
0x1ee: {  	s9 =	simm.s32 $0xF800  }
0x1ef: {  	[tilespmem:s9], [sflag:$0x4] =	stream.indirect_vreg.gather [hbm4b:s5+s4], $0x80, v0, vm0, $0xb8;
	[tilespmem:$0x19000] =	vst v63  }
0x1f0: {  	s13 =	simm.s32 $0x10000  }
0x1f1: {  	[tilespmem:s13], [sflag:$0x4] =	stream.indirect_vreg.gather [hbm4b:s6+s4], $0x80, v0, vm0, $0xb8;
	[tilespmem:$0x19000] =	vst v63  }
0x1f2: {  	s14 =	simm.s32 $0x10800  }
0x1f3: {  	[tilespmem:s14], [sflag:$0x4] =	stream.indirect_vreg.gather [hbm4b:s7+s4], $0x80, v0, vm0, $0xb8;
	[tilespmem:$0x19000] =	vst v63  }
0x1f4: {  	v0 =	vld [tilespmem:$0xA00];
	_ =	sdelay $0x4  }
0x1f5: {  	v40 =	vshll.u32 v0, $0x3  }
0x1f6: {  	v0 =	vand.u32 $0x7, v0;
	v1 =	vand.u32 $0xFFFFFFC0, v40  }
0x1f7: {  	v0 =	vor.u32 v0, v1  }
0x1f8: {  	v1 =	vperm.xlane v0, v53;
	_ =	sdelay $0x1  }
0x1f9: {  	v1 =	vadd.s32 v17, v1;
	_ =	sdelay $0x3  }
0x1fa: {  	s2 =	simm.s32 $0x11000  }
0x1fb: {  	[tilespmem:s2], [sflag:$0x5] =	stream.indirect_vreg.gather [hbm4b:s24+s4], $0x80, v1, vm0, $0xb8;
	[tilespmem:$0x19000] =	vst v63  }
0x1fc: {  	v0 =	vperm.xlane v0, v18  }
0x1fd: {  	[tilespmem:s15], [sflag:$0x5] =	stream.indirect_vreg.gather [hbm4b:s5+s4], $0x80, v1, vm0, $0xb8;
	[tilespmem:$0x19000] =	vst v63  }
0x1fe: {  	s3 =	simm.s32 $0x12000;
	v0 =	vadd.s32 v17, v0  }
0x1ff: {  	[tilespmem:s3], [sflag:$0x5] =	stream.indirect_vreg.gather [hbm4b:s6+s4], $0x80, v1, vm0, $0xb8;
	[tilespmem:$0x19000] =	vst v63  }
0x200: {  	s9 =	simm.s32 $0x12800  }
0x201: {  	[tilespmem:s9], [sflag:$0x5] =	stream.indirect_vreg.gather [hbm4b:s7+s4], $0x80, v1, vm0, $0xb8;
	[tilespmem:$0x19000] =	vst v63  }
0x202: {  	_ = 	snop  }
0x203: {  	[tilespmem:s10], [sflag:$0x5] =	stream.indirect_vreg.gather [hbm4b:s24+s4], $0x80, v0, vm0, $0xb8;
	[tilespmem:$0x19000] =	vst v63  }
0x204: {  	_ = 	snop  }
0x205: {  	[tilespmem:s11], [sflag:$0x5] =	stream.indirect_vreg.gather [hbm4b:s5+s4], $0x80, v0, vm0, $0xb8;
	[tilespmem:$0x19000] =	vst v63  }
0x206: {  	_ = 	snop  }
0x207: {  	[tilespmem:s12], [sflag:$0x5] =	stream.indirect_vreg.gather [hbm4b:s6+s4], $0x80, v0, vm0, $0xb8;
	[tilespmem:$0x19000] =	vst v63  }
0x208: {  	s0 =	simm.s32 $0x1;
	s14 =	simm.s32 $0x14800  }
0x209: {  	[tilespmem:s14], [sflag:$0x5] =	stream.indirect_vreg.gather [hbm4b:s7+s4], $0x80, v0, vm0, $0xb8;
	[tilespmem:$0x19000] =	vst v63  }
0x20a: {  	_ =	swait.ge [sflag:s0], $0x4000  }
0x20b: {  	[sflag:s0] =	ssyncset.done $0x0  }
0x20c: {  	s1 =	rddreg [dreg:$0x5];
	[sflag:s0] =	ssyncadd.s32 $0xFFFFC000  }
0x20d: {  	[hbm4b:s1+s4] =	stream.linear.scatter [tilespmem:s18], [sflag:$0x7], $0x4000, $0x38;
	[tilespmem:$0x19000] =	vst v63  }
0x20e: {  	v41 =	vld [tilespmem:$0xA80];
	_ =	sdelay $0x4  }
0x20f: {  	v42 =	vshll.u32 v41, $0x3  }
0x210: {  	v0 =	vand.u32 $0x7, v41;
	v1 =	vand.u32 $0xFFFFFFC0, v42  }
0x211: {  	v0 =	vor.u32 v0, v1  }
0x212: {  	v1 =	vperm.xlane v0, v53;
	_ =	sdelay $0x1  }
0x213: {  	v1 =	vadd.s32 v17, v1;
	_ =	sdelay $0x4  }
0x214: {  	[tilespmem:s16], [sflag:$0x6] =	stream.indirect_vreg.gather [hbm4b:s24+s4], $0x80, v1, vm0, $0xb8;
	[tilespmem:$0x19000] =	vst v63  }
0x215: {  	s1 =	simm.s32 $0x15800;
	v0 =	vperm.xlane v0, v18  }
0x216: {  	[tilespmem:s1], [sflag:$0x6] =	stream.indirect_vreg.gather [hbm4b:s5+s4], $0x80, v1, vm0, $0xb8;
	[tilespmem:$0x19000] =	vst v63  }
0x217: {  	s13 =	simm.s32 $0x16000;
	v0 =	vadd.s32 v17, v0  }
0x218: {  	[tilespmem:s13], [sflag:$0x6] =	stream.indirect_vreg.gather [hbm4b:s6+s4], $0x80, v1, vm0, $0xb8;
	[tilespmem:$0x19000] =	vst v63  }
0x219: {  	s13 =	simm.s32 $0x16800  }
0x21a: {  	[tilespmem:s13], [sflag:$0x6] =	stream.indirect_vreg.gather [hbm4b:s7+s4], $0x80, v1, vm0, $0xb8;
	[tilespmem:$0x19000] =	vst v63  }
0x21b: {  	s13 =	simm.s32 $0x17000  }
0x21c: {  	[tilespmem:s13], [sflag:$0x6] =	stream.indirect_vreg.gather [hbm4b:s24+s4], $0x80, v0, vm0, $0xb8;
	[tilespmem:$0x19000] =	vst v63  }
0x21d: {  	s13 =	simm.s32 $0x17800  }
0x21e: {  	[tilespmem:s13], [sflag:$0x6] =	stream.indirect_vreg.gather [hbm4b:s5+s4], $0x80, v0, vm0, $0xb8;
	[tilespmem:$0x19000] =	vst v63  }
0x21f: {  	s13 =	simm.s32 $0x18000  }
0x220: {  	[tilespmem:s13], [sflag:$0x6] =	stream.indirect_vreg.gather [hbm4b:s6+s4], $0x80, v0, vm0, $0xb8;
	[tilespmem:$0x19000] =	vst v63  }
0x221: {  	s1 =	simm.s32 $0x2  }
0x222: {  	[tilespmem:s25], [sflag:$0x6] =	stream.indirect_vreg.gather [hbm4b:s7+s4], $0x80, v0, vm0, $0xb8;
	[tilespmem:$0x19000] =	vst v63  }
0x223: {  	_ =	swait.ge [sflag:s1], $0x4000  }
0x224: {  	[sflag:s1] =	ssyncset.done $0x0  }
0x225: {  	s13 =	rddreg [dreg:$0x6];
	[sflag:s1] =	ssyncadd.s32 $0xFFFFC000  }
0x226: {  	[hbm4b:s13+s4] =	stream.linear.scatter [tilespmem:s26], [sflag:$0x8], $0x4000, $0x38;
	[tilespmem:$0x19000] =	vst v63  }
0x227: {  	_ =	swait.ge [sflag:s28], $0x4000  }
0x228: {  	[sflag:s28] =	ssyncset.done $0x0  }
0x229: {  	[sflag:s28] =	ssyncadd.s32 $0xFFFFC000  }
0x22a: {  	v43 =	vld [tilespmem:$0xB00];
	_ =	sdelay $0x4  }
0x22b: {  	v44 =	vshll.u32 v43, $0x3  }
0x22c: {  	v0 =	vand.u32 $0x7, v43;
	v1 =	vand.u32 $0xFFFFFFC0, v44  }
0x22d: {  	v0 =	vor.u32 v0, v1  }
0x22e: {  	v1 =	vperm.xlane v0, v53;
	_ =	sdelay $0x1  }
0x22f: {  	v1 =	vadd.s32 v17, v1;
	_ =	sdelay $0x4  }
0x230: {  	[tilespmem:s18], [sflag:$0x1] =	stream.indirect_vreg.gather [hbm4b:s24+s4], $0x80, v1, vm0, $0xb8;
	[tilespmem:$0x19000] =	vst v63  }
0x231: {  	s17 =	simm.s32 $0x1800;
	v0 =	vperm.xlane v0, v18  }
0x232: {  	[tilespmem:s17], [sflag:$0x1] =	stream.indirect_vreg.gather [hbm4b:s5+s4], $0x80, v1, vm0, $0xb8;
	[tilespmem:$0x19000] =	vst v63  }
0x233: {  	s29 =	simm.s32 $0x2000;
	v0 =	vadd.s32 v17, v0  }
0x234: {  	[tilespmem:s29], [sflag:$0x1] =	stream.indirect_vreg.gather [hbm4b:s6+s4], $0x80, v1, vm0, $0xb8;
	[tilespmem:$0x19000] =	vst v63  }
0x235: {  	s30 =	simm.s32 $0x2800  }
0x236: {  	[tilespmem:s30], [sflag:$0x1] =	stream.indirect_vreg.gather [hbm4b:s7+s4], $0x80, v1, vm0, $0xb8;
	[tilespmem:$0x19000] =	vst v63  }
0x237: {  	s22 =	simm.s32 $0x3000  }
0x238: {  	[tilespmem:s22], [sflag:$0x1] =	stream.indirect_vreg.gather [hbm4b:s24+s4], $0x80, v0, vm0, $0xb8;
	[tilespmem:$0x19000] =	vst v63  }
0x239: {  	s23 =	simm.s32 $0x3800  }
0x23a: {  	[tilespmem:s23], [sflag:$0x1] =	stream.indirect_vreg.gather [hbm4b:s5+s4], $0x80, v0, vm0, $0xb8;
	[tilespmem:$0x19000] =	vst v63  }
0x23b: {  	s20 =	simm.s32 $0x4000  }
0x23c: {  	[tilespmem:s20], [sflag:$0x1] =	stream.indirect_vreg.gather [hbm4b:s6+s4], $0x80, v0, vm0, $0xb8;
	[tilespmem:$0x19000] =	vst v63  }
0x23d: {  	s19 =	simm.s32 $0x4800;
	s29 =	simm.s32 $0x3  }
0x23e: {  	[tilespmem:s19], [sflag:$0x1] =	stream.indirect_vreg.gather [hbm4b:s7+s4], $0x80, v0, vm0, $0xb8;
	[tilespmem:$0x19000] =	vst v63  }
0x23f: {  	_ =	swait.ge [sflag:s29], $0x4000  }
0x240: {  	[sflag:s29] =	ssyncset.done $0x0  }
0x241: {  	s30 =	simm.s32 $0x8;
	s17 =	rddreg [dreg:$0x7];
	[sflag:s29] =	ssyncadd.s32 $0xFFFFC000  }
0x242: {  	[hbm4b:s17+s4] =	stream.linear.scatter [tilespmem:s21], [sflag:$0x9], $0x4000, $0x38;
	[tilespmem:$0x19000] =	vst v63  }
0x243: {  	_ =	swait.ge [sflag:s30], $0x4000  }
0x244: {  	[sflag:s30] =	ssyncset.done $0x0  }
0x245: {  	[sflag:s30] =	ssyncadd.s32 $0xFFFFC000  }
0x246: {  	v45 =	vld [tilespmem:$0xB80];
	_ =	sdelay $0x4  }
0x247: {  	v46 =	vshll.u32 v45, $0x3  }
0x248: {  	v0 =	vand.u32 $0x7, v45;
	v1 =	vand.u32 $0xFFFFFFC0, v46  }
0x249: {  	v0 =	vor.u32 v0, v1  }
0x24a: {  	v1 =	vperm.xlane v0, v53;
	_ =	sdelay $0x1  }
0x24b: {  	v1 =	vadd.s32 v17, v1;
	_ =	sdelay $0x4  }
0x24c: {  	[tilespmem:s26], [sflag:$0x2] =	stream.indirect_vreg.gather [hbm4b:s24+s4], $0x80, v1, vm0, $0xb8;
	[tilespmem:$0x19000] =	vst v63  }
0x24d: {  	s19 =	simm.s32 $0x5800;
	v0 =	vperm.xlane v0, v18  }
0x24e: {  	[tilespmem:s19], [sflag:$0x2] =	stream.indirect_vreg.gather [hbm4b:s5+s4], $0x80, v1, vm0, $0xb8;
	[tilespmem:$0x19000] =	vst v63  }
0x24f: {  	s20 =	simm.s32 $0x6000;
	v0 =	vadd.s32 v17, v0  }
0x250: {  	[tilespmem:s20], [sflag:$0x2] =	stream.indirect_vreg.gather [hbm4b:s6+s4], $0x80, v1, vm0, $0xb8;
	[tilespmem:$0x19000] =	vst v63  }
0x251: {  	s22 =	simm.s32 $0x6800  }
0x252: {  	[tilespmem:s22], [sflag:$0x2] =	stream.indirect_vreg.gather [hbm4b:s7+s4], $0x80, v1, vm0, $0xb8;
	[tilespmem:$0x19000] =	vst v63  }
0x253: {  	s23 =	simm.s32 $0x7000  }
0x254: {  	[tilespmem:s23], [sflag:$0x2] =	stream.indirect_vreg.gather [hbm4b:s24+s4], $0x80, v0, vm0, $0xb8;
	[tilespmem:$0x19000] =	vst v63  }
0x255: {  	s17 =	simm.s32 $0x7800  }
0x256: {  	[tilespmem:s17], [sflag:$0x2] =	stream.indirect_vreg.gather [hbm4b:s5+s4], $0x80, v0, vm0, $0xb8;
	[tilespmem:$0x19000] =	vst v63  }
0x257: {  	s19 =	simm.s32 $0x8000  }
0x258: {  	[tilespmem:s19], [sflag:$0x2] =	stream.indirect_vreg.gather [hbm4b:s6+s4], $0x80, v0, vm0, $0xb8;
	[tilespmem:$0x19000] =	vst v63  }
0x259: {  	s31 =	simm.s32 $0x8800  }
0x25a: {  	[tilespmem:s31], [sflag:$0x2] =	stream.indirect_vreg.gather [hbm4b:s7+s4], $0x80, v0, vm0, $0xb8;
	[tilespmem:$0x19000] =	vst v63  }
0x25b: {  	s31 =	simm.s32 $0x4  }
0x25c: {  	_ =	swait.ge [sflag:s31], $0x4000  }
0x25d: {  	[sflag:s31] =	ssyncset.done $0x0  }
0x25e: {  	s17 =	simm.s32 $0x9;
	s20 =	rddreg [dreg:$0x8];
	[sflag:s31] =	ssyncadd.s32 $0xFFFFC000  }
0x25f: {  	[hbm4b:s20+s4] =	stream.linear.scatter [tilespmem:s8], [sflag:$0xA], $0x4000, $0x38;
	[tilespmem:$0x19000] =	vst v63  }
0x260: {  	_ =	swait.ge [sflag:s17], $0x4000  }
0x261: {  	[sflag:s17] =	ssyncset.done $0x0  }
0x262: {  	[sflag:s17] =	ssyncadd.s32 $0xFFFFC000  }
0x263: {  	v47 =	vld [tilespmem:$0xC00];
	_ =	sdelay $0x4  }
0x264: {  	v48 =	vshll.u32 v47, $0x3  }
0x265: {  	v0 =	vand.u32 $0x7, v47;
	v1 =	vand.u32 $0xFFFFFFC0, v48  }
0x266: {  	v0 =	vor.u32 v0, v1  }
0x267: {  	v1 =	vperm.xlane v0, v53;
	_ =	sdelay $0x1  }
0x268: {  	v1 =	vadd.s32 v17, v1;
	_ =	sdelay $0x4  }
0x269: {  	[tilespmem:s21], [sflag:$0x3] =	stream.indirect_vreg.gather [hbm4b:s24+s4], $0x80, v1, vm0, $0xb8;
	[tilespmem:$0x19000] =	vst v63  }
0x26a: {  	s22 =	simm.s32 $0x9800;
	v0 =	vperm.xlane v0, v18  }
0x26b: {  	[tilespmem:s22], [sflag:$0x3] =	stream.indirect_vreg.gather [hbm4b:s5+s4], $0x80, v1, vm0, $0xb8;
	[tilespmem:$0x19000] =	vst v63  }
0x26c: {  	s23 =	simm.s32 $0xA000;
	v0 =	vadd.s32 v17, v0  }
0x26d: {  	[tilespmem:s23], [sflag:$0x3] =	stream.indirect_vreg.gather [hbm4b:s6+s4], $0x80, v1, vm0, $0xb8;
	[tilespmem:$0x19000] =	vst v63  }
0x26e: {  	s19 =	simm.s32 $0xA800  }
0x26f: {  	[tilespmem:s19], [sflag:$0x3] =	stream.indirect_vreg.gather [hbm4b:s7+s4], $0x80, v1, vm0, $0xb8;
	[tilespmem:$0x19000] =	vst v63  }
0x270: {  	s20 =	simm.s32 $0xB000  }
0x271: {  	[tilespmem:s20], [sflag:$0x3] =	stream.indirect_vreg.gather [hbm4b:s24+s4], $0x80, v0, vm0, $0xb8;
	[tilespmem:$0x19000] =	vst v63  }
0x272: {  	s22 =	simm.s32 $0xB800  }
0x273: {  	[tilespmem:s22], [sflag:$0x3] =	stream.indirect_vreg.gather [hbm4b:s5+s4], $0x80, v0, vm0, $0xb8;
	[tilespmem:$0x19000] =	vst v63  }
0x274: {  	s23 =	simm.s32 $0xC000  }
0x275: {  	[tilespmem:s23], [sflag:$0x3] =	stream.indirect_vreg.gather [hbm4b:s6+s4], $0x80, v0, vm0, $0xb8;
	[tilespmem:$0x19000] =	vst v63  }
0x276: {  	s19 =	simm.s32 $0xC800  }
0x277: {  	[tilespmem:s19], [sflag:$0x3] =	stream.indirect_vreg.gather [hbm4b:s7+s4], $0x80, v0, vm0, $0xb8;
	[tilespmem:$0x19000] =	vst v63  }
0x278: {  	s19 =	simm.s32 $0x5  }
0x279: {  	_ =	swait.ge [sflag:s19], $0x4000  }
0x27a: {  	[sflag:s19] =	ssyncset.done $0x0  }
0x27b: {  	s20 =	rddreg [dreg:$0x9];
	[sflag:s19] =	ssyncadd.s32 $0xFFFFC000  }
0x27c: {  	[hbm4b:s20+s4] =	stream.linear.scatter [tilespmem:s2], [sflag:$0xB], $0x4000, $0x38;
	[tilespmem:$0x19000] =	vst v63  }
0x27d: {  	s20 =	simm.s32 $0xA  }
0x27e: {  	_ =	swait.ge [sflag:s20], $0x4000  }
0x27f: {  	[sflag:s20] =	ssyncset.done $0x0  }
0x280: {  	[sflag:s20] =	ssyncadd.s32 $0xFFFFC000  }
0x281: {  	v49 =	vld [tilespmem:$0xC80];
	_ =	sdelay $0x4  }
0x282: {  	v50 =	vshll.u32 v49, $0x3  }
0x283: {  	v0 =	vand.u32 $0x7, v49;
	v1 =	vand.u32 $0xFFFFFFC0, v50  }
0x284: {  	v0 =	vor.u32 v0, v1  }
0x285: {  	v1 =	vperm.xlane v0, v53;
	_ =	sdelay $0x1  }
0x286: {  	v1 =	vadd.s32 v17, v1;
	_ =	sdelay $0x4  }
0x287: {  	[tilespmem:s8], [sflag:$0x4] =	stream.indirect_vreg.gather [hbm4b:s24+s4], $0x80, v1, vm0, $0xb8;
	[tilespmem:$0x19000] =	vst v63  }
0x288: {  	s22 =	simm.s32 $0xD800;
	v0 =	vperm.xlane v0, v18  }
0x289: {  	[tilespmem:s22], [sflag:$0x4] =	stream.indirect_vreg.gather [hbm4b:s5+s4], $0x80, v1, vm0, $0xb8;
	[tilespmem:$0x19000] =	vst v63  }
0x28a: {  	s23 =	simm.s32 $0xE000;
	v0 =	vadd.s32 v17, v0  }
0x28b: {  	[tilespmem:s23], [sflag:$0x4] =	stream.indirect_vreg.gather [hbm4b:s6+s4], $0x80, v1, vm0, $0xb8;
	[tilespmem:$0x19000] =	vst v63  }
0x28c: {  	s22 =	simm.s32 $0xE800  }
0x28d: {  	[tilespmem:s22], [sflag:$0x4] =	stream.indirect_vreg.gather [hbm4b:s7+s4], $0x80, v1, vm0, $0xb8;
	[tilespmem:$0x19000] =	vst v63  }
0x28e: {  	s23 =	simm.s32 $0xF000  }
0x28f: {  	[tilespmem:s23], [sflag:$0x4] =	stream.indirect_vreg.gather [hbm4b:s24+s4], $0x80, v0, vm0, $0xb8;
	[tilespmem:$0x19000] =	vst v63  }
0x290: {  	s22 =	simm.s32 $0xF800  }
0x291: {  	[tilespmem:s22], [sflag:$0x4] =	stream.indirect_vreg.gather [hbm4b:s5+s4], $0x80, v0, vm0, $0xb8;
	[tilespmem:$0x19000] =	vst v63  }
0x292: {  	s23 =	simm.s32 $0x10000  }
0x293: {  	[tilespmem:s23], [sflag:$0x4] =	stream.indirect_vreg.gather [hbm4b:s6+s4], $0x80, v0, vm0, $0xb8;
	[tilespmem:$0x19000] =	vst v63  }
0x294: {  	s22 =	simm.s32 $0x10800  }
0x295: {  	[tilespmem:s22], [sflag:$0x4] =	stream.indirect_vreg.gather [hbm4b:s7+s4], $0x80, v0, vm0, $0xb8;
	[tilespmem:$0x19000] =	vst v63  }
0x296: {  	s22 =	simm.s32 $0x6  }
0x297: {  	_ =	swait.ge [sflag:s22], $0x4000  }
0x298: {  	[sflag:s22] =	ssyncset.done $0x0  }
0x299: {  	s23 =	rddreg [dreg:$0xa];
	[sflag:s22] =	ssyncadd.s32 $0xFFFFC000  }
0x29a: {  	[hbm4b:s23+s4] =	stream.linear.scatter [tilespmem:s16], [sflag:$0xC], $0x4000, $0x38;
	[tilespmem:$0x19000] =	vst v63  }
0x29b: {  	s23 =	simm.s32 $0xB  }
0x29c: {  	_ =	swait.ge [sflag:s23], $0x4000  }
0x29d: {  	[sflag:s23] =	ssyncset.done $0x0  }
0x29e: {  	[sflag:s23] =	ssyncadd.s32 $0xFFFFC000  }
0x29f: {  	v51 =	vld [tilespmem:$0xD00];
	_ =	sdelay $0x4  }
0x2a0: {  	v52 =	vshll.u32 v51, $0x3  }
0x2a1: {  	v0 =	vand.u32 $0x7, v51;
	v1 =	vand.u32 $0xFFFFFFC0, v52  }
0x2a2: {  	v0 =	vor.u32 v0, v1  }
0x2a3: {  	v1 =	vperm.xlane v0, v53;
	_ =	sdelay $0x1  }
0x2a4: {  	v1 =	vadd.s32 v17, v1;
	_ =	sdelay $0x4  }
0x2a5: {  	[tilespmem:s2], [sflag:$0x5] =	stream.indirect_vreg.gather [hbm4b:s24+s4], $0x80, v1, vm0, $0xb8;
	[tilespmem:$0x19000] =	vst v63  }
0x2a6: {  	v0 =	vperm.xlane v0, v18  }
0x2a7: {  	[tilespmem:s15], [sflag:$0x5] =	stream.indirect_vreg.gather [hbm4b:s5+s4], $0x80, v1, vm0, $0xb8;
	[tilespmem:$0x19000] =	vst v63  }
0x2a8: {  	v0 =	vadd.s32 v17, v0  }
0x2a9: {  	[tilespmem:s3], [sflag:$0x5] =	stream.indirect_vreg.gather [hbm4b:s6+s4], $0x80, v1, vm0, $0xb8;
	[tilespmem:$0x19000] =	vst v63  }
0x2aa: {  	_ = 	snop  }
0x2ab: {  	[tilespmem:s9], [sflag:$0x5] =	stream.indirect_vreg.gather [hbm4b:s7+s4], $0x80, v1, vm0, $0xb8;
	[tilespmem:$0x19000] =	vst v63  }
0x2ac: {  	_ = 	snop  }
0x2ad: {  	[tilespmem:s10], [sflag:$0x5] =	stream.indirect_vreg.gather [hbm4b:s24+s4], $0x80, v0, vm0, $0xb8;
	[tilespmem:$0x19000] =	vst v63  }
0x2ae: {  	_ = 	snop  }
0x2af: {  	[tilespmem:s11], [sflag:$0x5] =	stream.indirect_vreg.gather [hbm4b:s5+s4], $0x80, v0, vm0, $0xb8;
	[tilespmem:$0x19000] =	vst v63  }
0x2b0: {  	_ = 	snop  }
0x2b1: {  	[tilespmem:s12], [sflag:$0x5] =	stream.indirect_vreg.gather [hbm4b:s6+s4], $0x80, v0, vm0, $0xb8;
	[tilespmem:$0x19000] =	vst v63  }
0x2b2: {  	_ = 	snop  }
0x2b3: {  	[tilespmem:s14], [sflag:$0x5] =	stream.indirect_vreg.gather [hbm4b:s7+s4], $0x80, v0, vm0, $0xb8;
	[tilespmem:$0x19000] =	vst v63  }
0x2b4: {  	_ =	swait.ge [sflag:s0], $0x4000  }
0x2b5: {  	[sflag:s0] =	ssyncset.done $0x0  }
0x2b6: {  	s3 =	simm.s32 $0xC;
	s9 =	rddreg [dreg:$0xb];
	[sflag:s0] =	ssyncadd.s32 $0xFFFFC000  }
0x2b7: {  	[hbm4b:s9+s4] =	stream.linear.scatter [tilespmem:s18], [sflag:$0x7], $0x4000, $0x38;
	[tilespmem:$0x19000] =	vst v63  }
0x2b8: {  	_ =	swait.ge [sflag:s3], $0x4000  }
0x2b9: {  	[sflag:s3] =	ssyncset.done $0x0  }
0x2ba: {  	[sflag:s3] =	ssyncadd.s32 $0xFFFFC000  }
0x2bb: {  	v54 =	vld [tilespmem:$0xD80];
	_ =	sdelay $0x4  }
0x2bc: {  	v55 =	vshll.u32 v54, $0x3  }
0x2bd: {  	v0 =	vand.u32 $0x7, v54;
	v1 =	vand.u32 $0xFFFFFFC0, v55  }
0x2be: {  	v0 =	vor.u32 v0, v1  }
0x2bf: {  	v1 =	vperm.xlane v0, v53;
	_ =	sdelay $0x1  }
0x2c0: {  	v1 =	vadd.s32 v17, v1;
	_ =	sdelay $0x4  }
0x2c1: {  	[tilespmem:s16], [sflag:$0x6] =	stream.indirect_vreg.gather [hbm4b:s24+s4], $0x80, v1, vm0, $0xb8;
	[tilespmem:$0x19000] =	vst v63  }
0x2c2: {  	s13 =	simm.s32 $0x15800;
	v0 =	vperm.xlane v0, v18  }
0x2c3: {  	[tilespmem:s13], [sflag:$0x6] =	stream.indirect_vreg.gather [hbm4b:s5+s4], $0x80, v1, vm0, $0xb8;
	[tilespmem:$0x19000] =	vst v63  }
0x2c4: {  	s14 =	simm.s32 $0x16000;
	v0 =	vadd.s32 v17, v0  }
0x2c5: {  	[tilespmem:s14], [sflag:$0x6] =	stream.indirect_vreg.gather [hbm4b:s6+s4], $0x80, v1, vm0, $0xb8;
	[tilespmem:$0x19000] =	vst v63  }
0x2c6: {  	s13 =	simm.s32 $0x16800  }
0x2c7: {  	[tilespmem:s13], [sflag:$0x6] =	stream.indirect_vreg.gather [hbm4b:s7+s4], $0x80, v1, vm0, $0xb8;
	[tilespmem:$0x19000] =	vst v63  }
0x2c8: {  	s14 =	simm.s32 $0x17000  }
0x2c9: {  	[tilespmem:s14], [sflag:$0x6] =	stream.indirect_vreg.gather [hbm4b:s24+s4], $0x80, v0, vm0, $0xb8;
	[tilespmem:$0x19000] =	vst v63  }
0x2ca: {  	s13 =	simm.s32 $0x17800  }
0x2cb: {  	[tilespmem:s13], [sflag:$0x6] =	stream.indirect_vreg.gather [hbm4b:s5+s4], $0x80, v0, vm0, $0xb8;
	[tilespmem:$0x19000] =	vst v63  }
0x2cc: {  	s14 =	simm.s32 $0x18000  }
0x2cd: {  	[tilespmem:s14], [sflag:$0x6] =	stream.indirect_vreg.gather [hbm4b:s6+s4], $0x80, v0, vm0, $0xb8;
	[tilespmem:$0x19000] =	vst v63  }
0x2ce: {  	_ = 	snop  }
0x2cf: {  	[tilespmem:s25], [sflag:$0x6] =	stream.indirect_vreg.gather [hbm4b:s7+s4], $0x80, v0, vm0, $0xb8;
	[tilespmem:$0x19000] =	vst v63  }
0x2d0: {  	_ =	swait.ge [sflag:s1], $0x4000  }
0x2d1: {  	[sflag:s1] =	ssyncset.done $0x0  }
0x2d2: {  	s9 =	rddreg [dreg:$0xc];
	[sflag:s1] =	ssyncadd.s32 $0xFFFFC000  }
0x2d3: {  	[hbm4b:s9+s4] =	stream.linear.scatter [tilespmem:s26], [sflag:$0x8], $0x4000, $0x38;
	[tilespmem:$0x19000] =	vst v63  }
0x2d4: {  	_ =	swait.ge [sflag:s28], $0x4000  }
0x2d5: {  	[sflag:s28] =	ssyncset.done $0x0  }
0x2d6: {  	[sflag:s28] =	ssyncadd.s32 $0xFFFFC000  }
0x2d7: {  	v56 =	vld [tilespmem:$0xE00];
	_ =	sdelay $0x4  }
0x2d8: {  	v57 =	vshll.u32 v56, $0x3  }
0x2d9: {  	v0 =	vand.u32 $0x7, v56;
	v1 =	vand.u32 $0xFFFFFFC0, v57  }
0x2da: {  	v0 =	vor.u32 v0, v1  }
0x2db: {  	v1 =	vperm.xlane v0, v53;
	_ =	sdelay $0x1  }
0x2dc: {  	v1 =	vadd.s32 v17, v1;
	_ =	sdelay $0x4  }
0x2dd: {  	[tilespmem:s18], [sflag:$0x1] =	stream.indirect_vreg.gather [hbm4b:s24+s4], $0x80, v1, vm0, $0xb8;
	[tilespmem:$0x19000] =	vst v63  }
0x2de: {  	s14 =	simm.s32 $0x1800;
	v0 =	vperm.xlane v0, v18  }
0x2df: {  	[tilespmem:s14], [sflag:$0x1] =	stream.indirect_vreg.gather [hbm4b:s5+s4], $0x80, v1, vm0, $0xb8;
	[tilespmem:$0x19000] =	vst v63  }
0x2e0: {  	s13 =	simm.s32 $0x2000;
	v0 =	vadd.s32 v17, v0  }
0x2e1: {  	[tilespmem:s13], [sflag:$0x1] =	stream.indirect_vreg.gather [hbm4b:s6+s4], $0x80, v1, vm0, $0xb8;
	[tilespmem:$0x19000] =	vst v63  }
0x2e2: {  	s14 =	simm.s32 $0x2800  }
0x2e3: {  	[tilespmem:s14], [sflag:$0x1] =	stream.indirect_vreg.gather [hbm4b:s7+s4], $0x80, v1, vm0, $0xb8;
	[tilespmem:$0x19000] =	vst v63  }
0x2e4: {  	s13 =	simm.s32 $0x3000  }
0x2e5: {  	[tilespmem:s13], [sflag:$0x1] =	stream.indirect_vreg.gather [hbm4b:s24+s4], $0x80, v0, vm0, $0xb8;
	[tilespmem:$0x19000] =	vst v63  }
0x2e6: {  	s14 =	simm.s32 $0x3800  }
0x2e7: {  	[tilespmem:s14], [sflag:$0x1] =	stream.indirect_vreg.gather [hbm4b:s5+s4], $0x80, v0, vm0, $0xb8;
	[tilespmem:$0x19000] =	vst v63  }
0x2e8: {  	s13 =	simm.s32 $0x4000  }
0x2e9: {  	[tilespmem:s13], [sflag:$0x1] =	stream.indirect_vreg.gather [hbm4b:s6+s4], $0x80, v0, vm0, $0xb8;
	[tilespmem:$0x19000] =	vst v63  }
0x2ea: {  	s14 =	simm.s32 $0x4800  }
0x2eb: {  	[tilespmem:s14], [sflag:$0x1] =	stream.indirect_vreg.gather [hbm4b:s7+s4], $0x80, v0, vm0, $0xb8;
	[tilespmem:$0x19000] =	vst v63  }
0x2ec: {  	_ =	swait.ge [sflag:s29], $0x4000  }
0x2ed: {  	[sflag:s29] =	ssyncset.done $0x0  }
0x2ee: {  	s9 =	rddreg [dreg:$0xd];
	[sflag:s29] =	ssyncadd.s32 $0xFFFFC000  }
0x2ef: {  	[hbm4b:s9+s4] =	stream.linear.scatter [tilespmem:s21], [sflag:$0x9], $0x4000, $0x38;
	[tilespmem:$0x19000] =	vst v63  }
0x2f0: {  	_ =	swait.ge [sflag:s30], $0x4000  }
0x2f1: {  	[sflag:s30] =	ssyncset.done $0x0  }
0x2f2: {  	[sflag:s30] =	ssyncadd.s32 $0xFFFFC000  }
0x2f3: {  	v58 =	vld [tilespmem:$0xE80];
	_ =	sdelay $0x4  }
0x2f4: {  	v59 =	vshll.u32 v58, $0x3  }
0x2f5: {  	v0 =	vand.u32 $0x7, v58;
	v1 =	vand.u32 $0xFFFFFFC0, v59  }
0x2f6: {  	v0 =	vor.u32 v0, v1  }
0x2f7: {  	v1 =	vperm.xlane v0, v53;
	_ =	sdelay $0x1  }
0x2f8: {  	v1 =	vadd.s32 v17, v1;
	_ =	sdelay $0x4  }
0x2f9: {  	[tilespmem:s26], [sflag:$0x2] =	stream.indirect_vreg.gather [hbm4b:s24+s4], $0x80, v1, vm0, $0xb8;
	[tilespmem:$0x19000] =	vst v63  }
0x2fa: {  	s14 =	simm.s32 $0x5800;
	v0 =	vperm.xlane v0, v18  }
0x2fb: {  	[tilespmem:s14], [sflag:$0x2] =	stream.indirect_vreg.gather [hbm4b:s5+s4], $0x80, v1, vm0, $0xb8;
	[tilespmem:$0x19000] =	vst v63  }
0x2fc: {  	s13 =	simm.s32 $0x6000;
	v0 =	vadd.s32 v17, v0  }
0x2fd: {  	[tilespmem:s13], [sflag:$0x2] =	stream.indirect_vreg.gather [hbm4b:s6+s4], $0x80, v1, vm0, $0xb8;
	[tilespmem:$0x19000] =	vst v63  }
0x2fe: {  	s14 =	simm.s32 $0x6800  }
0x2ff: {  	[tilespmem:s14], [sflag:$0x2] =	stream.indirect_vreg.gather [hbm4b:s7+s4], $0x80, v1, vm0, $0xb8;
	[tilespmem:$0x19000] =	vst v63  }
0x300: {  	s13 =	simm.s32 $0x7000  }
0x301: {  	[tilespmem:s13], [sflag:$0x2] =	stream.indirect_vreg.gather [hbm4b:s24+s4], $0x80, v0, vm0, $0xb8;
	[tilespmem:$0x19000] =	vst v63  }
0x302: {  	s14 =	simm.s32 $0x7800  }
0x303: {  	[tilespmem:s14], [sflag:$0x2] =	stream.indirect_vreg.gather [hbm4b:s5+s4], $0x80, v0, vm0, $0xb8;
	[tilespmem:$0x19000] =	vst v63  }
0x304: {  	s13 =	simm.s32 $0x8000  }
0x305: {  	[tilespmem:s13], [sflag:$0x2] =	stream.indirect_vreg.gather [hbm4b:s6+s4], $0x80, v0, vm0, $0xb8;
	[tilespmem:$0x19000] =	vst v63  }
0x306: {  	s14 =	simm.s32 $0x8800  }
0x307: {  	[tilespmem:s14], [sflag:$0x2] =	stream.indirect_vreg.gather [hbm4b:s7+s4], $0x80, v0, vm0, $0xb8;
	[tilespmem:$0x19000] =	vst v63  }
0x308: {  	_ =	swait.ge [sflag:s31], $0x4000  }
0x309: {  	[sflag:s31] =	ssyncset.done $0x0  }
0x30a: {  	s9 =	rddreg [dreg:$0xe];
	[sflag:s31] =	ssyncadd.s32 $0xFFFFC000  }
0x30b: {  	[hbm4b:s9+s4] =	stream.linear.scatter [tilespmem:s8], [sflag:$0xA], $0x4000, $0x38;
	[tilespmem:$0x19000] =	vst v63  }
0x30c: {  	_ =	swait.ge [sflag:s17], $0x4000  }
0x30d: {  	[sflag:s17] =	ssyncset.done $0x0  }
0x30e: {  	[sflag:s17] =	ssyncadd.s32 $0xFFFFC000  }
0x30f: {  	v60 =	vld [tilespmem:$0xF00];
	_ =	sdelay $0x4  }
0x310: {  	v61 =	vshll.u32 v60, $0x3  }
0x311: {  	v0 =	vand.u32 $0x7, v60;
	v1 =	vand.u32 $0xFFFFFFC0, v61  }
0x312: {  	v0 =	vor.u32 v0, v1  }
0x313: {  	v1 =	vperm.xlane v0, v53;
	_ =	sdelay $0x1  }
0x314: {  	v1 =	vadd.s32 v17, v1;
	_ =	sdelay $0x4  }
0x315: {  	[tilespmem:s21], [sflag:$0x3] =	stream.indirect_vreg.gather [hbm4b:s24+s4], $0x80, v1, vm0, $0xb8;
	[tilespmem:$0x19000] =	vst v63  }
0x316: {  	s14 =	simm.s32 $0x9800;
	v0 =	vperm.xlane v0, v18  }
0x317: {  	[tilespmem:s14], [sflag:$0x3] =	stream.indirect_vreg.gather [hbm4b:s5+s4], $0x80, v1, vm0, $0xb8;
	[tilespmem:$0x19000] =	vst v63  }
0x318: {  	s13 =	simm.s32 $0xA000;
	v0 =	vadd.s32 v17, v0  }
0x319: {  	[tilespmem:s13], [sflag:$0x3] =	stream.indirect_vreg.gather [hbm4b:s6+s4], $0x80, v1, vm0, $0xb8;
	[tilespmem:$0x19000] =	vst v63  }
0x31a: {  	s14 =	simm.s32 $0xA800  }
0x31b: {  	[tilespmem:s14], [sflag:$0x3] =	stream.indirect_vreg.gather [hbm4b:s7+s4], $0x80, v1, vm0, $0xb8;
	[tilespmem:$0x19000] =	vst v63  }
0x31c: {  	s13 =	simm.s32 $0xB000  }
0x31d: {  	[tilespmem:s13], [sflag:$0x3] =	stream.indirect_vreg.gather [hbm4b:s24+s4], $0x80, v0, vm0, $0xb8;
	[tilespmem:$0x19000] =	vst v63  }
0x31e: {  	s14 =	simm.s32 $0xB800  }
0x31f: {  	[tilespmem:s14], [sflag:$0x3] =	stream.indirect_vreg.gather [hbm4b:s5+s4], $0x80, v0, vm0, $0xb8;
	[tilespmem:$0x19000] =	vst v63  }
0x320: {  	s13 =	simm.s32 $0xC000  }
0x321: {  	[tilespmem:s13], [sflag:$0x3] =	stream.indirect_vreg.gather [hbm4b:s6+s4], $0x80, v0, vm0, $0xb8;
	[tilespmem:$0x19000] =	vst v63  }
0x322: {  	s14 =	simm.s32 $0xC800  }
0x323: {  	[tilespmem:s14], [sflag:$0x3] =	stream.indirect_vreg.gather [hbm4b:s7+s4], $0x80, v0, vm0, $0xb8;
	[tilespmem:$0x19000] =	vst v63  }
0x324: {  	_ =	swait.ge [sflag:s19], $0x4000  }
0x325: {  	[sflag:s19] =	ssyncset.done $0x0  }
0x326: {  	s9 =	rddreg [dreg:$0xf];
	[sflag:s19] =	ssyncadd.s32 $0xFFFFC000  }
0x327: {  	[hbm4b:s9+s4] =	stream.linear.scatter [tilespmem:s2], [sflag:$0xB], $0x4000, $0x38;
	[tilespmem:$0x19000] =	vst v63  }
0x328: {  	_ =	swait.ge [sflag:s20], $0x4000  }
0x329: {  	[sflag:s20] =	ssyncset.done $0x0  }
0x32a: {  	[sflag:s20] =	ssyncadd.s32 $0xFFFFC000  }
0x32b: {  	v62 =	vld [tilespmem:$0xF80];
	_ =	sdelay $0x4  }
0x32c: {  	v63 =	vshll.u32 v62, $0x3  }
0x32d: {  	v0 =	vand.u32 $0x7, v62;
	v1 =	vand.u32 $0xFFFFFFC0, v63  }
0x32e: {  	v0 =	vor.u32 v0, v1  }
0x32f: {  	v1 =	vperm.xlane v0, v53;
	_ =	sdelay $0x1  }
0x330: {  	v1 =	vadd.s32 v17, v1;
	_ =	sdelay $0x4  }
0x331: {  	[tilespmem:s8], [sflag:$0x4] =	stream.indirect_vreg.gather [hbm4b:s24+s4], $0x80, v1, vm0, $0xb8;
	[tilespmem:$0x19000] =	vst v63  }
0x332: {  	s13 =	simm.s32 $0xD800;
	v0 =	vperm.xlane v0, v18  }
0x333: {  	[tilespmem:s13], [sflag:$0x4] =	stream.indirect_vreg.gather [hbm4b:s5+s4], $0x80, v1, vm0, $0xb8;
	[tilespmem:$0x19000] =	vst v63  }
0x334: {  	s14 =	simm.s32 $0xE000;
	v0 =	vadd.s32 v17, v0  }
0x335: {  	[tilespmem:s14], [sflag:$0x4] =	stream.indirect_vreg.gather [hbm4b:s6+s4], $0x80, v1, vm0, $0xb8;
	[tilespmem:$0x19000] =	vst v63  }
0x336: {  	s19 =	simm.s32 $0xE800  }
0x337: {  	[tilespmem:s19], [sflag:$0x4] =	stream.indirect_vreg.gather [hbm4b:s7+s4], $0x80, v1, vm0, $0xb8;
	[tilespmem:$0x19000] =	vst v63  }
0x338: {  	s9 =	simm.s32 $0xF000  }
0x339: {  	[tilespmem:s9], [sflag:$0x4] =	stream.indirect_vreg.gather [hbm4b:s24+s4], $0x80, v0, vm0, $0xb8;
	[tilespmem:$0x19000] =	vst v63  }
0x33a: {  	s13 =	simm.s32 $0xF800  }
0x33b: {  	[tilespmem:s13], [sflag:$0x4] =	stream.indirect_vreg.gather [hbm4b:s5+s4], $0x80, v0, vm0, $0xb8;
	[tilespmem:$0x19000] =	vst v63  }
0x33c: {  	s14 =	simm.s32 $0x10000  }
0x33d: {  	[tilespmem:s14], [sflag:$0x4] =	stream.indirect_vreg.gather [hbm4b:s6+s4], $0x80, v0, vm0, $0xb8;
	[tilespmem:$0x19000] =	vst v63  }
0x33e: {  	s19 =	simm.s32 $0x10800  }
0x33f: {  	[tilespmem:s19], [sflag:$0x4] =	stream.indirect_vreg.gather [hbm4b:s7+s4], $0x80, v0, vm0, $0xb8;
	[tilespmem:$0x19000] =	vst v63  }
0x340: {  	_ =	swait.ge [sflag:s22], $0x4000  }
0x341: {  	[sflag:s22] =	ssyncset.done $0x0  }
0x342: {  	s9 =	rddreg [dreg:$0x10];
	[sflag:s22] =	ssyncadd.s32 $0xFFFFC000  }
0x343: {  	[hbm4b:s9+s4] =	stream.linear.scatter [tilespmem:s16], [sflag:$0xC], $0x4000, $0x38;
	[tilespmem:$0x19000] =	vst v63  }
0x344: {  	_ =	swait.ge [sflag:s0], $0x4000  }
0x345: {  	[sflag:s0] =	ssyncset.done $0x0  }
0x346: {  	s14 =	rddreg [dreg:$0x11];
	[sflag:s0] =	ssyncadd.s32 $0xFFFFC000  }
0x347: {  	[hbm4b:s14+s4] =	stream.linear.scatter [tilespmem:s18], [sflag:$0x7], $0x4000, $0x38;
	[tilespmem:$0x19000] =	vst v63  }
0x348: {  	_ =	swait.ge [sflag:s1], $0x4000  }
0x349: {  	[sflag:s1] =	ssyncset.done $0x0  }
0x34a: {  	s19 =	rddreg [dreg:$0x12];
	[sflag:s1] =	ssyncadd.s32 $0xFFFFC000  }
0x34b: {  	[hbm4b:s19+s4] =	stream.linear.scatter [tilespmem:s26], [sflag:$0x8], $0x4000, $0x38;
	[tilespmem:$0x19000] =	vst v63  }
0x34c: {  	_ =	swait.ge [sflag:s29], $0x4000  }
0x34d: {  	[sflag:s29] =	ssyncset.done $0x0  }
0x34e: {  	s22 =	rddreg [dreg:$0x13];
	[sflag:s29] =	ssyncadd.s32 $0xFFFFC000  }
0x34f: {  	[hbm4b:s22+s4] =	stream.linear.scatter [tilespmem:s21], [sflag:$0x9], $0x4000, $0x38;
	[tilespmem:$0x19000] =	vst v63  }
0x350: {  	_ =	swait.ge [sflag:s31], $0x4000  }
0x351: {  	[sflag:s31] =	ssyncset.done $0x0  }
0x352: {  	s29 =	rddreg [dreg:$0x14];
	[sflag:s31] =	ssyncadd.s32 $0xFFFFC000  }
0x353: {  	[hbm4b:s29+s4] =	stream.linear.scatter [tilespmem:s8], [sflag:$0xA], $0x4000, $0x38;
	[tilespmem:$0x19000] =	vst v63  }
0x354: {  	s31 =	rddreg [dreg:$0x16];
	_ =	swait.ge [sflag:s28], $0x4000  }
0x355: {  	[sflag:s28] =	ssyncset.done $0x0  }
0x356: {  	[sflag:s28] =	ssyncadd.s32 $0xFFFFC000  }
0x357: {  	_ =	swait.ge [sflag:s30], $0x4000  }
0x358: {  	[sflag:s30] =	ssyncset.done $0x0  }
0x359: {  	[sflag:s30] =	ssyncadd.s32 $0xFFFFC000  }
0x35a: {  	_ =	swait.ge [sflag:s17], $0x4000  }
0x35b: {  	[sflag:s17] =	ssyncset.done $0x0  }
0x35c: {  	[sflag:s17] =	ssyncadd.s32 $0xFFFFC000  }
0x35d: {  	_ =	swait.ge [sflag:s20], $0x4000  }
0x35e: {  	[sflag:s20] =	ssyncset.done $0x0  }
0x35f: {  	[sflag:s20] =	ssyncadd.s32 $0xFFFFC000  }
0x360: {  	p0 =	sne.s32 s31, $0x1;
	_ =	swait.ge [sflag:s23], $0x4000  }
.Ltmp0:
0x361: {  	[sflag:s23] =	ssyncset.done $0x0;
	(pc) =	sbr.rel @p0 .LBB2_1-.Ltmp0, $4  }
0x362: {  	[sflag:s23] =	ssyncadd.s32 $0xFFFFC000  }
0x363: {  	_ =	swait.ge [sflag:s3], $0x4000  }
0x364: {  	[sflag:s3] =	ssyncset.done $0x0  }
0x365: {  	s8 =	sadd.s32 $0xFFFFFFFF, s31;
	[sflag:s3] =	ssyncadd.s32 $0xFFFFC000  }
0x366: {  	_ =	sfence.sel $0x180000  }
0x367: {  	[bflag:$0x0] =	sbarrier.arrive $0xFFFF  }
0x368: {  	_ =	strace $0x90000047  }
0x369: {  	s0 =	stileid.u32;
	[bflag:$0x2] =	sbarrier.arrive $0xFFFF  }
0x36a: {  	p0 =	sne.s32 s0, $0x0;
	s0 =	rddreg [dreg:$0x3]  }
0x36b: {  	s0 =	sadd.s32 @!p0 $0x100000, s0  }
0x36c: {  	[sflag:s0] =	ssyncadd.tile.s32 @!p0 $0x1;
	_ =	shalt  }
.Lfunc_end2:
_tile_overlayer_lowered:
.L_overlay_start_2:
0x36d: {  	(tag) =	ssettag $0x2  }
0x36e: {  	s0 =	rddreg [dreg:$0x0];
	s2 =	stileid.u32  }
0x36f: {  	s1 =	rddreg [dreg:$0x1];
	p0 =	sne.s32 s2, $0x0  }
0x370: {  	s3 =	rddreg [dreg:$0x2];
	[bflag:$0x3] =	sbarrier.arrive $0xFFFF;
	s2 =	simm.s32 @!p0 $0x1C0D  }
0x371: {  	[timem:s3], [sflag:s2] =	dma.local @!p0 [hbm:s0], s1  }
0x372: {  	s0 =	simm.s32 @!p0 $0xD  }
0x373: {  	_ =	swait.ge @!p0 [sflag:s0], s1  }
0x374: {  	s1 =	ssub.s32 @!p0 $0x0, s1;
	[sflag:s0] =	ssyncset.done @!p0 $0x0  }
0x375: {  	[sflag:s0] =	ssyncadd.s32 @!p0 s1  }
0x376: {  	[bflag:$0x3] =	sbarrier.arrive $0xFFFF  }
0x377: {  	_ =	shalt  }

</sc_bundles>
